<compile_context>
chip_gen: v7x
topology: tpu7x:2x2x1
jax: 0.10.2.dev20260603
libtpu: 0.0.44.dev20260713+nightly
codegen_flags: <defaults>
</compile_context>

<pallas_src>
import functools

import jax
import jax.numpy as jnp
import numpy as np
from jax import lax
from jax.experimental import pallas as pl
from jax.experimental.pallas import tpu as pltpu
from jax.experimental.pallas import tpu_sc as plsc

_B = 16384
_E = 32
_NNEG = 15
_REPS = _NNEG + 1
_OUT = _B * _REPS
_NW = 32
_EI = _B // 8


def _shift_table():
    rng = np.random.default_rng(0)
    picks = rng.choice(np.arange(1, _B), size=_NNEG, replace=False)
    return [0] + [int(a) for a in picks]


_SHIFTS = _shift_table()

_mesh = plsc.VectorSubcoreMesh(core_axis_name="c", subcore_axis_name="s")


@functools.partial(
    pl.kernel,
    out_type=jax.ShapeDtypeStruct((_E, _OUT), jnp.float32),
    mesh=_mesh,
    scratch_types=[
        pltpu.VMEM((_E, _EI), jnp.float32),
        pltpu.VMEM_SHARED((_E, 4 * _EI), jnp.float32),
    ]
    + [pltpu.SemaphoreType.DMA for _ in range(4)],
)
def _sc_tile_query(qt_hbm, qout_hbm, buf, shared, *sems):
    wid = lax.axis_index("s") * 2 + lax.axis_index("c")
    for w in range(8):
        e = w

        @pl.when(wid == w)
        def _(e=e):
            pltpu.sync_copy(qt_hbm.at[:, pl.ds(e * _EI, _EI)], buf)
            pltpu.sync_copy(buf, shared.at[:, pl.ds((e // 2) * _EI, _EI)])

    plsc.subcore_barrier()

    for w in range(8, _NW):
        e = w % 8

        @pl.when(wid == w)
        def _(e=e):
            pltpu.sync_copy(shared.at[:, pl.ds((e // 2) * _EI, _EI)], buf)

    for w in range(_NW):
        e, g = w % 8, w // 8

        @pl.when(wid == w)
        def _(e=e, g=g):
            cps = []
            for j in range(4):
                k = g * 4 + j
                cps.append(
                    pltpu.async_copy(
                        buf,
                        qout_hbm.at[:, pl.ds(k * _B + e * _EI, _EI)],
                        sems[j],
                    )
                )
            for c in cps:
                c.wait()


def _tc_body(item_ref, shifts_ref, out_ref):
    k = pl.program_id(0)
    for h in range(2):
        a = shifts_ref[2 * k + h]
        out_ref[:, pl.ds(h * _B, _B)] = pltpu.roll(
            item_ref[...], lax.rem(_B - a, _B), 1
        )


def _tc_roll_items(item_t):
    shifts = jnp.asarray(_SHIFTS, jnp.int32)
    return pl.pallas_call(
        _tc_body,
        grid=(_REPS // 2,),
        in_specs=[
            pl.BlockSpec((_E, _B), lambda k: (0, 0)),
            pl.BlockSpec(memory_space=pltpu.SMEM),
        ],
        out_specs=pl.BlockSpec((_E, 2 * _B), lambda k: (0, k)),
        out_shape=jax.ShapeDtypeStruct((_E, _OUT), jnp.float32),
    )(item_t, shifts)


def kernel(query_embeddings, item_embeddings):
    q_out_t = _sc_tile_query(query_embeddings.T)
    it_out_t = _tc_roll_items(item_embeddings.T)
    return q_out_t.T, it_out_t.T

# --- scband reference (transcript-rebuilt; emitter-appended) ---
"""Pipeline reference for scband-in-batch-negative-sampling-6571299962888 (READ-ONLY COPY).

The authoritative reference and input builder live on the scoring server;
editing this copy changes nothing except your own understanding.
"""

import jax, jax.numpy as jnp
import numpy as np

N_NEG = 15
BATCH = 16384
EMBED = 32


def _negative_shifts(batch_size, n_neg):
    # Deterministic stand-in for random.sample(range(1, batch_size), n_neg)
    rng = np.random.default_rng(0)
    return rng.choice(np.arange(1, batch_size), size=n_neg, replace=False)


def setup_inputs(seed: int = 0) -> dict:
    key = jax.random.key(seed)
    kq, ki = jax.random.split(key)
    query_embeddings = jax.random.normal(kq, (BATCH, EMBED), dtype=jnp.float32)
    item_embeddings = jax.random.normal(ki, (BATCH, EMBED), dtype=jnp.float32)
    return {"query_embeddings": query_embeddings, "item_embeddings": item_embeddings}


def reference(query_embeddings, item_embeddings):
    batch_size = item_embeddings.shape[0]
    shifts = _negative_shifts(batch_size, N_NEG)
    item_temp = item_embeddings
    items = [item_embeddings]
    for a_sample in shifts:
        a = int(a_sample)
        # concat(slice(a:, :), slice(:a, :)) == cyclic roll by -a along batch dim
        items.append(jnp.concatenate([item_temp[a:, :], item_temp[:a, :]], axis=0))
    item_out = jnp.concatenate(items, axis=0)
    query_out = jnp.tile(query_embeddings, (N_NEG + 1, 1))
    return (query_out, item_out)

if __name__ == "__main__":
    import jax
    _d = setup_inputs()
    print(jax.jit(kernel)(*tuple(_d.values())))

</pallas_src>

<mosaic_0001>
#map = affine_map<(d0, d1) -> (0, 0)>
module attributes {stable_mosaic.version = 14 : i64} {
  func.func @_sc_tile_query(%arg0: i32, %arg1: i32, %arg2: memref<32x16384xf32, #tpu.memory_space<hbm>>, %arg3: memref<32x262144xf32, #tpu.memory_space<hbm>>, %arg4: memref<32x2048xf32, #tpu.memory_space<vmem>>, %arg5: memref<32x8192xf32, #tpu.memory_space<vmem_shared>>, %arg6: memref<!tpu.dma_semaphore, #tpu.memory_space<semaphore_mem>>, %arg7: memref<!tpu.dma_semaphore, #tpu.memory_space<semaphore_mem>>, %arg8: memref<!tpu.dma_semaphore, #tpu.memory_space<semaphore_mem>>, %arg9: memref<!tpu.dma_semaphore, #tpu.memory_space<semaphore_mem>>) attributes {dimension_semantics = [#tpu.dimension_semantics<core_parallel>, #tpu.dimension_semantics<subcore_parallel>], iteration_bounds = array<i64: 2, 16>, scalar_prefetch = 0 : i64, scratch_operands = 6 : i64, tpu.core_type = #tpu.core_type<sc_vector_subcore>, window_params = [{transform_indices = #map}, {transform_indices = #map}]} {
    %mul3A = arith.constant 2 : i32
    %mul3A_0 = arith.muli %arg1, %mul3A : i32
    %add3A = arith.addi %mul3A_0, %arg0 : i32
    %eq3A = arith.constant 0 : i32
    %eq3A_1 = arith.cmpi eq, %add3A, %eq3A : i32
    %convert_element_type3A = arith.extui %eq3A_1 : i1 to i32
    %cond3A = arith.constant 0 : i32
    %cond3A_2 = arith.cmpi ne, %convert_element_type3A, %cond3A : i32
    scf.if %cond3A_2 {
      "tpu.region"() ({
        %run_scoped3A = tpu.sem_alloc : memref<!tpu.dma_semaphore, #tpu.memory_space<semaphore_mem>>
        %dma_start3A = arith.constant 0 : i32
        %dma_start3A_318 = arith.constant 0 : i32
        %dma_start3A_319 = tpu.memref_slice %arg2[%dma_start3A, %dma_start3A_318] : memref<32x16384xf32, #tpu.memory_space<hbm>> -> memref<32x2048xf32, #tpu.memory_space<hbm>>
        %dma_start3A_320 = arith.constant 0 : i32
        %dma_start3A_321 = arith.constant 0 : i32
        %dma_start3A_322 = tpu.memref_slice %arg2[%dma_start3A_320, %dma_start3A_321] : memref<32x16384xf32, #tpu.memory_space<hbm>> -> memref<32x2048xf32, #tpu.memory_space<hbm>>
        tpu.enqueue_dma source(%dma_start3A_322 : memref<32x2048xf32, #tpu.memory_space<hbm>>) target(%arg4 : memref<32x2048xf32, #tpu.memory_space<vmem>>) target_semaphore(%run_scoped3A : memref<!tpu.dma_semaphore, #tpu.memory_space<semaphore_mem>>)
        %dma_wait3A = arith.constant 0 : i32
        %dma_wait3A_323 = arith.constant 0 : i32
        %dma_wait3A_324 = tpu.memref_slice %arg2[%dma_wait3A, %dma_wait3A_323] : memref<32x16384xf32, #tpu.memory_space<hbm>> -> memref<32x2048xf32, #tpu.memory_space<hbm>>
        %dma_wait3A_325 = arith.constant 0 : i32
        %dma_wait3A_326 = arith.constant 0 : i32
        %dma_wait3A_327 = tpu.memref_slice %arg2[%dma_wait3A_325, %dma_wait3A_326] : memref<32x16384xf32, #tpu.memory_space<hbm>> -> memref<32x2048xf32, #tpu.memory_space<hbm>>
        tpu.wait_dma2 semaphore(%run_scoped3A : memref<!tpu.dma_semaphore, #tpu.memory_space<semaphore_mem>>) src(%dma_wait3A_327 : memref<32x2048xf32, #tpu.memory_space<hbm>>) dst(%arg4 : memref<32x2048xf32, #tpu.memory_space<vmem>>)
        tpu.yield
      }) : () -> ()
      "tpu.region"() ({
        %run_scoped3A = tpu.sem_alloc : memref<!tpu.dma_semaphore, #tpu.memory_space<semaphore_mem>>
        %dma_start3A = arith.constant 0 : i32
        %dma_start3A_318 = arith.constant 0 : i32
        %dma_start3A_319 = tpu.memref_slice %arg5[%dma_start3A, %dma_start3A_318] : memref<32x8192xf32, #tpu.memory_space<vmem_shared>> -> memref<32x2048xf32, #tpu.memory_space<vmem_shared>>
        %dma_start3A_320 = arith.constant 0 : i32
        %dma_start3A_321 = arith.constant 0 : i32
        %dma_start3A_322 = tpu.memref_slice %arg5[%dma_start3A_320, %dma_start3A_321] : memref<32x8192xf32, #tpu.memory_space<vmem_shared>> -> memref<32x2048xf32, #tpu.memory_space<vmem_shared>>
        tpu.enqueue_dma source(%arg4 : memref<32x2048xf32, #tpu.memory_space<vmem>>) target(%dma_start3A_322 : memref<32x2048xf32, #tpu.memory_space<vmem_shared>>) target_semaphore(%run_scoped3A : memref<!tpu.dma_semaphore, #tpu.memory_space<semaphore_mem>>)
        %dma_wait3A = arith.constant 0 : i32
        %dma_wait3A_323 = arith.constant 0 : i32
        %dma_wait3A_324 = tpu.memref_slice %arg5[%dma_wait3A, %dma_wait3A_323] : memref<32x8192xf32, #tpu.memory_space<vmem_shared>> -> memref<32x2048xf32, #tpu.memory_space<vmem_shared>>
        %dma_wait3A_325 = arith.constant 0 : i32
        %dma_wait3A_326 = arith.constant 0 : i32
        %dma_wait3A_327 = tpu.memref_slice %arg5[%dma_wait3A_325, %dma_wait3A_326] : memref<32x8192xf32, #tpu.memory_space<vmem_shared>> -> memref<32x2048xf32, #tpu.memory_space<vmem_shared>>
        tpu.wait_dma2 semaphore(%run_scoped3A : memref<!tpu.dma_semaphore, #tpu.memory_space<semaphore_mem>>) src(%arg4 : memref<32x2048xf32, #tpu.memory_space<vmem>>) dst(%dma_wait3A_327 : memref<32x2048xf32, #tpu.memory_space<vmem_shared>>)
        tpu.yield
      }) : () -> ()
    } else {
    }
    %eq3A_3 = arith.constant 1 : i32
    %eq3A_4 = arith.cmpi eq, %add3A, %eq3A_3 : i32
    %convert_element_type3A_5 = arith.extui %eq3A_4 : i1 to i32
    %cond3A_6 = arith.constant 0 : i32
    %cond3A_7 = arith.cmpi ne, %convert_element_type3A_5, %cond3A_6 : i32
    scf.if %cond3A_7 {
      "tpu.region"() ({
        %run_scoped3A = tpu.sem_alloc : memref<!tpu.dma_semaphore, #tpu.memory_space<semaphore_mem>>
        %dma_start3A = arith.constant 0 : i32
        %dma_start3A_318 = arith.constant 2048 : i32
        %dma_start3A_319 = tpu.memref_slice %arg2[%dma_start3A, %dma_start3A_318] : memref<32x16384xf32, #tpu.memory_space<hbm>> -> memref<32x2048xf32, #tpu.memory_space<hbm>>
        %dma_start3A_320 = arith.constant 0 : i32
        %dma_start3A_321 = arith.constant 2048 : i32
        %dma_start3A_322 = tpu.memref_slice %arg2[%dma_start3A_320, %dma_start3A_321] : memref<32x16384xf32, #tpu.memory_space<hbm>> -> memref<32x2048xf32, #tpu.memory_space<hbm>>
        tpu.enqueue_dma source(%dma_start3A_322 : memref<32x2048xf32, #tpu.memory_space<hbm>>) target(%arg4 : memref<32x2048xf32, #tpu.memory_space<vmem>>) target_semaphore(%run_scoped3A : memref<!tpu.dma_semaphore, #tpu.memory_space<semaphore_mem>>)
        %dma_wait3A = arith.constant 0 : i32
        %dma_wait3A_323 = arith.constant 2048 : i32
        %dma_wait3A_324 = tpu.memref_slice %arg2[%dma_wait3A, %dma_wait3A_323] : memref<32x16384xf32, #tpu.memory_space<hbm>> -> memref<32x2048xf32, #tpu.memory_space<hbm>>
        %dma_wait3A_325 = arith.constant 0 : i32
        %dma_wait3A_326 = arith.constant 2048 : i32
        %dma_wait3A_327 = tpu.memref_slice %arg2[%dma_wait3A_325, %dma_wait3A_326] : memref<32x16384xf32, #tpu.memory_space<hbm>> -> memref<32x2048xf32, #tpu.memory_space<hbm>>
        tpu.wait_dma2 semaphore(%run_scoped3A : memref<!tpu.dma_semaphore, #tpu.memory_space<semaphore_mem>>) src(%dma_wait3A_327 : memref<32x2048xf32, #tpu.memory_space<hbm>>) dst(%arg4 : memref<32x2048xf32, #tpu.memory_space<vmem>>)
        tpu.yield
      }) : () -> ()
      "tpu.region"() ({
        %run_scoped3A = tpu.sem_alloc : memref<!tpu.dma_semaphore, #tpu.memory_space<semaphore_mem>>
        %dma_start3A = arith.constant 0 : i32
        %dma_start3A_318 = arith.constant 0 : i32
        %dma_start3A_319 = tpu.memref_slice %arg5[%dma_start3A, %dma_start3A_318] : memref<32x8192xf32, #tpu.memory_space<vmem_shared>> -> memref<32x2048xf32, #tpu.memory_space<vmem_shared>>
        %dma_start3A_320 = arith.constant 0 : i32
        %dma_start3A_321 = arith.constant 0 : i32
        %dma_start3A_322 = tpu.memref_slice %arg5[%dma_start3A_320, %dma_start3A_321] : memref<32x8192xf32, #tpu.memory_space<vmem_shared>> -> memref<32x2048xf32, #tpu.memory_space<vmem_shared>>
        tpu.enqueue_dma source(%arg4 : memref<32x2048xf32, #tpu.memory_space<vmem>>) target(%dma_start3A_322 : memref<32x2048xf32, #tpu.memory_space<vmem_shared>>) target_semaphore(%run_scoped3A : memref<!tpu.dma_semaphore, #tpu.memory_space<semaphore_mem>>)
        %dma_wait3A = arith.constant 0 : i32
        %dma_wait3A_323 = arith.constant 0 : i32
        %dma_wait3A_324 = tpu.memref_slice %arg5[%dma_wait3A, %dma_wait3A_323] : memref<32x8192xf32, #tpu.memory_space<vmem_shared>> -> memref<32x2048xf32, #tpu.memory_space<vmem_shared>>
        %dma_wait3A_325 = arith.constant 0 : i32
        %dma_wait3A_326 = arith.constant 0 : i32
        %dma_wait3A_327 = tpu.memref_slice %arg5[%dma_wait3A_325, %dma_wait3A_326] : memref<32x8192xf32, #tpu.memory_space<vmem_shared>> -> memref<32x2048xf32, #tpu.memory_space<vmem_shared>>
        tpu.wait_dma2 semaphore(%run_scoped3A : memref<!tpu.dma_semaphore, #tpu.memory_space<semaphore_mem>>) src(%arg4 : memref<32x2048xf32, #tpu.memory_space<vmem>>) dst(%dma_wait3A_327 : memref<32x2048xf32, #tpu.memory_space<vmem_shared>>)
        tpu.yield
      }) : () -> ()
    } else {
    }
    %eq3A_8 = arith.constant 2 : i32
    %eq3A_9 = arith.cmpi eq, %add3A, %eq3A_8 : i32
    %convert_element_type3A_10 = arith.extui %eq3A_9 : i1 to i32
    %cond3A_11 = arith.constant 0 : i32
    %cond3A_12 = arith.cmpi ne, %convert_element_type3A_10, %cond3A_11 : i32
    scf.if %cond3A_12 {
      "tpu.region"() ({
        %run_scoped3A = tpu.sem_alloc : memref<!tpu.dma_semaphore, #tpu.memory_space<semaphore_mem>>
        %dma_start3A = arith.constant 0 : i32
        %dma_start3A_318 = arith.constant 4096 : i32
        %dma_start3A_319 = tpu.memref_slice %arg2[%dma_start3A, %dma_start3A_318] : memref<32x16384xf32, #tpu.memory_space<hbm>> -> memref<32x2048xf32, #tpu.memory_space<hbm>>
        %dma_start3A_320 = arith.constant 0 : i32
        %dma_start3A_321 = arith.constant 4096 : i32
        %dma_start3A_322 = tpu.memref_slice %arg2[%dma_start3A_320, %dma_start3A_321] : memref<32x16384xf32, #tpu.memory_space<hbm>> -> memref<32x2048xf32, #tpu.memory_space<hbm>>
        tpu.enqueue_dma source(%dma_start3A_322 : memref<32x2048xf32, #tpu.memory_space<hbm>>) target(%arg4 : memref<32x2048xf32, #tpu.memory_space<vmem>>) target_semaphore(%run_scoped3A : memref<!tpu.dma_semaphore, #tpu.memory_space<semaphore_mem>>)
        %dma_wait3A = arith.constant 0 : i32
        %dma_wait3A_323 = arith.constant 4096 : i32
        %dma_wait3A_324 = tpu.memref_slice %arg2[%dma_wait3A, %dma_wait3A_323] : memref<32x16384xf32, #tpu.memory_space<hbm>> -> memref<32x2048xf32, #tpu.memory_space<hbm>>
        %dma_wait3A_325 = arith.constant 0 : i32
        %dma_wait3A_326 = arith.constant 4096 : i32
        %dma_wait3A_327 = tpu.memref_slice %arg2[%dma_wait3A_325, %dma_wait3A_326] : memref<32x16384xf32, #tpu.memory_space<hbm>> -> memref<32x2048xf32, #tpu.memory_space<hbm>>
        tpu.wait_dma2 semaphore(%run_scoped3A : memref<!tpu.dma_semaphore, #tpu.memory_space<semaphore_mem>>) src(%dma_wait3A_327 : memref<32x2048xf32, #tpu.memory_space<hbm>>) dst(%arg4 : memref<32x2048xf32, #tpu.memory_space<vmem>>)
        tpu.yield
      }) : () -> ()
      "tpu.region"() ({
        %run_scoped3A = tpu.sem_alloc : memref<!tpu.dma_semaphore, #tpu.memory_space<semaphore_mem>>
        %dma_start3A = arith.constant 0 : i32
        %dma_start3A_318 = arith.constant 2048 : i32
        %dma_start3A_319 = tpu.memref_slice %arg5[%dma_start3A, %dma_start3A_318] : memref<32x8192xf32, #tpu.memory_space<vmem_shared>> -> memref<32x2048xf32, #tpu.memory_space<vmem_shared>>
        %dma_start3A_320 = arith.constant 0 : i32
        %dma_start3A_321 = arith.constant 2048 : i32
        %dma_start3A_322 = tpu.memref_slice %arg5[%dma_start3A_320, %dma_start3A_321] : memref<32x8192xf32, #tpu.memory_space<vmem_shared>> -> memref<32x2048xf32, #tpu.memory_space<vmem_shared>>
        tpu.enqueue_dma source(%arg4 : memref<32x2048xf32, #tpu.memory_space<vmem>>) target(%dma_start3A_322 : memref<32x2048xf32, #tpu.memory_space<vmem_shared>>) target_semaphore(%run_scoped3A : memref<!tpu.dma_semaphore, #tpu.memory_space<semaphore_mem>>)
        %dma_wait3A = arith.constant 0 : i32
        %dma_wait3A_323 = arith.constant 2048 : i32
        %dma_wait3A_324 = tpu.memref_slice %arg5[%dma_wait3A, %dma_wait3A_323] : memref<32x8192xf32, #tpu.memory_space<vmem_shared>> -> memref<32x2048xf32, #tpu.memory_space<vmem_shared>>
        %dma_wait3A_325 = arith.constant 0 : i32
        %dma_wait3A_326 = arith.constant 2048 : i32
        %dma_wait3A_327 = tpu.memref_slice %arg5[%dma_wait3A_325, %dma_wait3A_326] : memref<32x8192xf32, #tpu.memory_space<vmem_shared>> -> memref<32x2048xf32, #tpu.memory_space<vmem_shared>>
        tpu.wait_dma2 semaphore(%run_scoped3A : memref<!tpu.dma_semaphore, #tpu.memory_space<semaphore_mem>>) src(%arg4 : memref<32x2048xf32, #tpu.memory_space<vmem>>) dst(%dma_wait3A_327 : memref<32x2048xf32, #tpu.memory_space<vmem_shared>>)
        tpu.yield
      }) : () -> ()
    } else {
    }
    %eq3A_13 = arith.constant 3 : i32
    %eq3A_14 = arith.cmpi eq, %add3A, %eq3A_13 : i32
    %convert_element_type3A_15 = arith.extui %eq3A_14 : i1 to i32
    %cond3A_16 = arith.constant 0 : i32
    %cond3A_17 = arith.cmpi ne, %convert_element_type3A_15, %cond3A_16 : i32
    scf.if %cond3A_17 {
      "tpu.region"() ({
        %run_scoped3A = tpu.sem_alloc : memref<!tpu.dma_semaphore, #tpu.memory_space<semaphore_mem>>
        %dma_start3A = arith.constant 0 : i32
        %dma_start3A_318 = arith.constant 6144 : i32
        %dma_start3A_319 = tpu.memref_slice %arg2[%dma_start3A, %dma_start3A_318] : memref<32x16384xf32, #tpu.memory_space<hbm>> -> memref<32x2048xf32, #tpu.memory_space<hbm>>
        %dma_start3A_320 = arith.constant 0 : i32
        %dma_start3A_321 = arith.constant 6144 : i32
        %dma_start3A_322 = tpu.memref_slice %arg2[%dma_start3A_320, %dma_start3A_321] : memref<32x16384xf32, #tpu.memory_space<hbm>> -> memref<32x2048xf32, #tpu.memory_space<hbm>>
        tpu.enqueue_dma source(%dma_start3A_322 : memref<32x2048xf32, #tpu.memory_space<hbm>>) target(%arg4 : memref<32x2048xf32, #tpu.memory_space<vmem>>) target_semaphore(%run_scoped3A : memref<!tpu.dma_semaphore, #tpu.memory_space<semaphore_mem>>)
        %dma_wait3A = arith.constant 0 : i32
        %dma_wait3A_323 = arith.constant 6144 : i32
        %dma_wait3A_324 = tpu.memref_slice %arg2[%dma_wait3A, %dma_wait3A_323] : memref<32x16384xf32, #tpu.memory_space<hbm>> -> memref<32x2048xf32, #tpu.memory_space<hbm>>
        %dma_wait3A_325 = arith.constant 0 : i32
        %dma_wait3A_326 = arith.constant 6144 : i32
        %dma_wait3A_327 = tpu.memref_slice %arg2[%dma_wait3A_325, %dma_wait3A_326] : memref<32x16384xf32, #tpu.memory_space<hbm>> -> memref<32x2048xf32, #tpu.memory_space<hbm>>
        tpu.wait_dma2 semaphore(%run_scoped3A : memref<!tpu.dma_semaphore, #tpu.memory_space<semaphore_mem>>) src(%dma_wait3A_327 : memref<32x2048xf32, #tpu.memory_space<hbm>>) dst(%arg4 : memref<32x2048xf32, #tpu.memory_space<vmem>>)
        tpu.yield
      }) : () -> ()
      "tpu.region"() ({
        %run_scoped3A = tpu.sem_alloc : memref<!tpu.dma_semaphore, #tpu.memory_space<semaphore_mem>>
        %dma_start3A = arith.constant 0 : i32
        %dma_start3A_318 = arith.constant 2048 : i32
        %dma_start3A_319 = tpu.memref_slice %arg5[%dma_start3A, %dma_start3A_318] : memref<32x8192xf32, #tpu.memory_space<vmem_shared>> -> memref<32x2048xf32, #tpu.memory_space<vmem_shared>>
        %dma_start3A_320 = arith.constant 0 : i32
        %dma_start3A_321 = arith.constant 2048 : i32
        %dma_start3A_322 = tpu.memref_slice %arg5[%dma_start3A_320, %dma_start3A_321] : memref<32x8192xf32, #tpu.memory_space<vmem_shared>> -> memref<32x2048xf32, #tpu.memory_space<vmem_shared>>
        tpu.enqueue_dma source(%arg4 : memref<32x2048xf32, #tpu.memory_space<vmem>>) target(%dma_start3A_322 : memref<32x2048xf32, #tpu.memory_space<vmem_shared>>) target_semaphore(%run_scoped3A : memref<!tpu.dma_semaphore, #tpu.memory_space<semaphore_mem>>)
        %dma_wait3A = arith.constant 0 : i32
        %dma_wait3A_323 = arith.constant 2048 : i32
        %dma_wait3A_324 = tpu.memref_slice %arg5[%dma_wait3A, %dma_wait3A_323] : memref<32x8192xf32, #tpu.memory_space<vmem_shared>> -> memref<32x2048xf32, #tpu.memory_space<vmem_shared>>
        %dma_wait3A_325 = arith.constant 0 : i32
        %dma_wait3A_326 = arith.constant 2048 : i32
        %dma_wait3A_327 = tpu.memref_slice %arg5[%dma_wait3A_325, %dma_wait3A_326] : memref<32x8192xf32, #tpu.memory_space<vmem_shared>> -> memref<32x2048xf32, #tpu.memory_space<vmem_shared>>
        tpu.wait_dma2 semaphore(%run_scoped3A : memref<!tpu.dma_semaphore, #tpu.memory_space<semaphore_mem>>) src(%arg4 : memref<32x2048xf32, #tpu.memory_space<vmem>>) dst(%dma_wait3A_327 : memref<32x2048xf32, #tpu.memory_space<vmem_shared>>)
        tpu.yield
      }) : () -> ()
    } else {
    }
    %eq3A_18 = arith.constant 4 : i32
    %eq3A_19 = arith.cmpi eq, %add3A, %eq3A_18 : i32
    %convert_element_type3A_20 = arith.extui %eq3A_19 : i1 to i32
    %cond3A_21 = arith.constant 0 : i32
    %cond3A_22 = arith.cmpi ne, %convert_element_type3A_20, %cond3A_21 : i32
    scf.if %cond3A_22 {
      "tpu.region"() ({
        %run_scoped3A = tpu.sem_alloc : memref<!tpu.dma_semaphore, #tpu.memory_space<semaphore_mem>>
        %dma_start3A = arith.constant 0 : i32
        %dma_start3A_318 = arith.constant 8192 : i32
        %dma_start3A_319 = tpu.memref_slice %arg2[%dma_start3A, %dma_start3A_318] : memref<32x16384xf32, #tpu.memory_space<hbm>> -> memref<32x2048xf32, #tpu.memory_space<hbm>>
        %dma_start3A_320 = arith.constant 0 : i32
        %dma_start3A_321 = arith.constant 8192 : i32
        %dma_start3A_322 = tpu.memref_slice %arg2[%dma_start3A_320, %dma_start3A_321] : memref<32x16384xf32, #tpu.memory_space<hbm>> -> memref<32x2048xf32, #tpu.memory_space<hbm>>
        tpu.enqueue_dma source(%dma_start3A_322 : memref<32x2048xf32, #tpu.memory_space<hbm>>) target(%arg4 : memref<32x2048xf32, #tpu.memory_space<vmem>>) target_semaphore(%run_scoped3A : memref<!tpu.dma_semaphore, #tpu.memory_space<semaphore_mem>>)
        %dma_wait3A = arith.constant 0 : i32
        %dma_wait3A_323 = arith.constant 8192 : i32
        %dma_wait3A_324 = tpu.memref_slice %arg2[%dma_wait3A, %dma_wait3A_323] : memref<32x16384xf32, #tpu.memory_space<hbm>> -> memref<32x2048xf32, #tpu.memory_space<hbm>>
        %dma_wait3A_325 = arith.constant 0 : i32
        %dma_wait3A_326 = arith.constant 8192 : i32
        %dma_wait3A_327 = tpu.memref_slice %arg2[%dma_wait3A_325, %dma_wait3A_326] : memref<32x16384xf32, #tpu.memory_space<hbm>> -> memref<32x2048xf32, #tpu.memory_space<hbm>>
        tpu.wait_dma2 semaphore(%run_scoped3A : memref<!tpu.dma_semaphore, #tpu.memory_space<semaphore_mem>>) src(%dma_wait3A_327 : memref<32x2048xf32, #tpu.memory_space<hbm>>) dst(%arg4 : memref<32x2048xf32, #tpu.memory_space<vmem>>)
        tpu.yield
      }) : () -> ()
      "tpu.region"() ({
        %run_scoped3A = tpu.sem_alloc : memref<!tpu.dma_semaphore, #tpu.memory_space<semaphore_mem>>
        %dma_start3A = arith.constant 0 : i32
        %dma_start3A_318 = arith.constant 4096 : i32
        %dma_start3A_319 = tpu.memref_slice %arg5[%dma_start3A, %dma_start3A_318] : memref<32x8192xf32, #tpu.memory_space<vmem_shared>> -> memref<32x2048xf32, #tpu.memory_space<vmem_shared>>
        %dma_start3A_320 = arith.constant 0 : i32
        %dma_start3A_321 = arith.constant 4096 : i32
        %dma_start3A_322 = tpu.memref_slice %arg5[%dma_start3A_320, %dma_start3A_321] : memref<32x8192xf32, #tpu.memory_space<vmem_shared>> -> memref<32x2048xf32, #tpu.memory_space<vmem_shared>>
        tpu.enqueue_dma source(%arg4 : memref<32x2048xf32, #tpu.memory_space<vmem>>) target(%dma_start3A_322 : memref<32x2048xf32, #tpu.memory_space<vmem_shared>>) target_semaphore(%run_scoped3A : memref<!tpu.dma_semaphore, #tpu.memory_space<semaphore_mem>>)
        %dma_wait3A = arith.constant 0 : i32
        %dma_wait3A_323 = arith.constant 4096 : i32
        %dma_wait3A_324 = tpu.memref_slice %arg5[%dma_wait3A, %dma_wait3A_323] : memref<32x8192xf32, #tpu.memory_space<vmem_shared>> -> memref<32x2048xf32, #tpu.memory_space<vmem_shared>>
        %dma_wait3A_325 = arith.constant 0 : i32
        %dma_wait3A_326 = arith.constant 4096 : i32
        %dma_wait3A_327 = tpu.memref_slice %arg5[%dma_wait3A_325, %dma_wait3A_326] : memref<32x8192xf32, #tpu.memory_space<vmem_shared>> -> memref<32x2048xf32, #tpu.memory_space<vmem_shared>>
        tpu.wait_dma2 semaphore(%run_scoped3A : memref<!tpu.dma_semaphore, #tpu.memory_space<semaphore_mem>>) src(%arg4 : memref<32x2048xf32, #tpu.memory_space<vmem>>) dst(%dma_wait3A_327 : memref<32x2048xf32, #tpu.memory_space<vmem_shared>>)
        tpu.yield
      }) : () -> ()
    } else {
    }
    %eq3A_23 = arith.constant 5 : i32
    %eq3A_24 = arith.cmpi eq, %add3A, %eq3A_23 : i32
    %convert_element_type3A_25 = arith.extui %eq3A_24 : i1 to i32
    %cond3A_26 = arith.constant 0 : i32
    %cond3A_27 = arith.cmpi ne, %convert_element_type3A_25, %cond3A_26 : i32
    scf.if %cond3A_27 {
      "tpu.region"() ({
        %run_scoped3A = tpu.sem_alloc : memref<!tpu.dma_semaphore, #tpu.memory_space<semaphore_mem>>
        %dma_start3A = arith.constant 0 : i32
        %dma_start3A_318 = arith.constant 10240 : i32
        %dma_start3A_319 = tpu.memref_slice %arg2[%dma_start3A, %dma_start3A_318] : memref<32x16384xf32, #tpu.memory_space<hbm>> -> memref<32x2048xf32, #tpu.memory_space<hbm>>
        %dma_start3A_320 = arith.constant 0 : i32
        %dma_start3A_321 = arith.constant 10240 : i32
        %dma_start3A_322 = tpu.memref_slice %arg2[%dma_start3A_320, %dma_start3A_321] : memref<32x16384xf32, #tpu.memory_space<hbm>> -> memref<32x2048xf32, #tpu.memory_space<hbm>>
        tpu.enqueue_dma source(%dma_start3A_322 : memref<32x2048xf32, #tpu.memory_space<hbm>>) target(%arg4 : memref<32x2048xf32, #tpu.memory_space<vmem>>) target_semaphore(%run_scoped3A : memref<!tpu.dma_semaphore, #tpu.memory_space<semaphore_mem>>)
        %dma_wait3A = arith.constant 0 : i32
        %dma_wait3A_323 = arith.constant 10240 : i32
        %dma_wait3A_324 = tpu.memref_slice %arg2[%dma_wait3A, %dma_wait3A_323] : memref<32x16384xf32, #tpu.memory_space<hbm>> -> memref<32x2048xf32, #tpu.memory_space<hbm>>
        %dma_wait3A_325 = arith.constant 0 : i32
        %dma_wait3A_326 = arith.constant 10240 : i32
        %dma_wait3A_327 = tpu.memref_slice %arg2[%dma_wait3A_325, %dma_wait3A_326] : memref<32x16384xf32, #tpu.memory_space<hbm>> -> memref<32x2048xf32, #tpu.memory_space<hbm>>
        tpu.wait_dma2 semaphore(%run_scoped3A : memref<!tpu.dma_semaphore, #tpu.memory_space<semaphore_mem>>) src(%dma_wait3A_327 : memref<32x2048xf32, #tpu.memory_space<hbm>>) dst(%arg4 : memref<32x2048xf32, #tpu.memory_space<vmem>>)
        tpu.yield
      }) : () -> ()
      "tpu.region"() ({
        %run_scoped3A = tpu.sem_alloc : memref<!tpu.dma_semaphore, #tpu.memory_space<semaphore_mem>>
        %dma_start3A = arith.constant 0 : i32
        %dma_start3A_318 = arith.constant 4096 : i32
        %dma_start3A_319 = tpu.memref_slice %arg5[%dma_start3A, %dma_start3A_318] : memref<32x8192xf32, #tpu.memory_space<vmem_shared>> -> memref<32x2048xf32, #tpu.memory_space<vmem_shared>>
        %dma_start3A_320 = arith.constant 0 : i32
        %dma_start3A_321 = arith.constant 4096 : i32
        %dma_start3A_322 = tpu.memref_slice %arg5[%dma_start3A_320, %dma_start3A_321] : memref<32x8192xf32, #tpu.memory_space<vmem_shared>> -> memref<32x2048xf32, #tpu.memory_space<vmem_shared>>
        tpu.enqueue_dma source(%arg4 : memref<32x2048xf32, #tpu.memory_space<vmem>>) target(%dma_start3A_322 : memref<32x2048xf32, #tpu.memory_space<vmem_shared>>) target_semaphore(%run_scoped3A : memref<!tpu.dma_semaphore, #tpu.memory_space<semaphore_mem>>)
        %dma_wait3A = arith.constant 0 : i32
        %dma_wait3A_323 = arith.constant 4096 : i32
        %dma_wait3A_324 = tpu.memref_slice %arg5[%dma_wait3A, %dma_wait3A_323] : memref<32x8192xf32, #tpu.memory_space<vmem_shared>> -> memref<32x2048xf32, #tpu.memory_space<vmem_shared>>
        %dma_wait3A_325 = arith.constant 0 : i32
        %dma_wait3A_326 = arith.constant 4096 : i32
        %dma_wait3A_327 = tpu.memref_slice %arg5[%dma_wait3A_325, %dma_wait3A_326] : memref<32x8192xf32, #tpu.memory_space<vmem_shared>> -> memref<32x2048xf32, #tpu.memory_space<vmem_shared>>
        tpu.wait_dma2 semaphore(%run_scoped3A : memref<!tpu.dma_semaphore, #tpu.memory_space<semaphore_mem>>) src(%arg4 : memref<32x2048xf32, #tpu.memory_space<vmem>>) dst(%dma_wait3A_327 : memref<32x2048xf32, #tpu.memory_space<vmem_shared>>)
        tpu.yield
      }) : () -> ()
    } else {
    }
    %eq3A_28 = arith.constant 6 : i32
    %eq3A_29 = arith.cmpi eq, %add3A, %eq3A_28 : i32
    %convert_element_type3A_30 = arith.extui %eq3A_29 : i1 to i32
    %cond3A_31 = arith.constant 0 : i32
    %cond3A_32 = arith.cmpi ne, %convert_element_type3A_30, %cond3A_31 : i32
    scf.if %cond3A_32 {
      "tpu.region"() ({
        %run_scoped3A = tpu.sem_alloc : memref<!tpu.dma_semaphore, #tpu.memory_space<semaphore_mem>>
        %dma_start3A = arith.constant 0 : i32
        %dma_start3A_318 = arith.constant 12288 : i32
        %dma_start3A_319 = tpu.memref_slice %arg2[%dma_start3A, %dma_start3A_318] : memref<32x16384xf32, #tpu.memory_space<hbm>> -> memref<32x2048xf32, #tpu.memory_space<hbm>>
        %dma_start3A_320 = arith.constant 0 : i32
        %dma_start3A_321 = arith.constant 12288 : i32
        %dma_start3A_322 = tpu.memref_slice %arg2[%dma_start3A_320, %dma_start3A_321] : memref<32x16384xf32, #tpu.memory_space<hbm>> -> memref<32x2048xf32, #tpu.memory_space<hbm>>
        tpu.enqueue_dma source(%dma_start3A_322 : memref<32x2048xf32, #tpu.memory_space<hbm>>) target(%arg4 : memref<32x2048xf32, #tpu.memory_space<vmem>>) target_semaphore(%run_scoped3A : memref<!tpu.dma_semaphore, #tpu.memory_space<semaphore_mem>>)
        %dma_wait3A = arith.constant 0 : i32
        %dma_wait3A_323 = arith.constant 12288 : i32
        %dma_wait3A_324 = tpu.memref_slice %arg2[%dma_wait3A, %dma_wait3A_323] : memref<32x16384xf32, #tpu.memory_space<hbm>> -> memref<32x2048xf32, #tpu.memory_space<hbm>>
        %dma_wait3A_325 = arith.constant 0 : i32
        %dma_wait3A_326 = arith.constant 12288 : i32
        %dma_wait3A_327 = tpu.memref_slice %arg2[%dma_wait3A_325, %dma_wait3A_326] : memref<32x16384xf32, #tpu.memory_space<hbm>> -> memref<32x2048xf32, #tpu.memory_space<hbm>>
        tpu.wait_dma2 semaphore(%run_scoped3A : memref<!tpu.dma_semaphore, #tpu.memory_space<semaphore_mem>>) src(%dma_wait3A_327 : memref<32x2048xf32, #tpu.memory_space<hbm>>) dst(%arg4 : memref<32x2048xf32, #tpu.memory_space<vmem>>)
        tpu.yield
      }) : () -> ()
      "tpu.region"() ({
        %run_scoped3A = tpu.sem_alloc : memref<!tpu.dma_semaphore, #tpu.memory_space<semaphore_mem>>
        %dma_start3A = arith.constant 0 : i32
        %dma_start3A_318 = arith.constant 6144 : i32
        %dma_start3A_319 = tpu.memref_slice %arg5[%dma_start3A, %dma_start3A_318] : memref<32x8192xf32, #tpu.memory_space<vmem_shared>> -> memref<32x2048xf32, #tpu.memory_space<vmem_shared>>
        %dma_start3A_320 = arith.constant 0 : i32
        %dma_start3A_321 = arith.constant 6144 : i32
        %dma_start3A_322 = tpu.memref_slice %arg5[%dma_start3A_320, %dma_start3A_321] : memref<32x8192xf32, #tpu.memory_space<vmem_shared>> -> memref<32x2048xf32, #tpu.memory_space<vmem_shared>>
        tpu.enqueue_dma source(%arg4 : memref<32x2048xf32, #tpu.memory_space<vmem>>) target(%dma_start3A_322 : memref<32x2048xf32, #tpu.memory_space<vmem_shared>>) target_semaphore(%run_scoped3A : memref<!tpu.dma_semaphore, #tpu.memory_space<semaphore_mem>>)
        %dma_wait3A = arith.constant 0 : i32
        %dma_wait3A_323 = arith.constant 6144 : i32
        %dma_wait3A_324 = tpu.memref_slice %arg5[%dma_wait3A, %dma_wait3A_323] : memref<32x8192xf32, #tpu.memory_space<vmem_shared>> -> memref<32x2048xf32, #tpu.memory_space<vmem_shared>>
        %dma_wait3A_325 = arith.constant 0 : i32
        %dma_wait3A_326 = arith.constant 6144 : i32
        %dma_wait3A_327 = tpu.memref_slice %arg5[%dma_wait3A_325, %dma_wait3A_326] : memref<32x8192xf32, #tpu.memory_space<vmem_shared>> -> memref<32x2048xf32, #tpu.memory_space<vmem_shared>>
        tpu.wait_dma2 semaphore(%run_scoped3A : memref<!tpu.dma_semaphore, #tpu.memory_space<semaphore_mem>>) src(%arg4 : memref<32x2048xf32, #tpu.memory_space<vmem>>) dst(%dma_wait3A_327 : memref<32x2048xf32, #tpu.memory_space<vmem_shared>>)
        tpu.yield
      }) : () -> ()
    } else {
    }
    %eq3A_33 = arith.constant 7 : i32
    %eq3A_34 = arith.cmpi eq, %add3A, %eq3A_33 : i32
    %convert_element_type3A_35 = arith.extui %eq3A_34 : i1 to i32
    %cond3A_36 = arith.constant 0 : i32
    %cond3A_37 = arith.cmpi ne, %convert_element_type3A_35, %cond3A_36 : i32
    scf.if %cond3A_37 {
      "tpu.region"() ({
        %run_scoped3A = tpu.sem_alloc : memref<!tpu.dma_semaphore, #tpu.memory_space<semaphore_mem>>
        %dma_start3A = arith.constant 0 : i32
        %dma_start3A_318 = arith.constant 14336 : i32
        %dma_start3A_319 = tpu.memref_slice %arg2[%dma_start3A, %dma_start3A_318] : memref<32x16384xf32, #tpu.memory_space<hbm>> -> memref<32x2048xf32, #tpu.memory_space<hbm>>
        %dma_start3A_320 = arith.constant 0 : i32
        %dma_start3A_321 = arith.constant 14336 : i32
        %dma_start3A_322 = tpu.memref_slice %arg2[%dma_start3A_320, %dma_start3A_321] : memref<32x16384xf32, #tpu.memory_space<hbm>> -> memref<32x2048xf32, #tpu.memory_space<hbm>>
        tpu.enqueue_dma source(%dma_start3A_322 : memref<32x2048xf32, #tpu.memory_space<hbm>>) target(%arg4 : memref<32x2048xf32, #tpu.memory_space<vmem>>) target_semaphore(%run_scoped3A : memref<!tpu.dma_semaphore, #tpu.memory_space<semaphore_mem>>)
        %dma_wait3A = arith.constant 0 : i32
        %dma_wait3A_323 = arith.constant 14336 : i32
        %dma_wait3A_324 = tpu.memref_slice %arg2[%dma_wait3A, %dma_wait3A_323] : memref<32x16384xf32, #tpu.memory_space<hbm>> -> memref<32x2048xf32, #tpu.memory_space<hbm>>
        %dma_wait3A_325 = arith.constant 0 : i32
        %dma_wait3A_326 = arith.constant 14336 : i32
        %dma_wait3A_327 = tpu.memref_slice %arg2[%dma_wait3A_325, %dma_wait3A_326] : memref<32x16384xf32, #tpu.memory_space<hbm>> -> memref<32x2048xf32, #tpu.memory_space<hbm>>
        tpu.wait_dma2 semaphore(%run_scoped3A : memref<!tpu.dma_semaphore, #tpu.memory_space<semaphore_mem>>) src(%dma_wait3A_327 : memref<32x2048xf32, #tpu.memory_space<hbm>>) dst(%arg4 : memref<32x2048xf32, #tpu.memory_space<vmem>>)
        tpu.yield
      }) : () -> ()
      "tpu.region"() ({
        %run_scoped3A = tpu.sem_alloc : memref<!tpu.dma_semaphore, #tpu.memory_space<semaphore_mem>>
        %dma_start3A = arith.constant 0 : i32
        %dma_start3A_318 = arith.constant 6144 : i32
        %dma_start3A_319 = tpu.memref_slice %arg5[%dma_start3A, %dma_start3A_318] : memref<32x8192xf32, #tpu.memory_space<vmem_shared>> -> memref<32x2048xf32, #tpu.memory_space<vmem_shared>>
        %dma_start3A_320 = arith.constant 0 : i32
        %dma_start3A_321 = arith.constant 6144 : i32
        %dma_start3A_322 = tpu.memref_slice %arg5[%dma_start3A_320, %dma_start3A_321] : memref<32x8192xf32, #tpu.memory_space<vmem_shared>> -> memref<32x2048xf32, #tpu.memory_space<vmem_shared>>
        tpu.enqueue_dma source(%arg4 : memref<32x2048xf32, #tpu.memory_space<vmem>>) target(%dma_start3A_322 : memref<32x2048xf32, #tpu.memory_space<vmem_shared>>) target_semaphore(%run_scoped3A : memref<!tpu.dma_semaphore, #tpu.memory_space<semaphore_mem>>)
        %dma_wait3A = arith.constant 0 : i32
        %dma_wait3A_323 = arith.constant 6144 : i32
        %dma_wait3A_324 = tpu.memref_slice %arg5[%dma_wait3A, %dma_wait3A_323] : memref<32x8192xf32, #tpu.memory_space<vmem_shared>> -> memref<32x2048xf32, #tpu.memory_space<vmem_shared>>
        %dma_wait3A_325 = arith.constant 0 : i32
        %dma_wait3A_326 = arith.constant 6144 : i32
        %dma_wait3A_327 = tpu.memref_slice %arg5[%dma_wait3A_325, %dma_wait3A_326] : memref<32x8192xf32, #tpu.memory_space<vmem_shared>> -> memref<32x2048xf32, #tpu.memory_space<vmem_shared>>
        tpu.wait_dma2 semaphore(%run_scoped3A : memref<!tpu.dma_semaphore, #tpu.memory_space<semaphore_mem>>) src(%arg4 : memref<32x2048xf32, #tpu.memory_space<vmem>>) dst(%dma_wait3A_327 : memref<32x2048xf32, #tpu.memory_space<vmem_shared>>)
        tpu.yield
      }) : () -> ()
    } else {
    }
    %barrier3A = arith.constant 0 : index
    tpu.barrier barrier_id(%barrier3A)
    %eq3A_38 = arith.constant 8 : i32
    %eq3A_39 = arith.cmpi eq, %add3A, %eq3A_38 : i32
    %convert_element_type3A_40 = arith.extui %eq3A_39 : i1 to i32
    %cond3A_41 = arith.constant 0 : i32
    %cond3A_42 = arith.cmpi ne, %convert_element_type3A_40, %cond3A_41 : i32
    scf.if %cond3A_42 {
      "tpu.region"() ({
        %run_scoped3A = tpu.sem_alloc : memref<!tpu.dma_semaphore, #tpu.memory_space<semaphore_mem>>
        %dma_start3A = arith.constant 0 : i32
        %dma_start3A_318 = arith.constant 0 : i32
        %dma_start3A_319 = tpu.memref_slice %arg5[%dma_start3A, %dma_start3A_318] : memref<32x8192xf32, #tpu.memory_space<vmem_shared>> -> memref<32x2048xf32, #tpu.memory_space<vmem_shared>>
        %dma_start3A_320 = arith.constant 0 : i32
        %dma_start3A_321 = arith.constant 0 : i32
        %dma_start3A_322 = tpu.memref_slice %arg5[%dma_start3A_320, %dma_start3A_321] : memref<32x8192xf32, #tpu.memory_space<vmem_shared>> -> memref<32x2048xf32, #tpu.memory_space<vmem_shared>>
        tpu.enqueue_dma source(%dma_start3A_322 : memref<32x2048xf32, #tpu.memory_space<vmem_shared>>) target(%arg4 : memref<32x2048xf32, #tpu.memory_space<vmem>>) target_semaphore(%run_scoped3A : memref<!tpu.dma_semaphore, #tpu.memory_space<semaphore_mem>>)
        %dma_wait3A = arith.constant 0 : i32
        %dma_wait3A_323 = arith.constant 0 : i32
        %dma_wait3A_324 = tpu.memref_slice %arg5[%dma_wait3A, %dma_wait3A_323] : memref<32x8192xf32, #tpu.memory_space<vmem_shared>> -> memref<32x2048xf32, #tpu.memory_space<vmem_shared>>
        %dma_wait3A_325 = arith.constant 0 : i32
        %dma_wait3A_326 = arith.constant 0 : i32
        %dma_wait3A_327 = tpu.memref_slice %arg5[%dma_wait3A_325, %dma_wait3A_326] : memref<32x8192xf32, #tpu.memory_space<vmem_shared>> -> memref<32x2048xf32, #tpu.memory_space<vmem_shared>>
        tpu.wait_dma2 semaphore(%run_scoped3A : memref<!tpu.dma_semaphore, #tpu.memory_space<semaphore_mem>>) src(%dma_wait3A_327 : memref<32x2048xf32, #tpu.memory_space<vmem_shared>>) dst(%arg4 : memref<32x2048xf32, #tpu.memory_space<vmem>>)
        tpu.yield
      }) : () -> ()
    } else {
    }
    %eq3A_43 = arith.constant 9 : i32
    %eq3A_44 = arith.cmpi eq, %add3A, %eq3A_43 : i32
    %convert_element_type3A_45 = arith.extui %eq3A_44 : i1 to i32
    %cond3A_46 = arith.constant 0 : i32
    %cond3A_47 = arith.cmpi ne, %convert_element_type3A_45, %cond3A_46 : i32
    scf.if %cond3A_47 {
      "tpu.region"() ({
        %run_scoped3A = tpu.sem_alloc : memref<!tpu.dma_semaphore, #tpu.memory_space<semaphore_mem>>
        %dma_start3A = arith.constant 0 : i32
        %dma_start3A_318 = arith.constant 0 : i32
        %dma_start3A_319 = tpu.memref_slice %arg5[%dma_start3A, %dma_start3A_318] : memref<32x8192xf32, #tpu.memory_space<vmem_shared>> -> memref<32x2048xf32, #tpu.memory_space<vmem_shared>>
        %dma_start3A_320 = arith.constant 0 : i32
        %dma_start3A_321 = arith.constant 0 : i32
        %dma_start3A_322 = tpu.memref_slice %arg5[%dma_start3A_320, %dma_start3A_321] : memref<32x8192xf32, #tpu.memory_space<vmem_shared>> -> memref<32x2048xf32, #tpu.memory_space<vmem_shared>>
        tpu.enqueue_dma source(%dma_start3A_322 : memref<32x2048xf32, #tpu.memory_space<vmem_shared>>) target(%arg4 : memref<32x2048xf32, #tpu.memory_space<vmem>>) target_semaphore(%run_scoped3A : memref<!tpu.dma_semaphore, #tpu.memory_space<semaphore_mem>>)
        %dma_wait3A = arith.constant 0 : i32
        %dma_wait3A_323 = arith.constant 0 : i32
        %dma_wait3A_324 = tpu.memref_slice %arg5[%dma_wait3A, %dma_wait3A_323] : memref<32x8192xf32, #tpu.memory_space<vmem_shared>> -> memref<32x2048xf32, #tpu.memory_space<vmem_shared>>
        %dma_wait3A_325 = arith.constant 0 : i32
        %dma_wait3A_326 = arith.constant 0 : i32
        %dma_wait3A_327 = tpu.memref_slice %arg5[%dma_wait3A_325, %dma_wait3A_326] : memref<32x8192xf32, #tpu.memory_space<vmem_shared>> -> memref<32x2048xf32, #tpu.memory_space<vmem_shared>>
        tpu.wait_dma2 semaphore(%run_scoped3A : memref<!tpu.dma_semaphore, #tpu.memory_space<semaphore_mem>>) src(%dma_wait3A_327 : memref<32x2048xf32, #tpu.memory_space<vmem_shared>>) dst(%arg4 : memref<32x2048xf32, #tpu.memory_space<vmem>>)
        tpu.yield
      }) : () -> ()
    } else {
    }
    %eq3A_48 = arith.constant 10 : i32
    %eq3A_49 = arith.cmpi eq, %add3A, %eq3A_48 : i32
    %convert_element_type3A_50 = arith.extui %eq3A_49 : i1 to i32
    %cond3A_51 = arith.constant 0 : i32
    %cond3A_52 = arith.cmpi ne, %convert_element_type3A_50, %cond3A_51 : i32
    scf.if %cond3A_52 {
      "tpu.region"() ({
        %run_scoped3A = tpu.sem_alloc : memref<!tpu.dma_semaphore, #tpu.memory_space<semaphore_mem>>
        %dma_start3A = arith.constant 0 : i32
        %dma_start3A_318 = arith.constant 2048 : i32
        %dma_start3A_319 = tpu.memref_slice %arg5[%dma_start3A, %dma_start3A_318] : memref<32x8192xf32, #tpu.memory_space<vmem_shared>> -> memref<32x2048xf32, #tpu.memory_space<vmem_shared>>
        %dma_start3A_320 = arith.constant 0 : i32
        %dma_start3A_321 = arith.constant 2048 : i32
        %dma_start3A_322 = tpu.memref_slice %arg5[%dma_start3A_320, %dma_start3A_321] : memref<32x8192xf32, #tpu.memory_space<vmem_shared>> -> memref<32x2048xf32, #tpu.memory_space<vmem_shared>>
        tpu.enqueue_dma source(%dma_start3A_322 : memref<32x2048xf32, #tpu.memory_space<vmem_shared>>) target(%arg4 : memref<32x2048xf32, #tpu.memory_space<vmem>>) target_semaphore(%run_scoped3A : memref<!tpu.dma_semaphore, #tpu.memory_space<semaphore_mem>>)
        %dma_wait3A = arith.constant 0 : i32
        %dma_wait3A_323 = arith.constant 2048 : i32
        %dma_wait3A_324 = tpu.memref_slice %arg5[%dma_wait3A, %dma_wait3A_323] : memref<32x8192xf32, #tpu.memory_space<vmem_shared>> -> memref<32x2048xf32, #tpu.memory_space<vmem_shared>>
        %dma_wait3A_325 = arith.constant 0 : i32
        %dma_wait3A_326 = arith.constant 2048 : i32
        %dma_wait3A_327 = tpu.memref_slice %arg5[%dma_wait3A_325, %dma_wait3A_326] : memref<32x8192xf32, #tpu.memory_space<vmem_shared>> -> memref<32x2048xf32, #tpu.memory_space<vmem_shared>>
        tpu.wait_dma2 semaphore(%run_scoped3A : memref<!tpu.dma_semaphore, #tpu.memory_space<semaphore_mem>>) src(%dma_wait3A_327 : memref<32x2048xf32, #tpu.memory_space<vmem_shared>>) dst(%arg4 : memref<32x2048xf32, #tpu.memory_space<vmem>>)
        tpu.yield
      }) : () -> ()
    } else {
    }
    %eq3A_53 = arith.constant 11 : i32
    %eq3A_54 = arith.cmpi eq, %add3A, %eq3A_53 : i32
    %convert_element_type3A_55 = arith.extui %eq3A_54 : i1 to i32
    %cond3A_56 = arith.constant 0 : i32
    %cond3A_57 = arith.cmpi ne, %convert_element_type3A_55, %cond3A_56 : i32
    scf.if %cond3A_57 {
      "tpu.region"() ({
        %run_scoped3A = tpu.sem_alloc : memref<!tpu.dma_semaphore, #tpu.memory_space<semaphore_mem>>
        %dma_start3A = arith.constant 0 : i32
        %dma_start3A_318 = arith.constant 2048 : i32
        %dma_start3A_319 = tpu.memref_slice %arg5[%dma_start3A, %dma_start3A_318] : memref<32x8192xf32, #tpu.memory_space<vmem_shared>> -> memref<32x2048xf32, #tpu.memory_space<vmem_shared>>
        %dma_start3A_320 = arith.constant 0 : i32
        %dma_start3A_321 = arith.constant 2048 : i32
        %dma_start3A_322 = tpu.memref_slice %arg5[%dma_start3A_320, %dma_start3A_321] : memref<32x8192xf32, #tpu.memory_space<vmem_shared>> -> memref<32x2048xf32, #tpu.memory_space<vmem_shared>>
        tpu.enqueue_dma source(%dma_start3A_322 : memref<32x2048xf32, #tpu.memory_space<vmem_shared>>) target(%arg4 : memref<32x2048xf32, #tpu.memory_space<vmem>>) target_semaphore(%run_scoped3A : memref<!tpu.dma_semaphore, #tpu.memory_space<semaphore_mem>>)
        %dma_wait3A = arith.constant 0 : i32
        %dma_wait3A_323 = arith.constant 2048 : i32
        %dma_wait3A_324 = tpu.memref_slice %arg5[%dma_wait3A, %dma_wait3A_323] : memref<32x8192xf32, #tpu.memory_space<vmem_shared>> -> memref<32x2048xf32, #tpu.memory_space<vmem_shared>>
        %dma_wait3A_325 = arith.constant 0 : i32
        %dma_wait3A_326 = arith.constant 2048 : i32
        %dma_wait3A_327 = tpu.memref_slice %arg5[%dma_wait3A_325, %dma_wait3A_326] : memref<32x8192xf32, #tpu.memory_space<vmem_shared>> -> memref<32x2048xf32, #tpu.memory_space<vmem_shared>>
        tpu.wait_dma2 semaphore(%run_scoped3A : memref<!tpu.dma_semaphore, #tpu.memory_space<semaphore_mem>>) src(%dma_wait3A_327 : memref<32x2048xf32, #tpu.memory_space<vmem_shared>>) dst(%arg4 : memref<32x2048xf32, #tpu.memory_space<vmem>>)
        tpu.yield
      }) : () -> ()
    } else {
    }
    %eq3A_58 = arith.constant 12 : i32
    %eq3A_59 = arith.cmpi eq, %add3A, %eq3A_58 : i32
    %convert_element_type3A_60 = arith.extui %eq3A_59 : i1 to i32
    %cond3A_61 = arith.constant 0 : i32
    %cond3A_62 = arith.cmpi ne, %convert_element_type3A_60, %cond3A_61 : i32
    scf.if %cond3A_62 {
      "tpu.region"() ({
        %run_scoped3A = tpu.sem_alloc : memref<!tpu.dma_semaphore, #tpu.memory_space<semaphore_mem>>
        %dma_start3A = arith.constant 0 : i32
        %dma_start3A_318 = arith.constant 4096 : i32
        %dma_start3A_319 = tpu.memref_slice %arg5[%dma_start3A, %dma_start3A_318] : memref<32x8192xf32, #tpu.memory_space<vmem_shared>> -> memref<32x2048xf32, #tpu.memory_space<vmem_shared>>
        %dma_start3A_320 = arith.constant 0 : i32
        %dma_start3A_321 = arith.constant 4096 : i32
        %dma_start3A_322 = tpu.memref_slice %arg5[%dma_start3A_320, %dma_start3A_321] : memref<32x8192xf32, #tpu.memory_space<vmem_shared>> -> memref<32x2048xf32, #tpu.memory_space<vmem_shared>>
        tpu.enqueue_dma source(%dma_start3A_322 : memref<32x2048xf32, #tpu.memory_space<vmem_shared>>) target(%arg4 : memref<32x2048xf32, #tpu.memory_space<vmem>>) target_semaphore(%run_scoped3A : memref<!tpu.dma_semaphore, #tpu.memory_space<semaphore_mem>>)
        %dma_wait3A = arith.constant 0 : i32
        %dma_wait3A_323 = arith.constant 4096 : i32
        %dma_wait3A_324 = tpu.memref_slice %arg5[%dma_wait3A, %dma_wait3A_323] : memref<32x8192xf32, #tpu.memory_space<vmem_shared>> -> memref<32x2048xf32, #tpu.memory_space<vmem_shared>>
        %dma_wait3A_325 = arith.constant 0 : i32
        %dma_wait3A_326 = arith.constant 4096 : i32
        %dma_wait3A_327 = tpu.memref_slice %arg5[%dma_wait3A_325, %dma_wait3A_326] : memref<32x8192xf32, #tpu.memory_space<vmem_shared>> -> memref<32x2048xf32, #tpu.memory_space<vmem_shared>>
        tpu.wait_dma2 semaphore(%run_scoped3A : memref<!tpu.dma_semaphore, #tpu.memory_space<semaphore_mem>>) src(%dma_wait3A_327 : memref<32x2048xf32, #tpu.memory_space<vmem_shared>>) dst(%arg4 : memref<32x2048xf32, #tpu.memory_space<vmem>>)
        tpu.yield
      }) : () -> ()
    } else {
    }
    %eq3A_63 = arith.constant 13 : i32
    %eq3A_64 = arith.cmpi eq, %add3A, %eq3A_63 : i32
    %convert_element_type3A_65 = arith.extui %eq3A_64 : i1 to i32
    %cond3A_66 = arith.constant 0 : i32
    %cond3A_67 = arith.cmpi ne, %convert_element_type3A_65, %cond3A_66 : i32
    scf.if %cond3A_67 {
      "tpu.region"() ({
        %run_scoped3A = tpu.sem_alloc : memref<!tpu.dma_semaphore, #tpu.memory_space<semaphore_mem>>
        %dma_start3A = arith.constant 0 : i32
        %dma_start3A_318 = arith.constant 4096 : i32
        %dma_start3A_319 = tpu.memref_slice %arg5[%dma_start3A, %dma_start3A_318] : memref<32x8192xf32, #tpu.memory_space<vmem_shared>> -> memref<32x2048xf32, #tpu.memory_space<vmem_shared>>
        %dma_start3A_320 = arith.constant 0 : i32
        %dma_start3A_321 = arith.constant 4096 : i32
        %dma_start3A_322 = tpu.memref_slice %arg5[%dma_start3A_320, %dma_start3A_321] : memref<32x8192xf32, #tpu.memory_space<vmem_shared>> -> memref<32x2048xf32, #tpu.memory_space<vmem_shared>>
        tpu.enqueue_dma source(%dma_start3A_322 : memref<32x2048xf32, #tpu.memory_space<vmem_shared>>) target(%arg4 : memref<32x2048xf32, #tpu.memory_space<vmem>>) target_semaphore(%run_scoped3A : memref<!tpu.dma_semaphore, #tpu.memory_space<semaphore_mem>>)
        %dma_wait3A = arith.constant 0 : i32
        %dma_wait3A_323 = arith.constant 4096 : i32
        %dma_wait3A_324 = tpu.memref_slice %arg5[%dma_wait3A, %dma_wait3A_323] : memref<32x8192xf32, #tpu.memory_space<vmem_shared>> -> memref<32x2048xf32, #tpu.memory_space<vmem_shared>>
        %dma_wait3A_325 = arith.constant 0 : i32
        %dma_wait3A_326 = arith.constant 4096 : i32
        %dma_wait3A_327 = tpu.memref_slice %arg5[%dma_wait3A_325, %dma_wait3A_326] : memref<32x8192xf32, #tpu.memory_space<vmem_shared>> -> memref<32x2048xf32, #tpu.memory_space<vmem_shared>>
        tpu.wait_dma2 semaphore(%run_scoped3A : memref<!tpu.dma_semaphore, #tpu.memory_space<semaphore_mem>>) src(%dma_wait3A_327 : memref<32x2048xf32, #tpu.memory_space<vmem_shared>>) dst(%arg4 : memref<32x2048xf32, #tpu.memory_space<vmem>>)
        tpu.yield
      }) : () -> ()
    } else {
    }
    %eq3A_68 = arith.constant 14 : i32
    %eq3A_69 = arith.cmpi eq, %add3A, %eq3A_68 : i32
    %convert_element_type3A_70 = arith.extui %eq3A_69 : i1 to i32
    %cond3A_71 = arith.constant 0 : i32
    %cond3A_72 = arith.cmpi ne, %convert_element_type3A_70, %cond3A_71 : i32
    scf.if %cond3A_72 {
      "tpu.region"() ({
        %run_scoped3A = tpu.sem_alloc : memref<!tpu.dma_semaphore, #tpu.memory_space<semaphore_mem>>
        %dma_start3A = arith.constant 0 : i32
        %dma_start3A_318 = arith.constant 6144 : i32
        %dma_start3A_319 = tpu.memref_slice %arg5[%dma_start3A, %dma_start3A_318] : memref<32x8192xf32, #tpu.memory_space<vmem_shared>> -> memref<32x2048xf32, #tpu.memory_space<vmem_shared>>
        %dma_start3A_320 = arith.constant 0 : i32
        %dma_start3A_321 = arith.constant 6144 : i32
        %dma_start3A_322 = tpu.memref_slice %arg5[%dma_start3A_320, %dma_start3A_321] : memref<32x8192xf32, #tpu.memory_space<vmem_shared>> -> memref<32x2048xf32, #tpu.memory_space<vmem_shared>>
        tpu.enqueue_dma source(%dma_start3A_322 : memref<32x2048xf32, #tpu.memory_space<vmem_shared>>) target(%arg4 : memref<32x2048xf32, #tpu.memory_space<vmem>>) target_semaphore(%run_scoped3A : memref<!tpu.dma_semaphore, #tpu.memory_space<semaphore_mem>>)
        %dma_wait3A = arith.constant 0 : i32
        %dma_wait3A_323 = arith.constant 6144 : i32
        %dma_wait3A_324 = tpu.memref_slice %arg5[%dma_wait3A, %dma_wait3A_323] : memref<32x8192xf32, #tpu.memory_space<vmem_shared>> -> memref<32x2048xf32, #tpu.memory_space<vmem_shared>>
        %dma_wait3A_325 = arith.constant 0 : i32
        %dma_wait3A_326 = arith.constant 6144 : i32
        %dma_wait3A_327 = tpu.memref_slice %arg5[%dma_wait3A_325, %dma_wait3A_326] : memref<32x8192xf32, #tpu.memory_space<vmem_shared>> -> memref<32x2048xf32, #tpu.memory_space<vmem_shared>>
        tpu.wait_dma2 semaphore(%run_scoped3A : memref<!tpu.dma_semaphore, #tpu.memory_space<semaphore_mem>>) src(%dma_wait3A_327 : memref<32x2048xf32, #tpu.memory_space<vmem_shared>>) dst(%arg4 : memref<32x2048xf32, #tpu.memory_space<vmem>>)
        tpu.yield
      }) : () -> ()
    } else {
    }
    %eq3A_73 = arith.constant 15 : i32
    %eq3A_74 = arith.cmpi eq, %add3A, %eq3A_73 : i32
    %convert_element_type3A_75 = arith.extui %eq3A_74 : i1 to i32
    %cond3A_76 = arith.constant 0 : i32
    %cond3A_77 = arith.cmpi ne, %convert_element_type3A_75, %cond3A_76 : i32
    scf.if %cond3A_77 {
      "tpu.region"() ({
        %run_scoped3A = tpu.sem_alloc : memref<!tpu.dma_semaphore, #tpu.memory_space<semaphore_mem>>
        %dma_start3A = arith.constant 0 : i32
        %dma_start3A_318 = arith.constant 6144 : i32
        %dma_start3A_319 = tpu.memref_slice %arg5[%dma_start3A, %dma_start3A_318] : memref<32x8192xf32, #tpu.memory_space<vmem_shared>> -> memref<32x2048xf32, #tpu.memory_space<vmem_shared>>
        %dma_start3A_320 = arith.constant 0 : i32
        %dma_start3A_321 = arith.constant 6144 : i32
        %dma_start3A_322 = tpu.memref_slice %arg5[%dma_start3A_320, %dma_start3A_321] : memref<32x8192xf32, #tpu.memory_space<vmem_shared>> -> memref<32x2048xf32, #tpu.memory_space<vmem_shared>>
        tpu.enqueue_dma source(%dma_start3A_322 : memref<32x2048xf32, #tpu.memory_space<vmem_shared>>) target(%arg4 : memref<32x2048xf32, #tpu.memory_space<vmem>>) target_semaphore(%run_scoped3A : memref<!tpu.dma_semaphore, #tpu.memory_space<semaphore_mem>>)
        %dma_wait3A = arith.constant 0 : i32
        %dma_wait3A_323 = arith.constant 6144 : i32
        %dma_wait3A_324 = tpu.memref_slice %arg5[%dma_wait3A, %dma_wait3A_323] : memref<32x8192xf32, #tpu.memory_space<vmem_shared>> -> memref<32x2048xf32, #tpu.memory_space<vmem_shared>>
        %dma_wait3A_325 = arith.constant 0 : i32
        %dma_wait3A_326 = arith.constant 6144 : i32
        %dma_wait3A_327 = tpu.memref_slice %arg5[%dma_wait3A_325, %dma_wait3A_326] : memref<32x8192xf32, #tpu.memory_space<vmem_shared>> -> memref<32x2048xf32, #tpu.memory_space<vmem_shared>>
        tpu.wait_dma2 semaphore(%run_scoped3A : memref<!tpu.dma_semaphore, #tpu.memory_space<semaphore_mem>>) src(%dma_wait3A_327 : memref<32x2048xf32, #tpu.memory_space<vmem_shared>>) dst(%arg4 : memref<32x2048xf32, #tpu.memory_space<vmem>>)
        tpu.yield
      }) : () -> ()
    } else {
    }
    %eq3A_78 = arith.constant 16 : i32
    %eq3A_79 = arith.cmpi eq, %add3A, %eq3A_78 : i32
    %convert_element_type3A_80 = arith.extui %eq3A_79 : i1 to i32
    %cond3A_81 = arith.constant 0 : i32
    %cond3A_82 = arith.cmpi ne, %convert_element_type3A_80, %cond3A_81 : i32
    scf.if %cond3A_82 {
      "tpu.region"() ({
        %run_scoped3A = tpu.sem_alloc : memref<!tpu.dma_semaphore, #tpu.memory_space<semaphore_mem>>
        %dma_start3A = arith.constant 0 : i32
        %dma_start3A_318 = arith.constant 0 : i32
        %dma_start3A_319 = tpu.memref_slice %arg5[%dma_start3A, %dma_start3A_318] : memref<32x8192xf32, #tpu.memory_space<vmem_shared>> -> memref<32x2048xf32, #tpu.memory_space<vmem_shared>>
        %dma_start3A_320 = arith.constant 0 : i32
        %dma_start3A_321 = arith.constant 0 : i32
        %dma_start3A_322 = tpu.memref_slice %arg5[%dma_start3A_320, %dma_start3A_321] : memref<32x8192xf32, #tpu.memory_space<vmem_shared>> -> memref<32x2048xf32, #tpu.memory_space<vmem_shared>>
        tpu.enqueue_dma source(%dma_start3A_322 : memref<32x2048xf32, #tpu.memory_space<vmem_shared>>) target(%arg4 : memref<32x2048xf32, #tpu.memory_space<vmem>>) target_semaphore(%run_scoped3A : memref<!tpu.dma_semaphore, #tpu.memory_space<semaphore_mem>>)
        %dma_wait3A = arith.constant 0 : i32
        %dma_wait3A_323 = arith.constant 0 : i32
        %dma_wait3A_324 = tpu.memref_slice %arg5[%dma_wait3A, %dma_wait3A_323] : memref<32x8192xf32, #tpu.memory_space<vmem_shared>> -> memref<32x2048xf32, #tpu.memory_space<vmem_shared>>
        %dma_wait3A_325 = arith.constant 0 : i32
        %dma_wait3A_326 = arith.constant 0 : i32
        %dma_wait3A_327 = tpu.memref_slice %arg5[%dma_wait3A_325, %dma_wait3A_326] : memref<32x8192xf32, #tpu.memory_space<vmem_shared>> -> memref<32x2048xf32, #tpu.memory_space<vmem_shared>>
        tpu.wait_dma2 semaphore(%run_scoped3A : memref<!tpu.dma_semaphore, #tpu.memory_space<semaphore_mem>>) src(%dma_wait3A_327 : memref<32x2048xf32, #tpu.memory_space<vmem_shared>>) dst(%arg4 : memref<32x2048xf32, #tpu.memory_space<vmem>>)
        tpu.yield
      }) : () -> ()
    } else {
    }
    %eq3A_83 = arith.constant 17 : i32
    %eq3A_84 = arith.cmpi eq, %add3A, %eq3A_83 : i32
    %convert_element_type3A_85 = arith.extui %eq3A_84 : i1 to i32
    %cond3A_86 = arith.constant 0 : i32
    %cond3A_87 = arith.cmpi ne, %convert_element_type3A_85, %cond3A_86 : i32
    scf.if %cond3A_87 {
      "tpu.region"() ({
        %run_scoped3A = tpu.sem_alloc : memref<!tpu.dma_semaphore, #tpu.memory_space<semaphore_mem>>
        %dma_start3A = arith.constant 0 : i32
        %dma_start3A_318 = arith.constant 0 : i32
        %dma_start3A_319 = tpu.memref_slice %arg5[%dma_start3A, %dma_start3A_318] : memref<32x8192xf32, #tpu.memory_space<vmem_shared>> -> memref<32x2048xf32, #tpu.memory_space<vmem_shared>>
        %dma_start3A_320 = arith.constant 0 : i32
        %dma_start3A_321 = arith.constant 0 : i32
        %dma_start3A_322 = tpu.memref_slice %arg5[%dma_start3A_320, %dma_start3A_321] : memref<32x8192xf32, #tpu.memory_space<vmem_shared>> -> memref<32x2048xf32, #tpu.memory_space<vmem_shared>>
        tpu.enqueue_dma source(%dma_start3A_322 : memref<32x2048xf32, #tpu.memory_space<vmem_shared>>) target(%arg4 : memref<32x2048xf32, #tpu.memory_space<vmem>>) target_semaphore(%run_scoped3A : memref<!tpu.dma_semaphore, #tpu.memory_space<semaphore_mem>>)
        %dma_wait3A = arith.constant 0 : i32
        %dma_wait3A_323 = arith.constant 0 : i32
        %dma_wait3A_324 = tpu.memref_slice %arg5[%dma_wait3A, %dma_wait3A_323] : memref<32x8192xf32, #tpu.memory_space<vmem_shared>> -> memref<32x2048xf32, #tpu.memory_space<vmem_shared>>
        %dma_wait3A_325 = arith.constant 0 : i32
        %dma_wait3A_326 = arith.constant 0 : i32
        %dma_wait3A_327 = tpu.memref_slice %arg5[%dma_wait3A_325, %dma_wait3A_326] : memref<32x8192xf32, #tpu.memory_space<vmem_shared>> -> memref<32x2048xf32, #tpu.memory_space<vmem_shared>>
        tpu.wait_dma2 semaphore(%run_scoped3A : memref<!tpu.dma_semaphore, #tpu.memory_space<semaphore_mem>>) src(%dma_wait3A_327 : memref<32x2048xf32, #tpu.memory_space<vmem_shared>>) dst(%arg4 : memref<32x2048xf32, #tpu.memory_space<vmem>>)
        tpu.yield
      }) : () -> ()
    } else {
    }
    %eq3A_88 = arith.constant 18 : i32
    %eq3A_89 = arith.cmpi eq, %add3A, %eq3A_88 : i32
    %convert_element_type3A_90 = arith.extui %eq3A_89 : i1 to i32
    %cond3A_91 = arith.constant 0 : i32
    %cond3A_92 = arith.cmpi ne, %convert_element_type3A_90, %cond3A_91 : i32
    scf.if %cond3A_92 {
      "tpu.region"() ({
        %run_scoped3A = tpu.sem_alloc : memref<!tpu.dma_semaphore, #tpu.memory_space<semaphore_mem>>
        %dma_start3A = arith.constant 0 : i32
        %dma_start3A_318 = arith.constant 2048 : i32
        %dma_start3A_319 = tpu.memref_slice %arg5[%dma_start3A, %dma_start3A_318] : memref<32x8192xf32, #tpu.memory_space<vmem_shared>> -> memref<32x2048xf32, #tpu.memory_space<vmem_shared>>
        %dma_start3A_320 = arith.constant 0 : i32
        %dma_start3A_321 = arith.constant 2048 : i32
        %dma_start3A_322 = tpu.memref_slice %arg5[%dma_start3A_320, %dma_start3A_321] : memref<32x8192xf32, #tpu.memory_space<vmem_shared>> -> memref<32x2048xf32, #tpu.memory_space<vmem_shared>>
        tpu.enqueue_dma source(%dma_start3A_322 : memref<32x2048xf32, #tpu.memory_space<vmem_shared>>) target(%arg4 : memref<32x2048xf32, #tpu.memory_space<vmem>>) target_semaphore(%run_scoped3A : memref<!tpu.dma_semaphore, #tpu.memory_space<semaphore_mem>>)
        %dma_wait3A = arith.constant 0 : i32
        %dma_wait3A_323 = arith.constant 2048 : i32
        %dma_wait3A_324 = tpu.memref_slice %arg5[%dma_wait3A, %dma_wait3A_323] : memref<32x8192xf32, #tpu.memory_space<vmem_shared>> -> memref<32x2048xf32, #tpu.memory_space<vmem_shared>>
        %dma_wait3A_325 = arith.constant 0 : i32
        %dma_wait3A_326 = arith.constant 2048 : i32
        %dma_wait3A_327 = tpu.memref_slice %arg5[%dma_wait3A_325, %dma_wait3A_326] : memref<32x8192xf32, #tpu.memory_space<vmem_shared>> -> memref<32x2048xf32, #tpu.memory_space<vmem_shared>>
        tpu.wait_dma2 semaphore(%run_scoped3A : memref<!tpu.dma_semaphore, #tpu.memory_space<semaphore_mem>>) src(%dma_wait3A_327 : memref<32x2048xf32, #tpu.memory_space<vmem_shared>>) dst(%arg4 : memref<32x2048xf32, #tpu.memory_space<vmem>>)
        tpu.yield
      }) : () -> ()
    } else {
    }
    %eq3A_93 = arith.constant 19 : i32
    %eq3A_94 = arith.cmpi eq, %add3A, %eq3A_93 : i32
    %convert_element_type3A_95 = arith.extui %eq3A_94 : i1 to i32
    %cond3A_96 = arith.constant 0 : i32
    %cond3A_97 = arith.cmpi ne, %convert_element_type3A_95, %cond3A_96 : i32
    scf.if %cond3A_97 {
      "tpu.region"() ({
        %run_scoped3A = tpu.sem_alloc : memref<!tpu.dma_semaphore, #tpu.memory_space<semaphore_mem>>
        %dma_start3A = arith.constant 0 : i32
        %dma_start3A_318 = arith.constant 2048 : i32
        %dma_start3A_319 = tpu.memref_slice %arg5[%dma_start3A, %dma_start3A_318] : memref<32x8192xf32, #tpu.memory_space<vmem_shared>> -> memref<32x2048xf32, #tpu.memory_space<vmem_shared>>
        %dma_start3A_320 = arith.constant 0 : i32
        %dma_start3A_321 = arith.constant 2048 : i32
        %dma_start3A_322 = tpu.memref_slice %arg5[%dma_start3A_320, %dma_start3A_321] : memref<32x8192xf32, #tpu.memory_space<vmem_shared>> -> memref<32x2048xf32, #tpu.memory_space<vmem_shared>>
        tpu.enqueue_dma source(%dma_start3A_322 : memref<32x2048xf32, #tpu.memory_space<vmem_shared>>) target(%arg4 : memref<32x2048xf32, #tpu.memory_space<vmem>>) target_semaphore(%run_scoped3A : memref<!tpu.dma_semaphore, #tpu.memory_space<semaphore_mem>>)
        %dma_wait3A = arith.constant 0 : i32
        %dma_wait3A_323 = arith.constant 2048 : i32
        %dma_wait3A_324 = tpu.memref_slice %arg5[%dma_wait3A, %dma_wait3A_323] : memref<32x8192xf32, #tpu.memory_space<vmem_shared>> -> memref<32x2048xf32, #tpu.memory_space<vmem_shared>>
        %dma_wait3A_325 = arith.constant 0 : i32
        %dma_wait3A_326 = arith.constant 2048 : i32
        %dma_wait3A_327 = tpu.memref_slice %arg5[%dma_wait3A_325, %dma_wait3A_326] : memref<32x8192xf32, #tpu.memory_space<vmem_shared>> -> memref<32x2048xf32, #tpu.memory_space<vmem_shared>>
        tpu.wait_dma2 semaphore(%run_scoped3A : memref<!tpu.dma_semaphore, #tpu.memory_space<semaphore_mem>>) src(%dma_wait3A_327 : memref<32x2048xf32, #tpu.memory_space<vmem_shared>>) dst(%arg4 : memref<32x2048xf32, #tpu.memory_space<vmem>>)
        tpu.yield
      }) : () -> ()
    } else {
    }
    %eq3A_98 = arith.constant 20 : i32
    %eq3A_99 = arith.cmpi eq, %add3A, %eq3A_98 : i32
    %convert_element_type3A_100 = arith.extui %eq3A_99 : i1 to i32
    %cond3A_101 = arith.constant 0 : i32
    %cond3A_102 = arith.cmpi ne, %convert_element_type3A_100, %cond3A_101 : i32
    scf.if %cond3A_102 {
      "tpu.region"() ({
        %run_scoped3A = tpu.sem_alloc : memref<!tpu.dma_semaphore, #tpu.memory_space<semaphore_mem>>
        %dma_start3A = arith.constant 0 : i32
        %dma_start3A_318 = arith.constant 4096 : i32
        %dma_start3A_319 = tpu.memref_slice %arg5[%dma_start3A, %dma_start3A_318] : memref<32x8192xf32, #tpu.memory_space<vmem_shared>> -> memref<32x2048xf32, #tpu.memory_space<vmem_shared>>
        %dma_start3A_320 = arith.constant 0 : i32
        %dma_start3A_321 = arith.constant 4096 : i32
        %dma_start3A_322 = tpu.memref_slice %arg5[%dma_start3A_320, %dma_start3A_321] : memref<32x8192xf32, #tpu.memory_space<vmem_shared>> -> memref<32x2048xf32, #tpu.memory_space<vmem_shared>>
        tpu.enqueue_dma source(%dma_start3A_322 : memref<32x2048xf32, #tpu.memory_space<vmem_shared>>) target(%arg4 : memref<32x2048xf32, #tpu.memory_space<vmem>>) target_semaphore(%run_scoped3A : memref<!tpu.dma_semaphore, #tpu.memory_space<semaphore_mem>>)
        %dma_wait3A = arith.constant 0 : i32
        %dma_wait3A_323 = arith.constant 4096 : i32
        %dma_wait3A_324 = tpu.memref_slice %arg5[%dma_wait3A, %dma_wait3A_323] : memref<32x8192xf32, #tpu.memory_space<vmem_shared>> -> memref<32x2048xf32, #tpu.memory_space<vmem_shared>>
        %dma_wait3A_325 = arith.constant 0 : i32
        %dma_wait3A_326 = arith.constant 4096 : i32
        %dma_wait3A_327 = tpu.memref_slice %arg5[%dma_wait3A_325, %dma_wait3A_326] : memref<32x8192xf32, #tpu.memory_space<vmem_shared>> -> memref<32x2048xf32, #tpu.memory_space<vmem_shared>>
        tpu.wait_dma2 semaphore(%run_scoped3A : memref<!tpu.dma_semaphore, #tpu.memory_space<semaphore_mem>>) src(%dma_wait3A_327 : memref<32x2048xf32, #tpu.memory_space<vmem_shared>>) dst(%arg4 : memref<32x2048xf32, #tpu.memory_space<vmem>>)
        tpu.yield
      }) : () -> ()
    } else {
    }
    %eq3A_103 = arith.constant 21 : i32
    %eq3A_104 = arith.cmpi eq, %add3A, %eq3A_103 : i32
    %convert_element_type3A_105 = arith.extui %eq3A_104 : i1 to i32
    %cond3A_106 = arith.constant 0 : i32
    %cond3A_107 = arith.cmpi ne, %convert_element_type3A_105, %cond3A_106 : i32
    scf.if %cond3A_107 {
      "tpu.region"() ({
        %run_scoped3A = tpu.sem_alloc : memref<!tpu.dma_semaphore, #tpu.memory_space<semaphore_mem>>
        %dma_start3A = arith.constant 0 : i32
        %dma_start3A_318 = arith.constant 4096 : i32
        %dma_start3A_319 = tpu.memref_slice %arg5[%dma_start3A, %dma_start3A_318] : memref<32x8192xf32, #tpu.memory_space<vmem_shared>> -> memref<32x2048xf32, #tpu.memory_space<vmem_shared>>
        %dma_start3A_320 = arith.constant 0 : i32
        %dma_start3A_321 = arith.constant 4096 : i32
        %dma_start3A_322 = tpu.memref_slice %arg5[%dma_start3A_320, %dma_start3A_321] : memref<32x8192xf32, #tpu.memory_space<vmem_shared>> -> memref<32x2048xf32, #tpu.memory_space<vmem_shared>>
        tpu.enqueue_dma source(%dma_start3A_322 : memref<32x2048xf32, #tpu.memory_space<vmem_shared>>) target(%arg4 : memref<32x2048xf32, #tpu.memory_space<vmem>>) target_semaphore(%run_scoped3A : memref<!tpu.dma_semaphore, #tpu.memory_space<semaphore_mem>>)
        %dma_wait3A = arith.constant 0 : i32
        %dma_wait3A_323 = arith.constant 4096 : i32
        %dma_wait3A_324 = tpu.memref_slice %arg5[%dma_wait3A, %dma_wait3A_323] : memref<32x8192xf32, #tpu.memory_space<vmem_shared>> -> memref<32x2048xf32, #tpu.memory_space<vmem_shared>>
        %dma_wait3A_325 = arith.constant 0 : i32
        %dma_wait3A_326 = arith.constant 4096 : i32
        %dma_wait3A_327 = tpu.memref_slice %arg5[%dma_wait3A_325, %dma_wait3A_326] : memref<32x8192xf32, #tpu.memory_space<vmem_shared>> -> memref<32x2048xf32, #tpu.memory_space<vmem_shared>>
        tpu.wait_dma2 semaphore(%run_scoped3A : memref<!tpu.dma_semaphore, #tpu.memory_space<semaphore_mem>>) src(%dma_wait3A_327 : memref<32x2048xf32, #tpu.memory_space<vmem_shared>>) dst(%arg4 : memref<32x2048xf32, #tpu.memory_space<vmem>>)
        tpu.yield
      }) : () -> ()
    } else {
    }
    %eq3A_108 = arith.constant 22 : i32
    %eq3A_109 = arith.cmpi eq, %add3A, %eq3A_108 : i32
    %convert_element_type3A_110 = arith.extui %eq3A_109 : i1 to i32
    %cond3A_111 = arith.constant 0 : i32
    %cond3A_112 = arith.cmpi ne, %convert_element_type3A_110, %cond3A_111 : i32
    scf.if %cond3A_112 {
      "tpu.region"() ({
        %run_scoped3A = tpu.sem_alloc : memref<!tpu.dma_semaphore, #tpu.memory_space<semaphore_mem>>
        %dma_start3A = arith.constant 0 : i32
        %dma_start3A_318 = arith.constant 6144 : i32
        %dma_start3A_319 = tpu.memref_slice %arg5[%dma_start3A, %dma_start3A_318] : memref<32x8192xf32, #tpu.memory_space<vmem_shared>> -> memref<32x2048xf32, #tpu.memory_space<vmem_shared>>
        %dma_start3A_320 = arith.constant 0 : i32
        %dma_start3A_321 = arith.constant 6144 : i32
        %dma_start3A_322 = tpu.memref_slice %arg5[%dma_start3A_320, %dma_start3A_321] : memref<32x8192xf32, #tpu.memory_space<vmem_shared>> -> memref<32x2048xf32, #tpu.memory_space<vmem_shared>>
        tpu.enqueue_dma source(%dma_start3A_322 : memref<32x2048xf32, #tpu.memory_space<vmem_shared>>) target(%arg4 : memref<32x2048xf32, #tpu.memory_space<vmem>>) target_semaphore(%run_scoped3A : memref<!tpu.dma_semaphore, #tpu.memory_space<semaphore_mem>>)
        %dma_wait3A = arith.constant 0 : i32
        %dma_wait3A_323 = arith.constant 6144 : i32
        %dma_wait3A_324 = tpu.memref_slice %arg5[%dma_wait3A, %dma_wait3A_323] : memref<32x8192xf32, #tpu.memory_space<vmem_shared>> -> memref<32x2048xf32, #tpu.memory_space<vmem_shared>>
        %dma_wait3A_325 = arith.constant 0 : i32
        %dma_wait3A_326 = arith.constant 6144 : i32
        %dma_wait3A_327 = tpu.memref_slice %arg5[%dma_wait3A_325, %dma_wait3A_326] : memref<32x8192xf32, #tpu.memory_space<vmem_shared>> -> memref<32x2048xf32, #tpu.memory_space<vmem_shared>>
        tpu.wait_dma2 semaphore(%run_scoped3A : memref<!tpu.dma_semaphore, #tpu.memory_space<semaphore_mem>>) src(%dma_wait3A_327 : memref<32x2048xf32, #tpu.memory_space<vmem_shared>>) dst(%arg4 : memref<32x2048xf32, #tpu.memory_space<vmem>>)
        tpu.yield
      }) : () -> ()
    } else {
    }
    %eq3A_113 = arith.constant 23 : i32
    %eq3A_114 = arith.cmpi eq, %add3A, %eq3A_113 : i32
    %convert_element_type3A_115 = arith.extui %eq3A_114 : i1 to i32
    %cond3A_116 = arith.constant 0 : i32
    %cond3A_117 = arith.cmpi ne, %convert_element_type3A_115, %cond3A_116 : i32
    scf.if %cond3A_117 {
      "tpu.region"() ({
        %run_scoped3A = tpu.sem_alloc : memref<!tpu.dma_semaphore, #tpu.memory_space<semaphore_mem>>
        %dma_start3A = arith.constant 0 : i32
        %dma_start3A_318 = arith.constant 6144 : i32
        %dma_start3A_319 = tpu.memref_slice %arg5[%dma_start3A, %dma_start3A_318] : memref<32x8192xf32, #tpu.memory_space<vmem_shared>> -> memref<32x2048xf32, #tpu.memory_space<vmem_shared>>
        %dma_start3A_320 = arith.constant 0 : i32
        %dma_start3A_321 = arith.constant 6144 : i32
        %dma_start3A_322 = tpu.memref_slice %arg5[%dma_start3A_320, %dma_start3A_321] : memref<32x8192xf32, #tpu.memory_space<vmem_shared>> -> memref<32x2048xf32, #tpu.memory_space<vmem_shared>>
        tpu.enqueue_dma source(%dma_start3A_322 : memref<32x2048xf32, #tpu.memory_space<vmem_shared>>) target(%arg4 : memref<32x2048xf32, #tpu.memory_space<vmem>>) target_semaphore(%run_scoped3A : memref<!tpu.dma_semaphore, #tpu.memory_space<semaphore_mem>>)
        %dma_wait3A = arith.constant 0 : i32
        %dma_wait3A_323 = arith.constant 6144 : i32
        %dma_wait3A_324 = tpu.memref_slice %arg5[%dma_wait3A, %dma_wait3A_323] : memref<32x8192xf32, #tpu.memory_space<vmem_shared>> -> memref<32x2048xf32, #tpu.memory_space<vmem_shared>>
        %dma_wait3A_325 = arith.constant 0 : i32
        %dma_wait3A_326 = arith.constant 6144 : i32
        %dma_wait3A_327 = tpu.memref_slice %arg5[%dma_wait3A_325, %dma_wait3A_326] : memref<32x8192xf32, #tpu.memory_space<vmem_shared>> -> memref<32x2048xf32, #tpu.memory_space<vmem_shared>>
        tpu.wait_dma2 semaphore(%run_scoped3A : memref<!tpu.dma_semaphore, #tpu.memory_space<semaphore_mem>>) src(%dma_wait3A_327 : memref<32x2048xf32, #tpu.memory_space<vmem_shared>>) dst(%arg4 : memref<32x2048xf32, #tpu.memory_space<vmem>>)
        tpu.yield
      }) : () -> ()
    } else {
    }
    %eq3A_118 = arith.constant 24 : i32
    %eq3A_119 = arith.cmpi eq, %add3A, %eq3A_118 : i32
    %convert_element_type3A_120 = arith.extui %eq3A_119 : i1 to i32
    %cond3A_121 = arith.constant 0 : i32
    %cond3A_122 = arith.cmpi ne, %convert_element_type3A_120, %cond3A_121 : i32
    scf.if %cond3A_122 {
      "tpu.region"() ({
        %run_scoped3A = tpu.sem_alloc : memref<!tpu.dma_semaphore, #tpu.memory_space<semaphore_mem>>
        %dma_start3A = arith.constant 0 : i32
        %dma_start3A_318 = arith.constant 0 : i32
        %dma_start3A_319 = tpu.memref_slice %arg5[%dma_start3A, %dma_start3A_318] : memref<32x8192xf32, #tpu.memory_space<vmem_shared>> -> memref<32x2048xf32, #tpu.memory_space<vmem_shared>>
        %dma_start3A_320 = arith.constant 0 : i32
        %dma_start3A_321 = arith.constant 0 : i32
        %dma_start3A_322 = tpu.memref_slice %arg5[%dma_start3A_320, %dma_start3A_321] : memref<32x8192xf32, #tpu.memory_space<vmem_shared>> -> memref<32x2048xf32, #tpu.memory_space<vmem_shared>>
        tpu.enqueue_dma source(%dma_start3A_322 : memref<32x2048xf32, #tpu.memory_space<vmem_shared>>) target(%arg4 : memref<32x2048xf32, #tpu.memory_space<vmem>>) target_semaphore(%run_scoped3A : memref<!tpu.dma_semaphore, #tpu.memory_space<semaphore_mem>>)
        %dma_wait3A = arith.constant 0 : i32
        %dma_wait3A_323 = arith.constant 0 : i32
        %dma_wait3A_324 = tpu.memref_slice %arg5[%dma_wait3A, %dma_wait3A_323] : memref<32x8192xf32, #tpu.memory_space<vmem_shared>> -> memref<32x2048xf32, #tpu.memory_space<vmem_shared>>
        %dma_wait3A_325 = arith.constant 0 : i32
        %dma_wait3A_326 = arith.constant 0 : i32
        %dma_wait3A_327 = tpu.memref_slice %arg5[%dma_wait3A_325, %dma_wait3A_326] : memref<32x8192xf32, #tpu.memory_space<vmem_shared>> -> memref<32x2048xf32, #tpu.memory_space<vmem_shared>>
        tpu.wait_dma2 semaphore(%run_scoped3A : memref<!tpu.dma_semaphore, #tpu.memory_space<semaphore_mem>>) src(%dma_wait3A_327 : memref<32x2048xf32, #tpu.memory_space<vmem_shared>>) dst(%arg4 : memref<32x2048xf32, #tpu.memory_space<vmem>>)
        tpu.yield
      }) : () -> ()
    } else {
    }
    %eq3A_123 = arith.constant 25 : i32
    %eq3A_124 = arith.cmpi eq, %add3A, %eq3A_123 : i32
    %convert_element_type3A_125 = arith.extui %eq3A_124 : i1 to i32
    %cond3A_126 = arith.constant 0 : i32
    %cond3A_127 = arith.cmpi ne, %convert_element_type3A_125, %cond3A_126 : i32
    scf.if %cond3A_127 {
      "tpu.region"() ({
        %run_scoped3A = tpu.sem_alloc : memref<!tpu.dma_semaphore, #tpu.memory_space<semaphore_mem>>
        %dma_start3A = arith.constant 0 : i32
        %dma_start3A_318 = arith.constant 0 : i32
        %dma_start3A_319 = tpu.memref_slice %arg5[%dma_start3A, %dma_start3A_318] : memref<32x8192xf32, #tpu.memory_space<vmem_shared>> -> memref<32x2048xf32, #tpu.memory_space<vmem_shared>>
        %dma_start3A_320 = arith.constant 0 : i32
        %dma_start3A_321 = arith.constant 0 : i32
        %dma_start3A_322 = tpu.memref_slice %arg5[%dma_start3A_320, %dma_start3A_321] : memref<32x8192xf32, #tpu.memory_space<vmem_shared>> -> memref<32x2048xf32, #tpu.memory_space<vmem_shared>>
        tpu.enqueue_dma source(%dma_start3A_322 : memref<32x2048xf32, #tpu.memory_space<vmem_shared>>) target(%arg4 : memref<32x2048xf32, #tpu.memory_space<vmem>>) target_semaphore(%run_scoped3A : memref<!tpu.dma_semaphore, #tpu.memory_space<semaphore_mem>>)
        %dma_wait3A = arith.constant 0 : i32
        %dma_wait3A_323 = arith.constant 0 : i32
        %dma_wait3A_324 = tpu.memref_slice %arg5[%dma_wait3A, %dma_wait3A_323] : memref<32x8192xf32, #tpu.memory_space<vmem_shared>> -> memref<32x2048xf32, #tpu.memory_space<vmem_shared>>
        %dma_wait3A_325 = arith.constant 0 : i32
        %dma_wait3A_326 = arith.constant 0 : i32
        %dma_wait3A_327 = tpu.memref_slice %arg5[%dma_wait3A_325, %dma_wait3A_326] : memref<32x8192xf32, #tpu.memory_space<vmem_shared>> -> memref<32x2048xf32, #tpu.memory_space<vmem_shared>>
        tpu.wait_dma2 semaphore(%run_scoped3A : memref<!tpu.dma_semaphore, #tpu.memory_space<semaphore_mem>>) src(%dma_wait3A_327 : memref<32x2048xf32, #tpu.memory_space<vmem_shared>>) dst(%arg4 : memref<32x2048xf32, #tpu.memory_space<vmem>>)
        tpu.yield
      }) : () -> ()
    } else {
    }
    %eq3A_128 = arith.constant 26 : i32
    %eq3A_129 = arith.cmpi eq, %add3A, %eq3A_128 : i32
    %convert_element_type3A_130 = arith.extui %eq3A_129 : i1 to i32
    %cond3A_131 = arith.constant 0 : i32
    %cond3A_132 = arith.cmpi ne, %convert_element_type3A_130, %cond3A_131 : i32
    scf.if %cond3A_132 {
      "tpu.region"() ({
        %run_scoped3A = tpu.sem_alloc : memref<!tpu.dma_semaphore, #tpu.memory_space<semaphore_mem>>
        %dma_start3A = arith.constant 0 : i32
        %dma_start3A_318 = arith.constant 2048 : i32
        %dma_start3A_319 = tpu.memref_slice %arg5[%dma_start3A, %dma_start3A_318] : memref<32x8192xf32, #tpu.memory_space<vmem_shared>> -> memref<32x2048xf32, #tpu.memory_space<vmem_shared>>
        %dma_start3A_320 = arith.constant 0 : i32
        %dma_start3A_321 = arith.constant 2048 : i32
        %dma_start3A_322 = tpu.memref_slice %arg5[%dma_start3A_320, %dma_start3A_321] : memref<32x8192xf32, #tpu.memory_space<vmem_shared>> -> memref<32x2048xf32, #tpu.memory_space<vmem_shared>>
        tpu.enqueue_dma source(%dma_start3A_322 : memref<32x2048xf32, #tpu.memory_space<vmem_shared>>) target(%arg4 : memref<32x2048xf32, #tpu.memory_space<vmem>>) target_semaphore(%run_scoped3A : memref<!tpu.dma_semaphore, #tpu.memory_space<semaphore_mem>>)
        %dma_wait3A = arith.constant 0 : i32
        %dma_wait3A_323 = arith.constant 2048 : i32
        %dma_wait3A_324 = tpu.memref_slice %arg5[%dma_wait3A, %dma_wait3A_323] : memref<32x8192xf32, #tpu.memory_space<vmem_shared>> -> memref<32x2048xf32, #tpu.memory_space<vmem_shared>>
        %dma_wait3A_325 = arith.constant 0 : i32
        %dma_wait3A_326 = arith.constant 2048 : i32
        %dma_wait3A_327 = tpu.memref_slice %arg5[%dma_wait3A_325, %dma_wait3A_326] : memref<32x8192xf32, #tpu.memory_space<vmem_shared>> -> memref<32x2048xf32, #tpu.memory_space<vmem_shared>>
        tpu.wait_dma2 semaphore(%run_scoped3A : memref<!tpu.dma_semaphore, #tpu.memory_space<semaphore_mem>>) src(%dma_wait3A_327 : memref<32x2048xf32, #tpu.memory_space<vmem_shared>>) dst(%arg4 : memref<32x2048xf32, #tpu.memory_space<vmem>>)
        tpu.yield
      }) : () -> ()
    } else {
    }
    %eq3A_133 = arith.constant 27 : i32
    %eq3A_134 = arith.cmpi eq, %add3A, %eq3A_133 : i32
    %convert_element_type3A_135 = arith.extui %eq3A_134 : i1 to i32
    %cond3A_136 = arith.constant 0 : i32
    %cond3A_137 = arith.cmpi ne, %convert_element_type3A_135, %cond3A_136 : i32
    scf.if %cond3A_137 {
      "tpu.region"() ({
        %run_scoped3A = tpu.sem_alloc : memref<!tpu.dma_semaphore, #tpu.memory_space<semaphore_mem>>
        %dma_start3A = arith.constant 0 : i32
        %dma_start3A_318 = arith.constant 2048 : i32
        %dma_start3A_319 = tpu.memref_slice %arg5[%dma_start3A, %dma_start3A_318] : memref<32x8192xf32, #tpu.memory_space<vmem_shared>> -> memref<32x2048xf32, #tpu.memory_space<vmem_shared>>
        %dma_start3A_320 = arith.constant 0 : i32
        %dma_start3A_321 = arith.constant 2048 : i32
        %dma_start3A_322 = tpu.memref_slice %arg5[%dma_start3A_320, %dma_start3A_321] : memref<32x8192xf32, #tpu.memory_space<vmem_shared>> -> memref<32x2048xf32, #tpu.memory_space<vmem_shared>>
        tpu.enqueue_dma source(%dma_start3A_322 : memref<32x2048xf32, #tpu.memory_space<vmem_shared>>) target(%arg4 : memref<32x2048xf32, #tpu.memory_space<vmem>>) target_semaphore(%run_scoped3A : memref<!tpu.dma_semaphore, #tpu.memory_space<semaphore_mem>>)
        %dma_wait3A = arith.constant 0 : i32
        %dma_wait3A_323 = arith.constant 2048 : i32
        %dma_wait3A_324 = tpu.memref_slice %arg5[%dma_wait3A, %dma_wait3A_323] : memref<32x8192xf32, #tpu.memory_space<vmem_shared>> -> memref<32x2048xf32, #tpu.memory_space<vmem_shared>>
        %dma_wait3A_325 = arith.constant 0 : i32
        %dma_wait3A_326 = arith.constant 2048 : i32
        %dma_wait3A_327 = tpu.memref_slice %arg5[%dma_wait3A_325, %dma_wait3A_326] : memref<32x8192xf32, #tpu.memory_space<vmem_shared>> -> memref<32x2048xf32, #tpu.memory_space<vmem_shared>>
        tpu.wait_dma2 semaphore(%run_scoped3A : memref<!tpu.dma_semaphore, #tpu.memory_space<semaphore_mem>>) src(%dma_wait3A_327 : memref<32x2048xf32, #tpu.memory_space<vmem_shared>>) dst(%arg4 : memref<32x2048xf32, #tpu.memory_space<vmem>>)
        tpu.yield
      }) : () -> ()
    } else {
    }
    %eq3A_138 = arith.constant 28 : i32
    %eq3A_139 = arith.cmpi eq, %add3A, %eq3A_138 : i32
    %convert_element_type3A_140 = arith.extui %eq3A_139 : i1 to i32
    %cond3A_141 = arith.constant 0 : i32
    %cond3A_142 = arith.cmpi ne, %convert_element_type3A_140, %cond3A_141 : i32
    scf.if %cond3A_142 {
      "tpu.region"() ({
        %run_scoped3A = tpu.sem_alloc : memref<!tpu.dma_semaphore, #tpu.memory_space<semaphore_mem>>
        %dma_start3A = arith.constant 0 : i32
        %dma_start3A_318 = arith.constant 4096 : i32
        %dma_start3A_319 = tpu.memref_slice %arg5[%dma_start3A, %dma_start3A_318] : memref<32x8192xf32, #tpu.memory_space<vmem_shared>> -> memref<32x2048xf32, #tpu.memory_space<vmem_shared>>
        %dma_start3A_320 = arith.constant 0 : i32
        %dma_start3A_321 = arith.constant 4096 : i32
        %dma_start3A_322 = tpu.memref_slice %arg5[%dma_start3A_320, %dma_start3A_321] : memref<32x8192xf32, #tpu.memory_space<vmem_shared>> -> memref<32x2048xf32, #tpu.memory_space<vmem_shared>>
        tpu.enqueue_dma source(%dma_start3A_322 : memref<32x2048xf32, #tpu.memory_space<vmem_shared>>) target(%arg4 : memref<32x2048xf32, #tpu.memory_space<vmem>>) target_semaphore(%run_scoped3A : memref<!tpu.dma_semaphore, #tpu.memory_space<semaphore_mem>>)
        %dma_wait3A = arith.constant 0 : i32
        %dma_wait3A_323 = arith.constant 4096 : i32
        %dma_wait3A_324 = tpu.memref_slice %arg5[%dma_wait3A, %dma_wait3A_323] : memref<32x8192xf32, #tpu.memory_space<vmem_shared>> -> memref<32x2048xf32, #tpu.memory_space<vmem_shared>>
        %dma_wait3A_325 = arith.constant 0 : i32
        %dma_wait3A_326 = arith.constant 4096 : i32
        %dma_wait3A_327 = tpu.memref_slice %arg5[%dma_wait3A_325, %dma_wait3A_326] : memref<32x8192xf32, #tpu.memory_space<vmem_shared>> -> memref<32x2048xf32, #tpu.memory_space<vmem_shared>>
        tpu.wait_dma2 semaphore(%run_scoped3A : memref<!tpu.dma_semaphore, #tpu.memory_space<semaphore_mem>>) src(%dma_wait3A_327 : memref<32x2048xf32, #tpu.memory_space<vmem_shared>>) dst(%arg4 : memref<32x2048xf32, #tpu.memory_space<vmem>>)
        tpu.yield
      }) : () -> ()
    } else {
    }
    %eq3A_143 = arith.constant 29 : i32
    %eq3A_144 = arith.cmpi eq, %add3A, %eq3A_143 : i32
    %convert_element_type3A_145 = arith.extui %eq3A_144 : i1 to i32
    %cond3A_146 = arith.constant 0 : i32
    %cond3A_147 = arith.cmpi ne, %convert_element_type3A_145, %cond3A_146 : i32
    scf.if %cond3A_147 {
      "tpu.region"() ({
        %run_scoped3A = tpu.sem_alloc : memref<!tpu.dma_semaphore, #tpu.memory_space<semaphore_mem>>
        %dma_start3A = arith.constant 0 : i32
        %dma_start3A_318 = arith.constant 4096 : i32
        %dma_start3A_319 = tpu.memref_slice %arg5[%dma_start3A, %dma_start3A_318] : memref<32x8192xf32, #tpu.memory_space<vmem_shared>> -> memref<32x2048xf32, #tpu.memory_space<vmem_shared>>
        %dma_start3A_320 = arith.constant 0 : i32
        %dma_start3A_321 = arith.constant 4096 : i32
        %dma_start3A_322 = tpu.memref_slice %arg5[%dma_start3A_320, %dma_start3A_321] : memref<32x8192xf32, #tpu.memory_space<vmem_shared>> -> memref<32x2048xf32, #tpu.memory_space<vmem_shared>>
        tpu.enqueue_dma source(%dma_start3A_322 : memref<32x2048xf32, #tpu.memory_space<vmem_shared>>) target(%arg4 : memref<32x2048xf32, #tpu.memory_space<vmem>>) target_semaphore(%run_scoped3A : memref<!tpu.dma_semaphore, #tpu.memory_space<semaphore_mem>>)
        %dma_wait3A = arith.constant 0 : i32
        %dma_wait3A_323 = arith.constant 4096 : i32
        %dma_wait3A_324 = tpu.memref_slice %arg5[%dma_wait3A, %dma_wait3A_323] : memref<32x8192xf32, #tpu.memory_space<vmem_shared>> -> memref<32x2048xf32, #tpu.memory_space<vmem_shared>>
        %dma_wait3A_325 = arith.constant 0 : i32
        %dma_wait3A_326 = arith.constant 4096 : i32
        %dma_wait3A_327 = tpu.memref_slice %arg5[%dma_wait3A_325, %dma_wait3A_326] : memref<32x8192xf32, #tpu.memory_space<vmem_shared>> -> memref<32x2048xf32, #tpu.memory_space<vmem_shared>>
        tpu.wait_dma2 semaphore(%run_scoped3A : memref<!tpu.dma_semaphore, #tpu.memory_space<semaphore_mem>>) src(%dma_wait3A_327 : memref<32x2048xf32, #tpu.memory_space<vmem_shared>>) dst(%arg4 : memref<32x2048xf32, #tpu.memory_space<vmem>>)
        tpu.yield
      }) : () -> ()
    } else {
    }
    %eq3A_148 = arith.constant 30 : i32
    %eq3A_149 = arith.cmpi eq, %add3A, %eq3A_148 : i32
    %convert_element_type3A_150 = arith.extui %eq3A_149 : i1 to i32
    %cond3A_151 = arith.constant 0 : i32
    %cond3A_152 = arith.cmpi ne, %convert_element_type3A_150, %cond3A_151 : i32
    scf.if %cond3A_152 {
      "tpu.region"() ({
        %run_scoped3A = tpu.sem_alloc : memref<!tpu.dma_semaphore, #tpu.memory_space<semaphore_mem>>
        %dma_start3A = arith.constant 0 : i32
        %dma_start3A_318 = arith.constant 6144 : i32
        %dma_start3A_319 = tpu.memref_slice %arg5[%dma_start3A, %dma_start3A_318] : memref<32x8192xf32, #tpu.memory_space<vmem_shared>> -> memref<32x2048xf32, #tpu.memory_space<vmem_shared>>
        %dma_start3A_320 = arith.constant 0 : i32
        %dma_start3A_321 = arith.constant 6144 : i32
        %dma_start3A_322 = tpu.memref_slice %arg5[%dma_start3A_320, %dma_start3A_321] : memref<32x8192xf32, #tpu.memory_space<vmem_shared>> -> memref<32x2048xf32, #tpu.memory_space<vmem_shared>>
        tpu.enqueue_dma source(%dma_start3A_322 : memref<32x2048xf32, #tpu.memory_space<vmem_shared>>) target(%arg4 : memref<32x2048xf32, #tpu.memory_space<vmem>>) target_semaphore(%run_scoped3A : memref<!tpu.dma_semaphore, #tpu.memory_space<semaphore_mem>>)
        %dma_wait3A = arith.constant 0 : i32
        %dma_wait3A_323 = arith.constant 6144 : i32
        %dma_wait3A_324 = tpu.memref_slice %arg5[%dma_wait3A, %dma_wait3A_323] : memref<32x8192xf32, #tpu.memory_space<vmem_shared>> -> memref<32x2048xf32, #tpu.memory_space<vmem_shared>>
        %dma_wait3A_325 = arith.constant 0 : i32
        %dma_wait3A_326 = arith.constant 6144 : i32
        %dma_wait3A_327 = tpu.memref_slice %arg5[%dma_wait3A_325, %dma_wait3A_326] : memref<32x8192xf32, #tpu.memory_space<vmem_shared>> -> memref<32x2048xf32, #tpu.memory_space<vmem_shared>>
        tpu.wait_dma2 semaphore(%run_scoped3A : memref<!tpu.dma_semaphore, #tpu.memory_space<semaphore_mem>>) src(%dma_wait3A_327 : memref<32x2048xf32, #tpu.memory_space<vmem_shared>>) dst(%arg4 : memref<32x2048xf32, #tpu.memory_space<vmem>>)
        tpu.yield
      }) : () -> ()
    } else {
    }
    %eq3A_153 = arith.constant 31 : i32
    %eq3A_154 = arith.cmpi eq, %add3A, %eq3A_153 : i32
    %convert_element_type3A_155 = arith.extui %eq3A_154 : i1 to i32
    %cond3A_156 = arith.constant 0 : i32
    %cond3A_157 = arith.cmpi ne, %convert_element_type3A_155, %cond3A_156 : i32
    scf.if %cond3A_157 {
      "tpu.region"() ({
        %run_scoped3A = tpu.sem_alloc : memref<!tpu.dma_semaphore, #tpu.memory_space<semaphore_mem>>
        %dma_start3A = arith.constant 0 : i32
        %dma_start3A_318 = arith.constant 6144 : i32
        %dma_start3A_319 = tpu.memref_slice %arg5[%dma_start3A, %dma_start3A_318] : memref<32x8192xf32, #tpu.memory_space<vmem_shared>> -> memref<32x2048xf32, #tpu.memory_space<vmem_shared>>
        %dma_start3A_320 = arith.constant 0 : i32
        %dma_start3A_321 = arith.constant 6144 : i32
        %dma_start3A_322 = tpu.memref_slice %arg5[%dma_start3A_320, %dma_start3A_321] : memref<32x8192xf32, #tpu.memory_space<vmem_shared>> -> memref<32x2048xf32, #tpu.memory_space<vmem_shared>>
        tpu.enqueue_dma source(%dma_start3A_322 : memref<32x2048xf32, #tpu.memory_space<vmem_shared>>) target(%arg4 : memref<32x2048xf32, #tpu.memory_space<vmem>>) target_semaphore(%run_scoped3A : memref<!tpu.dma_semaphore, #tpu.memory_space<semaphore_mem>>)
        %dma_wait3A = arith.constant 0 : i32
        %dma_wait3A_323 = arith.constant 6144 : i32
        %dma_wait3A_324 = tpu.memref_slice %arg5[%dma_wait3A, %dma_wait3A_323] : memref<32x8192xf32, #tpu.memory_space<vmem_shared>> -> memref<32x2048xf32, #tpu.memory_space<vmem_shared>>
        %dma_wait3A_325 = arith.constant 0 : i32
        %dma_wait3A_326 = arith.constant 6144 : i32
        %dma_wait3A_327 = tpu.memref_slice %arg5[%dma_wait3A_325, %dma_wait3A_326] : memref<32x8192xf32, #tpu.memory_space<vmem_shared>> -> memref<32x2048xf32, #tpu.memory_space<vmem_shared>>
        tpu.wait_dma2 semaphore(%run_scoped3A : memref<!tpu.dma_semaphore, #tpu.memory_space<semaphore_mem>>) src(%dma_wait3A_327 : memref<32x2048xf32, #tpu.memory_space<vmem_shared>>) dst(%arg4 : memref<32x2048xf32, #tpu.memory_space<vmem>>)
        tpu.yield
      }) : () -> ()
    } else {
    }
    %eq3A_158 = arith.constant 0 : i32
    %eq3A_159 = arith.cmpi eq, %add3A, %eq3A_158 : i32
    %convert_element_type3A_160 = arith.extui %eq3A_159 : i1 to i32
    %cond3A_161 = arith.constant 0 : i32
    %cond3A_162 = arith.cmpi ne, %convert_element_type3A_160, %cond3A_161 : i32
    scf.if %cond3A_162 {
      %dma_start3A = arith.constant 0 : i32
      %dma_start3A_318 = arith.constant 0 : i32
      %dma_start3A_319 = tpu.memref_slice %arg3[%dma_start3A, %dma_start3A_318] : memref<32x262144xf32, #tpu.memory_space<hbm>> -> memref<32x2048xf32, #tpu.memory_space<hbm>>
      %dma_start3A_320 = arith.constant 0 : i32
      %dma_start3A_321 = arith.constant 0 : i32
      %dma_start3A_322 = tpu.memref_slice %arg3[%dma_start3A_320, %dma_start3A_321] : memref<32x262144xf32, #tpu.memory_space<hbm>> -> memref<32x2048xf32, #tpu.memory_space<hbm>>
      tpu.enqueue_dma source(%arg4 : memref<32x2048xf32, #tpu.memory_space<vmem>>) target(%dma_start3A_322 : memref<32x2048xf32, #tpu.memory_space<hbm>>) target_semaphore(%arg6 : memref<!tpu.dma_semaphore, #tpu.memory_space<semaphore_mem>>)
      %dma_start3A_323 = arith.constant 0 : i32
      %dma_start3A_324 = arith.constant 16384 : i32
      %dma_start3A_325 = tpu.memref_slice %arg3[%dma_start3A_323, %dma_start3A_324] : memref<32x262144xf32, #tpu.memory_space<hbm>> -> memref<32x2048xf32, #tpu.memory_space<hbm>>
      %dma_start3A_326 = arith.constant 0 : i32
      %dma_start3A_327 = arith.constant 16384 : i32
      %dma_start3A_328 = tpu.memref_slice %arg3[%dma_start3A_326, %dma_start3A_327] : memref<32x262144xf32, #tpu.memory_space<hbm>> -> memref<32x2048xf32, #tpu.memory_space<hbm>>
      tpu.enqueue_dma source(%arg4 : memref<32x2048xf32, #tpu.memory_space<vmem>>) target(%dma_start3A_328 : memref<32x2048xf32, #tpu.memory_space<hbm>>) target_semaphore(%arg7 : memref<!tpu.dma_semaphore, #tpu.memory_space<semaphore_mem>>)
      %dma_start3A_329 = arith.constant 0 : i32
      %dma_start3A_330 = arith.constant 32768 : i32
      %dma_start3A_331 = tpu.memref_slice %arg3[%dma_start3A_329, %dma_start3A_330] : memref<32x262144xf32, #tpu.memory_space<hbm>> -> memref<32x2048xf32, #tpu.memory_space<hbm>>
      %dma_start3A_332 = arith.constant 0 : i32
      %dma_start3A_333 = arith.constant 32768 : i32
      %dma_start3A_334 = tpu.memref_slice %arg3[%dma_start3A_332, %dma_start3A_333] : memref<32x262144xf32, #tpu.memory_space<hbm>> -> memref<32x2048xf32, #tpu.memory_space<hbm>>
      tpu.enqueue_dma source(%arg4 : memref<32x2048xf32, #tpu.memory_space<vmem>>) target(%dma_start3A_334 : memref<32x2048xf32, #tpu.memory_space<hbm>>) target_semaphore(%arg8 : memref<!tpu.dma_semaphore, #tpu.memory_space<semaphore_mem>>)
      %dma_start3A_335 = arith.constant 0 : i32
      %dma_start3A_336 = arith.constant 49152 : i32
      %dma_start3A_337 = tpu.memref_slice %arg3[%dma_start3A_335, %dma_start3A_336] : memref<32x262144xf32, #tpu.memory_space<hbm>> -> memref<32x2048xf32, #tpu.memory_space<hbm>>
      %dma_start3A_338 = arith.constant 0 : i32
      %dma_start3A_339 = arith.constant 49152 : i32
      %dma_start3A_340 = tpu.memref_slice %arg3[%dma_start3A_338, %dma_start3A_339] : memref<32x262144xf32, #tpu.memory_space<hbm>> -> memref<32x2048xf32, #tpu.memory_space<hbm>>
      tpu.enqueue_dma source(%arg4 : memref<32x2048xf32, #tpu.memory_space<vmem>>) target(%dma_start3A_340 : memref<32x2048xf32, #tpu.memory_space<hbm>>) target_semaphore(%arg9 : memref<!tpu.dma_semaphore, #tpu.memory_space<semaphore_mem>>)
      %dma_wait3A = arith.constant 0 : i32
      %dma_wait3A_341 = arith.constant 0 : i32
      %dma_wait3A_342 = tpu.memref_slice %arg3[%dma_wait3A, %dma_wait3A_341] : memref<32x262144xf32, #tpu.memory_space<hbm>> -> memref<32x2048xf32, #tpu.memory_space<hbm>>
      %dma_wait3A_343 = arith.constant 0 : i32
      %dma_wait3A_344 = arith.constant 0 : i32
      %dma_wait3A_345 = tpu.memref_slice %arg3[%dma_wait3A_343, %dma_wait3A_344] : memref<32x262144xf32, #tpu.memory_space<hbm>> -> memref<32x2048xf32, #tpu.memory_space<hbm>>
      tpu.wait_dma2 semaphore(%arg6 : memref<!tpu.dma_semaphore, #tpu.memory_space<semaphore_mem>>) src(%arg4 : memref<32x2048xf32, #tpu.memory_space<vmem>>) dst(%dma_wait3A_345 : memref<32x2048xf32, #tpu.memory_space<hbm>>)
      %dma_wait3A_346 = arith.constant 0 : i32
      %dma_wait3A_347 = arith.constant 16384 : i32
      %dma_wait3A_348 = tpu.memref_slice %arg3[%dma_wait3A_346, %dma_wait3A_347] : memref<32x262144xf32, #tpu.memory_space<hbm>> -> memref<32x2048xf32, #tpu.memory_space<hbm>>
      %dma_wait3A_349 = arith.constant 0 : i32
      %dma_wait3A_350 = arith.constant 16384 : i32
      %dma_wait3A_351 = tpu.memref_slice %arg3[%dma_wait3A_349, %dma_wait3A_350] : memref<32x262144xf32, #tpu.memory_space<hbm>> -> memref<32x2048xf32, #tpu.memory_space<hbm>>
      tpu.wait_dma2 semaphore(%arg7 : memref<!tpu.dma_semaphore, #tpu.memory_space<semaphore_mem>>) src(%arg4 : memref<32x2048xf32, #tpu.memory_space<vmem>>) dst(%dma_wait3A_351 : memref<32x2048xf32, #tpu.memory_space<hbm>>)
      %dma_wait3A_352 = arith.constant 0 : i32
      %dma_wait3A_353 = arith.constant 32768 : i32
      %dma_wait3A_354 = tpu.memref_slice %arg3[%dma_wait3A_352, %dma_wait3A_353] : memref<32x262144xf32, #tpu.memory_space<hbm>> -> memref<32x2048xf32, #tpu.memory_space<hbm>>
      %dma_wait3A_355 = arith.constant 0 : i32
      %dma_wait3A_356 = arith.constant 32768 : i32
      %dma_wait3A_357 = tpu.memref_slice %arg3[%dma_wait3A_355, %dma_wait3A_356] : memref<32x262144xf32, #tpu.memory_space<hbm>> -> memref<32x2048xf32, #tpu.memory_space<hbm>>
      tpu.wait_dma2 semaphore(%arg8 : memref<!tpu.dma_semaphore, #tpu.memory_space<semaphore_mem>>) src(%arg4 : memref<32x2048xf32, #tpu.memory_space<vmem>>) dst(%dma_wait3A_357 : memref<32x2048xf32, #tpu.memory_space<hbm>>)
      %dma_wait3A_358 = arith.constant 0 : i32
      %dma_wait3A_359 = arith.constant 49152 : i32
      %dma_wait3A_360 = tpu.memref_slice %arg3[%dma_wait3A_358, %dma_wait3A_359] : memref<32x262144xf32, #tpu.memory_space<hbm>> -> memref<32x2048xf32, #tpu.memory_space<hbm>>
      %dma_wait3A_361 = arith.constant 0 : i32
      %dma_wait3A_362 = arith.constant 49152 : i32
      %dma_wait3A_363 = tpu.memref_slice %arg3[%dma_wait3A_361, %dma_wait3A_362] : memref<32x262144xf32, #tpu.memory_space<hbm>> -> memref<32x2048xf32, #tpu.memory_space<hbm>>
      tpu.wait_dma2 semaphore(%arg9 : memref<!tpu.dma_semaphore, #tpu.memory_space<semaphore_mem>>) src(%arg4 : memref<32x2048xf32, #tpu.memory_space<vmem>>) dst(%dma_wait3A_363 : memref<32x2048xf32, #tpu.memory_space<hbm>>)
    } else {
    }
    %eq3A_163 = arith.constant 1 : i32
    %eq3A_164 = arith.cmpi eq, %add3A, %eq3A_163 : i32
    %convert_element_type3A_165 = arith.extui %eq3A_164 : i1 to i32
    %cond3A_166 = arith.constant 0 : i32
    %cond3A_167 = arith.cmpi ne, %convert_element_type3A_165, %cond3A_166 : i32
    scf.if %cond3A_167 {
      %dma_start3A = arith.constant 0 : i32
      %dma_start3A_318 = arith.constant 2048 : i32
      %dma_start3A_319 = tpu.memref_slice %arg3[%dma_start3A, %dma_start3A_318] : memref<32x262144xf32, #tpu.memory_space<hbm>> -> memref<32x2048xf32, #tpu.memory_space<hbm>>
      %dma_start3A_320 = arith.constant 0 : i32
      %dma_start3A_321 = arith.constant 2048 : i32
      %dma_start3A_322 = tpu.memref_slice %arg3[%dma_start3A_320, %dma_start3A_321] : memref<32x262144xf32, #tpu.memory_space<hbm>> -> memref<32x2048xf32, #tpu.memory_space<hbm>>
      tpu.enqueue_dma source(%arg4 : memref<32x2048xf32, #tpu.memory_space<vmem>>) target(%dma_start3A_322 : memref<32x2048xf32, #tpu.memory_space<hbm>>) target_semaphore(%arg6 : memref<!tpu.dma_semaphore, #tpu.memory_space<semaphore_mem>>)
      %dma_start3A_323 = arith.constant 0 : i32
      %dma_start3A_324 = arith.constant 18432 : i32
      %dma_start3A_325 = tpu.memref_slice %arg3[%dma_start3A_323, %dma_start3A_324] : memref<32x262144xf32, #tpu.memory_space<hbm>> -> memref<32x2048xf32, #tpu.memory_space<hbm>>
      %dma_start3A_326 = arith.constant 0 : i32
      %dma_start3A_327 = arith.constant 18432 : i32
      %dma_start3A_328 = tpu.memref_slice %arg3[%dma_start3A_326, %dma_start3A_327] : memref<32x262144xf32, #tpu.memory_space<hbm>> -> memref<32x2048xf32, #tpu.memory_space<hbm>>
      tpu.enqueue_dma source(%arg4 : memref<32x2048xf32, #tpu.memory_space<vmem>>) target(%dma_start3A_328 : memref<32x2048xf32, #tpu.memory_space<hbm>>) target_semaphore(%arg7 : memref<!tpu.dma_semaphore, #tpu.memory_space<semaphore_mem>>)
      %dma_start3A_329 = arith.constant 0 : i32
      %dma_start3A_330 = arith.constant 34816 : i32
      %dma_start3A_331 = tpu.memref_slice %arg3[%dma_start3A_329, %dma_start3A_330] : memref<32x262144xf32, #tpu.memory_space<hbm>> -> memref<32x2048xf32, #tpu.memory_space<hbm>>
      %dma_start3A_332 = arith.constant 0 : i32
      %dma_start3A_333 = arith.constant 34816 : i32
      %dma_start3A_334 = tpu.memref_slice %arg3[%dma_start3A_332, %dma_start3A_333] : memref<32x262144xf32, #tpu.memory_space<hbm>> -> memref<32x2048xf32, #tpu.memory_space<hbm>>
      tpu.enqueue_dma source(%arg4 : memref<32x2048xf32, #tpu.memory_space<vmem>>) target(%dma_start3A_334 : memref<32x2048xf32, #tpu.memory_space<hbm>>) target_semaphore(%arg8 : memref<!tpu.dma_semaphore, #tpu.memory_space<semaphore_mem>>)
      %dma_start3A_335 = arith.constant 0 : i32
      %dma_start3A_336 = arith.constant 51200 : i32
      %dma_start3A_337 = tpu.memref_slice %arg3[%dma_start3A_335, %dma_start3A_336] : memref<32x262144xf32, #tpu.memory_space<hbm>> -> memref<32x2048xf32, #tpu.memory_space<hbm>>
      %dma_start3A_338 = arith.constant 0 : i32
      %dma_start3A_339 = arith.constant 51200 : i32
      %dma_start3A_340 = tpu.memref_slice %arg3[%dma_start3A_338, %dma_start3A_339] : memref<32x262144xf32, #tpu.memory_space<hbm>> -> memref<32x2048xf32, #tpu.memory_space<hbm>>
      tpu.enqueue_dma source(%arg4 : memref<32x2048xf32, #tpu.memory_space<vmem>>) target(%dma_start3A_340 : memref<32x2048xf32, #tpu.memory_space<hbm>>) target_semaphore(%arg9 : memref<!tpu.dma_semaphore, #tpu.memory_space<semaphore_mem>>)
      %dma_wait3A = arith.constant 0 : i32
      %dma_wait3A_341 = arith.constant 2048 : i32
      %dma_wait3A_342 = tpu.memref_slice %arg3[%dma_wait3A, %dma_wait3A_341] : memref<32x262144xf32, #tpu.memory_space<hbm>> -> memref<32x2048xf32, #tpu.memory_space<hbm>>
      %dma_wait3A_343 = arith.constant 0 : i32
      %dma_wait3A_344 = arith.constant 2048 : i32
      %dma_wait3A_345 = tpu.memref_slice %arg3[%dma_wait3A_343, %dma_wait3A_344] : memref<32x262144xf32, #tpu.memory_space<hbm>> -> memref<32x2048xf32, #tpu.memory_space<hbm>>
      tpu.wait_dma2 semaphore(%arg6 : memref<!tpu.dma_semaphore, #tpu.memory_space<semaphore_mem>>) src(%arg4 : memref<32x2048xf32, #tpu.memory_space<vmem>>) dst(%dma_wait3A_345 : memref<32x2048xf32, #tpu.memory_space<hbm>>)
      %dma_wait3A_346 = arith.constant 0 : i32
      %dma_wait3A_347 = arith.constant 18432 : i32
      %dma_wait3A_348 = tpu.memref_slice %arg3[%dma_wait3A_346, %dma_wait3A_347] : memref<32x262144xf32, #tpu.memory_space<hbm>> -> memref<32x2048xf32, #tpu.memory_space<hbm>>
      %dma_wait3A_349 = arith.constant 0 : i32
      %dma_wait3A_350 = arith.constant 18432 : i32
      %dma_wait3A_351 = tpu.memref_slice %arg3[%dma_wait3A_349, %dma_wait3A_350] : memref<32x262144xf32, #tpu.memory_space<hbm>> -> memref<32x2048xf32, #tpu.memory_space<hbm>>
      tpu.wait_dma2 semaphore(%arg7 : memref<!tpu.dma_semaphore, #tpu.memory_space<semaphore_mem>>) src(%arg4 : memref<32x2048xf32, #tpu.memory_space<vmem>>) dst(%dma_wait3A_351 : memref<32x2048xf32, #tpu.memory_space<hbm>>)
      %dma_wait3A_352 = arith.constant 0 : i32
      %dma_wait3A_353 = arith.constant 34816 : i32
      %dma_wait3A_354 = tpu.memref_slice %arg3[%dma_wait3A_352, %dma_wait3A_353] : memref<32x262144xf32, #tpu.memory_space<hbm>> -> memref<32x2048xf32, #tpu.memory_space<hbm>>
      %dma_wait3A_355 = arith.constant 0 : i32
      %dma_wait3A_356 = arith.constant 34816 : i32
      %dma_wait3A_357 = tpu.memref_slice %arg3[%dma_wait3A_355, %dma_wait3A_356] : memref<32x262144xf32, #tpu.memory_space<hbm>> -> memref<32x2048xf32, #tpu.memory_space<hbm>>
      tpu.wait_dma2 semaphore(%arg8 : memref<!tpu.dma_semaphore, #tpu.memory_space<semaphore_mem>>) src(%arg4 : memref<32x2048xf32, #tpu.memory_space<vmem>>) dst(%dma_wait3A_357 : memref<32x2048xf32, #tpu.memory_space<hbm>>)
      %dma_wait3A_358 = arith.constant 0 : i32
      %dma_wait3A_359 = arith.constant 51200 : i32
      %dma_wait3A_360 = tpu.memref_slice %arg3[%dma_wait3A_358, %dma_wait3A_359] : memref<32x262144xf32, #tpu.memory_space<hbm>> -> memref<32x2048xf32, #tpu.memory_space<hbm>>
      %dma_wait3A_361 = arith.constant 0 : i32
      %dma_wait3A_362 = arith.constant 51200 : i32
      %dma_wait3A_363 = tpu.memref_slice %arg3[%dma_wait3A_361, %dma_wait3A_362] : memref<32x262144xf32, #tpu.memory_space<hbm>> -> memref<32x2048xf32, #tpu.memory_space<hbm>>
      tpu.wait_dma2 semaphore(%arg9 : memref<!tpu.dma_semaphore, #tpu.memory_space<semaphore_mem>>) src(%arg4 : memref<32x2048xf32, #tpu.memory_space<vmem>>) dst(%dma_wait3A_363 : memref<32x2048xf32, #tpu.memory_space<hbm>>)
    } else {
    }
    %eq3A_168 = arith.constant 2 : i32
    %eq3A_169 = arith.cmpi eq, %add3A, %eq3A_168 : i32
    %convert_element_type3A_170 = arith.extui %eq3A_169 : i1 to i32
    %cond3A_171 = arith.constant 0 : i32
    %cond3A_172 = arith.cmpi ne, %convert_element_type3A_170, %cond3A_171 : i32
    scf.if %cond3A_172 {
      %dma_start3A = arith.constant 0 : i32
      %dma_start3A_318 = arith.constant 4096 : i32
      %dma_start3A_319 = tpu.memref_slice %arg3[%dma_start3A, %dma_start3A_318] : memref<32x262144xf32, #tpu.memory_space<hbm>> -> memref<32x2048xf32, #tpu.memory_space<hbm>>
      %dma_start3A_320 = arith.constant 0 : i32
      %dma_start3A_321 = arith.constant 4096 : i32
      %dma_start3A_322 = tpu.memref_slice %arg3[%dma_start3A_320, %dma_start3A_321] : memref<32x262144xf32, #tpu.memory_space<hbm>> -> memref<32x2048xf32, #tpu.memory_space<hbm>>
      tpu.enqueue_dma source(%arg4 : memref<32x2048xf32, #tpu.memory_space<vmem>>) target(%dma_start3A_322 : memref<32x2048xf32, #tpu.memory_space<hbm>>) target_semaphore(%arg6 : memref<!tpu.dma_semaphore, #tpu.memory_space<semaphore_mem>>)
      %dma_start3A_323 = arith.constant 0 : i32
      %dma_start3A_324 = arith.constant 20480 : i32
      %dma_start3A_325 = tpu.memref_slice %arg3[%dma_start3A_323, %dma_start3A_324] : memref<32x262144xf32, #tpu.memory_space<hbm>> -> memref<32x2048xf32, #tpu.memory_space<hbm>>
      %dma_start3A_326 = arith.constant 0 : i32
      %dma_start3A_327 = arith.constant 20480 : i32
      %dma_start3A_328 = tpu.memref_slice %arg3[%dma_start3A_326, %dma_start3A_327] : memref<32x262144xf32, #tpu.memory_space<hbm>> -> memref<32x2048xf32, #tpu.memory_space<hbm>>
      tpu.enqueue_dma source(%arg4 : memref<32x2048xf32, #tpu.memory_space<vmem>>) target(%dma_start3A_328 : memref<32x2048xf32, #tpu.memory_space<hbm>>) target_semaphore(%arg7 : memref<!tpu.dma_semaphore, #tpu.memory_space<semaphore_mem>>)
      %dma_start3A_329 = arith.constant 0 : i32
      %dma_start3A_330 = arith.constant 36864 : i32
      %dma_start3A_331 = tpu.memref_slice %arg3[%dma_start3A_329, %dma_start3A_330] : memref<32x262144xf32, #tpu.memory_space<hbm>> -> memref<32x2048xf32, #tpu.memory_space<hbm>>
      %dma_start3A_332 = arith.constant 0 : i32
      %dma_start3A_333 = arith.constant 36864 : i32
      %dma_start3A_334 = tpu.memref_slice %arg3[%dma_start3A_332, %dma_start3A_333] : memref<32x262144xf32, #tpu.memory_space<hbm>> -> memref<32x2048xf32, #tpu.memory_space<hbm>>
      tpu.enqueue_dma source(%arg4 : memref<32x2048xf32, #tpu.memory_space<vmem>>) target(%dma_start3A_334 : memref<32x2048xf32, #tpu.memory_space<hbm>>) target_semaphore(%arg8 : memref<!tpu.dma_semaphore, #tpu.memory_space<semaphore_mem>>)
      %dma_start3A_335 = arith.constant 0 : i32
      %dma_start3A_336 = arith.constant 53248 : i32
      %dma_start3A_337 = tpu.memref_slice %arg3[%dma_start3A_335, %dma_start3A_336] : memref<32x262144xf32, #tpu.memory_space<hbm>> -> memref<32x2048xf32, #tpu.memory_space<hbm>>
      %dma_start3A_338 = arith.constant 0 : i32
      %dma_start3A_339 = arith.constant 53248 : i32
      %dma_start3A_340 = tpu.memref_slice %arg3[%dma_start3A_338, %dma_start3A_339] : memref<32x262144xf32, #tpu.memory_space<hbm>> -> memref<32x2048xf32, #tpu.memory_space<hbm>>
      tpu.enqueue_dma source(%arg4 : memref<32x2048xf32, #tpu.memory_space<vmem>>) target(%dma_start3A_340 : memref<32x2048xf32, #tpu.memory_space<hbm>>) target_semaphore(%arg9 : memref<!tpu.dma_semaphore, #tpu.memory_space<semaphore_mem>>)
      %dma_wait3A = arith.constant 0 : i32
      %dma_wait3A_341 = arith.constant 4096 : i32
      %dma_wait3A_342 = tpu.memref_slice %arg3[%dma_wait3A, %dma_wait3A_341] : memref<32x262144xf32, #tpu.memory_space<hbm>> -> memref<32x2048xf32, #tpu.memory_space<hbm>>
      %dma_wait3A_343 = arith.constant 0 : i32
      %dma_wait3A_344 = arith.constant 4096 : i32
      %dma_wait3A_345 = tpu.memref_slice %arg3[%dma_wait3A_343, %dma_wait3A_344] : memref<32x262144xf32, #tpu.memory_space<hbm>> -> memref<32x2048xf32, #tpu.memory_space<hbm>>
      tpu.wait_dma2 semaphore(%arg6 : memref<!tpu.dma_semaphore, #tpu.memory_space<semaphore_mem>>) src(%arg4 : memref<32x2048xf32, #tpu.memory_space<vmem>>) dst(%dma_wait3A_345 : memref<32x2048xf32, #tpu.memory_space<hbm>>)
      %dma_wait3A_346 = arith.constant 0 : i32
      %dma_wait3A_347 = arith.constant 20480 : i32
      %dma_wait3A_348 = tpu.memref_slice %arg3[%dma_wait3A_346, %dma_wait3A_347] : memref<32x262144xf32, #tpu.memory_space<hbm>> -> memref<32x2048xf32, #tpu.memory_space<hbm>>
      %dma_wait3A_349 = arith.constant 0 : i32
      %dma_wait3A_350 = arith.constant 20480 : i32
      %dma_wait3A_351 = tpu.memref_slice %arg3[%dma_wait3A_349, %dma_wait3A_350] : memref<32x262144xf32, #tpu.memory_space<hbm>> -> memref<32x2048xf32, #tpu.memory_space<hbm>>
      tpu.wait_dma2 semaphore(%arg7 : memref<!tpu.dma_semaphore, #tpu.memory_space<semaphore_mem>>) src(%arg4 : memref<32x2048xf32, #tpu.memory_space<vmem>>) dst(%dma_wait3A_351 : memref<32x2048xf32, #tpu.memory_space<hbm>>)
      %dma_wait3A_352 = arith.constant 0 : i32
      %dma_wait3A_353 = arith.constant 36864 : i32
      %dma_wait3A_354 = tpu.memref_slice %arg3[%dma_wait3A_352, %dma_wait3A_353] : memref<32x262144xf32, #tpu.memory_space<hbm>> -> memref<32x2048xf32, #tpu.memory_space<hbm>>
      %dma_wait3A_355 = arith.constant 0 : i32
      %dma_wait3A_356 = arith.constant 36864 : i32
      %dma_wait3A_357 = tpu.memref_slice %arg3[%dma_wait3A_355, %dma_wait3A_356] : memref<32x262144xf32, #tpu.memory_space<hbm>> -> memref<32x2048xf32, #tpu.memory_space<hbm>>
      tpu.wait_dma2 semaphore(%arg8 : memref<!tpu.dma_semaphore, #tpu.memory_space<semaphore_mem>>) src(%arg4 : memref<32x2048xf32, #tpu.memory_space<vmem>>) dst(%dma_wait3A_357 : memref<32x2048xf32, #tpu.memory_space<hbm>>)
      %dma_wait3A_358 = arith.constant 0 : i32
      %dma_wait3A_359 = arith.constant 53248 : i32
      %dma_wait3A_360 = tpu.memref_slice %arg3[%dma_wait3A_358, %dma_wait3A_359] : memref<32x262144xf32, #tpu.memory_space<hbm>> -> memref<32x2048xf32, #tpu.memory_space<hbm>>
      %dma_wait3A_361 = arith.constant 0 : i32
      %dma_wait3A_362 = arith.constant 53248 : i32
      %dma_wait3A_363 = tpu.memref_slice %arg3[%dma_wait3A_361, %dma_wait3A_362] : memref<32x262144xf32, #tpu.memory_space<hbm>> -> memref<32x2048xf32, #tpu.memory_space<hbm>>
      tpu.wait_dma2 semaphore(%arg9 : memref<!tpu.dma_semaphore, #tpu.memory_space<semaphore_mem>>) src(%arg4 : memref<32x2048xf32, #tpu.memory_space<vmem>>) dst(%dma_wait3A_363 : memref<32x2048xf32, #tpu.memory_space<hbm>>)
    } else {
    }
    %eq3A_173 = arith.constant 3 : i32
    %eq3A_174 = arith.cmpi eq, %add3A, %eq3A_173 : i32
    %convert_element_type3A_175 = arith.extui %eq3A_174 : i1 to i32
    %cond3A_176 = arith.constant 0 : i32
    %cond3A_177 = arith.cmpi ne, %convert_element_type3A_175, %cond3A_176 : i32
    scf.if %cond3A_177 {
      %dma_start3A = arith.constant 0 : i32
      %dma_start3A_318 = arith.constant 6144 : i32
      %dma_start3A_319 = tpu.memref_slice %arg3[%dma_start3A, %dma_start3A_318] : memref<32x262144xf32, #tpu.memory_space<hbm>> -> memref<32x2048xf32, #tpu.memory_space<hbm>>
      %dma_start3A_320 = arith.constant 0 : i32
      %dma_start3A_321 = arith.constant 6144 : i32
      %dma_start3A_322 = tpu.memref_slice %arg3[%dma_start3A_320, %dma_start3A_321] : memref<32x262144xf32, #tpu.memory_space<hbm>> -> memref<32x2048xf32, #tpu.memory_space<hbm>>
      tpu.enqueue_dma source(%arg4 : memref<32x2048xf32, #tpu.memory_space<vmem>>) target(%dma_start3A_322 : memref<32x2048xf32, #tpu.memory_space<hbm>>) target_semaphore(%arg6 : memref<!tpu.dma_semaphore, #tpu.memory_space<semaphore_mem>>)
      %dma_start3A_323 = arith.constant 0 : i32
      %dma_start3A_324 = arith.constant 22528 : i32
      %dma_start3A_325 = tpu.memref_slice %arg3[%dma_start3A_323, %dma_start3A_324] : memref<32x262144xf32, #tpu.memory_space<hbm>> -> memref<32x2048xf32, #tpu.memory_space<hbm>>
      %dma_start3A_326 = arith.constant 0 : i32
      %dma_start3A_327 = arith.constant 22528 : i32
      %dma_start3A_328 = tpu.memref_slice %arg3[%dma_start3A_326, %dma_start3A_327] : memref<32x262144xf32, #tpu.memory_space<hbm>> -> memref<32x2048xf32, #tpu.memory_space<hbm>>
      tpu.enqueue_dma source(%arg4 : memref<32x2048xf32, #tpu.memory_space<vmem>>) target(%dma_start3A_328 : memref<32x2048xf32, #tpu.memory_space<hbm>>) target_semaphore(%arg7 : memref<!tpu.dma_semaphore, #tpu.memory_space<semaphore_mem>>)
      %dma_start3A_329 = arith.constant 0 : i32
      %dma_start3A_330 = arith.constant 38912 : i32
      %dma_start3A_331 = tpu.memref_slice %arg3[%dma_start3A_329, %dma_start3A_330] : memref<32x262144xf32, #tpu.memory_space<hbm>> -> memref<32x2048xf32, #tpu.memory_space<hbm>>
      %dma_start3A_332 = arith.constant 0 : i32
      %dma_start3A_333 = arith.constant 38912 : i32
      %dma_start3A_334 = tpu.memref_slice %arg3[%dma_start3A_332, %dma_start3A_333] : memref<32x262144xf32, #tpu.memory_space<hbm>> -> memref<32x2048xf32, #tpu.memory_space<hbm>>
      tpu.enqueue_dma source(%arg4 : memref<32x2048xf32, #tpu.memory_space<vmem>>) target(%dma_start3A_334 : memref<32x2048xf32, #tpu.memory_space<hbm>>) target_semaphore(%arg8 : memref<!tpu.dma_semaphore, #tpu.memory_space<semaphore_mem>>)
      %dma_start3A_335 = arith.constant 0 : i32
      %dma_start3A_336 = arith.constant 55296 : i32
      %dma_start3A_337 = tpu.memref_slice %arg3[%dma_start3A_335, %dma_start3A_336] : memref<32x262144xf32, #tpu.memory_space<hbm>> -> memref<32x2048xf32, #tpu.memory_space<hbm>>
      %dma_start3A_338 = arith.constant 0 : i32
      %dma_start3A_339 = arith.constant 55296 : i32
      %dma_start3A_340 = tpu.memref_slice %arg3[%dma_start3A_338, %dma_start3A_339] : memref<32x262144xf32, #tpu.memory_space<hbm>> -> memref<32x2048xf32, #tpu.memory_space<hbm>>
      tpu.enqueue_dma source(%arg4 : memref<32x2048xf32, #tpu.memory_space<vmem>>) target(%dma_start3A_340 : memref<32x2048xf32, #tpu.memory_space<hbm>>) target_semaphore(%arg9 : memref<!tpu.dma_semaphore, #tpu.memory_space<semaphore_mem>>)
      %dma_wait3A = arith.constant 0 : i32
      %dma_wait3A_341 = arith.constant 6144 : i32
      %dma_wait3A_342 = tpu.memref_slice %arg3[%dma_wait3A, %dma_wait3A_341] : memref<32x262144xf32, #tpu.memory_space<hbm>> -> memref<32x2048xf32, #tpu.memory_space<hbm>>
      %dma_wait3A_343 = arith.constant 0 : i32
      %dma_wait3A_344 = arith.constant 6144 : i32
      %dma_wait3A_345 = tpu.memref_slice %arg3[%dma_wait3A_343, %dma_wait3A_344] : memref<32x262144xf32, #tpu.memory_space<hbm>> -> memref<32x2048xf32, #tpu.memory_space<hbm>>
      tpu.wait_dma2 semaphore(%arg6 : memref<!tpu.dma_semaphore, #tpu.memory_space<semaphore_mem>>) src(%arg4 : memref<32x2048xf32, #tpu.memory_space<vmem>>) dst(%dma_wait3A_345 : memref<32x2048xf32, #tpu.memory_space<hbm>>)
      %dma_wait3A_346 = arith.constant 0 : i32
      %dma_wait3A_347 = arith.constant 22528 : i32
      %dma_wait3A_348 = tpu.memref_slice %arg3[%dma_wait3A_346, %dma_wait3A_347] : memref<32x262144xf32, #tpu.memory_space<hbm>> -> memref<32x2048xf32, #tpu.memory_space<hbm>>
      %dma_wait3A_349 = arith.constant 0 : i32
      %dma_wait3A_350 = arith.constant 22528 : i32
      %dma_wait3A_351 = tpu.memref_slice %arg3[%dma_wait3A_349, %dma_wait3A_350] : memref<32x262144xf32, #tpu.memory_space<hbm>> -> memref<32x2048xf32, #tpu.memory_space<hbm>>
      tpu.wait_dma2 semaphore(%arg7 : memref<!tpu.dma_semaphore, #tpu.memory_space<semaphore_mem>>) src(%arg4 : memref<32x2048xf32, #tpu.memory_space<vmem>>) dst(%dma_wait3A_351 : memref<32x2048xf32, #tpu.memory_space<hbm>>)
      %dma_wait3A_352 = arith.constant 0 : i32
      %dma_wait3A_353 = arith.constant 38912 : i32
      %dma_wait3A_354 = tpu.memref_slice %arg3[%dma_wait3A_352, %dma_wait3A_353] : memref<32x262144xf32, #tpu.memory_space<hbm>> -> memref<32x2048xf32, #tpu.memory_space<hbm>>
      %dma_wait3A_355 = arith.constant 0 : i32
      %dma_wait3A_356 = arith.constant 38912 : i32
      %dma_wait3A_357 = tpu.memref_slice %arg3[%dma_wait3A_355, %dma_wait3A_356] : memref<32x262144xf32, #tpu.memory_space<hbm>> -> memref<32x2048xf32, #tpu.memory_space<hbm>>
      tpu.wait_dma2 semaphore(%arg8 : memref<!tpu.dma_semaphore, #tpu.memory_space<semaphore_mem>>) src(%arg4 : memref<32x2048xf32, #tpu.memory_space<vmem>>) dst(%dma_wait3A_357 : memref<32x2048xf32, #tpu.memory_space<hbm>>)
      %dma_wait3A_358 = arith.constant 0 : i32
      %dma_wait3A_359 = arith.constant 55296 : i32
      %dma_wait3A_360 = tpu.memref_slice %arg3[%dma_wait3A_358, %dma_wait3A_359] : memref<32x262144xf32, #tpu.memory_space<hbm>> -> memref<32x2048xf32, #tpu.memory_space<hbm>>
      %dma_wait3A_361 = arith.constant 0 : i32
      %dma_wait3A_362 = arith.constant 55296 : i32
      %dma_wait3A_363 = tpu.memref_slice %arg3[%dma_wait3A_361, %dma_wait3A_362] : memref<32x262144xf32, #tpu.memory_space<hbm>> -> memref<32x2048xf32, #tpu.memory_space<hbm>>
      tpu.wait_dma2 semaphore(%arg9 : memref<!tpu.dma_semaphore, #tpu.memory_space<semaphore_mem>>) src(%arg4 : memref<32x2048xf32, #tpu.memory_space<vmem>>) dst(%dma_wait3A_363 : memref<32x2048xf32, #tpu.memory_space<hbm>>)
    } else {
    }
    %eq3A_178 = arith.constant 4 : i32
    %eq3A_179 = arith.cmpi eq, %add3A, %eq3A_178 : i32
    %convert_element_type3A_180 = arith.extui %eq3A_179 : i1 to i32
    %cond3A_181 = arith.constant 0 : i32
    %cond3A_182 = arith.cmpi ne, %convert_element_type3A_180, %cond3A_181 : i32
    scf.if %cond3A_182 {
      %dma_start3A = arith.constant 0 : i32
      %dma_start3A_318 = arith.constant 8192 : i32
      %dma_start3A_319 = tpu.memref_slice %arg3[%dma_start3A, %dma_start3A_318] : memref<32x262144xf32, #tpu.memory_space<hbm>> -> memref<32x2048xf32, #tpu.memory_space<hbm>>
      %dma_start3A_320 = arith.constant 0 : i32
      %dma_start3A_321 = arith.constant 8192 : i32
      %dma_start3A_322 = tpu.memref_slice %arg3[%dma_start3A_320, %dma_start3A_321] : memref<32x262144xf32, #tpu.memory_space<hbm>> -> memref<32x2048xf32, #tpu.memory_space<hbm>>
      tpu.enqueue_dma source(%arg4 : memref<32x2048xf32, #tpu.memory_space<vmem>>) target(%dma_start3A_322 : memref<32x2048xf32, #tpu.memory_space<hbm>>) target_semaphore(%arg6 : memref<!tpu.dma_semaphore, #tpu.memory_space<semaphore_mem>>)
      %dma_start3A_323 = arith.constant 0 : i32
      %dma_start3A_324 = arith.constant 24576 : i32
      %dma_start3A_325 = tpu.memref_slice %arg3[%dma_start3A_323, %dma_start3A_324] : memref<32x262144xf32, #tpu.memory_space<hbm>> -> memref<32x2048xf32, #tpu.memory_space<hbm>>
      %dma_start3A_326 = arith.constant 0 : i32
      %dma_start3A_327 = arith.constant 24576 : i32
      %dma_start3A_328 = tpu.memref_slice %arg3[%dma_start3A_326, %dma_start3A_327] : memref<32x262144xf32, #tpu.memory_space<hbm>> -> memref<32x2048xf32, #tpu.memory_space<hbm>>
      tpu.enqueue_dma source(%arg4 : memref<32x2048xf32, #tpu.memory_space<vmem>>) target(%dma_start3A_328 : memref<32x2048xf32, #tpu.memory_space<hbm>>) target_semaphore(%arg7 : memref<!tpu.dma_semaphore, #tpu.memory_space<semaphore_mem>>)
      %dma_start3A_329 = arith.constant 0 : i32
      %dma_start3A_330 = arith.constant 40960 : i32
      %dma_start3A_331 = tpu.memref_slice %arg3[%dma_start3A_329, %dma_start3A_330] : memref<32x262144xf32, #tpu.memory_space<hbm>> -> memref<32x2048xf32, #tpu.memory_space<hbm>>
      %dma_start3A_332 = arith.constant 0 : i32
      %dma_start3A_333 = arith.constant 40960 : i32
      %dma_start3A_334 = tpu.memref_slice %arg3[%dma_start3A_332, %dma_start3A_333] : memref<32x262144xf32, #tpu.memory_space<hbm>> -> memref<32x2048xf32, #tpu.memory_space<hbm>>
      tpu.enqueue_dma source(%arg4 : memref<32x2048xf32, #tpu.memory_space<vmem>>) target(%dma_start3A_334 : memref<32x2048xf32, #tpu.memory_space<hbm>>) target_semaphore(%arg8 : memref<!tpu.dma_semaphore, #tpu.memory_space<semaphore_mem>>)
      %dma_start3A_335 = arith.constant 0 : i32
      %dma_start3A_336 = arith.constant 57344 : i32
      %dma_start3A_337 = tpu.memref_slice %arg3[%dma_start3A_335, %dma_start3A_336] : memref<32x262144xf32, #tpu.memory_space<hbm>> -> memref<32x2048xf32, #tpu.memory_space<hbm>>
      %dma_start3A_338 = arith.constant 0 : i32
      %dma_start3A_339 = arith.constant 57344 : i32
      %dma_start3A_340 = tpu.memref_slice %arg3[%dma_start3A_338, %dma_start3A_339] : memref<32x262144xf32, #tpu.memory_space<hbm>> -> memref<32x2048xf32, #tpu.memory_space<hbm>>
      tpu.enqueue_dma source(%arg4 : memref<32x2048xf32, #tpu.memory_space<vmem>>) target(%dma_start3A_340 : memref<32x2048xf32, #tpu.memory_space<hbm>>) target_semaphore(%arg9 : memref<!tpu.dma_semaphore, #tpu.memory_space<semaphore_mem>>)
      %dma_wait3A = arith.constant 0 : i32
      %dma_wait3A_341 = arith.constant 8192 : i32
      %dma_wait3A_342 = tpu.memref_slice %arg3[%dma_wait3A, %dma_wait3A_341] : memref<32x262144xf32, #tpu.memory_space<hbm>> -> memref<32x2048xf32, #tpu.memory_space<hbm>>
      %dma_wait3A_343 = arith.constant 0 : i32
      %dma_wait3A_344 = arith.constant 8192 : i32
      %dma_wait3A_345 = tpu.memref_slice %arg3[%dma_wait3A_343, %dma_wait3A_344] : memref<32x262144xf32, #tpu.memory_space<hbm>> -> memref<32x2048xf32, #tpu.memory_space<hbm>>
      tpu.wait_dma2 semaphore(%arg6 : memref<!tpu.dma_semaphore, #tpu.memory_space<semaphore_mem>>) src(%arg4 : memref<32x2048xf32, #tpu.memory_space<vmem>>) dst(%dma_wait3A_345 : memref<32x2048xf32, #tpu.memory_space<hbm>>)
      %dma_wait3A_346 = arith.constant 0 : i32
      %dma_wait3A_347 = arith.constant 24576 : i32
      %dma_wait3A_348 = tpu.memref_slice %arg3[%dma_wait3A_346, %dma_wait3A_347] : memref<32x262144xf32, #tpu.memory_space<hbm>> -> memref<32x2048xf32, #tpu.memory_space<hbm>>
      %dma_wait3A_349 = arith.constant 0 : i32
      %dma_wait3A_350 = arith.constant 24576 : i32
      %dma_wait3A_351 = tpu.memref_slice %arg3[%dma_wait3A_349, %dma_wait3A_350] : memref<32x262144xf32, #tpu.memory_space<hbm>> -> memref<32x2048xf32, #tpu.memory_space<hbm>>
      tpu.wait_dma2 semaphore(%arg7 : memref<!tpu.dma_semaphore, #tpu.memory_space<semaphore_mem>>) src(%arg4 : memref<32x2048xf32, #tpu.memory_space<vmem>>) dst(%dma_wait3A_351 : memref<32x2048xf32, #tpu.memory_space<hbm>>)
      %dma_wait3A_352 = arith.constant 0 : i32
      %dma_wait3A_353 = arith.constant 40960 : i32
      %dma_wait3A_354 = tpu.memref_slice %arg3[%dma_wait3A_352, %dma_wait3A_353] : memref<32x262144xf32, #tpu.memory_space<hbm>> -> memref<32x2048xf32, #tpu.memory_space<hbm>>
      %dma_wait3A_355 = arith.constant 0 : i32
      %dma_wait3A_356 = arith.constant 40960 : i32
      %dma_wait3A_357 = tpu.memref_slice %arg3[%dma_wait3A_355, %dma_wait3A_356] : memref<32x262144xf32, #tpu.memory_space<hbm>> -> memref<32x2048xf32, #tpu.memory_space<hbm>>
      tpu.wait_dma2 semaphore(%arg8 : memref<!tpu.dma_semaphore, #tpu.memory_space<semaphore_mem>>) src(%arg4 : memref<32x2048xf32, #tpu.memory_space<vmem>>) dst(%dma_wait3A_357 : memref<32x2048xf32, #tpu.memory_space<hbm>>)
      %dma_wait3A_358 = arith.constant 0 : i32
      %dma_wait3A_359 = arith.constant 57344 : i32
      %dma_wait3A_360 = tpu.memref_slice %arg3[%dma_wait3A_358, %dma_wait3A_359] : memref<32x262144xf32, #tpu.memory_space<hbm>> -> memref<32x2048xf32, #tpu.memory_space<hbm>>
      %dma_wait3A_361 = arith.constant 0 : i32
      %dma_wait3A_362 = arith.constant 57344 : i32
      %dma_wait3A_363 = tpu.memref_slice %arg3[%dma_wait3A_361, %dma_wait3A_362] : memref<32x262144xf32, #tpu.memory_space<hbm>> -> memref<32x2048xf32, #tpu.memory_space<hbm>>
      tpu.wait_dma2 semaphore(%arg9 : memref<!tpu.dma_semaphore, #tpu.memory_space<semaphore_mem>>) src(%arg4 : memref<32x2048xf32, #tpu.memory_space<vmem>>) dst(%dma_wait3A_363 : memref<32x2048xf32, #tpu.memory_space<hbm>>)
    } else {
    }
    %eq3A_183 = arith.constant 5 : i32
    %eq3A_184 = arith.cmpi eq, %add3A, %eq3A_183 : i32
    %convert_element_type3A_185 = arith.extui %eq3A_184 : i1 to i32
    %cond3A_186 = arith.constant 0 : i32
    %cond3A_187 = arith.cmpi ne, %convert_element_type3A_185, %cond3A_186 : i32
    scf.if %cond3A_187 {
      %dma_start3A = arith.constant 0 : i32
      %dma_start3A_318 = arith.constant 10240 : i32
      %dma_start3A_319 = tpu.memref_slice %arg3[%dma_start3A, %dma_start3A_318] : memref<32x262144xf32, #tpu.memory_space<hbm>> -> memref<32x2048xf32, #tpu.memory_space<hbm>>
      %dma_start3A_320 = arith.constant 0 : i32
      %dma_start3A_321 = arith.constant 10240 : i32
      %dma_start3A_322 = tpu.memref_slice %arg3[%dma_start3A_320, %dma_start3A_321] : memref<32x262144xf32, #tpu.memory_space<hbm>> -> memref<32x2048xf32, #tpu.memory_space<hbm>>
      tpu.enqueue_dma source(%arg4 : memref<32x2048xf32, #tpu.memory_space<vmem>>) target(%dma_start3A_322 : memref<32x2048xf32, #tpu.memory_space<hbm>>) target_semaphore(%arg6 : memref<!tpu.dma_semaphore, #tpu.memory_space<semaphore_mem>>)
      %dma_start3A_323 = arith.constant 0 : i32
      %dma_start3A_324 = arith.constant 26624 : i32
      %dma_start3A_325 = tpu.memref_slice %arg3[%dma_start3A_323, %dma_start3A_324] : memref<32x262144xf32, #tpu.memory_space<hbm>> -> memref<32x2048xf32, #tpu.memory_space<hbm>>
      %dma_start3A_326 = arith.constant 0 : i32
      %dma_start3A_327 = arith.constant 26624 : i32
      %dma_start3A_328 = tpu.memref_slice %arg3[%dma_start3A_326, %dma_start3A_327] : memref<32x262144xf32, #tpu.memory_space<hbm>> -> memref<32x2048xf32, #tpu.memory_space<hbm>>
      tpu.enqueue_dma source(%arg4 : memref<32x2048xf32, #tpu.memory_space<vmem>>) target(%dma_start3A_328 : memref<32x2048xf32, #tpu.memory_space<hbm>>) target_semaphore(%arg7 : memref<!tpu.dma_semaphore, #tpu.memory_space<semaphore_mem>>)
      %dma_start3A_329 = arith.constant 0 : i32
      %dma_start3A_330 = arith.constant 43008 : i32
      %dma_start3A_331 = tpu.memref_slice %arg3[%dma_start3A_329, %dma_start3A_330] : memref<32x262144xf32, #tpu.memory_space<hbm>> -> memref<32x2048xf32, #tpu.memory_space<hbm>>
      %dma_start3A_332 = arith.constant 0 : i32
      %dma_start3A_333 = arith.constant 43008 : i32
      %dma_start3A_334 = tpu.memref_slice %arg3[%dma_start3A_332, %dma_start3A_333] : memref<32x262144xf32, #tpu.memory_space<hbm>> -> memref<32x2048xf32, #tpu.memory_space<hbm>>
      tpu.enqueue_dma source(%arg4 : memref<32x2048xf32, #tpu.memory_space<vmem>>) target(%dma_start3A_334 : memref<32x2048xf32, #tpu.memory_space<hbm>>) target_semaphore(%arg8 : memref<!tpu.dma_semaphore, #tpu.memory_space<semaphore_mem>>)
      %dma_start3A_335 = arith.constant 0 : i32
      %dma_start3A_336 = arith.constant 59392 : i32
      %dma_start3A_337 = tpu.memref_slice %arg3[%dma_start3A_335, %dma_start3A_336] : memref<32x262144xf32, #tpu.memory_space<hbm>> -> memref<32x2048xf32, #tpu.memory_space<hbm>>
      %dma_start3A_338 = arith.constant 0 : i32
      %dma_start3A_339 = arith.constant 59392 : i32
      %dma_start3A_340 = tpu.memref_slice %arg3[%dma_start3A_338, %dma_start3A_339] : memref<32x262144xf32, #tpu.memory_space<hbm>> -> memref<32x2048xf32, #tpu.memory_space<hbm>>
      tpu.enqueue_dma source(%arg4 : memref<32x2048xf32, #tpu.memory_space<vmem>>) target(%dma_start3A_340 : memref<32x2048xf32, #tpu.memory_space<hbm>>) target_semaphore(%arg9 : memref<!tpu.dma_semaphore, #tpu.memory_space<semaphore_mem>>)
      %dma_wait3A = arith.constant 0 : i32
      %dma_wait3A_341 = arith.constant 10240 : i32
      %dma_wait3A_342 = tpu.memref_slice %arg3[%dma_wait3A, %dma_wait3A_341] : memref<32x262144xf32, #tpu.memory_space<hbm>> -> memref<32x2048xf32, #tpu.memory_space<hbm>>
      %dma_wait3A_343 = arith.constant 0 : i32
      %dma_wait3A_344 = arith.constant 10240 : i32
      %dma_wait3A_345 = tpu.memref_slice %arg3[%dma_wait3A_343, %dma_wait3A_344] : memref<32x262144xf32, #tpu.memory_space<hbm>> -> memref<32x2048xf32, #tpu.memory_space<hbm>>
      tpu.wait_dma2 semaphore(%arg6 : memref<!tpu.dma_semaphore, #tpu.memory_space<semaphore_mem>>) src(%arg4 : memref<32x2048xf32, #tpu.memory_space<vmem>>) dst(%dma_wait3A_345 : memref<32x2048xf32, #tpu.memory_space<hbm>>)
      %dma_wait3A_346 = arith.constant 0 : i32
      %dma_wait3A_347 = arith.constant 26624 : i32
      %dma_wait3A_348 = tpu.memref_slice %arg3[%dma_wait3A_346, %dma_wait3A_347] : memref<32x262144xf32, #tpu.memory_space<hbm>> -> memref<32x2048xf32, #tpu.memory_space<hbm>>
      %dma_wait3A_349 = arith.constant 0 : i32
      %dma_wait3A_350 = arith.constant 26624 : i32
      %dma_wait3A_351 = tpu.memref_slice %arg3[%dma_wait3A_349, %dma_wait3A_350] : memref<32x262144xf32, #tpu.memory_space<hbm>> -> memref<32x2048xf32, #tpu.memory_space<hbm>>
      tpu.wait_dma2 semaphore(%arg7 : memref<!tpu.dma_semaphore, #tpu.memory_space<semaphore_mem>>) src(%arg4 : memref<32x2048xf32, #tpu.memory_space<vmem>>) dst(%dma_wait3A_351 : memref<32x2048xf32, #tpu.memory_space<hbm>>)
      %dma_wait3A_352 = arith.constant 0 : i32
      %dma_wait3A_353 = arith.constant 43008 : i32
      %dma_wait3A_354 = tpu.memref_slice %arg3[%dma_wait3A_352, %dma_wait3A_353] : memref<32x262144xf32, #tpu.memory_space<hbm>> -> memref<32x2048xf32, #tpu.memory_space<hbm>>
      %dma_wait3A_355 = arith.constant 0 : i32
      %dma_wait3A_356 = arith.constant 43008 : i32
      %dma_wait3A_357 = tpu.memref_slice %arg3[%dma_wait3A_355, %dma_wait3A_356] : memref<32x262144xf32, #tpu.memory_space<hbm>> -> memref<32x2048xf32, #tpu.memory_space<hbm>>
      tpu.wait_dma2 semaphore(%arg8 : memref<!tpu.dma_semaphore, #tpu.memory_space<semaphore_mem>>) src(%arg4 : memref<32x2048xf32, #tpu.memory_space<vmem>>) dst(%dma_wait3A_357 : memref<32x2048xf32, #tpu.memory_space<hbm>>)
      %dma_wait3A_358 = arith.constant 0 : i32
      %dma_wait3A_359 = arith.constant 59392 : i32
      %dma_wait3A_360 = tpu.memref_slice %arg3[%dma_wait3A_358, %dma_wait3A_359] : memref<32x262144xf32, #tpu.memory_space<hbm>> -> memref<32x2048xf32, #tpu.memory_space<hbm>>
      %dma_wait3A_361 = arith.constant 0 : i32
      %dma_wait3A_362 = arith.constant 59392 : i32
      %dma_wait3A_363 = tpu.memref_slice %arg3[%dma_wait3A_361, %dma_wait3A_362] : memref<32x262144xf32, #tpu.memory_space<hbm>> -> memref<32x2048xf32, #tpu.memory_space<hbm>>
      tpu.wait_dma2 semaphore(%arg9 : memref<!tpu.dma_semaphore, #tpu.memory_space<semaphore_mem>>) src(%arg4 : memref<32x2048xf32, #tpu.memory_space<vmem>>) dst(%dma_wait3A_363 : memref<32x2048xf32, #tpu.memory_space<hbm>>)
    } else {
    }
    %eq3A_188 = arith.constant 6 : i32
    %eq3A_189 = arith.cmpi eq, %add3A, %eq3A_188 : i32
    %convert_element_type3A_190 = arith.extui %eq3A_189 : i1 to i32
    %cond3A_191 = arith.constant 0 : i32
    %cond3A_192 = arith.cmpi ne, %convert_element_type3A_190, %cond3A_191 : i32
    scf.if %cond3A_192 {
      %dma_start3A = arith.constant 0 : i32
      %dma_start3A_318 = arith.constant 12288 : i32
      %dma_start3A_319 = tpu.memref_slice %arg3[%dma_start3A, %dma_start3A_318] : memref<32x262144xf32, #tpu.memory_space<hbm>> -> memref<32x2048xf32, #tpu.memory_space<hbm>>
      %dma_start3A_320 = arith.constant 0 : i32
      %dma_start3A_321 = arith.constant 12288 : i32
      %dma_start3A_322 = tpu.memref_slice %arg3[%dma_start3A_320, %dma_start3A_321] : memref<32x262144xf32, #tpu.memory_space<hbm>> -> memref<32x2048xf32, #tpu.memory_space<hbm>>
      tpu.enqueue_dma source(%arg4 : memref<32x2048xf32, #tpu.memory_space<vmem>>) target(%dma_start3A_322 : memref<32x2048xf32, #tpu.memory_space<hbm>>) target_semaphore(%arg6 : memref<!tpu.dma_semaphore, #tpu.memory_space<semaphore_mem>>)
      %dma_start3A_323 = arith.constant 0 : i32
      %dma_start3A_324 = arith.constant 28672 : i32
      %dma_start3A_325 = tpu.memref_slice %arg3[%dma_start3A_323, %dma_start3A_324] : memref<32x262144xf32, #tpu.memory_space<hbm>> -> memref<32x2048xf32, #tpu.memory_space<hbm>>
      %dma_start3A_326 = arith.constant 0 : i32
      %dma_start3A_327 = arith.constant 28672 : i32
      %dma_start3A_328 = tpu.memref_slice %arg3[%dma_start3A_326, %dma_start3A_327] : memref<32x262144xf32, #tpu.memory_space<hbm>> -> memref<32x2048xf32, #tpu.memory_space<hbm>>
      tpu.enqueue_dma source(%arg4 : memref<32x2048xf32, #tpu.memory_space<vmem>>) target(%dma_start3A_328 : memref<32x2048xf32, #tpu.memory_space<hbm>>) target_semaphore(%arg7 : memref<!tpu.dma_semaphore, #tpu.memory_space<semaphore_mem>>)
      %dma_start3A_329 = arith.constant 0 : i32
      %dma_start3A_330 = arith.constant 45056 : i32
      %dma_start3A_331 = tpu.memref_slice %arg3[%dma_start3A_329, %dma_start3A_330] : memref<32x262144xf32, #tpu.memory_space<hbm>> -> memref<32x2048xf32, #tpu.memory_space<hbm>>
      %dma_start3A_332 = arith.constant 0 : i32
      %dma_start3A_333 = arith.constant 45056 : i32
      %dma_start3A_334 = tpu.memref_slice %arg3[%dma_start3A_332, %dma_start3A_333] : memref<32x262144xf32, #tpu.memory_space<hbm>> -> memref<32x2048xf32, #tpu.memory_space<hbm>>
      tpu.enqueue_dma source(%arg4 : memref<32x2048xf32, #tpu.memory_space<vmem>>) target(%dma_start3A_334 : memref<32x2048xf32, #tpu.memory_space<hbm>>) target_semaphore(%arg8 : memref<!tpu.dma_semaphore, #tpu.memory_space<semaphore_mem>>)
      %dma_start3A_335 = arith.constant 0 : i32
      %dma_start3A_336 = arith.constant 61440 : i32
      %dma_start3A_337 = tpu.memref_slice %arg3[%dma_start3A_335, %dma_start3A_336] : memref<32x262144xf32, #tpu.memory_space<hbm>> -> memref<32x2048xf32, #tpu.memory_space<hbm>>
      %dma_start3A_338 = arith.constant 0 : i32
      %dma_start3A_339 = arith.constant 61440 : i32
      %dma_start3A_340 = tpu.memref_slice %arg3[%dma_start3A_338, %dma_start3A_339] : memref<32x262144xf32, #tpu.memory_space<hbm>> -> memref<32x2048xf32, #tpu.memory_space<hbm>>
      tpu.enqueue_dma source(%arg4 : memref<32x2048xf32, #tpu.memory_space<vmem>>) target(%dma_start3A_340 : memref<32x2048xf32, #tpu.memory_space<hbm>>) target_semaphore(%arg9 : memref<!tpu.dma_semaphore, #tpu.memory_space<semaphore_mem>>)
      %dma_wait3A = arith.constant 0 : i32
      %dma_wait3A_341 = arith.constant 12288 : i32
      %dma_wait3A_342 = tpu.memref_slice %arg3[%dma_wait3A, %dma_wait3A_341] : memref<32x262144xf32, #tpu.memory_space<hbm>> -> memref<32x2048xf32, #tpu.memory_space<hbm>>
      %dma_wait3A_343 = arith.constant 0 : i32
      %dma_wait3A_344 = arith.constant 12288 : i32
      %dma_wait3A_345 = tpu.memref_slice %arg3[%dma_wait3A_343, %dma_wait3A_344] : memref<32x262144xf32, #tpu.memory_space<hbm>> -> memref<32x2048xf32, #tpu.memory_space<hbm>>
      tpu.wait_dma2 semaphore(%arg6 : memref<!tpu.dma_semaphore, #tpu.memory_space<semaphore_mem>>) src(%arg4 : memref<32x2048xf32, #tpu.memory_space<vmem>>) dst(%dma_wait3A_345 : memref<32x2048xf32, #tpu.memory_space<hbm>>)
      %dma_wait3A_346 = arith.constant 0 : i32
      %dma_wait3A_347 = arith.constant 28672 : i32
      %dma_wait3A_348 = tpu.memref_slice %arg3[%dma_wait3A_346, %dma_wait3A_347] : memref<32x262144xf32, #tpu.memory_space<hbm>> -> memref<32x2048xf32, #tpu.memory_space<hbm>>
      %dma_wait3A_349 = arith.constant 0 : i32
      %dma_wait3A_350 = arith.constant 28672 : i32
      %dma_wait3A_351 = tpu.memref_slice %arg3[%dma_wait3A_349, %dma_wait3A_350] : memref<32x262144xf32, #tpu.memory_space<hbm>> -> memref<32x2048xf32, #tpu.memory_space<hbm>>
      tpu.wait_dma2 semaphore(%arg7 : memref<!tpu.dma_semaphore, #tpu.memory_space<semaphore_mem>>) src(%arg4 : memref<32x2048xf32, #tpu.memory_space<vmem>>) dst(%dma_wait3A_351 : memref<32x2048xf32, #tpu.memory_space<hbm>>)
      %dma_wait3A_352 = arith.constant 0 : i32
      %dma_wait3A_353 = arith.constant 45056 : i32
      %dma_wait3A_354 = tpu.memref_slice %arg3[%dma_wait3A_352, %dma_wait3A_353] : memref<32x262144xf32, #tpu.memory_space<hbm>> -> memref<32x2048xf32, #tpu.memory_space<hbm>>
      %dma_wait3A_355 = arith.constant 0 : i32
      %dma_wait3A_356 = arith.constant 45056 : i32
      %dma_wait3A_357 = tpu.memref_slice %arg3[%dma_wait3A_355, %dma_wait3A_356] : memref<32x262144xf32, #tpu.memory_space<hbm>> -> memref<32x2048xf32, #tpu.memory_space<hbm>>
      tpu.wait_dma2 semaphore(%arg8 : memref<!tpu.dma_semaphore, #tpu.memory_space<semaphore_mem>>) src(%arg4 : memref<32x2048xf32, #tpu.memory_space<vmem>>) dst(%dma_wait3A_357 : memref<32x2048xf32, #tpu.memory_space<hbm>>)
      %dma_wait3A_358 = arith.constant 0 : i32
      %dma_wait3A_359 = arith.constant 61440 : i32
      %dma_wait3A_360 = tpu.memref_slice %arg3[%dma_wait3A_358, %dma_wait3A_359] : memref<32x262144xf32, #tpu.memory_space<hbm>> -> memref<32x2048xf32, #tpu.memory_space<hbm>>
      %dma_wait3A_361 = arith.constant 0 : i32
      %dma_wait3A_362 = arith.constant 61440 : i32
      %dma_wait3A_363 = tpu.memref_slice %arg3[%dma_wait3A_361, %dma_wait3A_362] : memref<32x262144xf32, #tpu.memory_space<hbm>> -> memref<32x2048xf32, #tpu.memory_space<hbm>>
      tpu.wait_dma2 semaphore(%arg9 : memref<!tpu.dma_semaphore, #tpu.memory_space<semaphore_mem>>) src(%arg4 : memref<32x2048xf32, #tpu.memory_space<vmem>>) dst(%dma_wait3A_363 : memref<32x2048xf32, #tpu.memory_space<hbm>>)
    } else {
    }
    %eq3A_193 = arith.constant 7 : i32
    %eq3A_194 = arith.cmpi eq, %add3A, %eq3A_193 : i32
    %convert_element_type3A_195 = arith.extui %eq3A_194 : i1 to i32
    %cond3A_196 = arith.constant 0 : i32
    %cond3A_197 = arith.cmpi ne, %convert_element_type3A_195, %cond3A_196 : i32
    scf.if %cond3A_197 {
      %dma_start3A = arith.constant 0 : i32
      %dma_start3A_318 = arith.constant 14336 : i32
      %dma_start3A_319 = tpu.memref_slice %arg3[%dma_start3A, %dma_start3A_318] : memref<32x262144xf32, #tpu.memory_space<hbm>> -> memref<32x2048xf32, #tpu.memory_space<hbm>>
      %dma_start3A_320 = arith.constant 0 : i32
      %dma_start3A_321 = arith.constant 14336 : i32
      %dma_start3A_322 = tpu.memref_slice %arg3[%dma_start3A_320, %dma_start3A_321] : memref<32x262144xf32, #tpu.memory_space<hbm>> -> memref<32x2048xf32, #tpu.memory_space<hbm>>
      tpu.enqueue_dma source(%arg4 : memref<32x2048xf32, #tpu.memory_space<vmem>>) target(%dma_start3A_322 : memref<32x2048xf32, #tpu.memory_space<hbm>>) target_semaphore(%arg6 : memref<!tpu.dma_semaphore, #tpu.memory_space<semaphore_mem>>)
      %dma_start3A_323 = arith.constant 0 : i32
      %dma_start3A_324 = arith.constant 30720 : i32
      %dma_start3A_325 = tpu.memref_slice %arg3[%dma_start3A_323, %dma_start3A_324] : memref<32x262144xf32, #tpu.memory_space<hbm>> -> memref<32x2048xf32, #tpu.memory_space<hbm>>
      %dma_start3A_326 = arith.constant 0 : i32
      %dma_start3A_327 = arith.constant 30720 : i32
      %dma_start3A_328 = tpu.memref_slice %arg3[%dma_start3A_326, %dma_start3A_327] : memref<32x262144xf32, #tpu.memory_space<hbm>> -> memref<32x2048xf32, #tpu.memory_space<hbm>>
      tpu.enqueue_dma source(%arg4 : memref<32x2048xf32, #tpu.memory_space<vmem>>) target(%dma_start3A_328 : memref<32x2048xf32, #tpu.memory_space<hbm>>) target_semaphore(%arg7 : memref<!tpu.dma_semaphore, #tpu.memory_space<semaphore_mem>>)
      %dma_start3A_329 = arith.constant 0 : i32
      %dma_start3A_330 = arith.constant 47104 : i32
      %dma_start3A_331 = tpu.memref_slice %arg3[%dma_start3A_329, %dma_start3A_330] : memref<32x262144xf32, #tpu.memory_space<hbm>> -> memref<32x2048xf32, #tpu.memory_space<hbm>>
      %dma_start3A_332 = arith.constant 0 : i32
      %dma_start3A_333 = arith.constant 47104 : i32
      %dma_start3A_334 = tpu.memref_slice %arg3[%dma_start3A_332, %dma_start3A_333] : memref<32x262144xf32, #tpu.memory_space<hbm>> -> memref<32x2048xf32, #tpu.memory_space<hbm>>
      tpu.enqueue_dma source(%arg4 : memref<32x2048xf32, #tpu.memory_space<vmem>>) target(%dma_start3A_334 : memref<32x2048xf32, #tpu.memory_space<hbm>>) target_semaphore(%arg8 : memref<!tpu.dma_semaphore, #tpu.memory_space<semaphore_mem>>)
      %dma_start3A_335 = arith.constant 0 : i32
      %dma_start3A_336 = arith.constant 63488 : i32
      %dma_start3A_337 = tpu.memref_slice %arg3[%dma_start3A_335, %dma_start3A_336] : memref<32x262144xf32, #tpu.memory_space<hbm>> -> memref<32x2048xf32, #tpu.memory_space<hbm>>
      %dma_start3A_338 = arith.constant 0 : i32
      %dma_start3A_339 = arith.constant 63488 : i32
      %dma_start3A_340 = tpu.memref_slice %arg3[%dma_start3A_338, %dma_start3A_339] : memref<32x262144xf32, #tpu.memory_space<hbm>> -> memref<32x2048xf32, #tpu.memory_space<hbm>>
      tpu.enqueue_dma source(%arg4 : memref<32x2048xf32, #tpu.memory_space<vmem>>) target(%dma_start3A_340 : memref<32x2048xf32, #tpu.memory_space<hbm>>) target_semaphore(%arg9 : memref<!tpu.dma_semaphore, #tpu.memory_space<semaphore_mem>>)
      %dma_wait3A = arith.constant 0 : i32
      %dma_wait3A_341 = arith.constant 14336 : i32
      %dma_wait3A_342 = tpu.memref_slice %arg3[%dma_wait3A, %dma_wait3A_341] : memref<32x262144xf32, #tpu.memory_space<hbm>> -> memref<32x2048xf32, #tpu.memory_space<hbm>>
      %dma_wait3A_343 = arith.constant 0 : i32
      %dma_wait3A_344 = arith.constant 14336 : i32
      %dma_wait3A_345 = tpu.memref_slice %arg3[%dma_wait3A_343, %dma_wait3A_344] : memref<32x262144xf32, #tpu.memory_space<hbm>> -> memref<32x2048xf32, #tpu.memory_space<hbm>>
      tpu.wait_dma2 semaphore(%arg6 : memref<!tpu.dma_semaphore, #tpu.memory_space<semaphore_mem>>) src(%arg4 : memref<32x2048xf32, #tpu.memory_space<vmem>>) dst(%dma_wait3A_345 : memref<32x2048xf32, #tpu.memory_space<hbm>>)
      %dma_wait3A_346 = arith.constant 0 : i32
      %dma_wait3A_347 = arith.constant 30720 : i32
      %dma_wait3A_348 = tpu.memref_slice %arg3[%dma_wait3A_346, %dma_wait3A_347] : memref<32x262144xf32, #tpu.memory_space<hbm>> -> memref<32x2048xf32, #tpu.memory_space<hbm>>
      %dma_wait3A_349 = arith.constant 0 : i32
      %dma_wait3A_350 = arith.constant 30720 : i32
      %dma_wait3A_351 = tpu.memref_slice %arg3[%dma_wait3A_349, %dma_wait3A_350] : memref<32x262144xf32, #tpu.memory_space<hbm>> -> memref<32x2048xf32, #tpu.memory_space<hbm>>
      tpu.wait_dma2 semaphore(%arg7 : memref<!tpu.dma_semaphore, #tpu.memory_space<semaphore_mem>>) src(%arg4 : memref<32x2048xf32, #tpu.memory_space<vmem>>) dst(%dma_wait3A_351 : memref<32x2048xf32, #tpu.memory_space<hbm>>)
      %dma_wait3A_352 = arith.constant 0 : i32
      %dma_wait3A_353 = arith.constant 47104 : i32
      %dma_wait3A_354 = tpu.memref_slice %arg3[%dma_wait3A_352, %dma_wait3A_353] : memref<32x262144xf32, #tpu.memory_space<hbm>> -> memref<32x2048xf32, #tpu.memory_space<hbm>>
      %dma_wait3A_355 = arith.constant 0 : i32
      %dma_wait3A_356 = arith.constant 47104 : i32
      %dma_wait3A_357 = tpu.memref_slice %arg3[%dma_wait3A_355, %dma_wait3A_356] : memref<32x262144xf32, #tpu.memory_space<hbm>> -> memref<32x2048xf32, #tpu.memory_space<hbm>>
      tpu.wait_dma2 semaphore(%arg8 : memref<!tpu.dma_semaphore, #tpu.memory_space<semaphore_mem>>) src(%arg4 : memref<32x2048xf32, #tpu.memory_space<vmem>>) dst(%dma_wait3A_357 : memref<32x2048xf32, #tpu.memory_space<hbm>>)
      %dma_wait3A_358 = arith.constant 0 : i32
      %dma_wait3A_359 = arith.constant 63488 : i32
      %dma_wait3A_360 = tpu.memref_slice %arg3[%dma_wait3A_358, %dma_wait3A_359] : memref<32x262144xf32, #tpu.memory_space<hbm>> -> memref<32x2048xf32, #tpu.memory_space<hbm>>
      %dma_wait3A_361 = arith.constant 0 : i32
      %dma_wait3A_362 = arith.constant 63488 : i32
      %dma_wait3A_363 = tpu.memref_slice %arg3[%dma_wait3A_361, %dma_wait3A_362] : memref<32x262144xf32, #tpu.memory_space<hbm>> -> memref<32x2048xf32, #tpu.memory_space<hbm>>
      tpu.wait_dma2 semaphore(%arg9 : memref<!tpu.dma_semaphore, #tpu.memory_space<semaphore_mem>>) src(%arg4 : memref<32x2048xf32, #tpu.memory_space<vmem>>) dst(%dma_wait3A_363 : memref<32x2048xf32, #tpu.memory_space<hbm>>)
    } else {
    }
    %eq3A_198 = arith.constant 8 : i32
    %eq3A_199 = arith.cmpi eq, %add3A, %eq3A_198 : i32
    %convert_element_type3A_200 = arith.extui %eq3A_199 : i1 to i32
    %cond3A_201 = arith.constant 0 : i32
    %cond3A_202 = arith.cmpi ne, %convert_element_type3A_200, %cond3A_201 : i32
    scf.if %cond3A_202 {
      %dma_start3A = arith.constant 0 : i32
      %dma_start3A_318 = arith.constant 65536 : i32
      %dma_start3A_319 = tpu.memref_slice %arg3[%dma_start3A, %dma_start3A_318] : memref<32x262144xf32, #tpu.memory_space<hbm>> -> memref<32x2048xf32, #tpu.memory_space<hbm>>
      %dma_start3A_320 = arith.constant 0 : i32
      %dma_start3A_321 = arith.constant 65536 : i32
      %dma_start3A_322 = tpu.memref_slice %arg3[%dma_start3A_320, %dma_start3A_321] : memref<32x262144xf32, #tpu.memory_space<hbm>> -> memref<32x2048xf32, #tpu.memory_space<hbm>>
      tpu.enqueue_dma source(%arg4 : memref<32x2048xf32, #tpu.memory_space<vmem>>) target(%dma_start3A_322 : memref<32x2048xf32, #tpu.memory_space<hbm>>) target_semaphore(%arg6 : memref<!tpu.dma_semaphore, #tpu.memory_space<semaphore_mem>>)
      %dma_start3A_323 = arith.constant 0 : i32
      %dma_start3A_324 = arith.constant 81920 : i32
      %dma_start3A_325 = tpu.memref_slice %arg3[%dma_start3A_323, %dma_start3A_324] : memref<32x262144xf32, #tpu.memory_space<hbm>> -> memref<32x2048xf32, #tpu.memory_space<hbm>>
      %dma_start3A_326 = arith.constant 0 : i32
      %dma_start3A_327 = arith.constant 81920 : i32
      %dma_start3A_328 = tpu.memref_slice %arg3[%dma_start3A_326, %dma_start3A_327] : memref<32x262144xf32, #tpu.memory_space<hbm>> -> memref<32x2048xf32, #tpu.memory_space<hbm>>
      tpu.enqueue_dma source(%arg4 : memref<32x2048xf32, #tpu.memory_space<vmem>>) target(%dma_start3A_328 : memref<32x2048xf32, #tpu.memory_space<hbm>>) target_semaphore(%arg7 : memref<!tpu.dma_semaphore, #tpu.memory_space<semaphore_mem>>)
      %dma_start3A_329 = arith.constant 0 : i32
      %dma_start3A_330 = arith.constant 98304 : i32
      %dma_start3A_331 = tpu.memref_slice %arg3[%dma_start3A_329, %dma_start3A_330] : memref<32x262144xf32, #tpu.memory_space<hbm>> -> memref<32x2048xf32, #tpu.memory_space<hbm>>
      %dma_start3A_332 = arith.constant 0 : i32
      %dma_start3A_333 = arith.constant 98304 : i32
      %dma_start3A_334 = tpu.memref_slice %arg3[%dma_start3A_332, %dma_start3A_333] : memref<32x262144xf32, #tpu.memory_space<hbm>> -> memref<32x2048xf32, #tpu.memory_space<hbm>>
      tpu.enqueue_dma source(%arg4 : memref<32x2048xf32, #tpu.memory_space<vmem>>) target(%dma_start3A_334 : memref<32x2048xf32, #tpu.memory_space<hbm>>) target_semaphore(%arg8 : memref<!tpu.dma_semaphore, #tpu.memory_space<semaphore_mem>>)
      %dma_start3A_335 = arith.constant 0 : i32
      %dma_start3A_336 = arith.constant 114688 : i32
      %dma_start3A_337 = tpu.memref_slice %arg3[%dma_start3A_335, %dma_start3A_336] : memref<32x262144xf32, #tpu.memory_space<hbm>> -> memref<32x2048xf32, #tpu.memory_space<hbm>>
      %dma_start3A_338 = arith.constant 0 : i32
      %dma_start3A_339 = arith.constant 114688 : i32
      %dma_start3A_340 = tpu.memref_slice %arg3[%dma_start3A_338, %dma_start3A_339] : memref<32x262144xf32, #tpu.memory_space<hbm>> -> memref<32x2048xf32, #tpu.memory_space<hbm>>
      tpu.enqueue_dma source(%arg4 : memref<32x2048xf32, #tpu.memory_space<vmem>>) target(%dma_start3A_340 : memref<32x2048xf32, #tpu.memory_space<hbm>>) target_semaphore(%arg9 : memref<!tpu.dma_semaphore, #tpu.memory_space<semaphore_mem>>)
      %dma_wait3A = arith.constant 0 : i32
      %dma_wait3A_341 = arith.constant 65536 : i32
      %dma_wait3A_342 = tpu.memref_slice %arg3[%dma_wait3A, %dma_wait3A_341] : memref<32x262144xf32, #tpu.memory_space<hbm>> -> memref<32x2048xf32, #tpu.memory_space<hbm>>
      %dma_wait3A_343 = arith.constant 0 : i32
      %dma_wait3A_344 = arith.constant 65536 : i32
      %dma_wait3A_345 = tpu.memref_slice %arg3[%dma_wait3A_343, %dma_wait3A_344] : memref<32x262144xf32, #tpu.memory_space<hbm>> -> memref<32x2048xf32, #tpu.memory_space<hbm>>
      tpu.wait_dma2 semaphore(%arg6 : memref<!tpu.dma_semaphore, #tpu.memory_space<semaphore_mem>>) src(%arg4 : memref<32x2048xf32, #tpu.memory_space<vmem>>) dst(%dma_wait3A_345 : memref<32x2048xf32, #tpu.memory_space<hbm>>)
      %dma_wait3A_346 = arith.constant 0 : i32
      %dma_wait3A_347 = arith.constant 81920 : i32
      %dma_wait3A_348 = tpu.memref_slice %arg3[%dma_wait3A_346, %dma_wait3A_347] : memref<32x262144xf32, #tpu.memory_space<hbm>> -> memref<32x2048xf32, #tpu.memory_space<hbm>>
      %dma_wait3A_349 = arith.constant 0 : i32
      %dma_wait3A_350 = arith.constant 81920 : i32
      %dma_wait3A_351 = tpu.memref_slice %arg3[%dma_wait3A_349, %dma_wait3A_350] : memref<32x262144xf32, #tpu.memory_space<hbm>> -> memref<32x2048xf32, #tpu.memory_space<hbm>>
      tpu.wait_dma2 semaphore(%arg7 : memref<!tpu.dma_semaphore, #tpu.memory_space<semaphore_mem>>) src(%arg4 : memref<32x2048xf32, #tpu.memory_space<vmem>>) dst(%dma_wait3A_351 : memref<32x2048xf32, #tpu.memory_space<hbm>>)
      %dma_wait3A_352 = arith.constant 0 : i32
      %dma_wait3A_353 = arith.constant 98304 : i32
      %dma_wait3A_354 = tpu.memref_slice %arg3[%dma_wait3A_352, %dma_wait3A_353] : memref<32x262144xf32, #tpu.memory_space<hbm>> -> memref<32x2048xf32, #tpu.memory_space<hbm>>
      %dma_wait3A_355 = arith.constant 0 : i32
      %dma_wait3A_356 = arith.constant 98304 : i32
      %dma_wait3A_357 = tpu.memref_slice %arg3[%dma_wait3A_355, %dma_wait3A_356] : memref<32x262144xf32, #tpu.memory_space<hbm>> -> memref<32x2048xf32, #tpu.memory_space<hbm>>
      tpu.wait_dma2 semaphore(%arg8 : memref<!tpu.dma_semaphore, #tpu.memory_space<semaphore_mem>>) src(%arg4 : memref<32x2048xf32, #tpu.memory_space<vmem>>) dst(%dma_wait3A_357 : memref<32x2048xf32, #tpu.memory_space<hbm>>)
      %dma_wait3A_358 = arith.constant 0 : i32
      %dma_wait3A_359 = arith.constant 114688 : i32
      %dma_wait3A_360 = tpu.memref_slice %arg3[%dma_wait3A_358, %dma_wait3A_359] : memref<32x262144xf32, #tpu.memory_space<hbm>> -> memref<32x2048xf32, #tpu.memory_space<hbm>>
      %dma_wait3A_361 = arith.constant 0 : i32
      %dma_wait3A_362 = arith.constant 114688 : i32
      %dma_wait3A_363 = tpu.memref_slice %arg3[%dma_wait3A_361, %dma_wait3A_362] : memref<32x262144xf32, #tpu.memory_space<hbm>> -> memref<32x2048xf32, #tpu.memory_space<hbm>>
      tpu.wait_dma2 semaphore(%arg9 : memref<!tpu.dma_semaphore, #tpu.memory_space<semaphore_mem>>) src(%arg4 : memref<32x2048xf32, #tpu.memory_space<vmem>>) dst(%dma_wait3A_363 : memref<32x2048xf32, #tpu.memory_space<hbm>>)
    } else {
    }
    %eq3A_203 = arith.constant 9 : i32
    %eq3A_204 = arith.cmpi eq, %add3A, %eq3A_203 : i32
    %convert_element_type3A_205 = arith.extui %eq3A_204 : i1 to i32
    %cond3A_206 = arith.constant 0 : i32
    %cond3A_207 = arith.cmpi ne, %convert_element_type3A_205, %cond3A_206 : i32
    scf.if %cond3A_207 {
      %dma_start3A = arith.constant 0 : i32
      %dma_start3A_318 = arith.constant 67584 : i32
      %dma_start3A_319 = tpu.memref_slice %arg3[%dma_start3A, %dma_start3A_318] : memref<32x262144xf32, #tpu.memory_space<hbm>> -> memref<32x2048xf32, #tpu.memory_space<hbm>>
      %dma_start3A_320 = arith.constant 0 : i32
      %dma_start3A_321 = arith.constant 67584 : i32
      %dma_start3A_322 = tpu.memref_slice %arg3[%dma_start3A_320, %dma_start3A_321] : memref<32x262144xf32, #tpu.memory_space<hbm>> -> memref<32x2048xf32, #tpu.memory_space<hbm>>
      tpu.enqueue_dma source(%arg4 : memref<32x2048xf32, #tpu.memory_space<vmem>>) target(%dma_start3A_322 : memref<32x2048xf32, #tpu.memory_space<hbm>>) target_semaphore(%arg6 : memref<!tpu.dma_semaphore, #tpu.memory_space<semaphore_mem>>)
      %dma_start3A_323 = arith.constant 0 : i32
      %dma_start3A_324 = arith.constant 83968 : i32
      %dma_start3A_325 = tpu.memref_slice %arg3[%dma_start3A_323, %dma_start3A_324] : memref<32x262144xf32, #tpu.memory_space<hbm>> -> memref<32x2048xf32, #tpu.memory_space<hbm>>
      %dma_start3A_326 = arith.constant 0 : i32
      %dma_start3A_327 = arith.constant 83968 : i32
      %dma_start3A_328 = tpu.memref_slice %arg3[%dma_start3A_326, %dma_start3A_327] : memref<32x262144xf32, #tpu.memory_space<hbm>> -> memref<32x2048xf32, #tpu.memory_space<hbm>>
      tpu.enqueue_dma source(%arg4 : memref<32x2048xf32, #tpu.memory_space<vmem>>) target(%dma_start3A_328 : memref<32x2048xf32, #tpu.memory_space<hbm>>) target_semaphore(%arg7 : memref<!tpu.dma_semaphore, #tpu.memory_space<semaphore_mem>>)
      %dma_start3A_329 = arith.constant 0 : i32
      %dma_start3A_330 = arith.constant 100352 : i32
      %dma_start3A_331 = tpu.memref_slice %arg3[%dma_start3A_329, %dma_start3A_330] : memref<32x262144xf32, #tpu.memory_space<hbm>> -> memref<32x2048xf32, #tpu.memory_space<hbm>>
      %dma_start3A_332 = arith.constant 0 : i32
      %dma_start3A_333 = arith.constant 100352 : i32
      %dma_start3A_334 = tpu.memref_slice %arg3[%dma_start3A_332, %dma_start3A_333] : memref<32x262144xf32, #tpu.memory_space<hbm>> -> memref<32x2048xf32, #tpu.memory_space<hbm>>
      tpu.enqueue_dma source(%arg4 : memref<32x2048xf32, #tpu.memory_space<vmem>>) target(%dma_start3A_334 : memref<32x2048xf32, #tpu.memory_space<hbm>>) target_semaphore(%arg8 : memref<!tpu.dma_semaphore, #tpu.memory_space<semaphore_mem>>)
      %dma_start3A_335 = arith.constant 0 : i32
      %dma_start3A_336 = arith.constant 116736 : i32
      %dma_start3A_337 = tpu.memref_slice %arg3[%dma_start3A_335, %dma_start3A_336] : memref<32x262144xf32, #tpu.memory_space<hbm>> -> memref<32x2048xf32, #tpu.memory_space<hbm>>
      %dma_start3A_338 = arith.constant 0 : i32
      %dma_start3A_339 = arith.constant 116736 : i32
      %dma_start3A_340 = tpu.memref_slice %arg3[%dma_start3A_338, %dma_start3A_339] : memref<32x262144xf32, #tpu.memory_space<hbm>> -> memref<32x2048xf32, #tpu.memory_space<hbm>>
      tpu.enqueue_dma source(%arg4 : memref<32x2048xf32, #tpu.memory_space<vmem>>) target(%dma_start3A_340 : memref<32x2048xf32, #tpu.memory_space<hbm>>) target_semaphore(%arg9 : memref<!tpu.dma_semaphore, #tpu.memory_space<semaphore_mem>>)
      %dma_wait3A = arith.constant 0 : i32
      %dma_wait3A_341 = arith.constant 67584 : i32
      %dma_wait3A_342 = tpu.memref_slice %arg3[%dma_wait3A, %dma_wait3A_341] : memref<32x262144xf32, #tpu.memory_space<hbm>> -> memref<32x2048xf32, #tpu.memory_space<hbm>>
      %dma_wait3A_343 = arith.constant 0 : i32
      %dma_wait3A_344 = arith.constant 67584 : i32
      %dma_wait3A_345 = tpu.memref_slice %arg3[%dma_wait3A_343, %dma_wait3A_344] : memref<32x262144xf32, #tpu.memory_space<hbm>> -> memref<32x2048xf32, #tpu.memory_space<hbm>>
      tpu.wait_dma2 semaphore(%arg6 : memref<!tpu.dma_semaphore, #tpu.memory_space<semaphore_mem>>) src(%arg4 : memref<32x2048xf32, #tpu.memory_space<vmem>>) dst(%dma_wait3A_345 : memref<32x2048xf32, #tpu.memory_space<hbm>>)
      %dma_wait3A_346 = arith.constant 0 : i32
      %dma_wait3A_347 = arith.constant 83968 : i32
      %dma_wait3A_348 = tpu.memref_slice %arg3[%dma_wait3A_346, %dma_wait3A_347] : memref<32x262144xf32, #tpu.memory_space<hbm>> -> memref<32x2048xf32, #tpu.memory_space<hbm>>
      %dma_wait3A_349 = arith.constant 0 : i32
      %dma_wait3A_350 = arith.constant 83968 : i32
      %dma_wait3A_351 = tpu.memref_slice %arg3[%dma_wait3A_349, %dma_wait3A_350] : memref<32x262144xf32, #tpu.memory_space<hbm>> -> memref<32x2048xf32, #tpu.memory_space<hbm>>
      tpu.wait_dma2 semaphore(%arg7 : memref<!tpu.dma_semaphore, #tpu.memory_space<semaphore_mem>>) src(%arg4 : memref<32x2048xf32, #tpu.memory_space<vmem>>) dst(%dma_wait3A_351 : memref<32x2048xf32, #tpu.memory_space<hbm>>)
      %dma_wait3A_352 = arith.constant 0 : i32
      %dma_wait3A_353 = arith.constant 100352 : i32
      %dma_wait3A_354 = tpu.memref_slice %arg3[%dma_wait3A_352, %dma_wait3A_353] : memref<32x262144xf32, #tpu.memory_space<hbm>> -> memref<32x2048xf32, #tpu.memory_space<hbm>>
      %dma_wait3A_355 = arith.constant 0 : i32
      %dma_wait3A_356 = arith.constant 100352 : i32
      %dma_wait3A_357 = tpu.memref_slice %arg3[%dma_wait3A_355, %dma_wait3A_356] : memref<32x262144xf32, #tpu.memory_space<hbm>> -> memref<32x2048xf32, #tpu.memory_space<hbm>>
      tpu.wait_dma2 semaphore(%arg8 : memref<!tpu.dma_semaphore, #tpu.memory_space<semaphore_mem>>) src(%arg4 : memref<32x2048xf32, #tpu.memory_space<vmem>>) dst(%dma_wait3A_357 : memref<32x2048xf32, #tpu.memory_space<hbm>>)
      %dma_wait3A_358 = arith.constant 0 : i32
      %dma_wait3A_359 = arith.constant 116736 : i32
      %dma_wait3A_360 = tpu.memref_slice %arg3[%dma_wait3A_358, %dma_wait3A_359] : memref<32x262144xf32, #tpu.memory_space<hbm>> -> memref<32x2048xf32, #tpu.memory_space<hbm>>
      %dma_wait3A_361 = arith.constant 0 : i32
      %dma_wait3A_362 = arith.constant 116736 : i32
      %dma_wait3A_363 = tpu.memref_slice %arg3[%dma_wait3A_361, %dma_wait3A_362] : memref<32x262144xf32, #tpu.memory_space<hbm>> -> memref<32x2048xf32, #tpu.memory_space<hbm>>
      tpu.wait_dma2 semaphore(%arg9 : memref<!tpu.dma_semaphore, #tpu.memory_space<semaphore_mem>>) src(%arg4 : memref<32x2048xf32, #tpu.memory_space<vmem>>) dst(%dma_wait3A_363 : memref<32x2048xf32, #tpu.memory_space<hbm>>)
    } else {
    }
    %eq3A_208 = arith.constant 10 : i32
    %eq3A_209 = arith.cmpi eq, %add3A, %eq3A_208 : i32
    %convert_element_type3A_210 = arith.extui %eq3A_209 : i1 to i32
    %cond3A_211 = arith.constant 0 : i32
    %cond3A_212 = arith.cmpi ne, %convert_element_type3A_210, %cond3A_211 : i32
    scf.if %cond3A_212 {
      %dma_start3A = arith.constant 0 : i32
      %dma_start3A_318 = arith.constant 69632 : i32
      %dma_start3A_319 = tpu.memref_slice %arg3[%dma_start3A, %dma_start3A_318] : memref<32x262144xf32, #tpu.memory_space<hbm>> -> memref<32x2048xf32, #tpu.memory_space<hbm>>
      %dma_start3A_320 = arith.constant 0 : i32
      %dma_start3A_321 = arith.constant 69632 : i32
      %dma_start3A_322 = tpu.memref_slice %arg3[%dma_start3A_320, %dma_start3A_321] : memref<32x262144xf32, #tpu.memory_space<hbm>> -> memref<32x2048xf32, #tpu.memory_space<hbm>>
      tpu.enqueue_dma source(%arg4 : memref<32x2048xf32, #tpu.memory_space<vmem>>) target(%dma_start3A_322 : memref<32x2048xf32, #tpu.memory_space<hbm>>) target_semaphore(%arg6 : memref<!tpu.dma_semaphore, #tpu.memory_space<semaphore_mem>>)
      %dma_start3A_323 = arith.constant 0 : i32
      %dma_start3A_324 = arith.constant 86016 : i32
      %dma_start3A_325 = tpu.memref_slice %arg3[%dma_start3A_323, %dma_start3A_324] : memref<32x262144xf32, #tpu.memory_space<hbm>> -> memref<32x2048xf32, #tpu.memory_space<hbm>>
      %dma_start3A_326 = arith.constant 0 : i32
      %dma_start3A_327 = arith.constant 86016 : i32
      %dma_start3A_328 = tpu.memref_slice %arg3[%dma_start3A_326, %dma_start3A_327] : memref<32x262144xf32, #tpu.memory_space<hbm>> -> memref<32x2048xf32, #tpu.memory_space<hbm>>
      tpu.enqueue_dma source(%arg4 : memref<32x2048xf32, #tpu.memory_space<vmem>>) target(%dma_start3A_328 : memref<32x2048xf32, #tpu.memory_space<hbm>>) target_semaphore(%arg7 : memref<!tpu.dma_semaphore, #tpu.memory_space<semaphore_mem>>)
      %dma_start3A_329 = arith.constant 0 : i32
      %dma_start3A_330 = arith.constant 102400 : i32
      %dma_start3A_331 = tpu.memref_slice %arg3[%dma_start3A_329, %dma_start3A_330] : memref<32x262144xf32, #tpu.memory_space<hbm>> -> memref<32x2048xf32, #tpu.memory_space<hbm>>
      %dma_start3A_332 = arith.constant 0 : i32
      %dma_start3A_333 = arith.constant 102400 : i32
      %dma_start3A_334 = tpu.memref_slice %arg3[%dma_start3A_332, %dma_start3A_333] : memref<32x262144xf32, #tpu.memory_space<hbm>> -> memref<32x2048xf32, #tpu.memory_space<hbm>>
      tpu.enqueue_dma source(%arg4 : memref<32x2048xf32, #tpu.memory_space<vmem>>) target(%dma_start3A_334 : memref<32x2048xf32, #tpu.memory_space<hbm>>) target_semaphore(%arg8 : memref<!tpu.dma_semaphore, #tpu.memory_space<semaphore_mem>>)
      %dma_start3A_335 = arith.constant 0 : i32
      %dma_start3A_336 = arith.constant 118784 : i32
      %dma_start3A_337 = tpu.memref_slice %arg3[%dma_start3A_335, %dma_start3A_336] : memref<32x262144xf32, #tpu.memory_space<hbm>> -> memref<32x2048xf32, #tpu.memory_space<hbm>>
      %dma_start3A_338 = arith.constant 0 : i32
      %dma_start3A_339 = arith.constant 118784 : i32
      %dma_start3A_340 = tpu.memref_slice %arg3[%dma_start3A_338, %dma_start3A_339] : memref<32x262144xf32, #tpu.memory_space<hbm>> -> memref<32x2048xf32, #tpu.memory_space<hbm>>
      tpu.enqueue_dma source(%arg4 : memref<32x2048xf32, #tpu.memory_space<vmem>>) target(%dma_start3A_340 : memref<32x2048xf32, #tpu.memory_space<hbm>>) target_semaphore(%arg9 : memref<!tpu.dma_semaphore, #tpu.memory_space<semaphore_mem>>)
      %dma_wait3A = arith.constant 0 : i32
      %dma_wait3A_341 = arith.constant 69632 : i32
      %dma_wait3A_342 = tpu.memref_slice %arg3[%dma_wait3A, %dma_wait3A_341] : memref<32x262144xf32, #tpu.memory_space<hbm>> -> memref<32x2048xf32, #tpu.memory_space<hbm>>
      %dma_wait3A_343 = arith.constant 0 : i32
      %dma_wait3A_344 = arith.constant 69632 : i32
      %dma_wait3A_345 = tpu.memref_slice %arg3[%dma_wait3A_343, %dma_wait3A_344] : memref<32x262144xf32, #tpu.memory_space<hbm>> -> memref<32x2048xf32, #tpu.memory_space<hbm>>
      tpu.wait_dma2 semaphore(%arg6 : memref<!tpu.dma_semaphore, #tpu.memory_space<semaphore_mem>>) src(%arg4 : memref<32x2048xf32, #tpu.memory_space<vmem>>) dst(%dma_wait3A_345 : memref<32x2048xf32, #tpu.memory_space<hbm>>)
      %dma_wait3A_346 = arith.constant 0 : i32
      %dma_wait3A_347 = arith.constant 86016 : i32
      %dma_wait3A_348 = tpu.memref_slice %arg3[%dma_wait3A_346, %dma_wait3A_347] : memref<32x262144xf32, #tpu.memory_space<hbm>> -> memref<32x2048xf32, #tpu.memory_space<hbm>>
      %dma_wait3A_349 = arith.constant 0 : i32
      %dma_wait3A_350 = arith.constant 86016 : i32
      %dma_wait3A_351 = tpu.memref_slice %arg3[%dma_wait3A_349, %dma_wait3A_350] : memref<32x262144xf32, #tpu.memory_space<hbm>> -> memref<32x2048xf32, #tpu.memory_space<hbm>>
      tpu.wait_dma2 semaphore(%arg7 : memref<!tpu.dma_semaphore, #tpu.memory_space<semaphore_mem>>) src(%arg4 : memref<32x2048xf32, #tpu.memory_space<vmem>>) dst(%dma_wait3A_351 : memref<32x2048xf32, #tpu.memory_space<hbm>>)
      %dma_wait3A_352 = arith.constant 0 : i32
      %dma_wait3A_353 = arith.constant 102400 : i32
      %dma_wait3A_354 = tpu.memref_slice %arg3[%dma_wait3A_352, %dma_wait3A_353] : memref<32x262144xf32, #tpu.memory_space<hbm>> -> memref<32x2048xf32, #tpu.memory_space<hbm>>
      %dma_wait3A_355 = arith.constant 0 : i32
      %dma_wait3A_356 = arith.constant 102400 : i32
      %dma_wait3A_357 = tpu.memref_slice %arg3[%dma_wait3A_355, %dma_wait3A_356] : memref<32x262144xf32, #tpu.memory_space<hbm>> -> memref<32x2048xf32, #tpu.memory_space<hbm>>
      tpu.wait_dma2 semaphore(%arg8 : memref<!tpu.dma_semaphore, #tpu.memory_space<semaphore_mem>>) src(%arg4 : memref<32x2048xf32, #tpu.memory_space<vmem>>) dst(%dma_wait3A_357 : memref<32x2048xf32, #tpu.memory_space<hbm>>)
      %dma_wait3A_358 = arith.constant 0 : i32
      %dma_wait3A_359 = arith.constant 118784 : i32
      %dma_wait3A_360 = tpu.memref_slice %arg3[%dma_wait3A_358, %dma_wait3A_359] : memref<32x262144xf32, #tpu.memory_space<hbm>> -> memref<32x2048xf32, #tpu.memory_space<hbm>>
      %dma_wait3A_361 = arith.constant 0 : i32
      %dma_wait3A_362 = arith.constant 118784 : i32
      %dma_wait3A_363 = tpu.memref_slice %arg3[%dma_wait3A_361, %dma_wait3A_362] : memref<32x262144xf32, #tpu.memory_space<hbm>> -> memref<32x2048xf32, #tpu.memory_space<hbm>>
      tpu.wait_dma2 semaphore(%arg9 : memref<!tpu.dma_semaphore, #tpu.memory_space<semaphore_mem>>) src(%arg4 : memref<32x2048xf32, #tpu.memory_space<vmem>>) dst(%dma_wait3A_363 : memref<32x2048xf32, #tpu.memory_space<hbm>>)
    } else {
    }
    %eq3A_213 = arith.constant 11 : i32
    %eq3A_214 = arith.cmpi eq, %add3A, %eq3A_213 : i32
    %convert_element_type3A_215 = arith.extui %eq3A_214 : i1 to i32
    %cond3A_216 = arith.constant 0 : i32
    %cond3A_217 = arith.cmpi ne, %convert_element_type3A_215, %cond3A_216 : i32
    scf.if %cond3A_217 {
      %dma_start3A = arith.constant 0 : i32
      %dma_start3A_318 = arith.constant 71680 : i32
      %dma_start3A_319 = tpu.memref_slice %arg3[%dma_start3A, %dma_start3A_318] : memref<32x262144xf32, #tpu.memory_space<hbm>> -> memref<32x2048xf32, #tpu.memory_space<hbm>>
      %dma_start3A_320 = arith.constant 0 : i32
      %dma_start3A_321 = arith.constant 71680 : i32
      %dma_start3A_322 = tpu.memref_slice %arg3[%dma_start3A_320, %dma_start3A_321] : memref<32x262144xf32, #tpu.memory_space<hbm>> -> memref<32x2048xf32, #tpu.memory_space<hbm>>
      tpu.enqueue_dma source(%arg4 : memref<32x2048xf32, #tpu.memory_space<vmem>>) target(%dma_start3A_322 : memref<32x2048xf32, #tpu.memory_space<hbm>>) target_semaphore(%arg6 : memref<!tpu.dma_semaphore, #tpu.memory_space<semaphore_mem>>)
      %dma_start3A_323 = arith.constant 0 : i32
      %dma_start3A_324 = arith.constant 88064 : i32
      %dma_start3A_325 = tpu.memref_slice %arg3[%dma_start3A_323, %dma_start3A_324] : memref<32x262144xf32, #tpu.memory_space<hbm>> -> memref<32x2048xf32, #tpu.memory_space<hbm>>
      %dma_start3A_326 = arith.constant 0 : i32
      %dma_start3A_327 = arith.constant 88064 : i32
      %dma_start3A_328 = tpu.memref_slice %arg3[%dma_start3A_326, %dma_start3A_327] : memref<32x262144xf32, #tpu.memory_space<hbm>> -> memref<32x2048xf32, #tpu.memory_space<hbm>>
      tpu.enqueue_dma source(%arg4 : memref<32x2048xf32, #tpu.memory_space<vmem>>) target(%dma_start3A_328 : memref<32x2048xf32, #tpu.memory_space<hbm>>) target_semaphore(%arg7 : memref<!tpu.dma_semaphore, #tpu.memory_space<semaphore_mem>>)
      %dma_start3A_329 = arith.constant 0 : i32
      %dma_start3A_330 = arith.constant 104448 : i32
      %dma_start3A_331 = tpu.memref_slice %arg3[%dma_start3A_329, %dma_start3A_330] : memref<32x262144xf32, #tpu.memory_space<hbm>> -> memref<32x2048xf32, #tpu.memory_space<hbm>>
      %dma_start3A_332 = arith.constant 0 : i32
      %dma_start3A_333 = arith.constant 104448 : i32
      %dma_start3A_334 = tpu.memref_slice %arg3[%dma_start3A_332, %dma_start3A_333] : memref<32x262144xf32, #tpu.memory_space<hbm>> -> memref<32x2048xf32, #tpu.memory_space<hbm>>
      tpu.enqueue_dma source(%arg4 : memref<32x2048xf32, #tpu.memory_space<vmem>>) target(%dma_start3A_334 : memref<32x2048xf32, #tpu.memory_space<hbm>>) target_semaphore(%arg8 : memref<!tpu.dma_semaphore, #tpu.memory_space<semaphore_mem>>)
      %dma_start3A_335 = arith.constant 0 : i32
      %dma_start3A_336 = arith.constant 120832 : i32
      %dma_start3A_337 = tpu.memref_slice %arg3[%dma_start3A_335, %dma_start3A_336] : memref<32x262144xf32, #tpu.memory_space<hbm>> -> memref<32x2048xf32, #tpu.memory_space<hbm>>
      %dma_start3A_338 = arith.constant 0 : i32
      %dma_start3A_339 = arith.constant 120832 : i32
      %dma_start3A_340 = tpu.memref_slice %arg3[%dma_start3A_338, %dma_start3A_339] : memref<32x262144xf32, #tpu.memory_space<hbm>> -> memref<32x2048xf32, #tpu.memory_space<hbm>>
      tpu.enqueue_dma source(%arg4 : memref<32x2048xf32, #tpu.memory_space<vmem>>) target(%dma_start3A_340 : memref<32x2048xf32, #tpu.memory_space<hbm>>) target_semaphore(%arg9 : memref<!tpu.dma_semaphore, #tpu.memory_space<semaphore_mem>>)
      %dma_wait3A = arith.constant 0 : i32
      %dma_wait3A_341 = arith.constant 71680 : i32
      %dma_wait3A_342 = tpu.memref_slice %arg3[%dma_wait3A, %dma_wait3A_341] : memref<32x262144xf32, #tpu.memory_space<hbm>> -> memref<32x2048xf32, #tpu.memory_space<hbm>>
      %dma_wait3A_343 = arith.constant 0 : i32
      %dma_wait3A_344 = arith.constant 71680 : i32
      %dma_wait3A_345 = tpu.memref_slice %arg3[%dma_wait3A_343, %dma_wait3A_344] : memref<32x262144xf32, #tpu.memory_space<hbm>> -> memref<32x2048xf32, #tpu.memory_space<hbm>>
      tpu.wait_dma2 semaphore(%arg6 : memref<!tpu.dma_semaphore, #tpu.memory_space<semaphore_mem>>) src(%arg4 : memref<32x2048xf32, #tpu.memory_space<vmem>>) dst(%dma_wait3A_345 : memref<32x2048xf32, #tpu.memory_space<hbm>>)
      %dma_wait3A_346 = arith.constant 0 : i32
      %dma_wait3A_347 = arith.constant 88064 : i32
      %dma_wait3A_348 = tpu.memref_slice %arg3[%dma_wait3A_346, %dma_wait3A_347] : memref<32x262144xf32, #tpu.memory_space<hbm>> -> memref<32x2048xf32, #tpu.memory_space<hbm>>
      %dma_wait3A_349 = arith.constant 0 : i32
      %dma_wait3A_350 = arith.constant 88064 : i32
      %dma_wait3A_351 = tpu.memref_slice %arg3[%dma_wait3A_349, %dma_wait3A_350] : memref<32x262144xf32, #tpu.memory_space<hbm>> -> memref<32x2048xf32, #tpu.memory_space<hbm>>
      tpu.wait_dma2 semaphore(%arg7 : memref<!tpu.dma_semaphore, #tpu.memory_space<semaphore_mem>>) src(%arg4 : memref<32x2048xf32, #tpu.memory_space<vmem>>) dst(%dma_wait3A_351 : memref<32x2048xf32, #tpu.memory_space<hbm>>)
      %dma_wait3A_352 = arith.constant 0 : i32
      %dma_wait3A_353 = arith.constant 104448 : i32
      %dma_wait3A_354 = tpu.memref_slice %arg3[%dma_wait3A_352, %dma_wait3A_353] : memref<32x262144xf32, #tpu.memory_space<hbm>> -> memref<32x2048xf32, #tpu.memory_space<hbm>>
      %dma_wait3A_355 = arith.constant 0 : i32
      %dma_wait3A_356 = arith.constant 104448 : i32
      %dma_wait3A_357 = tpu.memref_slice %arg3[%dma_wait3A_355, %dma_wait3A_356] : memref<32x262144xf32, #tpu.memory_space<hbm>> -> memref<32x2048xf32, #tpu.memory_space<hbm>>
      tpu.wait_dma2 semaphore(%arg8 : memref<!tpu.dma_semaphore, #tpu.memory_space<semaphore_mem>>) src(%arg4 : memref<32x2048xf32, #tpu.memory_space<vmem>>) dst(%dma_wait3A_357 : memref<32x2048xf32, #tpu.memory_space<hbm>>)
      %dma_wait3A_358 = arith.constant 0 : i32
      %dma_wait3A_359 = arith.constant 120832 : i32
      %dma_wait3A_360 = tpu.memref_slice %arg3[%dma_wait3A_358, %dma_wait3A_359] : memref<32x262144xf32, #tpu.memory_space<hbm>> -> memref<32x2048xf32, #tpu.memory_space<hbm>>
      %dma_wait3A_361 = arith.constant 0 : i32
      %dma_wait3A_362 = arith.constant 120832 : i32
      %dma_wait3A_363 = tpu.memref_slice %arg3[%dma_wait3A_361, %dma_wait3A_362] : memref<32x262144xf32, #tpu.memory_space<hbm>> -> memref<32x2048xf32, #tpu.memory_space<hbm>>
      tpu.wait_dma2 semaphore(%arg9 : memref<!tpu.dma_semaphore, #tpu.memory_space<semaphore_mem>>) src(%arg4 : memref<32x2048xf32, #tpu.memory_space<vmem>>) dst(%dma_wait3A_363 : memref<32x2048xf32, #tpu.memory_space<hbm>>)
    } else {
    }
    %eq3A_218 = arith.constant 12 : i32
    %eq3A_219 = arith.cmpi eq, %add3A, %eq3A_218 : i32
    %convert_element_type3A_220 = arith.extui %eq3A_219 : i1 to i32
    %cond3A_221 = arith.constant 0 : i32
    %cond3A_222 = arith.cmpi ne, %convert_element_type3A_220, %cond3A_221 : i32
    scf.if %cond3A_222 {
      %dma_start3A = arith.constant 0 : i32
      %dma_start3A_318 = arith.constant 73728 : i32
      %dma_start3A_319 = tpu.memref_slice %arg3[%dma_start3A, %dma_start3A_318] : memref<32x262144xf32, #tpu.memory_space<hbm>> -> memref<32x2048xf32, #tpu.memory_space<hbm>>
      %dma_start3A_320 = arith.constant 0 : i32
      %dma_start3A_321 = arith.constant 73728 : i32
      %dma_start3A_322 = tpu.memref_slice %arg3[%dma_start3A_320, %dma_start3A_321] : memref<32x262144xf32, #tpu.memory_space<hbm>> -> memref<32x2048xf32, #tpu.memory_space<hbm>>
      tpu.enqueue_dma source(%arg4 : memref<32x2048xf32, #tpu.memory_space<vmem>>) target(%dma_start3A_322 : memref<32x2048xf32, #tpu.memory_space<hbm>>) target_semaphore(%arg6 : memref<!tpu.dma_semaphore, #tpu.memory_space<semaphore_mem>>)
      %dma_start3A_323 = arith.constant 0 : i32
      %dma_start3A_324 = arith.constant 90112 : i32
      %dma_start3A_325 = tpu.memref_slice %arg3[%dma_start3A_323, %dma_start3A_324] : memref<32x262144xf32, #tpu.memory_space<hbm>> -> memref<32x2048xf32, #tpu.memory_space<hbm>>
      %dma_start3A_326 = arith.constant 0 : i32
      %dma_start3A_327 = arith.constant 90112 : i32
      %dma_start3A_328 = tpu.memref_slice %arg3[%dma_start3A_326, %dma_start3A_327] : memref<32x262144xf32, #tpu.memory_space<hbm>> -> memref<32x2048xf32, #tpu.memory_space<hbm>>
      tpu.enqueue_dma source(%arg4 : memref<32x2048xf32, #tpu.memory_space<vmem>>) target(%dma_start3A_328 : memref<32x2048xf32, #tpu.memory_space<hbm>>) target_semaphore(%arg7 : memref<!tpu.dma_semaphore, #tpu.memory_space<semaphore_mem>>)
      %dma_start3A_329 = arith.constant 0 : i32
      %dma_start3A_330 = arith.constant 106496 : i32
      %dma_start3A_331 = tpu.memref_slice %arg3[%dma_start3A_329, %dma_start3A_330] : memref<32x262144xf32, #tpu.memory_space<hbm>> -> memref<32x2048xf32, #tpu.memory_space<hbm>>
      %dma_start3A_332 = arith.constant 0 : i32
      %dma_start3A_333 = arith.constant 106496 : i32
      %dma_start3A_334 = tpu.memref_slice %arg3[%dma_start3A_332, %dma_start3A_333] : memref<32x262144xf32, #tpu.memory_space<hbm>> -> memref<32x2048xf32, #tpu.memory_space<hbm>>
      tpu.enqueue_dma source(%arg4 : memref<32x2048xf32, #tpu.memory_space<vmem>>) target(%dma_start3A_334 : memref<32x2048xf32, #tpu.memory_space<hbm>>) target_semaphore(%arg8 : memref<!tpu.dma_semaphore, #tpu.memory_space<semaphore_mem>>)
      %dma_start3A_335 = arith.constant 0 : i32
      %dma_start3A_336 = arith.constant 122880 : i32
      %dma_start3A_337 = tpu.memref_slice %arg3[%dma_start3A_335, %dma_start3A_336] : memref<32x262144xf32, #tpu.memory_space<hbm>> -> memref<32x2048xf32, #tpu.memory_space<hbm>>
      %dma_start3A_338 = arith.constant 0 : i32
      %dma_start3A_339 = arith.constant 122880 : i32
      %dma_start3A_340 = tpu.memref_slice %arg3[%dma_start3A_338, %dma_start3A_339] : memref<32x262144xf32, #tpu.memory_space<hbm>> -> memref<32x2048xf32, #tpu.memory_space<hbm>>
      tpu.enqueue_dma source(%arg4 : memref<32x2048xf32, #tpu.memory_space<vmem>>) target(%dma_start3A_340 : memref<32x2048xf32, #tpu.memory_space<hbm>>) target_semaphore(%arg9 : memref<!tpu.dma_semaphore, #tpu.memory_space<semaphore_mem>>)
      %dma_wait3A = arith.constant 0 : i32
      %dma_wait3A_341 = arith.constant 73728 : i32
      %dma_wait3A_342 = tpu.memref_slice %arg3[%dma_wait3A, %dma_wait3A_341] : memref<32x262144xf32, #tpu.memory_space<hbm>> -> memref<32x2048xf32, #tpu.memory_space<hbm>>
      %dma_wait3A_343 = arith.constant 0 : i32
      %dma_wait3A_344 = arith.constant 73728 : i32
      %dma_wait3A_345 = tpu.memref_slice %arg3[%dma_wait3A_343, %dma_wait3A_344] : memref<32x262144xf32, #tpu.memory_space<hbm>> -> memref<32x2048xf32, #tpu.memory_space<hbm>>
      tpu.wait_dma2 semaphore(%arg6 : memref<!tpu.dma_semaphore, #tpu.memory_space<semaphore_mem>>) src(%arg4 : memref<32x2048xf32, #tpu.memory_space<vmem>>) dst(%dma_wait3A_345 : memref<32x2048xf32, #tpu.memory_space<hbm>>)
      %dma_wait3A_346 = arith.constant 0 : i32
      %dma_wait3A_347 = arith.constant 90112 : i32
      %dma_wait3A_348 = tpu.memref_slice %arg3[%dma_wait3A_346, %dma_wait3A_347] : memref<32x262144xf32, #tpu.memory_space<hbm>> -> memref<32x2048xf32, #tpu.memory_space<hbm>>
      %dma_wait3A_349 = arith.constant 0 : i32
      %dma_wait3A_350 = arith.constant 90112 : i32
      %dma_wait3A_351 = tpu.memref_slice %arg3[%dma_wait3A_349, %dma_wait3A_350] : memref<32x262144xf32, #tpu.memory_space<hbm>> -> memref<32x2048xf32, #tpu.memory_space<hbm>>
      tpu.wait_dma2 semaphore(%arg7 : memref<!tpu.dma_semaphore, #tpu.memory_space<semaphore_mem>>) src(%arg4 : memref<32x2048xf32, #tpu.memory_space<vmem>>) dst(%dma_wait3A_351 : memref<32x2048xf32, #tpu.memory_space<hbm>>)
      %dma_wait3A_352 = arith.constant 0 : i32
      %dma_wait3A_353 = arith.constant 106496 : i32
      %dma_wait3A_354 = tpu.memref_slice %arg3[%dma_wait3A_352, %dma_wait3A_353] : memref<32x262144xf32, #tpu.memory_space<hbm>> -> memref<32x2048xf32, #tpu.memory_space<hbm>>
      %dma_wait3A_355 = arith.constant 0 : i32
      %dma_wait3A_356 = arith.constant 106496 : i32
      %dma_wait3A_357 = tpu.memref_slice %arg3[%dma_wait3A_355, %dma_wait3A_356] : memref<32x262144xf32, #tpu.memory_space<hbm>> -> memref<32x2048xf32, #tpu.memory_space<hbm>>
      tpu.wait_dma2 semaphore(%arg8 : memref<!tpu.dma_semaphore, #tpu.memory_space<semaphore_mem>>) src(%arg4 : memref<32x2048xf32, #tpu.memory_space<vmem>>) dst(%dma_wait3A_357 : memref<32x2048xf32, #tpu.memory_space<hbm>>)
      %dma_wait3A_358 = arith.constant 0 : i32
      %dma_wait3A_359 = arith.constant 122880 : i32
      %dma_wait3A_360 = tpu.memref_slice %arg3[%dma_wait3A_358, %dma_wait3A_359] : memref<32x262144xf32, #tpu.memory_space<hbm>> -> memref<32x2048xf32, #tpu.memory_space<hbm>>
      %dma_wait3A_361 = arith.constant 0 : i32
      %dma_wait3A_362 = arith.constant 122880 : i32
      %dma_wait3A_363 = tpu.memref_slice %arg3[%dma_wait3A_361, %dma_wait3A_362] : memref<32x262144xf32, #tpu.memory_space<hbm>> -> memref<32x2048xf32, #tpu.memory_space<hbm>>
      tpu.wait_dma2 semaphore(%arg9 : memref<!tpu.dma_semaphore, #tpu.memory_space<semaphore_mem>>) src(%arg4 : memref<32x2048xf32, #tpu.memory_space<vmem>>) dst(%dma_wait3A_363 : memref<32x2048xf32, #tpu.memory_space<hbm>>)
    } else {
    }
    %eq3A_223 = arith.constant 13 : i32
    %eq3A_224 = arith.cmpi eq, %add3A, %eq3A_223 : i32
    %convert_element_type3A_225 = arith.extui %eq3A_224 : i1 to i32
    %cond3A_226 = arith.constant 0 : i32
    %cond3A_227 = arith.cmpi ne, %convert_element_type3A_225, %cond3A_226 : i32
    scf.if %cond3A_227 {
      %dma_start3A = arith.constant 0 : i32
      %dma_start3A_318 = arith.constant 75776 : i32
      %dma_start3A_319 = tpu.memref_slice %arg3[%dma_start3A, %dma_start3A_318] : memref<32x262144xf32, #tpu.memory_space<hbm>> -> memref<32x2048xf32, #tpu.memory_space<hbm>>
      %dma_start3A_320 = arith.constant 0 : i32
      %dma_start3A_321 = arith.constant 75776 : i32
      %dma_start3A_322 = tpu.memref_slice %arg3[%dma_start3A_320, %dma_start3A_321] : memref<32x262144xf32, #tpu.memory_space<hbm>> -> memref<32x2048xf32, #tpu.memory_space<hbm>>
      tpu.enqueue_dma source(%arg4 : memref<32x2048xf32, #tpu.memory_space<vmem>>) target(%dma_start3A_322 : memref<32x2048xf32, #tpu.memory_space<hbm>>) target_semaphore(%arg6 : memref<!tpu.dma_semaphore, #tpu.memory_space<semaphore_mem>>)
      %dma_start3A_323 = arith.constant 0 : i32
      %dma_start3A_324 = arith.constant 92160 : i32
      %dma_start3A_325 = tpu.memref_slice %arg3[%dma_start3A_323, %dma_start3A_324] : memref<32x262144xf32, #tpu.memory_space<hbm>> -> memref<32x2048xf32, #tpu.memory_space<hbm>>
      %dma_start3A_326 = arith.constant 0 : i32
      %dma_start3A_327 = arith.constant 92160 : i32
      %dma_start3A_328 = tpu.memref_slice %arg3[%dma_start3A_326, %dma_start3A_327] : memref<32x262144xf32, #tpu.memory_space<hbm>> -> memref<32x2048xf32, #tpu.memory_space<hbm>>
      tpu.enqueue_dma source(%arg4 : memref<32x2048xf32, #tpu.memory_space<vmem>>) target(%dma_start3A_328 : memref<32x2048xf32, #tpu.memory_space<hbm>>) target_semaphore(%arg7 : memref<!tpu.dma_semaphore, #tpu.memory_space<semaphore_mem>>)
      %dma_start3A_329 = arith.constant 0 : i32
      %dma_start3A_330 = arith.constant 108544 : i32
      %dma_start3A_331 = tpu.memref_slice %arg3[%dma_start3A_329, %dma_start3A_330] : memref<32x262144xf32, #tpu.memory_space<hbm>> -> memref<32x2048xf32, #tpu.memory_space<hbm>>
      %dma_start3A_332 = arith.constant 0 : i32
      %dma_start3A_333 = arith.constant 108544 : i32
      %dma_start3A_334 = tpu.memref_slice %arg3[%dma_start3A_332, %dma_start3A_333] : memref<32x262144xf32, #tpu.memory_space<hbm>> -> memref<32x2048xf32, #tpu.memory_space<hbm>>
      tpu.enqueue_dma source(%arg4 : memref<32x2048xf32, #tpu.memory_space<vmem>>) target(%dma_start3A_334 : memref<32x2048xf32, #tpu.memory_space<hbm>>) target_semaphore(%arg8 : memref<!tpu.dma_semaphore, #tpu.memory_space<semaphore_mem>>)
      %dma_start3A_335 = arith.constant 0 : i32
      %dma_start3A_336 = arith.constant 124928 : i32
      %dma_start3A_337 = tpu.memref_slice %arg3[%dma_start3A_335, %dma_start3A_336] : memref<32x262144xf32, #tpu.memory_space<hbm>> -> memref<32x2048xf32, #tpu.memory_space<hbm>>
      %dma_start3A_338 = arith.constant 0 : i32
      %dma_start3A_339 = arith.constant 124928 : i32
      %dma_start3A_340 = tpu.memref_slice %arg3[%dma_start3A_338, %dma_start3A_339] : memref<32x262144xf32, #tpu.memory_space<hbm>> -> memref<32x2048xf32, #tpu.memory_space<hbm>>
      tpu.enqueue_dma source(%arg4 : memref<32x2048xf32, #tpu.memory_space<vmem>>) target(%dma_start3A_340 : memref<32x2048xf32, #tpu.memory_space<hbm>>) target_semaphore(%arg9 : memref<!tpu.dma_semaphore, #tpu.memory_space<semaphore_mem>>)
      %dma_wait3A = arith.constant 0 : i32
      %dma_wait3A_341 = arith.constant 75776 : i32
      %dma_wait3A_342 = tpu.memref_slice %arg3[%dma_wait3A, %dma_wait3A_341] : memref<32x262144xf32, #tpu.memory_space<hbm>> -> memref<32x2048xf32, #tpu.memory_space<hbm>>
      %dma_wait3A_343 = arith.constant 0 : i32
      %dma_wait3A_344 = arith.constant 75776 : i32
      %dma_wait3A_345 = tpu.memref_slice %arg3[%dma_wait3A_343, %dma_wait3A_344] : memref<32x262144xf32, #tpu.memory_space<hbm>> -> memref<32x2048xf32, #tpu.memory_space<hbm>>
      tpu.wait_dma2 semaphore(%arg6 : memref<!tpu.dma_semaphore, #tpu.memory_space<semaphore_mem>>) src(%arg4 : memref<32x2048xf32, #tpu.memory_space<vmem>>) dst(%dma_wait3A_345 : memref<32x2048xf32, #tpu.memory_space<hbm>>)
      %dma_wait3A_346 = arith.constant 0 : i32
      %dma_wait3A_347 = arith.constant 92160 : i32
      %dma_wait3A_348 = tpu.memref_slice %arg3[%dma_wait3A_346, %dma_wait3A_347] : memref<32x262144xf32, #tpu.memory_space<hbm>> -> memref<32x2048xf32, #tpu.memory_space<hbm>>
      %dma_wait3A_349 = arith.constant 0 : i32
      %dma_wait3A_350 = arith.constant 92160 : i32
      %dma_wait3A_351 = tpu.memref_slice %arg3[%dma_wait3A_349, %dma_wait3A_350] : memref<32x262144xf32, #tpu.memory_space<hbm>> -> memref<32x2048xf32, #tpu.memory_space<hbm>>
      tpu.wait_dma2 semaphore(%arg7 : memref<!tpu.dma_semaphore, #tpu.memory_space<semaphore_mem>>) src(%arg4 : memref<32x2048xf32, #tpu.memory_space<vmem>>) dst(%dma_wait3A_351 : memref<32x2048xf32, #tpu.memory_space<hbm>>)
      %dma_wait3A_352 = arith.constant 0 : i32
      %dma_wait3A_353 = arith.constant 108544 : i32
      %dma_wait3A_354 = tpu.memref_slice %arg3[%dma_wait3A_352, %dma_wait3A_353] : memref<32x262144xf32, #tpu.memory_space<hbm>> -> memref<32x2048xf32, #tpu.memory_space<hbm>>
      %dma_wait3A_355 = arith.constant 0 : i32
      %dma_wait3A_356 = arith.constant 108544 : i32
      %dma_wait3A_357 = tpu.memref_slice %arg3[%dma_wait3A_355, %dma_wait3A_356] : memref<32x262144xf32, #tpu.memory_space<hbm>> -> memref<32x2048xf32, #tpu.memory_space<hbm>>
      tpu.wait_dma2 semaphore(%arg8 : memref<!tpu.dma_semaphore, #tpu.memory_space<semaphore_mem>>) src(%arg4 : memref<32x2048xf32, #tpu.memory_space<vmem>>) dst(%dma_wait3A_357 : memref<32x2048xf32, #tpu.memory_space<hbm>>)
      %dma_wait3A_358 = arith.constant 0 : i32
      %dma_wait3A_359 = arith.constant 124928 : i32
      %dma_wait3A_360 = tpu.memref_slice %arg3[%dma_wait3A_358, %dma_wait3A_359] : memref<32x262144xf32, #tpu.memory_space<hbm>> -> memref<32x2048xf32, #tpu.memory_space<hbm>>
      %dma_wait3A_361 = arith.constant 0 : i32
      %dma_wait3A_362 = arith.constant 124928 : i32
      %dma_wait3A_363 = tpu.memref_slice %arg3[%dma_wait3A_361, %dma_wait3A_362] : memref<32x262144xf32, #tpu.memory_space<hbm>> -> memref<32x2048xf32, #tpu.memory_space<hbm>>
      tpu.wait_dma2 semaphore(%arg9 : memref<!tpu.dma_semaphore, #tpu.memory_space<semaphore_mem>>) src(%arg4 : memref<32x2048xf32, #tpu.memory_space<vmem>>) dst(%dma_wait3A_363 : memref<32x2048xf32, #tpu.memory_space<hbm>>)
    } else {
    }
    %eq3A_228 = arith.constant 14 : i32
    %eq3A_229 = arith.cmpi eq, %add3A, %eq3A_228 : i32
    %convert_element_type3A_230 = arith.extui %eq3A_229 : i1 to i32
    %cond3A_231 = arith.constant 0 : i32
    %cond3A_232 = arith.cmpi ne, %convert_element_type3A_230, %cond3A_231 : i32
    scf.if %cond3A_232 {
      %dma_start3A = arith.constant 0 : i32
      %dma_start3A_318 = arith.constant 77824 : i32
      %dma_start3A_319 = tpu.memref_slice %arg3[%dma_start3A, %dma_start3A_318] : memref<32x262144xf32, #tpu.memory_space<hbm>> -> memref<32x2048xf32, #tpu.memory_space<hbm>>
      %dma_start3A_320 = arith.constant 0 : i32
      %dma_start3A_321 = arith.constant 77824 : i32
      %dma_start3A_322 = tpu.memref_slice %arg3[%dma_start3A_320, %dma_start3A_321] : memref<32x262144xf32, #tpu.memory_space<hbm>> -> memref<32x2048xf32, #tpu.memory_space<hbm>>
      tpu.enqueue_dma source(%arg4 : memref<32x2048xf32, #tpu.memory_space<vmem>>) target(%dma_start3A_322 : memref<32x2048xf32, #tpu.memory_space<hbm>>) target_semaphore(%arg6 : memref<!tpu.dma_semaphore, #tpu.memory_space<semaphore_mem>>)
      %dma_start3A_323 = arith.constant 0 : i32
      %dma_start3A_324 = arith.constant 94208 : i32
      %dma_start3A_325 = tpu.memref_slice %arg3[%dma_start3A_323, %dma_start3A_324] : memref<32x262144xf32, #tpu.memory_space<hbm>> -> memref<32x2048xf32, #tpu.memory_space<hbm>>
      %dma_start3A_326 = arith.constant 0 : i32
      %dma_start3A_327 = arith.constant 94208 : i32
      %dma_start3A_328 = tpu.memref_slice %arg3[%dma_start3A_326, %dma_start3A_327] : memref<32x262144xf32, #tpu.memory_space<hbm>> -> memref<32x2048xf32, #tpu.memory_space<hbm>>
      tpu.enqueue_dma source(%arg4 : memref<32x2048xf32, #tpu.memory_space<vmem>>) target(%dma_start3A_328 : memref<32x2048xf32, #tpu.memory_space<hbm>>) target_semaphore(%arg7 : memref<!tpu.dma_semaphore, #tpu.memory_space<semaphore_mem>>)
      %dma_start3A_329 = arith.constant 0 : i32
      %dma_start3A_330 = arith.constant 110592 : i32
      %dma_start3A_331 = tpu.memref_slice %arg3[%dma_start3A_329, %dma_start3A_330] : memref<32x262144xf32, #tpu.memory_space<hbm>> -> memref<32x2048xf32, #tpu.memory_space<hbm>>
      %dma_start3A_332 = arith.constant 0 : i32
      %dma_start3A_333 = arith.constant 110592 : i32
      %dma_start3A_334 = tpu.memref_slice %arg3[%dma_start3A_332, %dma_start3A_333] : memref<32x262144xf32, #tpu.memory_space<hbm>> -> memref<32x2048xf32, #tpu.memory_space<hbm>>
      tpu.enqueue_dma source(%arg4 : memref<32x2048xf32, #tpu.memory_space<vmem>>) target(%dma_start3A_334 : memref<32x2048xf32, #tpu.memory_space<hbm>>) target_semaphore(%arg8 : memref<!tpu.dma_semaphore, #tpu.memory_space<semaphore_mem>>)
      %dma_start3A_335 = arith.constant 0 : i32
      %dma_start3A_336 = arith.constant 126976 : i32
      %dma_start3A_337 = tpu.memref_slice %arg3[%dma_start3A_335, %dma_start3A_336] : memref<32x262144xf32, #tpu.memory_space<hbm>> -> memref<32x2048xf32, #tpu.memory_space<hbm>>
      %dma_start3A_338 = arith.constant 0 : i32
      %dma_start3A_339 = arith.constant 126976 : i32
      %dma_start3A_340 = tpu.memref_slice %arg3[%dma_start3A_338, %dma_start3A_339] : memref<32x262144xf32, #tpu.memory_space<hbm>> -> memref<32x2048xf32, #tpu.memory_space<hbm>>
      tpu.enqueue_dma source(%arg4 : memref<32x2048xf32, #tpu.memory_space<vmem>>) target(%dma_start3A_340 : memref<32x2048xf32, #tpu.memory_space<hbm>>) target_semaphore(%arg9 : memref<!tpu.dma_semaphore, #tpu.memory_space<semaphore_mem>>)
      %dma_wait3A = arith.constant 0 : i32
      %dma_wait3A_341 = arith.constant 77824 : i32
      %dma_wait3A_342 = tpu.memref_slice %arg3[%dma_wait3A, %dma_wait3A_341] : memref<32x262144xf32, #tpu.memory_space<hbm>> -> memref<32x2048xf32, #tpu.memory_space<hbm>>
      %dma_wait3A_343 = arith.constant 0 : i32
      %dma_wait3A_344 = arith.constant 77824 : i32
      %dma_wait3A_345 = tpu.memref_slice %arg3[%dma_wait3A_343, %dma_wait3A_344] : memref<32x262144xf32, #tpu.memory_space<hbm>> -> memref<32x2048xf32, #tpu.memory_space<hbm>>
      tpu.wait_dma2 semaphore(%arg6 : memref<!tpu.dma_semaphore, #tpu.memory_space<semaphore_mem>>) src(%arg4 : memref<32x2048xf32, #tpu.memory_space<vmem>>) dst(%dma_wait3A_345 : memref<32x2048xf32, #tpu.memory_space<hbm>>)
      %dma_wait3A_346 = arith.constant 0 : i32
      %dma_wait3A_347 = arith.constant 94208 : i32
      %dma_wait3A_348 = tpu.memref_slice %arg3[%dma_wait3A_346, %dma_wait3A_347] : memref<32x262144xf32, #tpu.memory_space<hbm>> -> memref<32x2048xf32, #tpu.memory_space<hbm>>
      %dma_wait3A_349 = arith.constant 0 : i32
      %dma_wait3A_350 = arith.constant 94208 : i32
      %dma_wait3A_351 = tpu.memref_slice %arg3[%dma_wait3A_349, %dma_wait3A_350] : memref<32x262144xf32, #tpu.memory_space<hbm>> -> memref<32x2048xf32, #tpu.memory_space<hbm>>
      tpu.wait_dma2 semaphore(%arg7 : memref<!tpu.dma_semaphore, #tpu.memory_space<semaphore_mem>>) src(%arg4 : memref<32x2048xf32, #tpu.memory_space<vmem>>) dst(%dma_wait3A_351 : memref<32x2048xf32, #tpu.memory_space<hbm>>)
      %dma_wait3A_352 = arith.constant 0 : i32
      %dma_wait3A_353 = arith.constant 110592 : i32
      %dma_wait3A_354 = tpu.memref_slice %arg3[%dma_wait3A_352, %dma_wait3A_353] : memref<32x262144xf32, #tpu.memory_space<hbm>> -> memref<32x2048xf32, #tpu.memory_space<hbm>>
      %dma_wait3A_355 = arith.constant 0 : i32
      %dma_wait3A_356 = arith.constant 110592 : i32
      %dma_wait3A_357 = tpu.memref_slice %arg3[%dma_wait3A_355, %dma_wait3A_356] : memref<32x262144xf32, #tpu.memory_space<hbm>> -> memref<32x2048xf32, #tpu.memory_space<hbm>>
      tpu.wait_dma2 semaphore(%arg8 : memref<!tpu.dma_semaphore, #tpu.memory_space<semaphore_mem>>) src(%arg4 : memref<32x2048xf32, #tpu.memory_space<vmem>>) dst(%dma_wait3A_357 : memref<32x2048xf32, #tpu.memory_space<hbm>>)
      %dma_wait3A_358 = arith.constant 0 : i32
      %dma_wait3A_359 = arith.constant 126976 : i32
      %dma_wait3A_360 = tpu.memref_slice %arg3[%dma_wait3A_358, %dma_wait3A_359] : memref<32x262144xf32, #tpu.memory_space<hbm>> -> memref<32x2048xf32, #tpu.memory_space<hbm>>
      %dma_wait3A_361 = arith.constant 0 : i32
      %dma_wait3A_362 = arith.constant 126976 : i32
      %dma_wait3A_363 = tpu.memref_slice %arg3[%dma_wait3A_361, %dma_wait3A_362] : memref<32x262144xf32, #tpu.memory_space<hbm>> -> memref<32x2048xf32, #tpu.memory_space<hbm>>
      tpu.wait_dma2 semaphore(%arg9 : memref<!tpu.dma_semaphore, #tpu.memory_space<semaphore_mem>>) src(%arg4 : memref<32x2048xf32, #tpu.memory_space<vmem>>) dst(%dma_wait3A_363 : memref<32x2048xf32, #tpu.memory_space<hbm>>)
    } else {
    }
    %eq3A_233 = arith.constant 15 : i32
    %eq3A_234 = arith.cmpi eq, %add3A, %eq3A_233 : i32
    %convert_element_type3A_235 = arith.extui %eq3A_234 : i1 to i32
    %cond3A_236 = arith.constant 0 : i32
    %cond3A_237 = arith.cmpi ne, %convert_element_type3A_235, %cond3A_236 : i32
    scf.if %cond3A_237 {
      %dma_start3A = arith.constant 0 : i32
      %dma_start3A_318 = arith.constant 79872 : i32
      %dma_start3A_319 = tpu.memref_slice %arg3[%dma_start3A, %dma_start3A_318] : memref<32x262144xf32, #tpu.memory_space<hbm>> -> memref<32x2048xf32, #tpu.memory_space<hbm>>
      %dma_start3A_320 = arith.constant 0 : i32
      %dma_start3A_321 = arith.constant 79872 : i32
      %dma_start3A_322 = tpu.memref_slice %arg3[%dma_start3A_320, %dma_start3A_321] : memref<32x262144xf32, #tpu.memory_space<hbm>> -> memref<32x2048xf32, #tpu.memory_space<hbm>>
      tpu.enqueue_dma source(%arg4 : memref<32x2048xf32, #tpu.memory_space<vmem>>) target(%dma_start3A_322 : memref<32x2048xf32, #tpu.memory_space<hbm>>) target_semaphore(%arg6 : memref<!tpu.dma_semaphore, #tpu.memory_space<semaphore_mem>>)
      %dma_start3A_323 = arith.constant 0 : i32
      %dma_start3A_324 = arith.constant 96256 : i32
      %dma_start3A_325 = tpu.memref_slice %arg3[%dma_start3A_323, %dma_start3A_324] : memref<32x262144xf32, #tpu.memory_space<hbm>> -> memref<32x2048xf32, #tpu.memory_space<hbm>>
      %dma_start3A_326 = arith.constant 0 : i32
      %dma_start3A_327 = arith.constant 96256 : i32
      %dma_start3A_328 = tpu.memref_slice %arg3[%dma_start3A_326, %dma_start3A_327] : memref<32x262144xf32, #tpu.memory_space<hbm>> -> memref<32x2048xf32, #tpu.memory_space<hbm>>
      tpu.enqueue_dma source(%arg4 : memref<32x2048xf32, #tpu.memory_space<vmem>>) target(%dma_start3A_328 : memref<32x2048xf32, #tpu.memory_space<hbm>>) target_semaphore(%arg7 : memref<!tpu.dma_semaphore, #tpu.memory_space<semaphore_mem>>)
      %dma_start3A_329 = arith.constant 0 : i32
      %dma_start3A_330 = arith.constant 112640 : i32
      %dma_start3A_331 = tpu.memref_slice %arg3[%dma_start3A_329, %dma_start3A_330] : memref<32x262144xf32, #tpu.memory_space<hbm>> -> memref<32x2048xf32, #tpu.memory_space<hbm>>
      %dma_start3A_332 = arith.constant 0 : i32
      %dma_start3A_333 = arith.constant 112640 : i32
      %dma_start3A_334 = tpu.memref_slice %arg3[%dma_start3A_332, %dma_start3A_333] : memref<32x262144xf32, #tpu.memory_space<hbm>> -> memref<32x2048xf32, #tpu.memory_space<hbm>>
      tpu.enqueue_dma source(%arg4 : memref<32x2048xf32, #tpu.memory_space<vmem>>) target(%dma_start3A_334 : memref<32x2048xf32, #tpu.memory_space<hbm>>) target_semaphore(%arg8 : memref<!tpu.dma_semaphore, #tpu.memory_space<semaphore_mem>>)
      %dma_start3A_335 = arith.constant 0 : i32
      %dma_start3A_336 = arith.constant 129024 : i32
      %dma_start3A_337 = tpu.memref_slice %arg3[%dma_start3A_335, %dma_start3A_336] : memref<32x262144xf32, #tpu.memory_space<hbm>> -> memref<32x2048xf32, #tpu.memory_space<hbm>>
      %dma_start3A_338 = arith.constant 0 : i32
      %dma_start3A_339 = arith.constant 129024 : i32
      %dma_start3A_340 = tpu.memref_slice %arg3[%dma_start3A_338, %dma_start3A_339] : memref<32x262144xf32, #tpu.memory_space<hbm>> -> memref<32x2048xf32, #tpu.memory_space<hbm>>
      tpu.enqueue_dma source(%arg4 : memref<32x2048xf32, #tpu.memory_space<vmem>>) target(%dma_start3A_340 : memref<32x2048xf32, #tpu.memory_space<hbm>>) target_semaphore(%arg9 : memref<!tpu.dma_semaphore, #tpu.memory_space<semaphore_mem>>)
      %dma_wait3A = arith.constant 0 : i32
      %dma_wait3A_341 = arith.constant 79872 : i32
      %dma_wait3A_342 = tpu.memref_slice %arg3[%dma_wait3A, %dma_wait3A_341] : memref<32x262144xf32, #tpu.memory_space<hbm>> -> memref<32x2048xf32, #tpu.memory_space<hbm>>
      %dma_wait3A_343 = arith.constant 0 : i32
      %dma_wait3A_344 = arith.constant 79872 : i32
      %dma_wait3A_345 = tpu.memref_slice %arg3[%dma_wait3A_343, %dma_wait3A_344] : memref<32x262144xf32, #tpu.memory_space<hbm>> -> memref<32x2048xf32, #tpu.memory_space<hbm>>
      tpu.wait_dma2 semaphore(%arg6 : memref<!tpu.dma_semaphore, #tpu.memory_space<semaphore_mem>>) src(%arg4 : memref<32x2048xf32, #tpu.memory_space<vmem>>) dst(%dma_wait3A_345 : memref<32x2048xf32, #tpu.memory_space<hbm>>)
      %dma_wait3A_346 = arith.constant 0 : i32
      %dma_wait3A_347 = arith.constant 96256 : i32
      %dma_wait3A_348 = tpu.memref_slice %arg3[%dma_wait3A_346, %dma_wait3A_347] : memref<32x262144xf32, #tpu.memory_space<hbm>> -> memref<32x2048xf32, #tpu.memory_space<hbm>>
      %dma_wait3A_349 = arith.constant 0 : i32
      %dma_wait3A_350 = arith.constant 96256 : i32
      %dma_wait3A_351 = tpu.memref_slice %arg3[%dma_wait3A_349, %dma_wait3A_350] : memref<32x262144xf32, #tpu.memory_space<hbm>> -> memref<32x2048xf32, #tpu.memory_space<hbm>>
      tpu.wait_dma2 semaphore(%arg7 : memref<!tpu.dma_semaphore, #tpu.memory_space<semaphore_mem>>) src(%arg4 : memref<32x2048xf32, #tpu.memory_space<vmem>>) dst(%dma_wait3A_351 : memref<32x2048xf32, #tpu.memory_space<hbm>>)
      %dma_wait3A_352 = arith.constant 0 : i32
      %dma_wait3A_353 = arith.constant 112640 : i32
      %dma_wait3A_354 = tpu.memref_slice %arg3[%dma_wait3A_352, %dma_wait3A_353] : memref<32x262144xf32, #tpu.memory_space<hbm>> -> memref<32x2048xf32, #tpu.memory_space<hbm>>
      %dma_wait3A_355 = arith.constant 0 : i32
      %dma_wait3A_356 = arith.constant 112640 : i32
      %dma_wait3A_357 = tpu.memref_slice %arg3[%dma_wait3A_355, %dma_wait3A_356] : memref<32x262144xf32, #tpu.memory_space<hbm>> -> memref<32x2048xf32, #tpu.memory_space<hbm>>
      tpu.wait_dma2 semaphore(%arg8 : memref<!tpu.dma_semaphore, #tpu.memory_space<semaphore_mem>>) src(%arg4 : memref<32x2048xf32, #tpu.memory_space<vmem>>) dst(%dma_wait3A_357 : memref<32x2048xf32, #tpu.memory_space<hbm>>)
      %dma_wait3A_358 = arith.constant 0 : i32
      %dma_wait3A_359 = arith.constant 129024 : i32
      %dma_wait3A_360 = tpu.memref_slice %arg3[%dma_wait3A_358, %dma_wait3A_359] : memref<32x262144xf32, #tpu.memory_space<hbm>> -> memref<32x2048xf32, #tpu.memory_space<hbm>>
      %dma_wait3A_361 = arith.constant 0 : i32
      %dma_wait3A_362 = arith.constant 129024 : i32
      %dma_wait3A_363 = tpu.memref_slice %arg3[%dma_wait3A_361, %dma_wait3A_362] : memref<32x262144xf32, #tpu.memory_space<hbm>> -> memref<32x2048xf32, #tpu.memory_space<hbm>>
      tpu.wait_dma2 semaphore(%arg9 : memref<!tpu.dma_semaphore, #tpu.memory_space<semaphore_mem>>) src(%arg4 : memref<32x2048xf32, #tpu.memory_space<vmem>>) dst(%dma_wait3A_363 : memref<32x2048xf32, #tpu.memory_space<hbm>>)
    } else {
    }
    %eq3A_238 = arith.constant 16 : i32
    %eq3A_239 = arith.cmpi eq, %add3A, %eq3A_238 : i32
    %convert_element_type3A_240 = arith.extui %eq3A_239 : i1 to i32
    %cond3A_241 = arith.constant 0 : i32
    %cond3A_242 = arith.cmpi ne, %convert_element_type3A_240, %cond3A_241 : i32
    scf.if %cond3A_242 {
      %dma_start3A = arith.constant 0 : i32
      %dma_start3A_318 = arith.constant 131072 : i32
      %dma_start3A_319 = tpu.memref_slice %arg3[%dma_start3A, %dma_start3A_318] : memref<32x262144xf32, #tpu.memory_space<hbm>> -> memref<32x2048xf32, #tpu.memory_space<hbm>>
      %dma_start3A_320 = arith.constant 0 : i32
      %dma_start3A_321 = arith.constant 131072 : i32
      %dma_start3A_322 = tpu.memref_slice %arg3[%dma_start3A_320, %dma_start3A_321] : memref<32x262144xf32, #tpu.memory_space<hbm>> -> memref<32x2048xf32, #tpu.memory_space<hbm>>
      tpu.enqueue_dma source(%arg4 : memref<32x2048xf32, #tpu.memory_space<vmem>>) target(%dma_start3A_322 : memref<32x2048xf32, #tpu.memory_space<hbm>>) target_semaphore(%arg6 : memref<!tpu.dma_semaphore, #tpu.memory_space<semaphore_mem>>)
      %dma_start3A_323 = arith.constant 0 : i32
      %dma_start3A_324 = arith.constant 147456 : i32
      %dma_start3A_325 = tpu.memref_slice %arg3[%dma_start3A_323, %dma_start3A_324] : memref<32x262144xf32, #tpu.memory_space<hbm>> -> memref<32x2048xf32, #tpu.memory_space<hbm>>
      %dma_start3A_326 = arith.constant 0 : i32
      %dma_start3A_327 = arith.constant 147456 : i32
      %dma_start3A_328 = tpu.memref_slice %arg3[%dma_start3A_326, %dma_start3A_327] : memref<32x262144xf32, #tpu.memory_space<hbm>> -> memref<32x2048xf32, #tpu.memory_space<hbm>>
      tpu.enqueue_dma source(%arg4 : memref<32x2048xf32, #tpu.memory_space<vmem>>) target(%dma_start3A_328 : memref<32x2048xf32, #tpu.memory_space<hbm>>) target_semaphore(%arg7 : memref<!tpu.dma_semaphore, #tpu.memory_space<semaphore_mem>>)
      %dma_start3A_329 = arith.constant 0 : i32
      %dma_start3A_330 = arith.constant 163840 : i32
      %dma_start3A_331 = tpu.memref_slice %arg3[%dma_start3A_329, %dma_start3A_330] : memref<32x262144xf32, #tpu.memory_space<hbm>> -> memref<32x2048xf32, #tpu.memory_space<hbm>>
      %dma_start3A_332 = arith.constant 0 : i32
      %dma_start3A_333 = arith.constant 163840 : i32
      %dma_start3A_334 = tpu.memref_slice %arg3[%dma_start3A_332, %dma_start3A_333] : memref<32x262144xf32, #tpu.memory_space<hbm>> -> memref<32x2048xf32, #tpu.memory_space<hbm>>
      tpu.enqueue_dma source(%arg4 : memref<32x2048xf32, #tpu.memory_space<vmem>>) target(%dma_start3A_334 : memref<32x2048xf32, #tpu.memory_space<hbm>>) target_semaphore(%arg8 : memref<!tpu.dma_semaphore, #tpu.memory_space<semaphore_mem>>)
      %dma_start3A_335 = arith.constant 0 : i32
      %dma_start3A_336 = arith.constant 180224 : i32
      %dma_start3A_337 = tpu.memref_slice %arg3[%dma_start3A_335, %dma_start3A_336] : memref<32x262144xf32, #tpu.memory_space<hbm>> -> memref<32x2048xf32, #tpu.memory_space<hbm>>
      %dma_start3A_338 = arith.constant 0 : i32
      %dma_start3A_339 = arith.constant 180224 : i32
      %dma_start3A_340 = tpu.memref_slice %arg3[%dma_start3A_338, %dma_start3A_339] : memref<32x262144xf32, #tpu.memory_space<hbm>> -> memref<32x2048xf32, #tpu.memory_space<hbm>>
      tpu.enqueue_dma source(%arg4 : memref<32x2048xf32, #tpu.memory_space<vmem>>) target(%dma_start3A_340 : memref<32x2048xf32, #tpu.memory_space<hbm>>) target_semaphore(%arg9 : memref<!tpu.dma_semaphore, #tpu.memory_space<semaphore_mem>>)
      %dma_wait3A = arith.constant 0 : i32
      %dma_wait3A_341 = arith.constant 131072 : i32
      %dma_wait3A_342 = tpu.memref_slice %arg3[%dma_wait3A, %dma_wait3A_341] : memref<32x262144xf32, #tpu.memory_space<hbm>> -> memref<32x2048xf32, #tpu.memory_space<hbm>>
      %dma_wait3A_343 = arith.constant 0 : i32
      %dma_wait3A_344 = arith.constant 131072 : i32
      %dma_wait3A_345 = tpu.memref_slice %arg3[%dma_wait3A_343, %dma_wait3A_344] : memref<32x262144xf32, #tpu.memory_space<hbm>> -> memref<32x2048xf32, #tpu.memory_space<hbm>>
      tpu.wait_dma2 semaphore(%arg6 : memref<!tpu.dma_semaphore, #tpu.memory_space<semaphore_mem>>) src(%arg4 : memref<32x2048xf32, #tpu.memory_space<vmem>>) dst(%dma_wait3A_345 : memref<32x2048xf32, #tpu.memory_space<hbm>>)
      %dma_wait3A_346 = arith.constant 0 : i32
      %dma_wait3A_347 = arith.constant 147456 : i32
      %dma_wait3A_348 = tpu.memref_slice %arg3[%dma_wait3A_346, %dma_wait3A_347] : memref<32x262144xf32, #tpu.memory_space<hbm>> -> memref<32x2048xf32, #tpu.memory_space<hbm>>
      %dma_wait3A_349 = arith.constant 0 : i32
      %dma_wait3A_350 = arith.constant 147456 : i32
      %dma_wait3A_351 = tpu.memref_slice %arg3[%dma_wait3A_349, %dma_wait3A_350] : memref<32x262144xf32, #tpu.memory_space<hbm>> -> memref<32x2048xf32, #tpu.memory_space<hbm>>
      tpu.wait_dma2 semaphore(%arg7 : memref<!tpu.dma_semaphore, #tpu.memory_space<semaphore_mem>>) src(%arg4 : memref<32x2048xf32, #tpu.memory_space<vmem>>) dst(%dma_wait3A_351 : memref<32x2048xf32, #tpu.memory_space<hbm>>)
      %dma_wait3A_352 = arith.constant 0 : i32
      %dma_wait3A_353 = arith.constant 163840 : i32
      %dma_wait3A_354 = tpu.memref_slice %arg3[%dma_wait3A_352, %dma_wait3A_353] : memref<32x262144xf32, #tpu.memory_space<hbm>> -> memref<32x2048xf32, #tpu.memory_space<hbm>>
      %dma_wait3A_355 = arith.constant 0 : i32
      %dma_wait3A_356 = arith.constant 163840 : i32
      %dma_wait3A_357 = tpu.memref_slice %arg3[%dma_wait3A_355, %dma_wait3A_356] : memref<32x262144xf32, #tpu.memory_space<hbm>> -> memref<32x2048xf32, #tpu.memory_space<hbm>>
      tpu.wait_dma2 semaphore(%arg8 : memref<!tpu.dma_semaphore, #tpu.memory_space<semaphore_mem>>) src(%arg4 : memref<32x2048xf32, #tpu.memory_space<vmem>>) dst(%dma_wait3A_357 : memref<32x2048xf32, #tpu.memory_space<hbm>>)
      %dma_wait3A_358 = arith.constant 0 : i32
      %dma_wait3A_359 = arith.constant 180224 : i32
      %dma_wait3A_360 = tpu.memref_slice %arg3[%dma_wait3A_358, %dma_wait3A_359] : memref<32x262144xf32, #tpu.memory_space<hbm>> -> memref<32x2048xf32, #tpu.memory_space<hbm>>
      %dma_wait3A_361 = arith.constant 0 : i32
      %dma_wait3A_362 = arith.constant 180224 : i32
      %dma_wait3A_363 = tpu.memref_slice %arg3[%dma_wait3A_361, %dma_wait3A_362] : memref<32x262144xf32, #tpu.memory_space<hbm>> -> memref<32x2048xf32, #tpu.memory_space<hbm>>
      tpu.wait_dma2 semaphore(%arg9 : memref<!tpu.dma_semaphore, #tpu.memory_space<semaphore_mem>>) src(%arg4 : memref<32x2048xf32, #tpu.memory_space<vmem>>) dst(%dma_wait3A_363 : memref<32x2048xf32, #tpu.memory_space<hbm>>)
    } else {
    }
    %eq3A_243 = arith.constant 17 : i32
    %eq3A_244 = arith.cmpi eq, %add3A, %eq3A_243 : i32
    %convert_element_type3A_245 = arith.extui %eq3A_244 : i1 to i32
    %cond3A_246 = arith.constant 0 : i32
    %cond3A_247 = arith.cmpi ne, %convert_element_type3A_245, %cond3A_246 : i32
    scf.if %cond3A_247 {
      %dma_start3A = arith.constant 0 : i32
      %dma_start3A_318 = arith.constant 133120 : i32
      %dma_start3A_319 = tpu.memref_slice %arg3[%dma_start3A, %dma_start3A_318] : memref<32x262144xf32, #tpu.memory_space<hbm>> -> memref<32x2048xf32, #tpu.memory_space<hbm>>
      %dma_start3A_320 = arith.constant 0 : i32
      %dma_start3A_321 = arith.constant 133120 : i32
      %dma_start3A_322 = tpu.memref_slice %arg3[%dma_start3A_320, %dma_start3A_321] : memref<32x262144xf32, #tpu.memory_space<hbm>> -> memref<32x2048xf32, #tpu.memory_space<hbm>>
      tpu.enqueue_dma source(%arg4 : memref<32x2048xf32, #tpu.memory_space<vmem>>) target(%dma_start3A_322 : memref<32x2048xf32, #tpu.memory_space<hbm>>) target_semaphore(%arg6 : memref<!tpu.dma_semaphore, #tpu.memory_space<semaphore_mem>>)
      %dma_start3A_323 = arith.constant 0 : i32
      %dma_start3A_324 = arith.constant 149504 : i32
      %dma_start3A_325 = tpu.memref_slice %arg3[%dma_start3A_323, %dma_start3A_324] : memref<32x262144xf32, #tpu.memory_space<hbm>> -> memref<32x2048xf32, #tpu.memory_space<hbm>>
      %dma_start3A_326 = arith.constant 0 : i32
      %dma_start3A_327 = arith.constant 149504 : i32
      %dma_start3A_328 = tpu.memref_slice %arg3[%dma_start3A_326, %dma_start3A_327] : memref<32x262144xf32, #tpu.memory_space<hbm>> -> memref<32x2048xf32, #tpu.memory_space<hbm>>
      tpu.enqueue_dma source(%arg4 : memref<32x2048xf32, #tpu.memory_space<vmem>>) target(%dma_start3A_328 : memref<32x2048xf32, #tpu.memory_space<hbm>>) target_semaphore(%arg7 : memref<!tpu.dma_semaphore, #tpu.memory_space<semaphore_mem>>)
      %dma_start3A_329 = arith.constant 0 : i32
      %dma_start3A_330 = arith.constant 165888 : i32
      %dma_start3A_331 = tpu.memref_slice %arg3[%dma_start3A_329, %dma_start3A_330] : memref<32x262144xf32, #tpu.memory_space<hbm>> -> memref<32x2048xf32, #tpu.memory_space<hbm>>
      %dma_start3A_332 = arith.constant 0 : i32
      %dma_start3A_333 = arith.constant 165888 : i32
      %dma_start3A_334 = tpu.memref_slice %arg3[%dma_start3A_332, %dma_start3A_333] : memref<32x262144xf32, #tpu.memory_space<hbm>> -> memref<32x2048xf32, #tpu.memory_space<hbm>>
      tpu.enqueue_dma source(%arg4 : memref<32x2048xf32, #tpu.memory_space<vmem>>) target(%dma_start3A_334 : memref<32x2048xf32, #tpu.memory_space<hbm>>) target_semaphore(%arg8 : memref<!tpu.dma_semaphore, #tpu.memory_space<semaphore_mem>>)
      %dma_start3A_335 = arith.constant 0 : i32
      %dma_start3A_336 = arith.constant 182272 : i32
      %dma_start3A_337 = tpu.memref_slice %arg3[%dma_start3A_335, %dma_start3A_336] : memref<32x262144xf32, #tpu.memory_space<hbm>> -> memref<32x2048xf32, #tpu.memory_space<hbm>>
      %dma_start3A_338 = arith.constant 0 : i32
      %dma_start3A_339 = arith.constant 182272 : i32
      %dma_start3A_340 = tpu.memref_slice %arg3[%dma_start3A_338, %dma_start3A_339] : memref<32x262144xf32, #tpu.memory_space<hbm>> -> memref<32x2048xf32, #tpu.memory_space<hbm>>
      tpu.enqueue_dma source(%arg4 : memref<32x2048xf32, #tpu.memory_space<vmem>>) target(%dma_start3A_340 : memref<32x2048xf32, #tpu.memory_space<hbm>>) target_semaphore(%arg9 : memref<!tpu.dma_semaphore, #tpu.memory_space<semaphore_mem>>)
      %dma_wait3A = arith.constant 0 : i32
      %dma_wait3A_341 = arith.constant 133120 : i32
      %dma_wait3A_342 = tpu.memref_slice %arg3[%dma_wait3A, %dma_wait3A_341] : memref<32x262144xf32, #tpu.memory_space<hbm>> -> memref<32x2048xf32, #tpu.memory_space<hbm>>
      %dma_wait3A_343 = arith.constant 0 : i32
      %dma_wait3A_344 = arith.constant 133120 : i32
      %dma_wait3A_345 = tpu.memref_slice %arg3[%dma_wait3A_343, %dma_wait3A_344] : memref<32x262144xf32, #tpu.memory_space<hbm>> -> memref<32x2048xf32, #tpu.memory_space<hbm>>
      tpu.wait_dma2 semaphore(%arg6 : memref<!tpu.dma_semaphore, #tpu.memory_space<semaphore_mem>>) src(%arg4 : memref<32x2048xf32, #tpu.memory_space<vmem>>) dst(%dma_wait3A_345 : memref<32x2048xf32, #tpu.memory_space<hbm>>)
      %dma_wait3A_346 = arith.constant 0 : i32
      %dma_wait3A_347 = arith.constant 149504 : i32
      %dma_wait3A_348 = tpu.memref_slice %arg3[%dma_wait3A_346, %dma_wait3A_347] : memref<32x262144xf32, #tpu.memory_space<hbm>> -> memref<32x2048xf32, #tpu.memory_space<hbm>>
      %dma_wait3A_349 = arith.constant 0 : i32
      %dma_wait3A_350 = arith.constant 149504 : i32
      %dma_wait3A_351 = tpu.memref_slice %arg3[%dma_wait3A_349, %dma_wait3A_350] : memref<32x262144xf32, #tpu.memory_space<hbm>> -> memref<32x2048xf32, #tpu.memory_space<hbm>>
      tpu.wait_dma2 semaphore(%arg7 : memref<!tpu.dma_semaphore, #tpu.memory_space<semaphore_mem>>) src(%arg4 : memref<32x2048xf32, #tpu.memory_space<vmem>>) dst(%dma_wait3A_351 : memref<32x2048xf32, #tpu.memory_space<hbm>>)
      %dma_wait3A_352 = arith.constant 0 : i32
      %dma_wait3A_353 = arith.constant 165888 : i32
      %dma_wait3A_354 = tpu.memref_slice %arg3[%dma_wait3A_352, %dma_wait3A_353] : memref<32x262144xf32, #tpu.memory_space<hbm>> -> memref<32x2048xf32, #tpu.memory_space<hbm>>
      %dma_wait3A_355 = arith.constant 0 : i32
      %dma_wait3A_356 = arith.constant 165888 : i32
      %dma_wait3A_357 = tpu.memref_slice %arg3[%dma_wait3A_355, %dma_wait3A_356] : memref<32x262144xf32, #tpu.memory_space<hbm>> -> memref<32x2048xf32, #tpu.memory_space<hbm>>
      tpu.wait_dma2 semaphore(%arg8 : memref<!tpu.dma_semaphore, #tpu.memory_space<semaphore_mem>>) src(%arg4 : memref<32x2048xf32, #tpu.memory_space<vmem>>) dst(%dma_wait3A_357 : memref<32x2048xf32, #tpu.memory_space<hbm>>)
      %dma_wait3A_358 = arith.constant 0 : i32
      %dma_wait3A_359 = arith.constant 182272 : i32
      %dma_wait3A_360 = tpu.memref_slice %arg3[%dma_wait3A_358, %dma_wait3A_359] : memref<32x262144xf32, #tpu.memory_space<hbm>> -> memref<32x2048xf32, #tpu.memory_space<hbm>>
      %dma_wait3A_361 = arith.constant 0 : i32
      %dma_wait3A_362 = arith.constant 182272 : i32
      %dma_wait3A_363 = tpu.memref_slice %arg3[%dma_wait3A_361, %dma_wait3A_362] : memref<32x262144xf32, #tpu.memory_space<hbm>> -> memref<32x2048xf32, #tpu.memory_space<hbm>>
      tpu.wait_dma2 semaphore(%arg9 : memref<!tpu.dma_semaphore, #tpu.memory_space<semaphore_mem>>) src(%arg4 : memref<32x2048xf32, #tpu.memory_space<vmem>>) dst(%dma_wait3A_363 : memref<32x2048xf32, #tpu.memory_space<hbm>>)
    } else {
    }
    %eq3A_248 = arith.constant 18 : i32
    %eq3A_249 = arith.cmpi eq, %add3A, %eq3A_248 : i32
    %convert_element_type3A_250 = arith.extui %eq3A_249 : i1 to i32
    %cond3A_251 = arith.constant 0 : i32
    %cond3A_252 = arith.cmpi ne, %convert_element_type3A_250, %cond3A_251 : i32
    scf.if %cond3A_252 {
      %dma_start3A = arith.constant 0 : i32
      %dma_start3A_318 = arith.constant 135168 : i32
      %dma_start3A_319 = tpu.memref_slice %arg3[%dma_start3A, %dma_start3A_318] : memref<32x262144xf32, #tpu.memory_space<hbm>> -> memref<32x2048xf32, #tpu.memory_space<hbm>>
      %dma_start3A_320 = arith.constant 0 : i32
      %dma_start3A_321 = arith.constant 135168 : i32
      %dma_start3A_322 = tpu.memref_slice %arg3[%dma_start3A_320, %dma_start3A_321] : memref<32x262144xf32, #tpu.memory_space<hbm>> -> memref<32x2048xf32, #tpu.memory_space<hbm>>
      tpu.enqueue_dma source(%arg4 : memref<32x2048xf32, #tpu.memory_space<vmem>>) target(%dma_start3A_322 : memref<32x2048xf32, #tpu.memory_space<hbm>>) target_semaphore(%arg6 : memref<!tpu.dma_semaphore, #tpu.memory_space<semaphore_mem>>)
      %dma_start3A_323 = arith.constant 0 : i32
      %dma_start3A_324 = arith.constant 151552 : i32
      %dma_start3A_325 = tpu.memref_slice %arg3[%dma_start3A_323, %dma_start3A_324] : memref<32x262144xf32, #tpu.memory_space<hbm>> -> memref<32x2048xf32, #tpu.memory_space<hbm>>
      %dma_start3A_326 = arith.constant 0 : i32
      %dma_start3A_327 = arith.constant 151552 : i32
      %dma_start3A_328 = tpu.memref_slice %arg3[%dma_start3A_326, %dma_start3A_327] : memref<32x262144xf32, #tpu.memory_space<hbm>> -> memref<32x2048xf32, #tpu.memory_space<hbm>>
      tpu.enqueue_dma source(%arg4 : memref<32x2048xf32, #tpu.memory_space<vmem>>) target(%dma_start3A_328 : memref<32x2048xf32, #tpu.memory_space<hbm>>) target_semaphore(%arg7 : memref<!tpu.dma_semaphore, #tpu.memory_space<semaphore_mem>>)
      %dma_start3A_329 = arith.constant 0 : i32
      %dma_start3A_330 = arith.constant 167936 : i32
      %dma_start3A_331 = tpu.memref_slice %arg3[%dma_start3A_329, %dma_start3A_330] : memref<32x262144xf32, #tpu.memory_space<hbm>> -> memref<32x2048xf32, #tpu.memory_space<hbm>>
      %dma_start3A_332 = arith.constant 0 : i32
      %dma_start3A_333 = arith.constant 167936 : i32
      %dma_start3A_334 = tpu.memref_slice %arg3[%dma_start3A_332, %dma_start3A_333] : memref<32x262144xf32, #tpu.memory_space<hbm>> -> memref<32x2048xf32, #tpu.memory_space<hbm>>
      tpu.enqueue_dma source(%arg4 : memref<32x2048xf32, #tpu.memory_space<vmem>>) target(%dma_start3A_334 : memref<32x2048xf32, #tpu.memory_space<hbm>>) target_semaphore(%arg8 : memref<!tpu.dma_semaphore, #tpu.memory_space<semaphore_mem>>)
      %dma_start3A_335 = arith.constant 0 : i32
      %dma_start3A_336 = arith.constant 184320 : i32
      %dma_start3A_337 = tpu.memref_slice %arg3[%dma_start3A_335, %dma_start3A_336] : memref<32x262144xf32, #tpu.memory_space<hbm>> -> memref<32x2048xf32, #tpu.memory_space<hbm>>
      %dma_start3A_338 = arith.constant 0 : i32
      %dma_start3A_339 = arith.constant 184320 : i32
      %dma_start3A_340 = tpu.memref_slice %arg3[%dma_start3A_338, %dma_start3A_339] : memref<32x262144xf32, #tpu.memory_space<hbm>> -> memref<32x2048xf32, #tpu.memory_space<hbm>>
      tpu.enqueue_dma source(%arg4 : memref<32x2048xf32, #tpu.memory_space<vmem>>) target(%dma_start3A_340 : memref<32x2048xf32, #tpu.memory_space<hbm>>) target_semaphore(%arg9 : memref<!tpu.dma_semaphore, #tpu.memory_space<semaphore_mem>>)
      %dma_wait3A = arith.constant 0 : i32
      %dma_wait3A_341 = arith.constant 135168 : i32
      %dma_wait3A_342 = tpu.memref_slice %arg3[%dma_wait3A, %dma_wait3A_341] : memref<32x262144xf32, #tpu.memory_space<hbm>> -> memref<32x2048xf32, #tpu.memory_space<hbm>>
      %dma_wait3A_343 = arith.constant 0 : i32
      %dma_wait3A_344 = arith.constant 135168 : i32
      %dma_wait3A_345 = tpu.memref_slice %arg3[%dma_wait3A_343, %dma_wait3A_344] : memref<32x262144xf32, #tpu.memory_space<hbm>> -> memref<32x2048xf32, #tpu.memory_space<hbm>>
      tpu.wait_dma2 semaphore(%arg6 : memref<!tpu.dma_semaphore, #tpu.memory_space<semaphore_mem>>) src(%arg4 : memref<32x2048xf32, #tpu.memory_space<vmem>>) dst(%dma_wait3A_345 : memref<32x2048xf32, #tpu.memory_space<hbm>>)
      %dma_wait3A_346 = arith.constant 0 : i32
      %dma_wait3A_347 = arith.constant 151552 : i32
      %dma_wait3A_348 = tpu.memref_slice %arg3[%dma_wait3A_346, %dma_wait3A_347] : memref<32x262144xf32, #tpu.memory_space<hbm>> -> memref<32x2048xf32, #tpu.memory_space<hbm>>
      %dma_wait3A_349 = arith.constant 0 : i32
      %dma_wait3A_350 = arith.constant 151552 : i32
      %dma_wait3A_351 = tpu.memref_slice %arg3[%dma_wait3A_349, %dma_wait3A_350] : memref<32x262144xf32, #tpu.memory_space<hbm>> -> memref<32x2048xf32, #tpu.memory_space<hbm>>
      tpu.wait_dma2 semaphore(%arg7 : memref<!tpu.dma_semaphore, #tpu.memory_space<semaphore_mem>>) src(%arg4 : memref<32x2048xf32, #tpu.memory_space<vmem>>) dst(%dma_wait3A_351 : memref<32x2048xf32, #tpu.memory_space<hbm>>)
      %dma_wait3A_352 = arith.constant 0 : i32
      %dma_wait3A_353 = arith.constant 167936 : i32
      %dma_wait3A_354 = tpu.memref_slice %arg3[%dma_wait3A_352, %dma_wait3A_353] : memref<32x262144xf32, #tpu.memory_space<hbm>> -> memref<32x2048xf32, #tpu.memory_space<hbm>>
      %dma_wait3A_355 = arith.constant 0 : i32
      %dma_wait3A_356 = arith.constant 167936 : i32
      %dma_wait3A_357 = tpu.memref_slice %arg3[%dma_wait3A_355, %dma_wait3A_356] : memref<32x262144xf32, #tpu.memory_space<hbm>> -> memref<32x2048xf32, #tpu.memory_space<hbm>>
      tpu.wait_dma2 semaphore(%arg8 : memref<!tpu.dma_semaphore, #tpu.memory_space<semaphore_mem>>) src(%arg4 : memref<32x2048xf32, #tpu.memory_space<vmem>>) dst(%dma_wait3A_357 : memref<32x2048xf32, #tpu.memory_space<hbm>>)
      %dma_wait3A_358 = arith.constant 0 : i32
      %dma_wait3A_359 = arith.constant 184320 : i32
      %dma_wait3A_360 = tpu.memref_slice %arg3[%dma_wait3A_358, %dma_wait3A_359] : memref<32x262144xf32, #tpu.memory_space<hbm>> -> memref<32x2048xf32, #tpu.memory_space<hbm>>
      %dma_wait3A_361 = arith.constant 0 : i32
      %dma_wait3A_362 = arith.constant 184320 : i32
      %dma_wait3A_363 = tpu.memref_slice %arg3[%dma_wait3A_361, %dma_wait3A_362] : memref<32x262144xf32, #tpu.memory_space<hbm>> -> memref<32x2048xf32, #tpu.memory_space<hbm>>
      tpu.wait_dma2 semaphore(%arg9 : memref<!tpu.dma_semaphore, #tpu.memory_space<semaphore_mem>>) src(%arg4 : memref<32x2048xf32, #tpu.memory_space<vmem>>) dst(%dma_wait3A_363 : memref<32x2048xf32, #tpu.memory_space<hbm>>)
    } else {
    }
    %eq3A_253 = arith.constant 19 : i32
    %eq3A_254 = arith.cmpi eq, %add3A, %eq3A_253 : i32
    %convert_element_type3A_255 = arith.extui %eq3A_254 : i1 to i32
    %cond3A_256 = arith.constant 0 : i32
    %cond3A_257 = arith.cmpi ne, %convert_element_type3A_255, %cond3A_256 : i32
    scf.if %cond3A_257 {
      %dma_start3A = arith.constant 0 : i32
      %dma_start3A_318 = arith.constant 137216 : i32
      %dma_start3A_319 = tpu.memref_slice %arg3[%dma_start3A, %dma_start3A_318] : memref<32x262144xf32, #tpu.memory_space<hbm>> -> memref<32x2048xf32, #tpu.memory_space<hbm>>
      %dma_start3A_320 = arith.constant 0 : i32
      %dma_start3A_321 = arith.constant 137216 : i32
      %dma_start3A_322 = tpu.memref_slice %arg3[%dma_start3A_320, %dma_start3A_321] : memref<32x262144xf32, #tpu.memory_space<hbm>> -> memref<32x2048xf32, #tpu.memory_space<hbm>>
      tpu.enqueue_dma source(%arg4 : memref<32x2048xf32, #tpu.memory_space<vmem>>) target(%dma_start3A_322 : memref<32x2048xf32, #tpu.memory_space<hbm>>) target_semaphore(%arg6 : memref<!tpu.dma_semaphore, #tpu.memory_space<semaphore_mem>>)
      %dma_start3A_323 = arith.constant 0 : i32
      %dma_start3A_324 = arith.constant 153600 : i32
      %dma_start3A_325 = tpu.memref_slice %arg3[%dma_start3A_323, %dma_start3A_324] : memref<32x262144xf32, #tpu.memory_space<hbm>> -> memref<32x2048xf32, #tpu.memory_space<hbm>>
      %dma_start3A_326 = arith.constant 0 : i32
      %dma_start3A_327 = arith.constant 153600 : i32
      %dma_start3A_328 = tpu.memref_slice %arg3[%dma_start3A_326, %dma_start3A_327] : memref<32x262144xf32, #tpu.memory_space<hbm>> -> memref<32x2048xf32, #tpu.memory_space<hbm>>
      tpu.enqueue_dma source(%arg4 : memref<32x2048xf32, #tpu.memory_space<vmem>>) target(%dma_start3A_328 : memref<32x2048xf32, #tpu.memory_space<hbm>>) target_semaphore(%arg7 : memref<!tpu.dma_semaphore, #tpu.memory_space<semaphore_mem>>)
      %dma_start3A_329 = arith.constant 0 : i32
      %dma_start3A_330 = arith.constant 169984 : i32
      %dma_start3A_331 = tpu.memref_slice %arg3[%dma_start3A_329, %dma_start3A_330] : memref<32x262144xf32, #tpu.memory_space<hbm>> -> memref<32x2048xf32, #tpu.memory_space<hbm>>
      %dma_start3A_332 = arith.constant 0 : i32
      %dma_start3A_333 = arith.constant 169984 : i32
      %dma_start3A_334 = tpu.memref_slice %arg3[%dma_start3A_332, %dma_start3A_333] : memref<32x262144xf32, #tpu.memory_space<hbm>> -> memref<32x2048xf32, #tpu.memory_space<hbm>>
      tpu.enqueue_dma source(%arg4 : memref<32x2048xf32, #tpu.memory_space<vmem>>) target(%dma_start3A_334 : memref<32x2048xf32, #tpu.memory_space<hbm>>) target_semaphore(%arg8 : memref<!tpu.dma_semaphore, #tpu.memory_space<semaphore_mem>>)
      %dma_start3A_335 = arith.constant 0 : i32
      %dma_start3A_336 = arith.constant 186368 : i32
      %dma_start3A_337 = tpu.memref_slice %arg3[%dma_start3A_335, %dma_start3A_336] : memref<32x262144xf32, #tpu.memory_space<hbm>> -> memref<32x2048xf32, #tpu.memory_space<hbm>>
      %dma_start3A_338 = arith.constant 0 : i32
      %dma_start3A_339 = arith.constant 186368 : i32
      %dma_start3A_340 = tpu.memref_slice %arg3[%dma_start3A_338, %dma_start3A_339] : memref<32x262144xf32, #tpu.memory_space<hbm>> -> memref<32x2048xf32, #tpu.memory_space<hbm>>
      tpu.enqueue_dma source(%arg4 : memref<32x2048xf32, #tpu.memory_space<vmem>>) target(%dma_start3A_340 : memref<32x2048xf32, #tpu.memory_space<hbm>>) target_semaphore(%arg9 : memref<!tpu.dma_semaphore, #tpu.memory_space<semaphore_mem>>)
      %dma_wait3A = arith.constant 0 : i32
      %dma_wait3A_341 = arith.constant 137216 : i32
      %dma_wait3A_342 = tpu.memref_slice %arg3[%dma_wait3A, %dma_wait3A_341] : memref<32x262144xf32, #tpu.memory_space<hbm>> -> memref<32x2048xf32, #tpu.memory_space<hbm>>
      %dma_wait3A_343 = arith.constant 0 : i32
      %dma_wait3A_344 = arith.constant 137216 : i32
      %dma_wait3A_345 = tpu.memref_slice %arg3[%dma_wait3A_343, %dma_wait3A_344] : memref<32x262144xf32, #tpu.memory_space<hbm>> -> memref<32x2048xf32, #tpu.memory_space<hbm>>
      tpu.wait_dma2 semaphore(%arg6 : memref<!tpu.dma_semaphore, #tpu.memory_space<semaphore_mem>>) src(%arg4 : memref<32x2048xf32, #tpu.memory_space<vmem>>) dst(%dma_wait3A_345 : memref<32x2048xf32, #tpu.memory_space<hbm>>)
      %dma_wait3A_346 = arith.constant 0 : i32
      %dma_wait3A_347 = arith.constant 153600 : i32
      %dma_wait3A_348 = tpu.memref_slice %arg3[%dma_wait3A_346, %dma_wait3A_347] : memref<32x262144xf32, #tpu.memory_space<hbm>> -> memref<32x2048xf32, #tpu.memory_space<hbm>>
      %dma_wait3A_349 = arith.constant 0 : i32
      %dma_wait3A_350 = arith.constant 153600 : i32
      %dma_wait3A_351 = tpu.memref_slice %arg3[%dma_wait3A_349, %dma_wait3A_350] : memref<32x262144xf32, #tpu.memory_space<hbm>> -> memref<32x2048xf32, #tpu.memory_space<hbm>>
      tpu.wait_dma2 semaphore(%arg7 : memref<!tpu.dma_semaphore, #tpu.memory_space<semaphore_mem>>) src(%arg4 : memref<32x2048xf32, #tpu.memory_space<vmem>>) dst(%dma_wait3A_351 : memref<32x2048xf32, #tpu.memory_space<hbm>>)
      %dma_wait3A_352 = arith.constant 0 : i32
      %dma_wait3A_353 = arith.constant 169984 : i32
      %dma_wait3A_354 = tpu.memref_slice %arg3[%dma_wait3A_352, %dma_wait3A_353] : memref<32x262144xf32, #tpu.memory_space<hbm>> -> memref<32x2048xf32, #tpu.memory_space<hbm>>
      %dma_wait3A_355 = arith.constant 0 : i32
      %dma_wait3A_356 = arith.constant 169984 : i32
      %dma_wait3A_357 = tpu.memref_slice %arg3[%dma_wait3A_355, %dma_wait3A_356] : memref<32x262144xf32, #tpu.memory_space<hbm>> -> memref<32x2048xf32, #tpu.memory_space<hbm>>
      tpu.wait_dma2 semaphore(%arg8 : memref<!tpu.dma_semaphore, #tpu.memory_space<semaphore_mem>>) src(%arg4 : memref<32x2048xf32, #tpu.memory_space<vmem>>) dst(%dma_wait3A_357 : memref<32x2048xf32, #tpu.memory_space<hbm>>)
      %dma_wait3A_358 = arith.constant 0 : i32
      %dma_wait3A_359 = arith.constant 186368 : i32
      %dma_wait3A_360 = tpu.memref_slice %arg3[%dma_wait3A_358, %dma_wait3A_359] : memref<32x262144xf32, #tpu.memory_space<hbm>> -> memref<32x2048xf32, #tpu.memory_space<hbm>>
      %dma_wait3A_361 = arith.constant 0 : i32
      %dma_wait3A_362 = arith.constant 186368 : i32
      %dma_wait3A_363 = tpu.memref_slice %arg3[%dma_wait3A_361, %dma_wait3A_362] : memref<32x262144xf32, #tpu.memory_space<hbm>> -> memref<32x2048xf32, #tpu.memory_space<hbm>>
      tpu.wait_dma2 semaphore(%arg9 : memref<!tpu.dma_semaphore, #tpu.memory_space<semaphore_mem>>) src(%arg4 : memref<32x2048xf32, #tpu.memory_space<vmem>>) dst(%dma_wait3A_363 : memref<32x2048xf32, #tpu.memory_space<hbm>>)
    } else {
    }
    %eq3A_258 = arith.constant 20 : i32
    %eq3A_259 = arith.cmpi eq, %add3A, %eq3A_258 : i32
    %convert_element_type3A_260 = arith.extui %eq3A_259 : i1 to i32
    %cond3A_261 = arith.constant 0 : i32
    %cond3A_262 = arith.cmpi ne, %convert_element_type3A_260, %cond3A_261 : i32
    scf.if %cond3A_262 {
      %dma_start3A = arith.constant 0 : i32
      %dma_start3A_318 = arith.constant 139264 : i32
      %dma_start3A_319 = tpu.memref_slice %arg3[%dma_start3A, %dma_start3A_318] : memref<32x262144xf32, #tpu.memory_space<hbm>> -> memref<32x2048xf32, #tpu.memory_space<hbm>>
      %dma_start3A_320 = arith.constant 0 : i32
      %dma_start3A_321 = arith.constant 139264 : i32
      %dma_start3A_322 = tpu.memref_slice %arg3[%dma_start3A_320, %dma_start3A_321] : memref<32x262144xf32, #tpu.memory_space<hbm>> -> memref<32x2048xf32, #tpu.memory_space<hbm>>
      tpu.enqueue_dma source(%arg4 : memref<32x2048xf32, #tpu.memory_space<vmem>>) target(%dma_start3A_322 : memref<32x2048xf32, #tpu.memory_space<hbm>>) target_semaphore(%arg6 : memref<!tpu.dma_semaphore, #tpu.memory_space<semaphore_mem>>)
      %dma_start3A_323 = arith.constant 0 : i32
      %dma_start3A_324 = arith.constant 155648 : i32
      %dma_start3A_325 = tpu.memref_slice %arg3[%dma_start3A_323, %dma_start3A_324] : memref<32x262144xf32, #tpu.memory_space<hbm>> -> memref<32x2048xf32, #tpu.memory_space<hbm>>
      %dma_start3A_326 = arith.constant 0 : i32
      %dma_start3A_327 = arith.constant 155648 : i32
      %dma_start3A_328 = tpu.memref_slice %arg3[%dma_start3A_326, %dma_start3A_327] : memref<32x262144xf32, #tpu.memory_space<hbm>> -> memref<32x2048xf32, #tpu.memory_space<hbm>>
      tpu.enqueue_dma source(%arg4 : memref<32x2048xf32, #tpu.memory_space<vmem>>) target(%dma_start3A_328 : memref<32x2048xf32, #tpu.memory_space<hbm>>) target_semaphore(%arg7 : memref<!tpu.dma_semaphore, #tpu.memory_space<semaphore_mem>>)
      %dma_start3A_329 = arith.constant 0 : i32
      %dma_start3A_330 = arith.constant 172032 : i32
      %dma_start3A_331 = tpu.memref_slice %arg3[%dma_start3A_329, %dma_start3A_330] : memref<32x262144xf32, #tpu.memory_space<hbm>> -> memref<32x2048xf32, #tpu.memory_space<hbm>>
      %dma_start3A_332 = arith.constant 0 : i32
      %dma_start3A_333 = arith.constant 172032 : i32
      %dma_start3A_334 = tpu.memref_slice %arg3[%dma_start3A_332, %dma_start3A_333] : memref<32x262144xf32, #tpu.memory_space<hbm>> -> memref<32x2048xf32, #tpu.memory_space<hbm>>
      tpu.enqueue_dma source(%arg4 : memref<32x2048xf32, #tpu.memory_space<vmem>>) target(%dma_start3A_334 : memref<32x2048xf32, #tpu.memory_space<hbm>>) target_semaphore(%arg8 : memref<!tpu.dma_semaphore, #tpu.memory_space<semaphore_mem>>)
      %dma_start3A_335 = arith.constant 0 : i32
      %dma_start3A_336 = arith.constant 188416 : i32
      %dma_start3A_337 = tpu.memref_slice %arg3[%dma_start3A_335, %dma_start3A_336] : memref<32x262144xf32, #tpu.memory_space<hbm>> -> memref<32x2048xf32, #tpu.memory_space<hbm>>
      %dma_start3A_338 = arith.constant 0 : i32
      %dma_start3A_339 = arith.constant 188416 : i32
      %dma_start3A_340 = tpu.memref_slice %arg3[%dma_start3A_338, %dma_start3A_339] : memref<32x262144xf32, #tpu.memory_space<hbm>> -> memref<32x2048xf32, #tpu.memory_space<hbm>>
      tpu.enqueue_dma source(%arg4 : memref<32x2048xf32, #tpu.memory_space<vmem>>) target(%dma_start3A_340 : memref<32x2048xf32, #tpu.memory_space<hbm>>) target_semaphore(%arg9 : memref<!tpu.dma_semaphore, #tpu.memory_space<semaphore_mem>>)
      %dma_wait3A = arith.constant 0 : i32
      %dma_wait3A_341 = arith.constant 139264 : i32
      %dma_wait3A_342 = tpu.memref_slice %arg3[%dma_wait3A, %dma_wait3A_341] : memref<32x262144xf32, #tpu.memory_space<hbm>> -> memref<32x2048xf32, #tpu.memory_space<hbm>>
      %dma_wait3A_343 = arith.constant 0 : i32
      %dma_wait3A_344 = arith.constant 139264 : i32
      %dma_wait3A_345 = tpu.memref_slice %arg3[%dma_wait3A_343, %dma_wait3A_344] : memref<32x262144xf32, #tpu.memory_space<hbm>> -> memref<32x2048xf32, #tpu.memory_space<hbm>>
      tpu.wait_dma2 semaphore(%arg6 : memref<!tpu.dma_semaphore, #tpu.memory_space<semaphore_mem>>) src(%arg4 : memref<32x2048xf32, #tpu.memory_space<vmem>>) dst(%dma_wait3A_345 : memref<32x2048xf32, #tpu.memory_space<hbm>>)
      %dma_wait3A_346 = arith.constant 0 : i32
      %dma_wait3A_347 = arith.constant 155648 : i32
      %dma_wait3A_348 = tpu.memref_slice %arg3[%dma_wait3A_346, %dma_wait3A_347] : memref<32x262144xf32, #tpu.memory_space<hbm>> -> memref<32x2048xf32, #tpu.memory_space<hbm>>
      %dma_wait3A_349 = arith.constant 0 : i32
      %dma_wait3A_350 = arith.constant 155648 : i32
      %dma_wait3A_351 = tpu.memref_slice %arg3[%dma_wait3A_349, %dma_wait3A_350] : memref<32x262144xf32, #tpu.memory_space<hbm>> -> memref<32x2048xf32, #tpu.memory_space<hbm>>
      tpu.wait_dma2 semaphore(%arg7 : memref<!tpu.dma_semaphore, #tpu.memory_space<semaphore_mem>>) src(%arg4 : memref<32x2048xf32, #tpu.memory_space<vmem>>) dst(%dma_wait3A_351 : memref<32x2048xf32, #tpu.memory_space<hbm>>)
      %dma_wait3A_352 = arith.constant 0 : i32
      %dma_wait3A_353 = arith.constant 172032 : i32
      %dma_wait3A_354 = tpu.memref_slice %arg3[%dma_wait3A_352, %dma_wait3A_353] : memref<32x262144xf32, #tpu.memory_space<hbm>> -> memref<32x2048xf32, #tpu.memory_space<hbm>>
      %dma_wait3A_355 = arith.constant 0 : i32
      %dma_wait3A_356 = arith.constant 172032 : i32
      %dma_wait3A_357 = tpu.memref_slice %arg3[%dma_wait3A_355, %dma_wait3A_356] : memref<32x262144xf32, #tpu.memory_space<hbm>> -> memref<32x2048xf32, #tpu.memory_space<hbm>>
      tpu.wait_dma2 semaphore(%arg8 : memref<!tpu.dma_semaphore, #tpu.memory_space<semaphore_mem>>) src(%arg4 : memref<32x2048xf32, #tpu.memory_space<vmem>>) dst(%dma_wait3A_357 : memref<32x2048xf32, #tpu.memory_space<hbm>>)
      %dma_wait3A_358 = arith.constant 0 : i32
      %dma_wait3A_359 = arith.constant 188416 : i32
      %dma_wait3A_360 = tpu.memref_slice %arg3[%dma_wait3A_358, %dma_wait3A_359] : memref<32x262144xf32, #tpu.memory_space<hbm>> -> memref<32x2048xf32, #tpu.memory_space<hbm>>
      %dma_wait3A_361 = arith.constant 0 : i32
      %dma_wait3A_362 = arith.constant 188416 : i32
      %dma_wait3A_363 = tpu.memref_slice %arg3[%dma_wait3A_361, %dma_wait3A_362] : memref<32x262144xf32, #tpu.memory_space<hbm>> -> memref<32x2048xf32, #tpu.memory_space<hbm>>
      tpu.wait_dma2 semaphore(%arg9 : memref<!tpu.dma_semaphore, #tpu.memory_space<semaphore_mem>>) src(%arg4 : memref<32x2048xf32, #tpu.memory_space<vmem>>) dst(%dma_wait3A_363 : memref<32x2048xf32, #tpu.memory_space<hbm>>)
    } else {
    }
    %eq3A_263 = arith.constant 21 : i32
    %eq3A_264 = arith.cmpi eq, %add3A, %eq3A_263 : i32
    %convert_element_type3A_265 = arith.extui %eq3A_264 : i1 to i32
    %cond3A_266 = arith.constant 0 : i32
    %cond3A_267 = arith.cmpi ne, %convert_element_type3A_265, %cond3A_266 : i32
    scf.if %cond3A_267 {
      %dma_start3A = arith.constant 0 : i32
      %dma_start3A_318 = arith.constant 141312 : i32
      %dma_start3A_319 = tpu.memref_slice %arg3[%dma_start3A, %dma_start3A_318] : memref<32x262144xf32, #tpu.memory_space<hbm>> -> memref<32x2048xf32, #tpu.memory_space<hbm>>
      %dma_start3A_320 = arith.constant 0 : i32
      %dma_start3A_321 = arith.constant 141312 : i32
      %dma_start3A_322 = tpu.memref_slice %arg3[%dma_start3A_320, %dma_start3A_321] : memref<32x262144xf32, #tpu.memory_space<hbm>> -> memref<32x2048xf32, #tpu.memory_space<hbm>>
      tpu.enqueue_dma source(%arg4 : memref<32x2048xf32, #tpu.memory_space<vmem>>) target(%dma_start3A_322 : memref<32x2048xf32, #tpu.memory_space<hbm>>) target_semaphore(%arg6 : memref<!tpu.dma_semaphore, #tpu.memory_space<semaphore_mem>>)
      %dma_start3A_323 = arith.constant 0 : i32
      %dma_start3A_324 = arith.constant 157696 : i32
      %dma_start3A_325 = tpu.memref_slice %arg3[%dma_start3A_323, %dma_start3A_324] : memref<32x262144xf32, #tpu.memory_space<hbm>> -> memref<32x2048xf32, #tpu.memory_space<hbm>>
      %dma_start3A_326 = arith.constant 0 : i32
      %dma_start3A_327 = arith.constant 157696 : i32
      %dma_start3A_328 = tpu.memref_slice %arg3[%dma_start3A_326, %dma_start3A_327] : memref<32x262144xf32, #tpu.memory_space<hbm>> -> memref<32x2048xf32, #tpu.memory_space<hbm>>
      tpu.enqueue_dma source(%arg4 : memref<32x2048xf32, #tpu.memory_space<vmem>>) target(%dma_start3A_328 : memref<32x2048xf32, #tpu.memory_space<hbm>>) target_semaphore(%arg7 : memref<!tpu.dma_semaphore, #tpu.memory_space<semaphore_mem>>)
      %dma_start3A_329 = arith.constant 0 : i32
      %dma_start3A_330 = arith.constant 174080 : i32
      %dma_start3A_331 = tpu.memref_slice %arg3[%dma_start3A_329, %dma_start3A_330] : memref<32x262144xf32, #tpu.memory_space<hbm>> -> memref<32x2048xf32, #tpu.memory_space<hbm>>
      %dma_start3A_332 = arith.constant 0 : i32
      %dma_start3A_333 = arith.constant 174080 : i32
      %dma_start3A_334 = tpu.memref_slice %arg3[%dma_start3A_332, %dma_start3A_333] : memref<32x262144xf32, #tpu.memory_space<hbm>> -> memref<32x2048xf32, #tpu.memory_space<hbm>>
      tpu.enqueue_dma source(%arg4 : memref<32x2048xf32, #tpu.memory_space<vmem>>) target(%dma_start3A_334 : memref<32x2048xf32, #tpu.memory_space<hbm>>) target_semaphore(%arg8 : memref<!tpu.dma_semaphore, #tpu.memory_space<semaphore_mem>>)
      %dma_start3A_335 = arith.constant 0 : i32
      %dma_start3A_336 = arith.constant 190464 : i32
      %dma_start3A_337 = tpu.memref_slice %arg3[%dma_start3A_335, %dma_start3A_336] : memref<32x262144xf32, #tpu.memory_space<hbm>> -> memref<32x2048xf32, #tpu.memory_space<hbm>>
      %dma_start3A_338 = arith.constant 0 : i32
      %dma_start3A_339 = arith.constant 190464 : i32
      %dma_start3A_340 = tpu.memref_slice %arg3[%dma_start3A_338, %dma_start3A_339] : memref<32x262144xf32, #tpu.memory_space<hbm>> -> memref<32x2048xf32, #tpu.memory_space<hbm>>
      tpu.enqueue_dma source(%arg4 : memref<32x2048xf32, #tpu.memory_space<vmem>>) target(%dma_start3A_340 : memref<32x2048xf32, #tpu.memory_space<hbm>>) target_semaphore(%arg9 : memref<!tpu.dma_semaphore, #tpu.memory_space<semaphore_mem>>)
      %dma_wait3A = arith.constant 0 : i32
      %dma_wait3A_341 = arith.constant 141312 : i32
      %dma_wait3A_342 = tpu.memref_slice %arg3[%dma_wait3A, %dma_wait3A_341] : memref<32x262144xf32, #tpu.memory_space<hbm>> -> memref<32x2048xf32, #tpu.memory_space<hbm>>
      %dma_wait3A_343 = arith.constant 0 : i32
      %dma_wait3A_344 = arith.constant 141312 : i32
      %dma_wait3A_345 = tpu.memref_slice %arg3[%dma_wait3A_343, %dma_wait3A_344] : memref<32x262144xf32, #tpu.memory_space<hbm>> -> memref<32x2048xf32, #tpu.memory_space<hbm>>
      tpu.wait_dma2 semaphore(%arg6 : memref<!tpu.dma_semaphore, #tpu.memory_space<semaphore_mem>>) src(%arg4 : memref<32x2048xf32, #tpu.memory_space<vmem>>) dst(%dma_wait3A_345 : memref<32x2048xf32, #tpu.memory_space<hbm>>)
      %dma_wait3A_346 = arith.constant 0 : i32
      %dma_wait3A_347 = arith.constant 157696 : i32
      %dma_wait3A_348 = tpu.memref_slice %arg3[%dma_wait3A_346, %dma_wait3A_347] : memref<32x262144xf32, #tpu.memory_space<hbm>> -> memref<32x2048xf32, #tpu.memory_space<hbm>>
      %dma_wait3A_349 = arith.constant 0 : i32
      %dma_wait3A_350 = arith.constant 157696 : i32
      %dma_wait3A_351 = tpu.memref_slice %arg3[%dma_wait3A_349, %dma_wait3A_350] : memref<32x262144xf32, #tpu.memory_space<hbm>> -> memref<32x2048xf32, #tpu.memory_space<hbm>>
      tpu.wait_dma2 semaphore(%arg7 : memref<!tpu.dma_semaphore, #tpu.memory_space<semaphore_mem>>) src(%arg4 : memref<32x2048xf32, #tpu.memory_space<vmem>>) dst(%dma_wait3A_351 : memref<32x2048xf32, #tpu.memory_space<hbm>>)
      %dma_wait3A_352 = arith.constant 0 : i32
      %dma_wait3A_353 = arith.constant 174080 : i32
      %dma_wait3A_354 = tpu.memref_slice %arg3[%dma_wait3A_352, %dma_wait3A_353] : memref<32x262144xf32, #tpu.memory_space<hbm>> -> memref<32x2048xf32, #tpu.memory_space<hbm>>
      %dma_wait3A_355 = arith.constant 0 : i32
      %dma_wait3A_356 = arith.constant 174080 : i32
      %dma_wait3A_357 = tpu.memref_slice %arg3[%dma_wait3A_355, %dma_wait3A_356] : memref<32x262144xf32, #tpu.memory_space<hbm>> -> memref<32x2048xf32, #tpu.memory_space<hbm>>
      tpu.wait_dma2 semaphore(%arg8 : memref<!tpu.dma_semaphore, #tpu.memory_space<semaphore_mem>>) src(%arg4 : memref<32x2048xf32, #tpu.memory_space<vmem>>) dst(%dma_wait3A_357 : memref<32x2048xf32, #tpu.memory_space<hbm>>)
      %dma_wait3A_358 = arith.constant 0 : i32
      %dma_wait3A_359 = arith.constant 190464 : i32
      %dma_wait3A_360 = tpu.memref_slice %arg3[%dma_wait3A_358, %dma_wait3A_359] : memref<32x262144xf32, #tpu.memory_space<hbm>> -> memref<32x2048xf32, #tpu.memory_space<hbm>>
      %dma_wait3A_361 = arith.constant 0 : i32
      %dma_wait3A_362 = arith.constant 190464 : i32
      %dma_wait3A_363 = tpu.memref_slice %arg3[%dma_wait3A_361, %dma_wait3A_362] : memref<32x262144xf32, #tpu.memory_space<hbm>> -> memref<32x2048xf32, #tpu.memory_space<hbm>>
      tpu.wait_dma2 semaphore(%arg9 : memref<!tpu.dma_semaphore, #tpu.memory_space<semaphore_mem>>) src(%arg4 : memref<32x2048xf32, #tpu.memory_space<vmem>>) dst(%dma_wait3A_363 : memref<32x2048xf32, #tpu.memory_space<hbm>>)
    } else {
    }
    %eq3A_268 = arith.constant 22 : i32
    %eq3A_269 = arith.cmpi eq, %add3A, %eq3A_268 : i32
    %convert_element_type3A_270 = arith.extui %eq3A_269 : i1 to i32
    %cond3A_271 = arith.constant 0 : i32
    %cond3A_272 = arith.cmpi ne, %convert_element_type3A_270, %cond3A_271 : i32
    scf.if %cond3A_272 {
      %dma_start3A = arith.constant 0 : i32
      %dma_start3A_318 = arith.constant 143360 : i32
      %dma_start3A_319 = tpu.memref_slice %arg3[%dma_start3A, %dma_start3A_318] : memref<32x262144xf32, #tpu.memory_space<hbm>> -> memref<32x2048xf32, #tpu.memory_space<hbm>>
      %dma_start3A_320 = arith.constant 0 : i32
      %dma_start3A_321 = arith.constant 143360 : i32
      %dma_start3A_322 = tpu.memref_slice %arg3[%dma_start3A_320, %dma_start3A_321] : memref<32x262144xf32, #tpu.memory_space<hbm>> -> memref<32x2048xf32, #tpu.memory_space<hbm>>
      tpu.enqueue_dma source(%arg4 : memref<32x2048xf32, #tpu.memory_space<vmem>>) target(%dma_start3A_322 : memref<32x2048xf32, #tpu.memory_space<hbm>>) target_semaphore(%arg6 : memref<!tpu.dma_semaphore, #tpu.memory_space<semaphore_mem>>)
      %dma_start3A_323 = arith.constant 0 : i32
      %dma_start3A_324 = arith.constant 159744 : i32
      %dma_start3A_325 = tpu.memref_slice %arg3[%dma_start3A_323, %dma_start3A_324] : memref<32x262144xf32, #tpu.memory_space<hbm>> -> memref<32x2048xf32, #tpu.memory_space<hbm>>
      %dma_start3A_326 = arith.constant 0 : i32
      %dma_start3A_327 = arith.constant 159744 : i32
      %dma_start3A_328 = tpu.memref_slice %arg3[%dma_start3A_326, %dma_start3A_327] : memref<32x262144xf32, #tpu.memory_space<hbm>> -> memref<32x2048xf32, #tpu.memory_space<hbm>>
      tpu.enqueue_dma source(%arg4 : memref<32x2048xf32, #tpu.memory_space<vmem>>) target(%dma_start3A_328 : memref<32x2048xf32, #tpu.memory_space<hbm>>) target_semaphore(%arg7 : memref<!tpu.dma_semaphore, #tpu.memory_space<semaphore_mem>>)
      %dma_start3A_329 = arith.constant 0 : i32
      %dma_start3A_330 = arith.constant 176128 : i32
      %dma_start3A_331 = tpu.memref_slice %arg3[%dma_start3A_329, %dma_start3A_330] : memref<32x262144xf32, #tpu.memory_space<hbm>> -> memref<32x2048xf32, #tpu.memory_space<hbm>>
      %dma_start3A_332 = arith.constant 0 : i32
      %dma_start3A_333 = arith.constant 176128 : i32
      %dma_start3A_334 = tpu.memref_slice %arg3[%dma_start3A_332, %dma_start3A_333] : memref<32x262144xf32, #tpu.memory_space<hbm>> -> memref<32x2048xf32, #tpu.memory_space<hbm>>
      tpu.enqueue_dma source(%arg4 : memref<32x2048xf32, #tpu.memory_space<vmem>>) target(%dma_start3A_334 : memref<32x2048xf32, #tpu.memory_space<hbm>>) target_semaphore(%arg8 : memref<!tpu.dma_semaphore, #tpu.memory_space<semaphore_mem>>)
      %dma_start3A_335 = arith.constant 0 : i32
      %dma_start3A_336 = arith.constant 192512 : i32
      %dma_start3A_337 = tpu.memref_slice %arg3[%dma_start3A_335, %dma_start3A_336] : memref<32x262144xf32, #tpu.memory_space<hbm>> -> memref<32x2048xf32, #tpu.memory_space<hbm>>
      %dma_start3A_338 = arith.constant 0 : i32
      %dma_start3A_339 = arith.constant 192512 : i32
      %dma_start3A_340 = tpu.memref_slice %arg3[%dma_start3A_338, %dma_start3A_339] : memref<32x262144xf32, #tpu.memory_space<hbm>> -> memref<32x2048xf32, #tpu.memory_space<hbm>>
      tpu.enqueue_dma source(%arg4 : memref<32x2048xf32, #tpu.memory_space<vmem>>) target(%dma_start3A_340 : memref<32x2048xf32, #tpu.memory_space<hbm>>) target_semaphore(%arg9 : memref<!tpu.dma_semaphore, #tpu.memory_space<semaphore_mem>>)
      %dma_wait3A = arith.constant 0 : i32
      %dma_wait3A_341 = arith.constant 143360 : i32
      %dma_wait3A_342 = tpu.memref_slice %arg3[%dma_wait3A, %dma_wait3A_341] : memref<32x262144xf32, #tpu.memory_space<hbm>> -> memref<32x2048xf32, #tpu.memory_space<hbm>>
      %dma_wait3A_343 = arith.constant 0 : i32
      %dma_wait3A_344 = arith.constant 143360 : i32
      %dma_wait3A_345 = tpu.memref_slice %arg3[%dma_wait3A_343, %dma_wait3A_344] : memref<32x262144xf32, #tpu.memory_space<hbm>> -> memref<32x2048xf32, #tpu.memory_space<hbm>>
      tpu.wait_dma2 semaphore(%arg6 : memref<!tpu.dma_semaphore, #tpu.memory_space<semaphore_mem>>) src(%arg4 : memref<32x2048xf32, #tpu.memory_space<vmem>>) dst(%dma_wait3A_345 : memref<32x2048xf32, #tpu.memory_space<hbm>>)
      %dma_wait3A_346 = arith.constant 0 : i32
      %dma_wait3A_347 = arith.constant 159744 : i32
      %dma_wait3A_348 = tpu.memref_slice %arg3[%dma_wait3A_346, %dma_wait3A_347] : memref<32x262144xf32, #tpu.memory_space<hbm>> -> memref<32x2048xf32, #tpu.memory_space<hbm>>
      %dma_wait3A_349 = arith.constant 0 : i32
      %dma_wait3A_350 = arith.constant 159744 : i32
      %dma_wait3A_351 = tpu.memref_slice %arg3[%dma_wait3A_349, %dma_wait3A_350] : memref<32x262144xf32, #tpu.memory_space<hbm>> -> memref<32x2048xf32, #tpu.memory_space<hbm>>
      tpu.wait_dma2 semaphore(%arg7 : memref<!tpu.dma_semaphore, #tpu.memory_space<semaphore_mem>>) src(%arg4 : memref<32x2048xf32, #tpu.memory_space<vmem>>) dst(%dma_wait3A_351 : memref<32x2048xf32, #tpu.memory_space<hbm>>)
      %dma_wait3A_352 = arith.constant 0 : i32
      %dma_wait3A_353 = arith.constant 176128 : i32
      %dma_wait3A_354 = tpu.memref_slice %arg3[%dma_wait3A_352, %dma_wait3A_353] : memref<32x262144xf32, #tpu.memory_space<hbm>> -> memref<32x2048xf32, #tpu.memory_space<hbm>>
      %dma_wait3A_355 = arith.constant 0 : i32
      %dma_wait3A_356 = arith.constant 176128 : i32
      %dma_wait3A_357 = tpu.memref_slice %arg3[%dma_wait3A_355, %dma_wait3A_356] : memref<32x262144xf32, #tpu.memory_space<hbm>> -> memref<32x2048xf32, #tpu.memory_space<hbm>>
      tpu.wait_dma2 semaphore(%arg8 : memref<!tpu.dma_semaphore, #tpu.memory_space<semaphore_mem>>) src(%arg4 : memref<32x2048xf32, #tpu.memory_space<vmem>>) dst(%dma_wait3A_357 : memref<32x2048xf32, #tpu.memory_space<hbm>>)
      %dma_wait3A_358 = arith.constant 0 : i32
      %dma_wait3A_359 = arith.constant 192512 : i32
      %dma_wait3A_360 = tpu.memref_slice %arg3[%dma_wait3A_358, %dma_wait3A_359] : memref<32x262144xf32, #tpu.memory_space<hbm>> -> memref<32x2048xf32, #tpu.memory_space<hbm>>
      %dma_wait3A_361 = arith.constant 0 : i32
      %dma_wait3A_362 = arith.constant 192512 : i32
      %dma_wait3A_363 = tpu.memref_slice %arg3[%dma_wait3A_361, %dma_wait3A_362] : memref<32x262144xf32, #tpu.memory_space<hbm>> -> memref<32x2048xf32, #tpu.memory_space<hbm>>
      tpu.wait_dma2 semaphore(%arg9 : memref<!tpu.dma_semaphore, #tpu.memory_space<semaphore_mem>>) src(%arg4 : memref<32x2048xf32, #tpu.memory_space<vmem>>) dst(%dma_wait3A_363 : memref<32x2048xf32, #tpu.memory_space<hbm>>)
    } else {
    }
    %eq3A_273 = arith.constant 23 : i32
    %eq3A_274 = arith.cmpi eq, %add3A, %eq3A_273 : i32
    %convert_element_type3A_275 = arith.extui %eq3A_274 : i1 to i32
    %cond3A_276 = arith.constant 0 : i32
    %cond3A_277 = arith.cmpi ne, %convert_element_type3A_275, %cond3A_276 : i32
    scf.if %cond3A_277 {
      %dma_start3A = arith.constant 0 : i32
      %dma_start3A_318 = arith.constant 145408 : i32
      %dma_start3A_319 = tpu.memref_slice %arg3[%dma_start3A, %dma_start3A_318] : memref<32x262144xf32, #tpu.memory_space<hbm>> -> memref<32x2048xf32, #tpu.memory_space<hbm>>
      %dma_start3A_320 = arith.constant 0 : i32
      %dma_start3A_321 = arith.constant 145408 : i32
      %dma_start3A_322 = tpu.memref_slice %arg3[%dma_start3A_320, %dma_start3A_321] : memref<32x262144xf32, #tpu.memory_space<hbm>> -> memref<32x2048xf32, #tpu.memory_space<hbm>>
      tpu.enqueue_dma source(%arg4 : memref<32x2048xf32, #tpu.memory_space<vmem>>) target(%dma_start3A_322 : memref<32x2048xf32, #tpu.memory_space<hbm>>) target_semaphore(%arg6 : memref<!tpu.dma_semaphore, #tpu.memory_space<semaphore_mem>>)
      %dma_start3A_323 = arith.constant 0 : i32
      %dma_start3A_324 = arith.constant 161792 : i32
      %dma_start3A_325 = tpu.memref_slice %arg3[%dma_start3A_323, %dma_start3A_324] : memref<32x262144xf32, #tpu.memory_space<hbm>> -> memref<32x2048xf32, #tpu.memory_space<hbm>>
      %dma_start3A_326 = arith.constant 0 : i32
      %dma_start3A_327 = arith.constant 161792 : i32
      %dma_start3A_328 = tpu.memref_slice %arg3[%dma_start3A_326, %dma_start3A_327] : memref<32x262144xf32, #tpu.memory_space<hbm>> -> memref<32x2048xf32, #tpu.memory_space<hbm>>
      tpu.enqueue_dma source(%arg4 : memref<32x2048xf32, #tpu.memory_space<vmem>>) target(%dma_start3A_328 : memref<32x2048xf32, #tpu.memory_space<hbm>>) target_semaphore(%arg7 : memref<!tpu.dma_semaphore, #tpu.memory_space<semaphore_mem>>)
      %dma_start3A_329 = arith.constant 0 : i32
      %dma_start3A_330 = arith.constant 178176 : i32
      %dma_start3A_331 = tpu.memref_slice %arg3[%dma_start3A_329, %dma_start3A_330] : memref<32x262144xf32, #tpu.memory_space<hbm>> -> memref<32x2048xf32, #tpu.memory_space<hbm>>
      %dma_start3A_332 = arith.constant 0 : i32
      %dma_start3A_333 = arith.constant 178176 : i32
      %dma_start3A_334 = tpu.memref_slice %arg3[%dma_start3A_332, %dma_start3A_333] : memref<32x262144xf32, #tpu.memory_space<hbm>> -> memref<32x2048xf32, #tpu.memory_space<hbm>>
      tpu.enqueue_dma source(%arg4 : memref<32x2048xf32, #tpu.memory_space<vmem>>) target(%dma_start3A_334 : memref<32x2048xf32, #tpu.memory_space<hbm>>) target_semaphore(%arg8 : memref<!tpu.dma_semaphore, #tpu.memory_space<semaphore_mem>>)
      %dma_start3A_335 = arith.constant 0 : i32
      %dma_start3A_336 = arith.constant 194560 : i32
      %dma_start3A_337 = tpu.memref_slice %arg3[%dma_start3A_335, %dma_start3A_336] : memref<32x262144xf32, #tpu.memory_space<hbm>> -> memref<32x2048xf32, #tpu.memory_space<hbm>>
      %dma_start3A_338 = arith.constant 0 : i32
      %dma_start3A_339 = arith.constant 194560 : i32
      %dma_start3A_340 = tpu.memref_slice %arg3[%dma_start3A_338, %dma_start3A_339] : memref<32x262144xf32, #tpu.memory_space<hbm>> -> memref<32x2048xf32, #tpu.memory_space<hbm>>
      tpu.enqueue_dma source(%arg4 : memref<32x2048xf32, #tpu.memory_space<vmem>>) target(%dma_start3A_340 : memref<32x2048xf32, #tpu.memory_space<hbm>>) target_semaphore(%arg9 : memref<!tpu.dma_semaphore, #tpu.memory_space<semaphore_mem>>)
      %dma_wait3A = arith.constant 0 : i32
      %dma_wait3A_341 = arith.constant 145408 : i32
      %dma_wait3A_342 = tpu.memref_slice %arg3[%dma_wait3A, %dma_wait3A_341] : memref<32x262144xf32, #tpu.memory_space<hbm>> -> memref<32x2048xf32, #tpu.memory_space<hbm>>
      %dma_wait3A_343 = arith.constant 0 : i32
      %dma_wait3A_344 = arith.constant 145408 : i32
      %dma_wait3A_345 = tpu.memref_slice %arg3[%dma_wait3A_343, %dma_wait3A_344] : memref<32x262144xf32, #tpu.memory_space<hbm>> -> memref<32x2048xf32, #tpu.memory_space<hbm>>
      tpu.wait_dma2 semaphore(%arg6 : memref<!tpu.dma_semaphore, #tpu.memory_space<semaphore_mem>>) src(%arg4 : memref<32x2048xf32, #tpu.memory_space<vmem>>) dst(%dma_wait3A_345 : memref<32x2048xf32, #tpu.memory_space<hbm>>)
      %dma_wait3A_346 = arith.constant 0 : i32
      %dma_wait3A_347 = arith.constant 161792 : i32
      %dma_wait3A_348 = tpu.memref_slice %arg3[%dma_wait3A_346, %dma_wait3A_347] : memref<32x262144xf32, #tpu.memory_space<hbm>> -> memref<32x2048xf32, #tpu.memory_space<hbm>>
      %dma_wait3A_349 = arith.constant 0 : i32
      %dma_wait3A_350 = arith.constant 161792 : i32
      %dma_wait3A_351 = tpu.memref_slice %arg3[%dma_wait3A_349, %dma_wait3A_350] : memref<32x262144xf32, #tpu.memory_space<hbm>> -> memref<32x2048xf32, #tpu.memory_space<hbm>>
      tpu.wait_dma2 semaphore(%arg7 : memref<!tpu.dma_semaphore, #tpu.memory_space<semaphore_mem>>) src(%arg4 : memref<32x2048xf32, #tpu.memory_space<vmem>>) dst(%dma_wait3A_351 : memref<32x2048xf32, #tpu.memory_space<hbm>>)
      %dma_wait3A_352 = arith.constant 0 : i32
      %dma_wait3A_353 = arith.constant 178176 : i32
      %dma_wait3A_354 = tpu.memref_slice %arg3[%dma_wait3A_352, %dma_wait3A_353] : memref<32x262144xf32, #tpu.memory_space<hbm>> -> memref<32x2048xf32, #tpu.memory_space<hbm>>
      %dma_wait3A_355 = arith.constant 0 : i32
      %dma_wait3A_356 = arith.constant 178176 : i32
      %dma_wait3A_357 = tpu.memref_slice %arg3[%dma_wait3A_355, %dma_wait3A_356] : memref<32x262144xf32, #tpu.memory_space<hbm>> -> memref<32x2048xf32, #tpu.memory_space<hbm>>
      tpu.wait_dma2 semaphore(%arg8 : memref<!tpu.dma_semaphore, #tpu.memory_space<semaphore_mem>>) src(%arg4 : memref<32x2048xf32, #tpu.memory_space<vmem>>) dst(%dma_wait3A_357 : memref<32x2048xf32, #tpu.memory_space<hbm>>)
      %dma_wait3A_358 = arith.constant 0 : i32
      %dma_wait3A_359 = arith.constant 194560 : i32
      %dma_wait3A_360 = tpu.memref_slice %arg3[%dma_wait3A_358, %dma_wait3A_359] : memref<32x262144xf32, #tpu.memory_space<hbm>> -> memref<32x2048xf32, #tpu.memory_space<hbm>>
      %dma_wait3A_361 = arith.constant 0 : i32
      %dma_wait3A_362 = arith.constant 194560 : i32
      %dma_wait3A_363 = tpu.memref_slice %arg3[%dma_wait3A_361, %dma_wait3A_362] : memref<32x262144xf32, #tpu.memory_space<hbm>> -> memref<32x2048xf32, #tpu.memory_space<hbm>>
      tpu.wait_dma2 semaphore(%arg9 : memref<!tpu.dma_semaphore, #tpu.memory_space<semaphore_mem>>) src(%arg4 : memref<32x2048xf32, #tpu.memory_space<vmem>>) dst(%dma_wait3A_363 : memref<32x2048xf32, #tpu.memory_space<hbm>>)
    } else {
    }
    %eq3A_278 = arith.constant 24 : i32
    %eq3A_279 = arith.cmpi eq, %add3A, %eq3A_278 : i32
    %convert_element_type3A_280 = arith.extui %eq3A_279 : i1 to i32
    %cond3A_281 = arith.constant 0 : i32
    %cond3A_282 = arith.cmpi ne, %convert_element_type3A_280, %cond3A_281 : i32
    scf.if %cond3A_282 {
      %dma_start3A = arith.constant 0 : i32
      %dma_start3A_318 = arith.constant 196608 : i32
      %dma_start3A_319 = tpu.memref_slice %arg3[%dma_start3A, %dma_start3A_318] : memref<32x262144xf32, #tpu.memory_space<hbm>> -> memref<32x2048xf32, #tpu.memory_space<hbm>>
      %dma_start3A_320 = arith.constant 0 : i32
      %dma_start3A_321 = arith.constant 196608 : i32
      %dma_start3A_322 = tpu.memref_slice %arg3[%dma_start3A_320, %dma_start3A_321] : memref<32x262144xf32, #tpu.memory_space<hbm>> -> memref<32x2048xf32, #tpu.memory_space<hbm>>
      tpu.enqueue_dma source(%arg4 : memref<32x2048xf32, #tpu.memory_space<vmem>>) target(%dma_start3A_322 : memref<32x2048xf32, #tpu.memory_space<hbm>>) target_semaphore(%arg6 : memref<!tpu.dma_semaphore, #tpu.memory_space<semaphore_mem>>)
      %dma_start3A_323 = arith.constant 0 : i32
      %dma_start3A_324 = arith.constant 212992 : i32
      %dma_start3A_325 = tpu.memref_slice %arg3[%dma_start3A_323, %dma_start3A_324] : memref<32x262144xf32, #tpu.memory_space<hbm>> -> memref<32x2048xf32, #tpu.memory_space<hbm>>
      %dma_start3A_326 = arith.constant 0 : i32
      %dma_start3A_327 = arith.constant 212992 : i32
      %dma_start3A_328 = tpu.memref_slice %arg3[%dma_start3A_326, %dma_start3A_327] : memref<32x262144xf32, #tpu.memory_space<hbm>> -> memref<32x2048xf32, #tpu.memory_space<hbm>>
      tpu.enqueue_dma source(%arg4 : memref<32x2048xf32, #tpu.memory_space<vmem>>) target(%dma_start3A_328 : memref<32x2048xf32, #tpu.memory_space<hbm>>) target_semaphore(%arg7 : memref<!tpu.dma_semaphore, #tpu.memory_space<semaphore_mem>>)
      %dma_start3A_329 = arith.constant 0 : i32
      %dma_start3A_330 = arith.constant 229376 : i32
      %dma_start3A_331 = tpu.memref_slice %arg3[%dma_start3A_329, %dma_start3A_330] : memref<32x262144xf32, #tpu.memory_space<hbm>> -> memref<32x2048xf32, #tpu.memory_space<hbm>>
      %dma_start3A_332 = arith.constant 0 : i32
      %dma_start3A_333 = arith.constant 229376 : i32
      %dma_start3A_334 = tpu.memref_slice %arg3[%dma_start3A_332, %dma_start3A_333] : memref<32x262144xf32, #tpu.memory_space<hbm>> -> memref<32x2048xf32, #tpu.memory_space<hbm>>
      tpu.enqueue_dma source(%arg4 : memref<32x2048xf32, #tpu.memory_space<vmem>>) target(%dma_start3A_334 : memref<32x2048xf32, #tpu.memory_space<hbm>>) target_semaphore(%arg8 : memref<!tpu.dma_semaphore, #tpu.memory_space<semaphore_mem>>)
      %dma_start3A_335 = arith.constant 0 : i32
      %dma_start3A_336 = arith.constant 245760 : i32
      %dma_start3A_337 = tpu.memref_slice %arg3[%dma_start3A_335, %dma_start3A_336] : memref<32x262144xf32, #tpu.memory_space<hbm>> -> memref<32x2048xf32, #tpu.memory_space<hbm>>
      %dma_start3A_338 = arith.constant 0 : i32
      %dma_start3A_339 = arith.constant 245760 : i32
      %dma_start3A_340 = tpu.memref_slice %arg3[%dma_start3A_338, %dma_start3A_339] : memref<32x262144xf32, #tpu.memory_space<hbm>> -> memref<32x2048xf32, #tpu.memory_space<hbm>>
      tpu.enqueue_dma source(%arg4 : memref<32x2048xf32, #tpu.memory_space<vmem>>) target(%dma_start3A_340 : memref<32x2048xf32, #tpu.memory_space<hbm>>) target_semaphore(%arg9 : memref<!tpu.dma_semaphore, #tpu.memory_space<semaphore_mem>>)
      %dma_wait3A = arith.constant 0 : i32
      %dma_wait3A_341 = arith.constant 196608 : i32
      %dma_wait3A_342 = tpu.memref_slice %arg3[%dma_wait3A, %dma_wait3A_341] : memref<32x262144xf32, #tpu.memory_space<hbm>> -> memref<32x2048xf32, #tpu.memory_space<hbm>>
      %dma_wait3A_343 = arith.constant 0 : i32
      %dma_wait3A_344 = arith.constant 196608 : i32
      %dma_wait3A_345 = tpu.memref_slice %arg3[%dma_wait3A_343, %dma_wait3A_344] : memref<32x262144xf32, #tpu.memory_space<hbm>> -> memref<32x2048xf32, #tpu.memory_space<hbm>>
      tpu.wait_dma2 semaphore(%arg6 : memref<!tpu.dma_semaphore, #tpu.memory_space<semaphore_mem>>) src(%arg4 : memref<32x2048xf32, #tpu.memory_space<vmem>>) dst(%dma_wait3A_345 : memref<32x2048xf32, #tpu.memory_space<hbm>>)
      %dma_wait3A_346 = arith.constant 0 : i32
      %dma_wait3A_347 = arith.constant 212992 : i32
      %dma_wait3A_348 = tpu.memref_slice %arg3[%dma_wait3A_346, %dma_wait3A_347] : memref<32x262144xf32, #tpu.memory_space<hbm>> -> memref<32x2048xf32, #tpu.memory_space<hbm>>
      %dma_wait3A_349 = arith.constant 0 : i32
      %dma_wait3A_350 = arith.constant 212992 : i32
      %dma_wait3A_351 = tpu.memref_slice %arg3[%dma_wait3A_349, %dma_wait3A_350] : memref<32x262144xf32, #tpu.memory_space<hbm>> -> memref<32x2048xf32, #tpu.memory_space<hbm>>
      tpu.wait_dma2 semaphore(%arg7 : memref<!tpu.dma_semaphore, #tpu.memory_space<semaphore_mem>>) src(%arg4 : memref<32x2048xf32, #tpu.memory_space<vmem>>) dst(%dma_wait3A_351 : memref<32x2048xf32, #tpu.memory_space<hbm>>)
      %dma_wait3A_352 = arith.constant 0 : i32
      %dma_wait3A_353 = arith.constant 229376 : i32
      %dma_wait3A_354 = tpu.memref_slice %arg3[%dma_wait3A_352, %dma_wait3A_353] : memref<32x262144xf32, #tpu.memory_space<hbm>> -> memref<32x2048xf32, #tpu.memory_space<hbm>>
      %dma_wait3A_355 = arith.constant 0 : i32
      %dma_wait3A_356 = arith.constant 229376 : i32
      %dma_wait3A_357 = tpu.memref_slice %arg3[%dma_wait3A_355, %dma_wait3A_356] : memref<32x262144xf32, #tpu.memory_space<hbm>> -> memref<32x2048xf32, #tpu.memory_space<hbm>>
      tpu.wait_dma2 semaphore(%arg8 : memref<!tpu.dma_semaphore, #tpu.memory_space<semaphore_mem>>) src(%arg4 : memref<32x2048xf32, #tpu.memory_space<vmem>>) dst(%dma_wait3A_357 : memref<32x2048xf32, #tpu.memory_space<hbm>>)
      %dma_wait3A_358 = arith.constant 0 : i32
      %dma_wait3A_359 = arith.constant 245760 : i32
      %dma_wait3A_360 = tpu.memref_slice %arg3[%dma_wait3A_358, %dma_wait3A_359] : memref<32x262144xf32, #tpu.memory_space<hbm>> -> memref<32x2048xf32, #tpu.memory_space<hbm>>
      %dma_wait3A_361 = arith.constant 0 : i32
      %dma_wait3A_362 = arith.constant 245760 : i32
      %dma_wait3A_363 = tpu.memref_slice %arg3[%dma_wait3A_361, %dma_wait3A_362] : memref<32x262144xf32, #tpu.memory_space<hbm>> -> memref<32x2048xf32, #tpu.memory_space<hbm>>
      tpu.wait_dma2 semaphore(%arg9 : memref<!tpu.dma_semaphore, #tpu.memory_space<semaphore_mem>>) src(%arg4 : memref<32x2048xf32, #tpu.memory_space<vmem>>) dst(%dma_wait3A_363 : memref<32x2048xf32, #tpu.memory_space<hbm>>)
    } else {
    }
    %eq3A_283 = arith.constant 25 : i32
    %eq3A_284 = arith.cmpi eq, %add3A, %eq3A_283 : i32
    %convert_element_type3A_285 = arith.extui %eq3A_284 : i1 to i32
    %cond3A_286 = arith.constant 0 : i32
    %cond3A_287 = arith.cmpi ne, %convert_element_type3A_285, %cond3A_286 : i32
    scf.if %cond3A_287 {
      %dma_start3A = arith.constant 0 : i32
      %dma_start3A_318 = arith.constant 198656 : i32
      %dma_start3A_319 = tpu.memref_slice %arg3[%dma_start3A, %dma_start3A_318] : memref<32x262144xf32, #tpu.memory_space<hbm>> -> memref<32x2048xf32, #tpu.memory_space<hbm>>
      %dma_start3A_320 = arith.constant 0 : i32
      %dma_start3A_321 = arith.constant 198656 : i32
      %dma_start3A_322 = tpu.memref_slice %arg3[%dma_start3A_320, %dma_start3A_321] : memref<32x262144xf32, #tpu.memory_space<hbm>> -> memref<32x2048xf32, #tpu.memory_space<hbm>>
      tpu.enqueue_dma source(%arg4 : memref<32x2048xf32, #tpu.memory_space<vmem>>) target(%dma_start3A_322 : memref<32x2048xf32, #tpu.memory_space<hbm>>) target_semaphore(%arg6 : memref<!tpu.dma_semaphore, #tpu.memory_space<semaphore_mem>>)
      %dma_start3A_323 = arith.constant 0 : i32
      %dma_start3A_324 = arith.constant 215040 : i32
      %dma_start3A_325 = tpu.memref_slice %arg3[%dma_start3A_323, %dma_start3A_324] : memref<32x262144xf32, #tpu.memory_space<hbm>> -> memref<32x2048xf32, #tpu.memory_space<hbm>>
      %dma_start3A_326 = arith.constant 0 : i32
      %dma_start3A_327 = arith.constant 215040 : i32
      %dma_start3A_328 = tpu.memref_slice %arg3[%dma_start3A_326, %dma_start3A_327] : memref<32x262144xf32, #tpu.memory_space<hbm>> -> memref<32x2048xf32, #tpu.memory_space<hbm>>
      tpu.enqueue_dma source(%arg4 : memref<32x2048xf32, #tpu.memory_space<vmem>>) target(%dma_start3A_328 : memref<32x2048xf32, #tpu.memory_space<hbm>>) target_semaphore(%arg7 : memref<!tpu.dma_semaphore, #tpu.memory_space<semaphore_mem>>)
      %dma_start3A_329 = arith.constant 0 : i32
      %dma_start3A_330 = arith.constant 231424 : i32
      %dma_start3A_331 = tpu.memref_slice %arg3[%dma_start3A_329, %dma_start3A_330] : memref<32x262144xf32, #tpu.memory_space<hbm>> -> memref<32x2048xf32, #tpu.memory_space<hbm>>
      %dma_start3A_332 = arith.constant 0 : i32
      %dma_start3A_333 = arith.constant 231424 : i32
      %dma_start3A_334 = tpu.memref_slice %arg3[%dma_start3A_332, %dma_start3A_333] : memref<32x262144xf32, #tpu.memory_space<hbm>> -> memref<32x2048xf32, #tpu.memory_space<hbm>>
      tpu.enqueue_dma source(%arg4 : memref<32x2048xf32, #tpu.memory_space<vmem>>) target(%dma_start3A_334 : memref<32x2048xf32, #tpu.memory_space<hbm>>) target_semaphore(%arg8 : memref<!tpu.dma_semaphore, #tpu.memory_space<semaphore_mem>>)
      %dma_start3A_335 = arith.constant 0 : i32
      %dma_start3A_336 = arith.constant 247808 : i32
      %dma_start3A_337 = tpu.memref_slice %arg3[%dma_start3A_335, %dma_start3A_336] : memref<32x262144xf32, #tpu.memory_space<hbm>> -> memref<32x2048xf32, #tpu.memory_space<hbm>>
      %dma_start3A_338 = arith.constant 0 : i32
      %dma_start3A_339 = arith.constant 247808 : i32
      %dma_start3A_340 = tpu.memref_slice %arg3[%dma_start3A_338, %dma_start3A_339] : memref<32x262144xf32, #tpu.memory_space<hbm>> -> memref<32x2048xf32, #tpu.memory_space<hbm>>
      tpu.enqueue_dma source(%arg4 : memref<32x2048xf32, #tpu.memory_space<vmem>>) target(%dma_start3A_340 : memref<32x2048xf32, #tpu.memory_space<hbm>>) target_semaphore(%arg9 : memref<!tpu.dma_semaphore, #tpu.memory_space<semaphore_mem>>)
      %dma_wait3A = arith.constant 0 : i32
      %dma_wait3A_341 = arith.constant 198656 : i32
      %dma_wait3A_342 = tpu.memref_slice %arg3[%dma_wait3A, %dma_wait3A_341] : memref<32x262144xf32, #tpu.memory_space<hbm>> -> memref<32x2048xf32, #tpu.memory_space<hbm>>
      %dma_wait3A_343 = arith.constant 0 : i32
      %dma_wait3A_344 = arith.constant 198656 : i32
      %dma_wait3A_345 = tpu.memref_slice %arg3[%dma_wait3A_343, %dma_wait3A_344] : memref<32x262144xf32, #tpu.memory_space<hbm>> -> memref<32x2048xf32, #tpu.memory_space<hbm>>
      tpu.wait_dma2 semaphore(%arg6 : memref<!tpu.dma_semaphore, #tpu.memory_space<semaphore_mem>>) src(%arg4 : memref<32x2048xf32, #tpu.memory_space<vmem>>) dst(%dma_wait3A_345 : memref<32x2048xf32, #tpu.memory_space<hbm>>)
      %dma_wait3A_346 = arith.constant 0 : i32
      %dma_wait3A_347 = arith.constant 215040 : i32
      %dma_wait3A_348 = tpu.memref_slice %arg3[%dma_wait3A_346, %dma_wait3A_347] : memref<32x262144xf32, #tpu.memory_space<hbm>> -> memref<32x2048xf32, #tpu.memory_space<hbm>>
      %dma_wait3A_349 = arith.constant 0 : i32
      %dma_wait3A_350 = arith.constant 215040 : i32
      %dma_wait3A_351 = tpu.memref_slice %arg3[%dma_wait3A_349, %dma_wait3A_350] : memref<32x262144xf32, #tpu.memory_space<hbm>> -> memref<32x2048xf32, #tpu.memory_space<hbm>>
      tpu.wait_dma2 semaphore(%arg7 : memref<!tpu.dma_semaphore, #tpu.memory_space<semaphore_mem>>) src(%arg4 : memref<32x2048xf32, #tpu.memory_space<vmem>>) dst(%dma_wait3A_351 : memref<32x2048xf32, #tpu.memory_space<hbm>>)
      %dma_wait3A_352 = arith.constant 0 : i32
      %dma_wait3A_353 = arith.constant 231424 : i32
      %dma_wait3A_354 = tpu.memref_slice %arg3[%dma_wait3A_352, %dma_wait3A_353] : memref<32x262144xf32, #tpu.memory_space<hbm>> -> memref<32x2048xf32, #tpu.memory_space<hbm>>
      %dma_wait3A_355 = arith.constant 0 : i32
      %dma_wait3A_356 = arith.constant 231424 : i32
      %dma_wait3A_357 = tpu.memref_slice %arg3[%dma_wait3A_355, %dma_wait3A_356] : memref<32x262144xf32, #tpu.memory_space<hbm>> -> memref<32x2048xf32, #tpu.memory_space<hbm>>
      tpu.wait_dma2 semaphore(%arg8 : memref<!tpu.dma_semaphore, #tpu.memory_space<semaphore_mem>>) src(%arg4 : memref<32x2048xf32, #tpu.memory_space<vmem>>) dst(%dma_wait3A_357 : memref<32x2048xf32, #tpu.memory_space<hbm>>)
      %dma_wait3A_358 = arith.constant 0 : i32
      %dma_wait3A_359 = arith.constant 247808 : i32
      %dma_wait3A_360 = tpu.memref_slice %arg3[%dma_wait3A_358, %dma_wait3A_359] : memref<32x262144xf32, #tpu.memory_space<hbm>> -> memref<32x2048xf32, #tpu.memory_space<hbm>>
      %dma_wait3A_361 = arith.constant 0 : i32
      %dma_wait3A_362 = arith.constant 247808 : i32
      %dma_wait3A_363 = tpu.memref_slice %arg3[%dma_wait3A_361, %dma_wait3A_362] : memref<32x262144xf32, #tpu.memory_space<hbm>> -> memref<32x2048xf32, #tpu.memory_space<hbm>>
      tpu.wait_dma2 semaphore(%arg9 : memref<!tpu.dma_semaphore, #tpu.memory_space<semaphore_mem>>) src(%arg4 : memref<32x2048xf32, #tpu.memory_space<vmem>>) dst(%dma_wait3A_363 : memref<32x2048xf32, #tpu.memory_space<hbm>>)
    } else {
    }
    %eq3A_288 = arith.constant 26 : i32
    %eq3A_289 = arith.cmpi eq, %add3A, %eq3A_288 : i32
    %convert_element_type3A_290 = arith.extui %eq3A_289 : i1 to i32
    %cond3A_291 = arith.constant 0 : i32
    %cond3A_292 = arith.cmpi ne, %convert_element_type3A_290, %cond3A_291 : i32
    scf.if %cond3A_292 {
      %dma_start3A = arith.constant 0 : i32
      %dma_start3A_318 = arith.constant 200704 : i32
      %dma_start3A_319 = tpu.memref_slice %arg3[%dma_start3A, %dma_start3A_318] : memref<32x262144xf32, #tpu.memory_space<hbm>> -> memref<32x2048xf32, #tpu.memory_space<hbm>>
      %dma_start3A_320 = arith.constant 0 : i32
      %dma_start3A_321 = arith.constant 200704 : i32
      %dma_start3A_322 = tpu.memref_slice %arg3[%dma_start3A_320, %dma_start3A_321] : memref<32x262144xf32, #tpu.memory_space<hbm>> -> memref<32x2048xf32, #tpu.memory_space<hbm>>
      tpu.enqueue_dma source(%arg4 : memref<32x2048xf32, #tpu.memory_space<vmem>>) target(%dma_start3A_322 : memref<32x2048xf32, #tpu.memory_space<hbm>>) target_semaphore(%arg6 : memref<!tpu.dma_semaphore, #tpu.memory_space<semaphore_mem>>)
      %dma_start3A_323 = arith.constant 0 : i32
      %dma_start3A_324 = arith.constant 217088 : i32
      %dma_start3A_325 = tpu.memref_slice %arg3[%dma_start3A_323, %dma_start3A_324] : memref<32x262144xf32, #tpu.memory_space<hbm>> -> memref<32x2048xf32, #tpu.memory_space<hbm>>
      %dma_start3A_326 = arith.constant 0 : i32
      %dma_start3A_327 = arith.constant 217088 : i32
      %dma_start3A_328 = tpu.memref_slice %arg3[%dma_start3A_326, %dma_start3A_327] : memref<32x262144xf32, #tpu.memory_space<hbm>> -> memref<32x2048xf32, #tpu.memory_space<hbm>>
      tpu.enqueue_dma source(%arg4 : memref<32x2048xf32, #tpu.memory_space<vmem>>) target(%dma_start3A_328 : memref<32x2048xf32, #tpu.memory_space<hbm>>) target_semaphore(%arg7 : memref<!tpu.dma_semaphore, #tpu.memory_space<semaphore_mem>>)
      %dma_start3A_329 = arith.constant 0 : i32
      %dma_start3A_330 = arith.constant 233472 : i32
      %dma_start3A_331 = tpu.memref_slice %arg3[%dma_start3A_329, %dma_start3A_330] : memref<32x262144xf32, #tpu.memory_space<hbm>> -> memref<32x2048xf32, #tpu.memory_space<hbm>>
      %dma_start3A_332 = arith.constant 0 : i32
      %dma_start3A_333 = arith.constant 233472 : i32
      %dma_start3A_334 = tpu.memref_slice %arg3[%dma_start3A_332, %dma_start3A_333] : memref<32x262144xf32, #tpu.memory_space<hbm>> -> memref<32x2048xf32, #tpu.memory_space<hbm>>
      tpu.enqueue_dma source(%arg4 : memref<32x2048xf32, #tpu.memory_space<vmem>>) target(%dma_start3A_334 : memref<32x2048xf32, #tpu.memory_space<hbm>>) target_semaphore(%arg8 : memref<!tpu.dma_semaphore, #tpu.memory_space<semaphore_mem>>)
      %dma_start3A_335 = arith.constant 0 : i32
      %dma_start3A_336 = arith.constant 249856 : i32
      %dma_start3A_337 = tpu.memref_slice %arg3[%dma_start3A_335, %dma_start3A_336] : memref<32x262144xf32, #tpu.memory_space<hbm>> -> memref<32x2048xf32, #tpu.memory_space<hbm>>
      %dma_start3A_338 = arith.constant 0 : i32
      %dma_start3A_339 = arith.constant 249856 : i32
      %dma_start3A_340 = tpu.memref_slice %arg3[%dma_start3A_338, %dma_start3A_339] : memref<32x262144xf32, #tpu.memory_space<hbm>> -> memref<32x2048xf32, #tpu.memory_space<hbm>>
      tpu.enqueue_dma source(%arg4 : memref<32x2048xf32, #tpu.memory_space<vmem>>) target(%dma_start3A_340 : memref<32x2048xf32, #tpu.memory_space<hbm>>) target_semaphore(%arg9 : memref<!tpu.dma_semaphore, #tpu.memory_space<semaphore_mem>>)
      %dma_wait3A = arith.constant 0 : i32
      %dma_wait3A_341 = arith.constant 200704 : i32
      %dma_wait3A_342 = tpu.memref_slice %arg3[%dma_wait3A, %dma_wait3A_341] : memref<32x262144xf32, #tpu.memory_space<hbm>> -> memref<32x2048xf32, #tpu.memory_space<hbm>>
      %dma_wait3A_343 = arith.constant 0 : i32
      %dma_wait3A_344 = arith.constant 200704 : i32
      %dma_wait3A_345 = tpu.memref_slice %arg3[%dma_wait3A_343, %dma_wait3A_344] : memref<32x262144xf32, #tpu.memory_space<hbm>> -> memref<32x2048xf32, #tpu.memory_space<hbm>>
      tpu.wait_dma2 semaphore(%arg6 : memref<!tpu.dma_semaphore, #tpu.memory_space<semaphore_mem>>) src(%arg4 : memref<32x2048xf32, #tpu.memory_space<vmem>>) dst(%dma_wait3A_345 : memref<32x2048xf32, #tpu.memory_space<hbm>>)
      %dma_wait3A_346 = arith.constant 0 : i32
      %dma_wait3A_347 = arith.constant 217088 : i32
      %dma_wait3A_348 = tpu.memref_slice %arg3[%dma_wait3A_346, %dma_wait3A_347] : memref<32x262144xf32, #tpu.memory_space<hbm>> -> memref<32x2048xf32, #tpu.memory_space<hbm>>
      %dma_wait3A_349 = arith.constant 0 : i32
      %dma_wait3A_350 = arith.constant 217088 : i32
      %dma_wait3A_351 = tpu.memref_slice %arg3[%dma_wait3A_349, %dma_wait3A_350] : memref<32x262144xf32, #tpu.memory_space<hbm>> -> memref<32x2048xf32, #tpu.memory_space<hbm>>
      tpu.wait_dma2 semaphore(%arg7 : memref<!tpu.dma_semaphore, #tpu.memory_space<semaphore_mem>>) src(%arg4 : memref<32x2048xf32, #tpu.memory_space<vmem>>) dst(%dma_wait3A_351 : memref<32x2048xf32, #tpu.memory_space<hbm>>)
      %dma_wait3A_352 = arith.constant 0 : i32
      %dma_wait3A_353 = arith.constant 233472 : i32
      %dma_wait3A_354 = tpu.memref_slice %arg3[%dma_wait3A_352, %dma_wait3A_353] : memref<32x262144xf32, #tpu.memory_space<hbm>> -> memref<32x2048xf32, #tpu.memory_space<hbm>>
      %dma_wait3A_355 = arith.constant 0 : i32
      %dma_wait3A_356 = arith.constant 233472 : i32
      %dma_wait3A_357 = tpu.memref_slice %arg3[%dma_wait3A_355, %dma_wait3A_356] : memref<32x262144xf32, #tpu.memory_space<hbm>> -> memref<32x2048xf32, #tpu.memory_space<hbm>>
      tpu.wait_dma2 semaphore(%arg8 : memref<!tpu.dma_semaphore, #tpu.memory_space<semaphore_mem>>) src(%arg4 : memref<32x2048xf32, #tpu.memory_space<vmem>>) dst(%dma_wait3A_357 : memref<32x2048xf32, #tpu.memory_space<hbm>>)
      %dma_wait3A_358 = arith.constant 0 : i32
      %dma_wait3A_359 = arith.constant 249856 : i32
      %dma_wait3A_360 = tpu.memref_slice %arg3[%dma_wait3A_358, %dma_wait3A_359] : memref<32x262144xf32, #tpu.memory_space<hbm>> -> memref<32x2048xf32, #tpu.memory_space<hbm>>
      %dma_wait3A_361 = arith.constant 0 : i32
      %dma_wait3A_362 = arith.constant 249856 : i32
      %dma_wait3A_363 = tpu.memref_slice %arg3[%dma_wait3A_361, %dma_wait3A_362] : memref<32x262144xf32, #tpu.memory_space<hbm>> -> memref<32x2048xf32, #tpu.memory_space<hbm>>
      tpu.wait_dma2 semaphore(%arg9 : memref<!tpu.dma_semaphore, #tpu.memory_space<semaphore_mem>>) src(%arg4 : memref<32x2048xf32, #tpu.memory_space<vmem>>) dst(%dma_wait3A_363 : memref<32x2048xf32, #tpu.memory_space<hbm>>)
    } else {
    }
    %eq3A_293 = arith.constant 27 : i32
    %eq3A_294 = arith.cmpi eq, %add3A, %eq3A_293 : i32
    %convert_element_type3A_295 = arith.extui %eq3A_294 : i1 to i32
    %cond3A_296 = arith.constant 0 : i32
    %cond3A_297 = arith.cmpi ne, %convert_element_type3A_295, %cond3A_296 : i32
    scf.if %cond3A_297 {
      %dma_start3A = arith.constant 0 : i32
      %dma_start3A_318 = arith.constant 202752 : i32
      %dma_start3A_319 = tpu.memref_slice %arg3[%dma_start3A, %dma_start3A_318] : memref<32x262144xf32, #tpu.memory_space<hbm>> -> memref<32x2048xf32, #tpu.memory_space<hbm>>
      %dma_start3A_320 = arith.constant 0 : i32
      %dma_start3A_321 = arith.constant 202752 : i32
      %dma_start3A_322 = tpu.memref_slice %arg3[%dma_start3A_320, %dma_start3A_321] : memref<32x262144xf32, #tpu.memory_space<hbm>> -> memref<32x2048xf32, #tpu.memory_space<hbm>>
      tpu.enqueue_dma source(%arg4 : memref<32x2048xf32, #tpu.memory_space<vmem>>) target(%dma_start3A_322 : memref<32x2048xf32, #tpu.memory_space<hbm>>) target_semaphore(%arg6 : memref<!tpu.dma_semaphore, #tpu.memory_space<semaphore_mem>>)
      %dma_start3A_323 = arith.constant 0 : i32
      %dma_start3A_324 = arith.constant 219136 : i32
      %dma_start3A_325 = tpu.memref_slice %arg3[%dma_start3A_323, %dma_start3A_324] : memref<32x262144xf32, #tpu.memory_space<hbm>> -> memref<32x2048xf32, #tpu.memory_space<hbm>>
      %dma_start3A_326 = arith.constant 0 : i32
      %dma_start3A_327 = arith.constant 219136 : i32
      %dma_start3A_328 = tpu.memref_slice %arg3[%dma_start3A_326, %dma_start3A_327] : memref<32x262144xf32, #tpu.memory_space<hbm>> -> memref<32x2048xf32, #tpu.memory_space<hbm>>
      tpu.enqueue_dma source(%arg4 : memref<32x2048xf32, #tpu.memory_space<vmem>>) target(%dma_start3A_328 : memref<32x2048xf32, #tpu.memory_space<hbm>>) target_semaphore(%arg7 : memref<!tpu.dma_semaphore, #tpu.memory_space<semaphore_mem>>)
      %dma_start3A_329 = arith.constant 0 : i32
      %dma_start3A_330 = arith.constant 235520 : i32
      %dma_start3A_331 = tpu.memref_slice %arg3[%dma_start3A_329, %dma_start3A_330] : memref<32x262144xf32, #tpu.memory_space<hbm>> -> memref<32x2048xf32, #tpu.memory_space<hbm>>
      %dma_start3A_332 = arith.constant 0 : i32
      %dma_start3A_333 = arith.constant 235520 : i32
      %dma_start3A_334 = tpu.memref_slice %arg3[%dma_start3A_332, %dma_start3A_333] : memref<32x262144xf32, #tpu.memory_space<hbm>> -> memref<32x2048xf32, #tpu.memory_space<hbm>>
      tpu.enqueue_dma source(%arg4 : memref<32x2048xf32, #tpu.memory_space<vmem>>) target(%dma_start3A_334 : memref<32x2048xf32, #tpu.memory_space<hbm>>) target_semaphore(%arg8 : memref<!tpu.dma_semaphore, #tpu.memory_space<semaphore_mem>>)
      %dma_start3A_335 = arith.constant 0 : i32
      %dma_start3A_336 = arith.constant 251904 : i32
      %dma_start3A_337 = tpu.memref_slice %arg3[%dma_start3A_335, %dma_start3A_336] : memref<32x262144xf32, #tpu.memory_space<hbm>> -> memref<32x2048xf32, #tpu.memory_space<hbm>>
      %dma_start3A_338 = arith.constant 0 : i32
      %dma_start3A_339 = arith.constant 251904 : i32
      %dma_start3A_340 = tpu.memref_slice %arg3[%dma_start3A_338, %dma_start3A_339] : memref<32x262144xf32, #tpu.memory_space<hbm>> -> memref<32x2048xf32, #tpu.memory_space<hbm>>
      tpu.enqueue_dma source(%arg4 : memref<32x2048xf32, #tpu.memory_space<vmem>>) target(%dma_start3A_340 : memref<32x2048xf32, #tpu.memory_space<hbm>>) target_semaphore(%arg9 : memref<!tpu.dma_semaphore, #tpu.memory_space<semaphore_mem>>)
      %dma_wait3A = arith.constant 0 : i32
      %dma_wait3A_341 = arith.constant 202752 : i32
      %dma_wait3A_342 = tpu.memref_slice %arg3[%dma_wait3A, %dma_wait3A_341] : memref<32x262144xf32, #tpu.memory_space<hbm>> -> memref<32x2048xf32, #tpu.memory_space<hbm>>
      %dma_wait3A_343 = arith.constant 0 : i32
      %dma_wait3A_344 = arith.constant 202752 : i32
      %dma_wait3A_345 = tpu.memref_slice %arg3[%dma_wait3A_343, %dma_wait3A_344] : memref<32x262144xf32, #tpu.memory_space<hbm>> -> memref<32x2048xf32, #tpu.memory_space<hbm>>
      tpu.wait_dma2 semaphore(%arg6 : memref<!tpu.dma_semaphore, #tpu.memory_space<semaphore_mem>>) src(%arg4 : memref<32x2048xf32, #tpu.memory_space<vmem>>) dst(%dma_wait3A_345 : memref<32x2048xf32, #tpu.memory_space<hbm>>)
      %dma_wait3A_346 = arith.constant 0 : i32
      %dma_wait3A_347 = arith.constant 219136 : i32
      %dma_wait3A_348 = tpu.memref_slice %arg3[%dma_wait3A_346, %dma_wait3A_347] : memref<32x262144xf32, #tpu.memory_space<hbm>> -> memref<32x2048xf32, #tpu.memory_space<hbm>>
      %dma_wait3A_349 = arith.constant 0 : i32
      %dma_wait3A_350 = arith.constant 219136 : i32
      %dma_wait3A_351 = tpu.memref_slice %arg3[%dma_wait3A_349, %dma_wait3A_350] : memref<32x262144xf32, #tpu.memory_space<hbm>> -> memref<32x2048xf32, #tpu.memory_space<hbm>>
      tpu.wait_dma2 semaphore(%arg7 : memref<!tpu.dma_semaphore, #tpu.memory_space<semaphore_mem>>) src(%arg4 : memref<32x2048xf32, #tpu.memory_space<vmem>>) dst(%dma_wait3A_351 : memref<32x2048xf32, #tpu.memory_space<hbm>>)
      %dma_wait3A_352 = arith.constant 0 : i32
      %dma_wait3A_353 = arith.constant 235520 : i32
      %dma_wait3A_354 = tpu.memref_slice %arg3[%dma_wait3A_352, %dma_wait3A_353] : memref<32x262144xf32, #tpu.memory_space<hbm>> -> memref<32x2048xf32, #tpu.memory_space<hbm>>
      %dma_wait3A_355 = arith.constant 0 : i32
      %dma_wait3A_356 = arith.constant 235520 : i32
      %dma_wait3A_357 = tpu.memref_slice %arg3[%dma_wait3A_355, %dma_wait3A_356] : memref<32x262144xf32, #tpu.memory_space<hbm>> -> memref<32x2048xf32, #tpu.memory_space<hbm>>
      tpu.wait_dma2 semaphore(%arg8 : memref<!tpu.dma_semaphore, #tpu.memory_space<semaphore_mem>>) src(%arg4 : memref<32x2048xf32, #tpu.memory_space<vmem>>) dst(%dma_wait3A_357 : memref<32x2048xf32, #tpu.memory_space<hbm>>)
      %dma_wait3A_358 = arith.constant 0 : i32
      %dma_wait3A_359 = arith.constant 251904 : i32
      %dma_wait3A_360 = tpu.memref_slice %arg3[%dma_wait3A_358, %dma_wait3A_359] : memref<32x262144xf32, #tpu.memory_space<hbm>> -> memref<32x2048xf32, #tpu.memory_space<hbm>>
      %dma_wait3A_361 = arith.constant 0 : i32
      %dma_wait3A_362 = arith.constant 251904 : i32
      %dma_wait3A_363 = tpu.memref_slice %arg3[%dma_wait3A_361, %dma_wait3A_362] : memref<32x262144xf32, #tpu.memory_space<hbm>> -> memref<32x2048xf32, #tpu.memory_space<hbm>>
      tpu.wait_dma2 semaphore(%arg9 : memref<!tpu.dma_semaphore, #tpu.memory_space<semaphore_mem>>) src(%arg4 : memref<32x2048xf32, #tpu.memory_space<vmem>>) dst(%dma_wait3A_363 : memref<32x2048xf32, #tpu.memory_space<hbm>>)
    } else {
    }
    %eq3A_298 = arith.constant 28 : i32
    %eq3A_299 = arith.cmpi eq, %add3A, %eq3A_298 : i32
    %convert_element_type3A_300 = arith.extui %eq3A_299 : i1 to i32
    %cond3A_301 = arith.constant 0 : i32
    %cond3A_302 = arith.cmpi ne, %convert_element_type3A_300, %cond3A_301 : i32
    scf.if %cond3A_302 {
      %dma_start3A = arith.constant 0 : i32
      %dma_start3A_318 = arith.constant 204800 : i32
      %dma_start3A_319 = tpu.memref_slice %arg3[%dma_start3A, %dma_start3A_318] : memref<32x262144xf32, #tpu.memory_space<hbm>> -> memref<32x2048xf32, #tpu.memory_space<hbm>>
      %dma_start3A_320 = arith.constant 0 : i32
      %dma_start3A_321 = arith.constant 204800 : i32
      %dma_start3A_322 = tpu.memref_slice %arg3[%dma_start3A_320, %dma_start3A_321] : memref<32x262144xf32, #tpu.memory_space<hbm>> -> memref<32x2048xf32, #tpu.memory_space<hbm>>
      tpu.enqueue_dma source(%arg4 : memref<32x2048xf32, #tpu.memory_space<vmem>>) target(%dma_start3A_322 : memref<32x2048xf32, #tpu.memory_space<hbm>>) target_semaphore(%arg6 : memref<!tpu.dma_semaphore, #tpu.memory_space<semaphore_mem>>)
      %dma_start3A_323 = arith.constant 0 : i32
      %dma_start3A_324 = arith.constant 221184 : i32
      %dma_start3A_325 = tpu.memref_slice %arg3[%dma_start3A_323, %dma_start3A_324] : memref<32x262144xf32, #tpu.memory_space<hbm>> -> memref<32x2048xf32, #tpu.memory_space<hbm>>
      %dma_start3A_326 = arith.constant 0 : i32
      %dma_start3A_327 = arith.constant 221184 : i32
      %dma_start3A_328 = tpu.memref_slice %arg3[%dma_start3A_326, %dma_start3A_327] : memref<32x262144xf32, #tpu.memory_space<hbm>> -> memref<32x2048xf32, #tpu.memory_space<hbm>>
      tpu.enqueue_dma source(%arg4 : memref<32x2048xf32, #tpu.memory_space<vmem>>) target(%dma_start3A_328 : memref<32x2048xf32, #tpu.memory_space<hbm>>) target_semaphore(%arg7 : memref<!tpu.dma_semaphore, #tpu.memory_space<semaphore_mem>>)
      %dma_start3A_329 = arith.constant 0 : i32
      %dma_start3A_330 = arith.constant 237568 : i32
      %dma_start3A_331 = tpu.memref_slice %arg3[%dma_start3A_329, %dma_start3A_330] : memref<32x262144xf32, #tpu.memory_space<hbm>> -> memref<32x2048xf32, #tpu.memory_space<hbm>>
      %dma_start3A_332 = arith.constant 0 : i32
      %dma_start3A_333 = arith.constant 237568 : i32
      %dma_start3A_334 = tpu.memref_slice %arg3[%dma_start3A_332, %dma_start3A_333] : memref<32x262144xf32, #tpu.memory_space<hbm>> -> memref<32x2048xf32, #tpu.memory_space<hbm>>
      tpu.enqueue_dma source(%arg4 : memref<32x2048xf32, #tpu.memory_space<vmem>>) target(%dma_start3A_334 : memref<32x2048xf32, #tpu.memory_space<hbm>>) target_semaphore(%arg8 : memref<!tpu.dma_semaphore, #tpu.memory_space<semaphore_mem>>)
      %dma_start3A_335 = arith.constant 0 : i32
      %dma_start3A_336 = arith.constant 253952 : i32
      %dma_start3A_337 = tpu.memref_slice %arg3[%dma_start3A_335, %dma_start3A_336] : memref<32x262144xf32, #tpu.memory_space<hbm>> -> memref<32x2048xf32, #tpu.memory_space<hbm>>
      %dma_start3A_338 = arith.constant 0 : i32
      %dma_start3A_339 = arith.constant 253952 : i32
      %dma_start3A_340 = tpu.memref_slice %arg3[%dma_start3A_338, %dma_start3A_339] : memref<32x262144xf32, #tpu.memory_space<hbm>> -> memref<32x2048xf32, #tpu.memory_space<hbm>>
      tpu.enqueue_dma source(%arg4 : memref<32x2048xf32, #tpu.memory_space<vmem>>) target(%dma_start3A_340 : memref<32x2048xf32, #tpu.memory_space<hbm>>) target_semaphore(%arg9 : memref<!tpu.dma_semaphore, #tpu.memory_space<semaphore_mem>>)
      %dma_wait3A = arith.constant 0 : i32
      %dma_wait3A_341 = arith.constant 204800 : i32
      %dma_wait3A_342 = tpu.memref_slice %arg3[%dma_wait3A, %dma_wait3A_341] : memref<32x262144xf32, #tpu.memory_space<hbm>> -> memref<32x2048xf32, #tpu.memory_space<hbm>>
      %dma_wait3A_343 = arith.constant 0 : i32
      %dma_wait3A_344 = arith.constant 204800 : i32
      %dma_wait3A_345 = tpu.memref_slice %arg3[%dma_wait3A_343, %dma_wait3A_344] : memref<32x262144xf32, #tpu.memory_space<hbm>> -> memref<32x2048xf32, #tpu.memory_space<hbm>>
      tpu.wait_dma2 semaphore(%arg6 : memref<!tpu.dma_semaphore, #tpu.memory_space<semaphore_mem>>) src(%arg4 : memref<32x2048xf32, #tpu.memory_space<vmem>>) dst(%dma_wait3A_345 : memref<32x2048xf32, #tpu.memory_space<hbm>>)
      %dma_wait3A_346 = arith.constant 0 : i32
      %dma_wait3A_347 = arith.constant 221184 : i32
      %dma_wait3A_348 = tpu.memref_slice %arg3[%dma_wait3A_346, %dma_wait3A_347] : memref<32x262144xf32, #tpu.memory_space<hbm>> -> memref<32x2048xf32, #tpu.memory_space<hbm>>
      %dma_wait3A_349 = arith.constant 0 : i32
      %dma_wait3A_350 = arith.constant 221184 : i32
      %dma_wait3A_351 = tpu.memref_slice %arg3[%dma_wait3A_349, %dma_wait3A_350] : memref<32x262144xf32, #tpu.memory_space<hbm>> -> memref<32x2048xf32, #tpu.memory_space<hbm>>
      tpu.wait_dma2 semaphore(%arg7 : memref<!tpu.dma_semaphore, #tpu.memory_space<semaphore_mem>>) src(%arg4 : memref<32x2048xf32, #tpu.memory_space<vmem>>) dst(%dma_wait3A_351 : memref<32x2048xf32, #tpu.memory_space<hbm>>)
      %dma_wait3A_352 = arith.constant 0 : i32
      %dma_wait3A_353 = arith.constant 237568 : i32
      %dma_wait3A_354 = tpu.memref_slice %arg3[%dma_wait3A_352, %dma_wait3A_353] : memref<32x262144xf32, #tpu.memory_space<hbm>> -> memref<32x2048xf32, #tpu.memory_space<hbm>>
      %dma_wait3A_355 = arith.constant 0 : i32
      %dma_wait3A_356 = arith.constant 237568 : i32
      %dma_wait3A_357 = tpu.memref_slice %arg3[%dma_wait3A_355, %dma_wait3A_356] : memref<32x262144xf32, #tpu.memory_space<hbm>> -> memref<32x2048xf32, #tpu.memory_space<hbm>>
      tpu.wait_dma2 semaphore(%arg8 : memref<!tpu.dma_semaphore, #tpu.memory_space<semaphore_mem>>) src(%arg4 : memref<32x2048xf32, #tpu.memory_space<vmem>>) dst(%dma_wait3A_357 : memref<32x2048xf32, #tpu.memory_space<hbm>>)
      %dma_wait3A_358 = arith.constant 0 : i32
      %dma_wait3A_359 = arith.constant 253952 : i32
      %dma_wait3A_360 = tpu.memref_slice %arg3[%dma_wait3A_358, %dma_wait3A_359] : memref<32x262144xf32, #tpu.memory_space<hbm>> -> memref<32x2048xf32, #tpu.memory_space<hbm>>
      %dma_wait3A_361 = arith.constant 0 : i32
      %dma_wait3A_362 = arith.constant 253952 : i32
      %dma_wait3A_363 = tpu.memref_slice %arg3[%dma_wait3A_361, %dma_wait3A_362] : memref<32x262144xf32, #tpu.memory_space<hbm>> -> memref<32x2048xf32, #tpu.memory_space<hbm>>
      tpu.wait_dma2 semaphore(%arg9 : memref<!tpu.dma_semaphore, #tpu.memory_space<semaphore_mem>>) src(%arg4 : memref<32x2048xf32, #tpu.memory_space<vmem>>) dst(%dma_wait3A_363 : memref<32x2048xf32, #tpu.memory_space<hbm>>)
    } else {
    }
    %eq3A_303 = arith.constant 29 : i32
    %eq3A_304 = arith.cmpi eq, %add3A, %eq3A_303 : i32
    %convert_element_type3A_305 = arith.extui %eq3A_304 : i1 to i32
    %cond3A_306 = arith.constant 0 : i32
    %cond3A_307 = arith.cmpi ne, %convert_element_type3A_305, %cond3A_306 : i32
    scf.if %cond3A_307 {
      %dma_start3A = arith.constant 0 : i32
      %dma_start3A_318 = arith.constant 206848 : i32
      %dma_start3A_319 = tpu.memref_slice %arg3[%dma_start3A, %dma_start3A_318] : memref<32x262144xf32, #tpu.memory_space<hbm>> -> memref<32x2048xf32, #tpu.memory_space<hbm>>
      %dma_start3A_320 = arith.constant 0 : i32
      %dma_start3A_321 = arith.constant 206848 : i32
      %dma_start3A_322 = tpu.memref_slice %arg3[%dma_start3A_320, %dma_start3A_321] : memref<32x262144xf32, #tpu.memory_space<hbm>> -> memref<32x2048xf32, #tpu.memory_space<hbm>>
      tpu.enqueue_dma source(%arg4 : memref<32x2048xf32, #tpu.memory_space<vmem>>) target(%dma_start3A_322 : memref<32x2048xf32, #tpu.memory_space<hbm>>) target_semaphore(%arg6 : memref<!tpu.dma_semaphore, #tpu.memory_space<semaphore_mem>>)
      %dma_start3A_323 = arith.constant 0 : i32
      %dma_start3A_324 = arith.constant 223232 : i32
      %dma_start3A_325 = tpu.memref_slice %arg3[%dma_start3A_323, %dma_start3A_324] : memref<32x262144xf32, #tpu.memory_space<hbm>> -> memref<32x2048xf32, #tpu.memory_space<hbm>>
      %dma_start3A_326 = arith.constant 0 : i32
      %dma_start3A_327 = arith.constant 223232 : i32
      %dma_start3A_328 = tpu.memref_slice %arg3[%dma_start3A_326, %dma_start3A_327] : memref<32x262144xf32, #tpu.memory_space<hbm>> -> memref<32x2048xf32, #tpu.memory_space<hbm>>
      tpu.enqueue_dma source(%arg4 : memref<32x2048xf32, #tpu.memory_space<vmem>>) target(%dma_start3A_328 : memref<32x2048xf32, #tpu.memory_space<hbm>>) target_semaphore(%arg7 : memref<!tpu.dma_semaphore, #tpu.memory_space<semaphore_mem>>)
      %dma_start3A_329 = arith.constant 0 : i32
      %dma_start3A_330 = arith.constant 239616 : i32
      %dma_start3A_331 = tpu.memref_slice %arg3[%dma_start3A_329, %dma_start3A_330] : memref<32x262144xf32, #tpu.memory_space<hbm>> -> memref<32x2048xf32, #tpu.memory_space<hbm>>
      %dma_start3A_332 = arith.constant 0 : i32
      %dma_start3A_333 = arith.constant 239616 : i32
      %dma_start3A_334 = tpu.memref_slice %arg3[%dma_start3A_332, %dma_start3A_333] : memref<32x262144xf32, #tpu.memory_space<hbm>> -> memref<32x2048xf32, #tpu.memory_space<hbm>>
      tpu.enqueue_dma source(%arg4 : memref<32x2048xf32, #tpu.memory_space<vmem>>) target(%dma_start3A_334 : memref<32x2048xf32, #tpu.memory_space<hbm>>) target_semaphore(%arg8 : memref<!tpu.dma_semaphore, #tpu.memory_space<semaphore_mem>>)
      %dma_start3A_335 = arith.constant 0 : i32
      %dma_start3A_336 = arith.constant 256000 : i32
      %dma_start3A_337 = tpu.memref_slice %arg3[%dma_start3A_335, %dma_start3A_336] : memref<32x262144xf32, #tpu.memory_space<hbm>> -> memref<32x2048xf32, #tpu.memory_space<hbm>>
      %dma_start3A_338 = arith.constant 0 : i32
      %dma_start3A_339 = arith.constant 256000 : i32
      %dma_start3A_340 = tpu.memref_slice %arg3[%dma_start3A_338, %dma_start3A_339] : memref<32x262144xf32, #tpu.memory_space<hbm>> -> memref<32x2048xf32, #tpu.memory_space<hbm>>
      tpu.enqueue_dma source(%arg4 : memref<32x2048xf32, #tpu.memory_space<vmem>>) target(%dma_start3A_340 : memref<32x2048xf32, #tpu.memory_space<hbm>>) target_semaphore(%arg9 : memref<!tpu.dma_semaphore, #tpu.memory_space<semaphore_mem>>)
      %dma_wait3A = arith.constant 0 : i32
      %dma_wait3A_341 = arith.constant 206848 : i32
      %dma_wait3A_342 = tpu.memref_slice %arg3[%dma_wait3A, %dma_wait3A_341] : memref<32x262144xf32, #tpu.memory_space<hbm>> -> memref<32x2048xf32, #tpu.memory_space<hbm>>
      %dma_wait3A_343 = arith.constant 0 : i32
      %dma_wait3A_344 = arith.constant 206848 : i32
      %dma_wait3A_345 = tpu.memref_slice %arg3[%dma_wait3A_343, %dma_wait3A_344] : memref<32x262144xf32, #tpu.memory_space<hbm>> -> memref<32x2048xf32, #tpu.memory_space<hbm>>
      tpu.wait_dma2 semaphore(%arg6 : memref<!tpu.dma_semaphore, #tpu.memory_space<semaphore_mem>>) src(%arg4 : memref<32x2048xf32, #tpu.memory_space<vmem>>) dst(%dma_wait3A_345 : memref<32x2048xf32, #tpu.memory_space<hbm>>)
      %dma_wait3A_346 = arith.constant 0 : i32
      %dma_wait3A_347 = arith.constant 223232 : i32
      %dma_wait3A_348 = tpu.memref_slice %arg3[%dma_wait3A_346, %dma_wait3A_347] : memref<32x262144xf32, #tpu.memory_space<hbm>> -> memref<32x2048xf32, #tpu.memory_space<hbm>>
      %dma_wait3A_349 = arith.constant 0 : i32
      %dma_wait3A_350 = arith.constant 223232 : i32
      %dma_wait3A_351 = tpu.memref_slice %arg3[%dma_wait3A_349, %dma_wait3A_350] : memref<32x262144xf32, #tpu.memory_space<hbm>> -> memref<32x2048xf32, #tpu.memory_space<hbm>>
      tpu.wait_dma2 semaphore(%arg7 : memref<!tpu.dma_semaphore, #tpu.memory_space<semaphore_mem>>) src(%arg4 : memref<32x2048xf32, #tpu.memory_space<vmem>>) dst(%dma_wait3A_351 : memref<32x2048xf32, #tpu.memory_space<hbm>>)
      %dma_wait3A_352 = arith.constant 0 : i32
      %dma_wait3A_353 = arith.constant 239616 : i32
      %dma_wait3A_354 = tpu.memref_slice %arg3[%dma_wait3A_352, %dma_wait3A_353] : memref<32x262144xf32, #tpu.memory_space<hbm>> -> memref<32x2048xf32, #tpu.memory_space<hbm>>
      %dma_wait3A_355 = arith.constant 0 : i32
      %dma_wait3A_356 = arith.constant 239616 : i32
      %dma_wait3A_357 = tpu.memref_slice %arg3[%dma_wait3A_355, %dma_wait3A_356] : memref<32x262144xf32, #tpu.memory_space<hbm>> -> memref<32x2048xf32, #tpu.memory_space<hbm>>
      tpu.wait_dma2 semaphore(%arg8 : memref<!tpu.dma_semaphore, #tpu.memory_space<semaphore_mem>>) src(%arg4 : memref<32x2048xf32, #tpu.memory_space<vmem>>) dst(%dma_wait3A_357 : memref<32x2048xf32, #tpu.memory_space<hbm>>)
      %dma_wait3A_358 = arith.constant 0 : i32
      %dma_wait3A_359 = arith.constant 256000 : i32
      %dma_wait3A_360 = tpu.memref_slice %arg3[%dma_wait3A_358, %dma_wait3A_359] : memref<32x262144xf32, #tpu.memory_space<hbm>> -> memref<32x2048xf32, #tpu.memory_space<hbm>>
      %dma_wait3A_361 = arith.constant 0 : i32
      %dma_wait3A_362 = arith.constant 256000 : i32
      %dma_wait3A_363 = tpu.memref_slice %arg3[%dma_wait3A_361, %dma_wait3A_362] : memref<32x262144xf32, #tpu.memory_space<hbm>> -> memref<32x2048xf32, #tpu.memory_space<hbm>>
      tpu.wait_dma2 semaphore(%arg9 : memref<!tpu.dma_semaphore, #tpu.memory_space<semaphore_mem>>) src(%arg4 : memref<32x2048xf32, #tpu.memory_space<vmem>>) dst(%dma_wait3A_363 : memref<32x2048xf32, #tpu.memory_space<hbm>>)
    } else {
    }
    %eq3A_308 = arith.constant 30 : i32
    %eq3A_309 = arith.cmpi eq, %add3A, %eq3A_308 : i32
    %convert_element_type3A_310 = arith.extui %eq3A_309 : i1 to i32
    %cond3A_311 = arith.constant 0 : i32
    %cond3A_312 = arith.cmpi ne, %convert_element_type3A_310, %cond3A_311 : i32
    scf.if %cond3A_312 {
      %dma_start3A = arith.constant 0 : i32
      %dma_start3A_318 = arith.constant 208896 : i32
      %dma_start3A_319 = tpu.memref_slice %arg3[%dma_start3A, %dma_start3A_318] : memref<32x262144xf32, #tpu.memory_space<hbm>> -> memref<32x2048xf32, #tpu.memory_space<hbm>>
      %dma_start3A_320 = arith.constant 0 : i32
      %dma_start3A_321 = arith.constant 208896 : i32
      %dma_start3A_322 = tpu.memref_slice %arg3[%dma_start3A_320, %dma_start3A_321] : memref<32x262144xf32, #tpu.memory_space<hbm>> -> memref<32x2048xf32, #tpu.memory_space<hbm>>
      tpu.enqueue_dma source(%arg4 : memref<32x2048xf32, #tpu.memory_space<vmem>>) target(%dma_start3A_322 : memref<32x2048xf32, #tpu.memory_space<hbm>>) target_semaphore(%arg6 : memref<!tpu.dma_semaphore, #tpu.memory_space<semaphore_mem>>)
      %dma_start3A_323 = arith.constant 0 : i32
      %dma_start3A_324 = arith.constant 225280 : i32
      %dma_start3A_325 = tpu.memref_slice %arg3[%dma_start3A_323, %dma_start3A_324] : memref<32x262144xf32, #tpu.memory_space<hbm>> -> memref<32x2048xf32, #tpu.memory_space<hbm>>
      %dma_start3A_326 = arith.constant 0 : i32
      %dma_start3A_327 = arith.constant 225280 : i32
      %dma_start3A_328 = tpu.memref_slice %arg3[%dma_start3A_326, %dma_start3A_327] : memref<32x262144xf32, #tpu.memory_space<hbm>> -> memref<32x2048xf32, #tpu.memory_space<hbm>>
      tpu.enqueue_dma source(%arg4 : memref<32x2048xf32, #tpu.memory_space<vmem>>) target(%dma_start3A_328 : memref<32x2048xf32, #tpu.memory_space<hbm>>) target_semaphore(%arg7 : memref<!tpu.dma_semaphore, #tpu.memory_space<semaphore_mem>>)
      %dma_start3A_329 = arith.constant 0 : i32
      %dma_start3A_330 = arith.constant 241664 : i32
      %dma_start3A_331 = tpu.memref_slice %arg3[%dma_start3A_329, %dma_start3A_330] : memref<32x262144xf32, #tpu.memory_space<hbm>> -> memref<32x2048xf32, #tpu.memory_space<hbm>>
      %dma_start3A_332 = arith.constant 0 : i32
      %dma_start3A_333 = arith.constant 241664 : i32
      %dma_start3A_334 = tpu.memref_slice %arg3[%dma_start3A_332, %dma_start3A_333] : memref<32x262144xf32, #tpu.memory_space<hbm>> -> memref<32x2048xf32, #tpu.memory_space<hbm>>
      tpu.enqueue_dma source(%arg4 : memref<32x2048xf32, #tpu.memory_space<vmem>>) target(%dma_start3A_334 : memref<32x2048xf32, #tpu.memory_space<hbm>>) target_semaphore(%arg8 : memref<!tpu.dma_semaphore, #tpu.memory_space<semaphore_mem>>)
      %dma_start3A_335 = arith.constant 0 : i32
      %dma_start3A_336 = arith.constant 258048 : i32
      %dma_start3A_337 = tpu.memref_slice %arg3[%dma_start3A_335, %dma_start3A_336] : memref<32x262144xf32, #tpu.memory_space<hbm>> -> memref<32x2048xf32, #tpu.memory_space<hbm>>
      %dma_start3A_338 = arith.constant 0 : i32
      %dma_start3A_339 = arith.constant 258048 : i32
      %dma_start3A_340 = tpu.memref_slice %arg3[%dma_start3A_338, %dma_start3A_339] : memref<32x262144xf32, #tpu.memory_space<hbm>> -> memref<32x2048xf32, #tpu.memory_space<hbm>>
      tpu.enqueue_dma source(%arg4 : memref<32x2048xf32, #tpu.memory_space<vmem>>) target(%dma_start3A_340 : memref<32x2048xf32, #tpu.memory_space<hbm>>) target_semaphore(%arg9 : memref<!tpu.dma_semaphore, #tpu.memory_space<semaphore_mem>>)
      %dma_wait3A = arith.constant 0 : i32
      %dma_wait3A_341 = arith.constant 208896 : i32
      %dma_wait3A_342 = tpu.memref_slice %arg3[%dma_wait3A, %dma_wait3A_341] : memref<32x262144xf32, #tpu.memory_space<hbm>> -> memref<32x2048xf32, #tpu.memory_space<hbm>>
      %dma_wait3A_343 = arith.constant 0 : i32
      %dma_wait3A_344 = arith.constant 208896 : i32
      %dma_wait3A_345 = tpu.memref_slice %arg3[%dma_wait3A_343, %dma_wait3A_344] : memref<32x262144xf32, #tpu.memory_space<hbm>> -> memref<32x2048xf32, #tpu.memory_space<hbm>>
      tpu.wait_dma2 semaphore(%arg6 : memref<!tpu.dma_semaphore, #tpu.memory_space<semaphore_mem>>) src(%arg4 : memref<32x2048xf32, #tpu.memory_space<vmem>>) dst(%dma_wait3A_345 : memref<32x2048xf32, #tpu.memory_space<hbm>>)
      %dma_wait3A_346 = arith.constant 0 : i32
      %dma_wait3A_347 = arith.constant 225280 : i32
      %dma_wait3A_348 = tpu.memref_slice %arg3[%dma_wait3A_346, %dma_wait3A_347] : memref<32x262144xf32, #tpu.memory_space<hbm>> -> memref<32x2048xf32, #tpu.memory_space<hbm>>
      %dma_wait3A_349 = arith.constant 0 : i32
      %dma_wait3A_350 = arith.constant 225280 : i32
      %dma_wait3A_351 = tpu.memref_slice %arg3[%dma_wait3A_349, %dma_wait3A_350] : memref<32x262144xf32, #tpu.memory_space<hbm>> -> memref<32x2048xf32, #tpu.memory_space<hbm>>
      tpu.wait_dma2 semaphore(%arg7 : memref<!tpu.dma_semaphore, #tpu.memory_space<semaphore_mem>>) src(%arg4 : memref<32x2048xf32, #tpu.memory_space<vmem>>) dst(%dma_wait3A_351 : memref<32x2048xf32, #tpu.memory_space<hbm>>)
      %dma_wait3A_352 = arith.constant 0 : i32
      %dma_wait3A_353 = arith.constant 241664 : i32
      %dma_wait3A_354 = tpu.memref_slice %arg3[%dma_wait3A_352, %dma_wait3A_353] : memref<32x262144xf32, #tpu.memory_space<hbm>> -> memref<32x2048xf32, #tpu.memory_space<hbm>>
      %dma_wait3A_355 = arith.constant 0 : i32
      %dma_wait3A_356 = arith.constant 241664 : i32
      %dma_wait3A_357 = tpu.memref_slice %arg3[%dma_wait3A_355, %dma_wait3A_356] : memref<32x262144xf32, #tpu.memory_space<hbm>> -> memref<32x2048xf32, #tpu.memory_space<hbm>>
      tpu.wait_dma2 semaphore(%arg8 : memref<!tpu.dma_semaphore, #tpu.memory_space<semaphore_mem>>) src(%arg4 : memref<32x2048xf32, #tpu.memory_space<vmem>>) dst(%dma_wait3A_357 : memref<32x2048xf32, #tpu.memory_space<hbm>>)
      %dma_wait3A_358 = arith.constant 0 : i32
      %dma_wait3A_359 = arith.constant 258048 : i32
      %dma_wait3A_360 = tpu.memref_slice %arg3[%dma_wait3A_358, %dma_wait3A_359] : memref<32x262144xf32, #tpu.memory_space<hbm>> -> memref<32x2048xf32, #tpu.memory_space<hbm>>
      %dma_wait3A_361 = arith.constant 0 : i32
      %dma_wait3A_362 = arith.constant 258048 : i32
      %dma_wait3A_363 = tpu.memref_slice %arg3[%dma_wait3A_361, %dma_wait3A_362] : memref<32x262144xf32, #tpu.memory_space<hbm>> -> memref<32x2048xf32, #tpu.memory_space<hbm>>
      tpu.wait_dma2 semaphore(%arg9 : memref<!tpu.dma_semaphore, #tpu.memory_space<semaphore_mem>>) src(%arg4 : memref<32x2048xf32, #tpu.memory_space<vmem>>) dst(%dma_wait3A_363 : memref<32x2048xf32, #tpu.memory_space<hbm>>)
    } else {
    }
    %eq3A_313 = arith.constant 31 : i32
    %eq3A_314 = arith.cmpi eq, %add3A, %eq3A_313 : i32
    %convert_element_type3A_315 = arith.extui %eq3A_314 : i1 to i32
    %cond3A_316 = arith.constant 0 : i32
    %cond3A_317 = arith.cmpi ne, %convert_element_type3A_315, %cond3A_316 : i32
    scf.if %cond3A_317 {
      %dma_start3A = arith.constant 0 : i32
      %dma_start3A_318 = arith.constant 210944 : i32
      %dma_start3A_319 = tpu.memref_slice %arg3[%dma_start3A, %dma_start3A_318] : memref<32x262144xf32, #tpu.memory_space<hbm>> -> memref<32x2048xf32, #tpu.memory_space<hbm>>
      %dma_start3A_320 = arith.constant 0 : i32
      %dma_start3A_321 = arith.constant 210944 : i32
      %dma_start3A_322 = tpu.memref_slice %arg3[%dma_start3A_320, %dma_start3A_321] : memref<32x262144xf32, #tpu.memory_space<hbm>> -> memref<32x2048xf32, #tpu.memory_space<hbm>>
      tpu.enqueue_dma source(%arg4 : memref<32x2048xf32, #tpu.memory_space<vmem>>) target(%dma_start3A_322 : memref<32x2048xf32, #tpu.memory_space<hbm>>) target_semaphore(%arg6 : memref<!tpu.dma_semaphore, #tpu.memory_space<semaphore_mem>>)
      %dma_start3A_323 = arith.constant 0 : i32
      %dma_start3A_324 = arith.constant 227328 : i32
      %dma_start3A_325 = tpu.memref_slice %arg3[%dma_start3A_323, %dma_start3A_324] : memref<32x262144xf32, #tpu.memory_space<hbm>> -> memref<32x2048xf32, #tpu.memory_space<hbm>>
      %dma_start3A_326 = arith.constant 0 : i32
      %dma_start3A_327 = arith.constant 227328 : i32
      %dma_start3A_328 = tpu.memref_slice %arg3[%dma_start3A_326, %dma_start3A_327] : memref<32x262144xf32, #tpu.memory_space<hbm>> -> memref<32x2048xf32, #tpu.memory_space<hbm>>
      tpu.enqueue_dma source(%arg4 : memref<32x2048xf32, #tpu.memory_space<vmem>>) target(%dma_start3A_328 : memref<32x2048xf32, #tpu.memory_space<hbm>>) target_semaphore(%arg7 : memref<!tpu.dma_semaphore, #tpu.memory_space<semaphore_mem>>)
      %dma_start3A_329 = arith.constant 0 : i32
      %dma_start3A_330 = arith.constant 243712 : i32
      %dma_start3A_331 = tpu.memref_slice %arg3[%dma_start3A_329, %dma_start3A_330] : memref<32x262144xf32, #tpu.memory_space<hbm>> -> memref<32x2048xf32, #tpu.memory_space<hbm>>
      %dma_start3A_332 = arith.constant 0 : i32
      %dma_start3A_333 = arith.constant 243712 : i32
      %dma_start3A_334 = tpu.memref_slice %arg3[%dma_start3A_332, %dma_start3A_333] : memref<32x262144xf32, #tpu.memory_space<hbm>> -> memref<32x2048xf32, #tpu.memory_space<hbm>>
      tpu.enqueue_dma source(%arg4 : memref<32x2048xf32, #tpu.memory_space<vmem>>) target(%dma_start3A_334 : memref<32x2048xf32, #tpu.memory_space<hbm>>) target_semaphore(%arg8 : memref<!tpu.dma_semaphore, #tpu.memory_space<semaphore_mem>>)
      %dma_start3A_335 = arith.constant 0 : i32
      %dma_start3A_336 = arith.constant 260096 : i32
      %dma_start3A_337 = tpu.memref_slice %arg3[%dma_start3A_335, %dma_start3A_336] : memref<32x262144xf32, #tpu.memory_space<hbm>> -> memref<32x2048xf32, #tpu.memory_space<hbm>>
      %dma_start3A_338 = arith.constant 0 : i32
      %dma_start3A_339 = arith.constant 260096 : i32
      %dma_start3A_340 = tpu.memref_slice %arg3[%dma_start3A_338, %dma_start3A_339] : memref<32x262144xf32, #tpu.memory_space<hbm>> -> memref<32x2048xf32, #tpu.memory_space<hbm>>
      tpu.enqueue_dma source(%arg4 : memref<32x2048xf32, #tpu.memory_space<vmem>>) target(%dma_start3A_340 : memref<32x2048xf32, #tpu.memory_space<hbm>>) target_semaphore(%arg9 : memref<!tpu.dma_semaphore, #tpu.memory_space<semaphore_mem>>)
      %dma_wait3A = arith.constant 0 : i32
      %dma_wait3A_341 = arith.constant 210944 : i32
      %dma_wait3A_342 = tpu.memref_slice %arg3[%dma_wait3A, %dma_wait3A_341] : memref<32x262144xf32, #tpu.memory_space<hbm>> -> memref<32x2048xf32, #tpu.memory_space<hbm>>
      %dma_wait3A_343 = arith.constant 0 : i32
      %dma_wait3A_344 = arith.constant 210944 : i32
      %dma_wait3A_345 = tpu.memref_slice %arg3[%dma_wait3A_343, %dma_wait3A_344] : memref<32x262144xf32, #tpu.memory_space<hbm>> -> memref<32x2048xf32, #tpu.memory_space<hbm>>
      tpu.wait_dma2 semaphore(%arg6 : memref<!tpu.dma_semaphore, #tpu.memory_space<semaphore_mem>>) src(%arg4 : memref<32x2048xf32, #tpu.memory_space<vmem>>) dst(%dma_wait3A_345 : memref<32x2048xf32, #tpu.memory_space<hbm>>)
      %dma_wait3A_346 = arith.constant 0 : i32
      %dma_wait3A_347 = arith.constant 227328 : i32
      %dma_wait3A_348 = tpu.memref_slice %arg3[%dma_wait3A_346, %dma_wait3A_347] : memref<32x262144xf32, #tpu.memory_space<hbm>> -> memref<32x2048xf32, #tpu.memory_space<hbm>>
      %dma_wait3A_349 = arith.constant 0 : i32
      %dma_wait3A_350 = arith.constant 227328 : i32
      %dma_wait3A_351 = tpu.memref_slice %arg3[%dma_wait3A_349, %dma_wait3A_350] : memref<32x262144xf32, #tpu.memory_space<hbm>> -> memref<32x2048xf32, #tpu.memory_space<hbm>>
      tpu.wait_dma2 semaphore(%arg7 : memref<!tpu.dma_semaphore, #tpu.memory_space<semaphore_mem>>) src(%arg4 : memref<32x2048xf32, #tpu.memory_space<vmem>>) dst(%dma_wait3A_351 : memref<32x2048xf32, #tpu.memory_space<hbm>>)
      %dma_wait3A_352 = arith.constant 0 : i32
      %dma_wait3A_353 = arith.constant 243712 : i32
      %dma_wait3A_354 = tpu.memref_slice %arg3[%dma_wait3A_352, %dma_wait3A_353] : memref<32x262144xf32, #tpu.memory_space<hbm>> -> memref<32x2048xf32, #tpu.memory_space<hbm>>
      %dma_wait3A_355 = arith.constant 0 : i32
      %dma_wait3A_356 = arith.constant 243712 : i32
      %dma_wait3A_357 = tpu.memref_slice %arg3[%dma_wait3A_355, %dma_wait3A_356] : memref<32x262144xf32, #tpu.memory_space<hbm>> -> memref<32x2048xf32, #tpu.memory_space<hbm>>
      tpu.wait_dma2 semaphore(%arg8 : memref<!tpu.dma_semaphore, #tpu.memory_space<semaphore_mem>>) src(%arg4 : memref<32x2048xf32, #tpu.memory_space<vmem>>) dst(%dma_wait3A_357 : memref<32x2048xf32, #tpu.memory_space<hbm>>)
      %dma_wait3A_358 = arith.constant 0 : i32
      %dma_wait3A_359 = arith.constant 260096 : i32
      %dma_wait3A_360 = tpu.memref_slice %arg3[%dma_wait3A_358, %dma_wait3A_359] : memref<32x262144xf32, #tpu.memory_space<hbm>> -> memref<32x2048xf32, #tpu.memory_space<hbm>>
      %dma_wait3A_361 = arith.constant 0 : i32
      %dma_wait3A_362 = arith.constant 260096 : i32
      %dma_wait3A_363 = tpu.memref_slice %arg3[%dma_wait3A_361, %dma_wait3A_362] : memref<32x262144xf32, #tpu.memory_space<hbm>> -> memref<32x2048xf32, #tpu.memory_space<hbm>>
      tpu.wait_dma2 semaphore(%arg9 : memref<!tpu.dma_semaphore, #tpu.memory_space<semaphore_mem>>) src(%arg4 : memref<32x2048xf32, #tpu.memory_space<vmem>>) dst(%dma_wait3A_363 : memref<32x2048xf32, #tpu.memory_space<hbm>>)
    } else {
    }
    return
  }
}

module attributes {stable_mosaic.version = 14 : i64} {
  func.func @_tc_body(%arg0: i32, %arg1: memref<32x16384xf32, #tpu.memory_space<vmem>>, %arg2: memref<16xi32, #tpu.memory_space<smem>>, %arg3: memref<32x32768xf32, #tpu.memory_space<vmem>>) attributes {dimension_semantics = [#tpu.dimension_semantics<arbitrary>], iteration_bounds = array<i64: 8>, scalar_prefetch = 0 : i64, scratch_operands = 0 : i64, tpu.core_type = #tpu.core_type<tc>, window_params = [{pipeline_mode = #tpu.pipeline_mode<synchronous>, transform_indices = @transform_0, window_bounds = array<i64: 32, 16384>}, {transform_indices = @transform_1, window_bounds = array<i64: 16>}, {transform_indices = @transform_2, window_bounds = array<i64: 32, 32768>}]} {
    %mul3A = arith.constant 2 : i32
    %mul3A_0 = arith.muli %mul3A, %arg0 : i32
    %add3A = arith.constant 0 : i32
    %add3A_1 = arith.addi %mul3A_0, %add3A : i32
    %get3A = arith.index_cast %add3A_1 : i32 to index
    %get3A_2 = memref.load %arg2[%get3A] : memref<16xi32, #tpu.memory_space<smem>>
    %get3A_3 = arith.constant 0 : index
    %get3A_4 = arith.constant 0 : index
    %get3A_5 = vector.load %arg1[%get3A_3, %get3A_4] : memref<32x16384xf32, #tpu.memory_space<vmem>>, vector<32x16384xf32>
    %sub3A = arith.constant 16384 : i32
    %sub3A_6 = arith.subi %sub3A, %get3A_2 : i32
    %rem3A = arith.constant 16384 : i32
    %rem3A_7 = arith.remsi %sub3A_6, %rem3A : i32
    %roll3A = tpu.dynamic_rotate %get3A_5 by %rem3A_7 dim 1 : vector<32x16384xf32>, i32 -> vector<32x16384xf32>
    %swap3A = arith.constant 0 : index
    %swap3A_8 = arith.constant 0 : index
    %swap3A_9 = vector.load %arg3[%swap3A, %swap3A_8] : memref<32x32768xf32, #tpu.memory_space<vmem>>, vector<32x16384xf32>
    tpu.vector_store %arg3[%swap3A, %swap3A_8], %roll3A {strides = array<i32>} : memref<32x32768xf32, #tpu.memory_space<vmem>>, vector<32x16384xf32>,
    %mul3A_10 = arith.constant 2 : i32
    %mul3A_11 = arith.muli %mul3A_10, %arg0 : i32
    %add3A_12 = arith.constant 1 : i32
    %add3A_13 = arith.addi %mul3A_11, %add3A_12 : i32
    %get3A_14 = arith.index_cast %add3A_13 : i32 to index
    %get3A_15 = memref.load %arg2[%get3A_14] : memref<16xi32, #tpu.memory_space<smem>>
    %get3A_16 = arith.constant 0 : index
    %get3A_17 = arith.constant 0 : index
    %get3A_18 = vector.load %arg1[%get3A_16, %get3A_17] : memref<32x16384xf32, #tpu.memory_space<vmem>>, vector<32x16384xf32>
    %sub3A_19 = arith.constant 16384 : i32
    %sub3A_20 = arith.subi %sub3A_19, %get3A_15 : i32
    %rem3A_21 = arith.constant 16384 : i32
    %rem3A_22 = arith.remsi %sub3A_20, %rem3A_21 : i32
    %roll3A_23 = tpu.dynamic_rotate %get3A_18 by %rem3A_22 dim 1 : vector<32x16384xf32>, i32 -> vector<32x16384xf32>
    %swap3A_24 = arith.constant 0 : index
    %swap3A_25 = arith.constant 16384 : index
    %swap3A_26 = vector.load %arg3[%swap3A_24, %swap3A_25] : memref<32x32768xf32, #tpu.memory_space<vmem>>, vector<32x16384xf32>
    tpu.vector_store %arg3[%swap3A_24, %swap3A_25], %roll3A_23 {strides = array<i32>} : memref<32x32768xf32, #tpu.memory_space<vmem>>, vector<32x16384xf32>,
    return
  }
  func.func @transform_0(%arg0: i32) -> (i32, i32) {
    %c0_i32 = arith.constant 0 : i32
    %c0_i32_0 = arith.constant 0 : i32
    %c0_i32_1 = arith.constant 0 : i32
    return %c0_i32, %c0_i32_0 : i32, i32
  }
  func.func @transform_1(%arg0: i32) -> i32 {
    %c0_i32 = arith.constant 0 : i32
    %c0_i32_0 = arith.constant 0 : i32
    return %c0_i32 : i32
  }
  func.func @transform_2(%arg0: i32) -> (i32, i32) {
    %c0_i32 = arith.constant 0 : i32
    %c0_i32_0 = arith.constant 0 : i32
    return %c0_i32, %arg0 : i32, i32
  }
}

</mosaic_0001>

<sc_bundles>
// kernel: kernel.4.cloned.1.call-start
scs
__scs_entry_jumppad:
0x0: {  	(pc) =	sbr.rel $0x88, $3  }
0x1: {  	(tag) =	ssettag $0x0;
	lr =	simm.s32 $0x1  }
0x2: {  	[smem:$0x3F9F] =	sst lr;
	_ =	strace $0xD0000000  }
0x3: {  	_ = 	snop  }
0x4: {  	_ = 	snop  }
0x5: {  	_ = 	snop  }
0x6: {  	_ = 	snop  }
0x7: {  	_ = 	snop  }
__scs_overlays_trampoline_lowered:
0x8: {  	[smem:$0x3FAE] =	sst s0  }
0x9: {  	[smem:$0x3FAF] =	sst s1  }
0xa: {  	[smem:$0x3FB0] =	sst s2  }
0xb: {  	[smem:$0x3FB1] =	sst s3  }
0xc: {  	[smem:$0x3FB2] =	sst s4  }
0xd: {  	[smem:$0x3FB3] =	sst s5  }
0xe: {  	[smem:$0x3FB4] =	sst s6  }
0xf: {  	[smem:$0x3FB5] =	sst s7  }
0x10: {  	[smem:$0x3FB6] =	sst s8  }
0x11: {  	[smem:$0x3FB7] =	sst s9;
	s0 =	simm.s32 @!p0 $0x0  }
0x12: {  	s1 =	sld [smem:$0x3F9D];
	s0 =	simm.s32 @p0 $0x1  }
0x13: {  	[smem:$0x3FB8] =	sst s0;
	s0 =	simm.s32 @!p1 $0x0  }
0x14: {  	s2 =	sld [smem:$0x3F9C];
	s0 =	simm.s32 @p1 $0x1  }
0x15: {  	[smem:$0x3FB9] =	sst s0;
	s0 =	simm.s32 @!p2 $0x0  }
0x16: {  	s3 =	sld [smem:$0x3FDB];
	s0 =	simm.s32 @p2 $0x1  }
0x17: {  	s4 =	simm.s32 $0x1BF5;
	[smem:$0x3FBB] =	sst s0  }
0x18: {  	s0 =	sld [smem:$0x3F9E];
	_ =	swait.ge [sflag:s4], $0x0  }
0x19: {  	s7 =	sld [smem:$0x3F9F]  }
0x1a: {  	s8 =	sadd.s32 $0xFFFFE003, lr  }
0x1b: {  	s9 =	sadd.s32 $0xFFFFFEF7, lr;
	s5 =	simm.s32 $0xFFFFFFFF;
	p2 =	slt.u32 s8, $0xFFFFF086  }
0x1c: {  	p1 =	slt.u32 s9, $0xF7A;
	s5 =	simm.s32 @!p2 $0x0  }
0x1d: {  	s5 =	simm.s32 @p1 $0x1;
	p0 =	seq.s32 s7, s2  }
0x1e: {  	s7 =	smul.u32 @!p0 $0xF7A, s2;
	p2 =	seq.s32 @!p0 s5, $0x0  }
0x1f: {  	s9 =	smul.u32 $0xF7A, s1;
	s8 =	simm.s32 @!p0 $0x1BF5;
	p2 =	por !p2, p0  }
0x20: {  	[sflag:s8] =	ssyncset.s32 @!p0 $0xFFFFF086;
	s6 =	sadd.s32 @!p0 s3, s7;
	s7 =	simm.s32 @!p0 $0x108  }
0x21: {  	s3 =	sadd.s32 s3, s9;
	s6 =	sadd.s32 @!p0 $0x88, s6;
	s7 =	simm.s32 @p2 $0x1082  }
0x22: {  	[simem:s7], [sflag:s8] =	dma.local @!p0 [hbm:s6], $0xF7A  }
0x23: {  	s9 =	sor.u32 $0xD0000000, s2;
	s6 =	simm.s32 $0x108;
	_ =	swait.ge @!p0 [sflag:s8], $0x0  }
0x24: {  	s3 =	sadd.s32 $0x88, s3;
	s6 =	simm.s32 @!p1 $0x1082;
	[sflag:s4] =	ssyncset.s32 $0xFFFFF086  }
0x25: {  	[simem:s6], [sflag:s4] =	dma.local [hbm:s3], $0xF7A  }
0x26: {  	[smem:$0x3F9F] =	sst s1;
	(tag) =	ssettag s2;
	_ =	strace s9  }
0x27: {  	s1 =	sld [smem:$0x3FAF]  }
0x28: {  	s2 =	sld [smem:$0x3FB0]  }
0x29: {  	s4 =	sld [smem:$0x3FB2]  }
0x2a: {  	p0 =	seq.s32 s5, $0x0;
	s5 =	sld [smem:$0x3FB3]  }
0x2b: {  	s6 =	sld [smem:$0x3FB4]  }
0x2c: {  	s7 =	sld [smem:$0x3FB5]  }
0x2d: {  	s3 =	simm.s32 $0x108;
	s8 =	sld [smem:$0x3FB6]  }
0x2e: {  	s3 =	simm.s32 @!p0 $0x1082;
	s9 =	sld [smem:$0x3FB7]  }
0x2f: {  	lr =	sadd.s32 s0, s3;
	s0 =	sld [smem:$0x3FAE]  }
0x30: {  	s3 =	sld [smem:$0x3FB1]  }
0x31: {  	[smem:$0x3FBA] =	sst s10  }
0x32: {  	s10 =	sld [smem:$0x3FB8];
	_ =	sdelay $0x3  }
0x33: {  	p0 =	seq.s32 s10, $0x1;
	s10 =	sld [smem:$0x3FBA];
	_ =	sdelay $0x3  }
0x34: {  	[smem:$0x3FBA] =	sst s10  }
0x35: {  	s10 =	sld [smem:$0x3FB9];
	_ =	sdelay $0x3  }
0x36: {  	p1 =	seq.s32 s10, $0x1;
	s10 =	sld [smem:$0x3FBA];
	_ =	sdelay $0x3  }
0x37: {  	[smem:$0x3FBA] =	sst s10  }
0x38: {  	s10 =	sld [smem:$0x3FBB]  }
0x39: {  	_ = 	snop;
	(pc) =	sbr.ind lr, $3  }
0x3a: {  	_ = 	snop  }
0x3b: {  	_ = 	snop  }
0x3c: {  	p2 =	seq.s32 s10, $0x1;
	s10 =	sld [smem:$0x3FBA]  }
0x3d: {  	_ =	shalt  }
0x3e: {  	_ =	shalt  }
0x3f: {  	_ =	shalt  }
0x40: {  	_ =	shalt  }
0x41: {  	_ =	shalt  }
0x42: {  	_ =	shalt  }
0x43: {  	_ =	shalt  }
0x44: {  	_ =	shalt  }
0x45: {  	_ =	shalt  }
0x46: {  	_ =	shalt  }
0x47: {  	_ =	shalt  }
0x48: {  	_ =	shalt  }
0x49: {  	_ =	shalt  }
0x4a: {  	_ =	shalt  }
0x4b: {  	_ =	shalt  }
0x4c: {  	_ =	shalt  }
0x4d: {  	_ =	shalt  }
0x4e: {  	_ =	shalt  }
0x4f: {  	_ =	shalt  }
0x50: {  	_ =	shalt  }
0x51: {  	_ =	shalt  }
0x52: {  	_ =	shalt  }
0x53: {  	_ =	shalt  }
0x54: {  	_ =	shalt  }
0x55: {  	_ =	shalt  }
0x56: {  	_ =	shalt  }
0x57: {  	_ =	shalt  }
0x58: {  	_ =	shalt  }
0x59: {  	_ =	shalt  }
0x5a: {  	_ =	shalt  }
0x5b: {  	_ =	shalt  }
0x5c: {  	_ =	shalt  }
0x5d: {  	_ =	shalt  }
0x5e: {  	_ =	shalt  }
0x5f: {  	_ =	shalt  }
0x60: {  	_ =	shalt  }
0x61: {  	_ =	shalt  }
0x62: {  	_ =	shalt  }
0x63: {  	_ =	shalt  }
0x64: {  	_ =	shalt  }
0x65: {  	_ =	shalt  }
0x66: {  	_ =	shalt  }
0x67: {  	_ =	shalt  }
0x68: {  	_ =	shalt  }
0x69: {  	_ =	shalt  }
0x6a: {  	_ =	shalt  }
0x6b: {  	_ =	shalt  }
0x6c: {  	_ =	shalt  }
0x6d: {  	_ =	shalt  }
0x6e: {  	_ =	shalt  }
0x6f: {  	_ =	shalt  }
0x70: {  	_ =	shalt  }
0x71: {  	_ =	shalt  }
0x72: {  	_ =	shalt  }
0x73: {  	_ =	shalt  }
0x74: {  	_ =	shalt  }
0x75: {  	_ =	shalt  }
0x76: {  	_ =	shalt  }
0x77: {  	_ =	shalt  }
0x78: {  	_ =	shalt  }
0x79: {  	_ =	shalt  }
0x7a: {  	_ =	shalt  }
0x7b: {  	_ =	shalt  }
0x7c: {  	_ =	shalt  }
0x7d: {  	_ =	shalt  }
0x7e: {  	_ =	shalt  }
0x7f: {  	_ =	shalt  }
0x80: {  	_ =	shalt  }
0x81: {  	_ =	shalt  }
0x82: {  	_ =	shalt  }
0x83: {  	_ =	shalt  }
0x84: {  	_ =	shalt  }
0x85: {  	_ =	shalt  }
0x86: {  	_ =	shalt  }
0x87: {  	_ =	shalt  }
.Lfunc_end0:
.L_simem_size_0:
called_computation_lowered:
.L_overlay_start_0:
0x88: {  	s2 =	sld [smem:$0x3FD9]  }
0x89: {  	s3 =	sld [smem:$0x3FFE];
	_ =	sdelay $0x1  }
0x8a: {  	s1 =	srdreg.scid  }
0x8b: {  	s0 =	sand.u32 $0x1, s1  }
0x8c: {  	s15 =	sshll.u32 s0, $0xA;
	s2 =	sadd.s32 s3, s2  }
0x8d: {  	s2 =	sadd.s32 s2, s15  }
0x8e: {  	[smem:$0x3FC6] =	sst s2  }
0x8f: {  	_ = 	snop  }
0x90: {  	s2 =	sld [smem:$0x3FD0];
	_ =	sdelay $0x2  }
0x91: {  	s4 =	simm.s32 $0xA;
	s5 =	simm.s32 $0x10;
	s16 =	sld [smem:$0x3FC9]  }
0x92: {  	[smem:s5], [sflag:s4] =	dma.local [hbm:s2], $0x1  }
0x93: {  	_ =	swait.eq [sflag:s4], $0x1  }
0x94: {  	[sflag:s4] =	ssyncset.done $0x0  }
0x95: {  	[sflag:s4] =	ssyncadd.s32 $0xFFFFFFFF  }
0x96: {  	s17 =	sld [smem:$0x10];
	(tm) =	ssettm $0x1  }
0x97: {  	s18 =	sld [smem:$0x3FFB];
	_ =	sdelay $0x3  }
0x98: {  	_ =	strace s18  }
0x99: {  	s4 =	sld [smem:$0x3FFC];
	_ =	sdelay $0x3  }
0x9a: {  	_ =	strace s4  }
0x9b: {  	s4 =	sld [smem:$0x3FFD];
	_ =	sdelay $0x3  }
0x9c: {  	_ =	strace s4  }
0x9d: {  	_ =	strace $0x8FFFFFFF  }
0x9e: {  	s19 =	sld [smem:$0x3FDB];
	_ =	sdelay $0x1  }
0x9f: {  	s20 =	simm.s32 $_scs_section_size  }
0xa0: {  	s6 =	simm.s32 $_size__tile_overlayer_lowered;
	s7 =	simm.s32 $_tile_overlayer_lowered  }
0xa1: {  	s23 =	simm.s32 $0x1BFF;
	s22 =	sshll.u32 s7, $0x1;
	s4 =	sadd.s32 s20, s19  }
0xa2: {  	s8 =	simm.s32 $0x0;
	s21 =	sshll.u32 s6, $0x1;
	s6 =	sadd.s32 s22, s4  }
0xa3: {  	[timem:s8], [sflag:s23] =	dma.local [hbm:s6], s21  }
0xa4: {  	_ =	swait.ge [sflag:s23], s21  }
0xa5: {  	s5 =	ssub.s32 $0x0, s21;
	[sflag:s23] =	ssyncset.done $0x0  }
0xa6: {  	[sflag:s23] =	ssyncadd.s32 s5;
	_ =	sdelay $0x1  }
0xa7: {  	s24 =	simm.s32 $0x1B8B  }
0xa8: {  	_ =	swait.ge [sflag:s24], $0x1  }
0xa9: {  	[sflag:s24] =	ssyncset.done $0x0  }
0xaa: {  	s25 =	simm.s32 $0x1B8E;
	[sflag:s24] =	ssyncadd.s32 $0xFFFFFFFF  }
0xab: {  	s26 =	simm.s32 $execute0_lowered;
	[smem:$0x3FD2] =	sst s25  }
0xac: {  	s5 =	sshll.u32 s26, $0x1;
	_ =	strace $0x80000046;
	[dreg:$0x1] =	wrdreg $0xFFFFFFFF  }
0xad: {  	s28 =	simm.s32 $_size_execute0_lowered;
	s4 =	sadd.s32 s4, s5;
	[dreg:$0x0] =	wrdreg $0x0  }
0xae: {  	s5 =	sshll.u32 s28, $0x1;
	[dreg:$0x2] =	wrdreg s4  }
0xaf: {  	[dreg:$0x3] =	wrdreg s5  }
0xb0: {  	[dreg:$0x4] =	wrdreg $0xC0  }
0xb1: {  	_ =	task [dreg:s8], $0x5FFFF  }
0xb2: {  	[dreg:$0x1] =	wrdreg $0xFFFFFFFF  }
0xb3: {  	[dreg:$0x0] =	wrdreg $0x60  }
0xb4: {  	[dreg:$0x2] =	wrdreg s16  }
0xb5: {  	[dreg:$0x3] =	wrdreg s17  }
0xb6: {  	[dreg:$0x4] =	wrdreg $0x100000  }
0xb7: {  	[dreg:$0x5] =	wrdreg $0x9  }
0xb8: {  	_ =	task.clear_ibuf [dreg:s8], $0x6FFFF;
	_ =	strace $0x90000046  }
0xb9: {  	s29 =	simm.s32 $0x9;
	_ =	strace $0x80000048  }
0xba: {  	_ =	swait.ge [sflag:s29], $0x1  }
0xbb: {  	[sflag:s29] =	ssyncadd.s32 $0xFFFFFFFF  }
0xbc: {  	_ =	strace $0x90000048  }
0xbd: {  	_ =	sfence  }
0xbe: {  	s30 =	sld [smem:$0x0];
	_ =	sdelay $0x2  }
0xbf: {  	s31 =	sshll.u32 s1, $0xD;
	s1 =	sshrl.u32 s1, $0x2  }
0xc0: {  	s3 =	sand.u32 $0x4000, s31;
	s1 =	sadd.s32 s1, s30  }
0xc1: {  	s0 =	sor.u32 s3, s0;
	s1 =	sshll.u32 s1, $0x11  }
0xc2: {  	s0 =	sor.u32 s1, s0  }
0xc3: {  	s0 =	sadd.s32 $0x8F2B, s0  }
0xc4: {  	[sflag:s0] =	ssyncadd.remote.s32 $0x1  }
0xc5: {  	_ =	sfence.sel $0xFFFF  }
0xc6: {  	[dreg:$0x0] =	wrdreg $0xFFFFFFFF;
	(pc) =	sbr.abs _section_cstart, $3  }
0xc7: {  	[dreg:$0x1] =	wrdreg $0xFFFFFFFF  }
0xc8: {  	_ =	task.clear_ibuf [dreg:s8], $0x2FFFF;
	_ =	strace $0x9FFFFFFF  }
0xc9: {  	(tm) =	ssettm $0x7FFFFFFF  }
tec
execute0_lowered:
.L_overlay_start_1:
0x0: {  	(tag) =	ssettag $0x1  }
0x1: {  	s1 =	rddreg [dreg:$0x0]  }
0x2: {  	s12 =	rddreg [dreg:$0x1]  }
0x3: {  	s3 =	rddreg [dreg:$0x2];
	s5 =	simm.s32 $0x0  }
0x4: {  	[smem:$0x7FF] =	sst s5;
	s24 =	sadd.s32 $0x3800, s1  }
0x5: {  	s25 =	sadd.s32 $0x3000, s1;
	_ =	strace $0x80000047;
	[dreg:$0x4] =	wrdreg s24  }
0x6: {  	s26 =	sadd.s32 $0x2800, s1;
	[dreg:$0x5] =	wrdreg s25  }
0x7: {  	s7 =	sadd.s32 $0x1800, s1;
	[dreg:$0x6] =	wrdreg s26  }
0x8: {  	s9 =	sadd.s32 $0x1000, s1;
	[dreg:$0x8] =	wrdreg s7  }
0x9: {  	s10 =	sadd.s32 $0x800, s1;
	[dreg:$0x9] =	wrdreg s9  }
0xa: {  	s13 =	sadd.s32 $0x33800, s12;
	[dreg:$0xa] =	wrdreg s10  }
0xb: {  	s15 =	sadd.s32 $0x37800, s12;
	[dreg:$0xb] =	wrdreg s13  }
0xc: {  	s16 =	sadd.s32 $0x3B800, s12;
	[dreg:$0xc] =	wrdreg s15  }
0xd: {  	s17 =	sadd.s32 $0x3F800, s12;
	[dreg:$0xd] =	wrdreg s16  }
0xe: {  	s18 =	sadd.s32 $0x33000, s12;
	[dreg:$0xe] =	wrdreg s17  }
0xf: {  	s0 =	srdreg.scid;
	s19 =	sadd.s32 $0x37000, s12;
	[dreg:$0xf] =	wrdreg s18  }
0x10: {  	s6 =	stileid.u32;
	s20 =	sadd.s32 $0x3B000, s12;
	[dreg:$0x10] =	wrdreg s19  }
0x11: {  	s0 =	sand.u32 $0x1, s0;
	s21 =	sadd.s32 $0x3F000, s12;
	[dreg:$0x11] =	wrdreg s20  }
0x12: {  	s23 =	sshll.u32 s6, $0x1;
	s22 =	sadd.s32 $0x32800, s12;
	[dreg:$0x12] =	wrdreg s21  }
0x13: {  	s6 =	sor.u32 s0, s23;
	[dreg:$0x13] =	wrdreg s22;
	s23 =	sadd.s32 $0x36800, s12  }
0x14: {  	s24 =	sadd.s32 $0x3A800, s12;
	[dreg:$0x14] =	wrdreg s23  }
0x15: {  	s26 =	sadd.s32 $0x3E800, s12;
	[dreg:$0x15] =	wrdreg s24  }
0x16: {  	s7 =	sadd.s32 $0x3A000, s12;
	[dreg:$0x16] =	wrdreg s26  }
0x17: {  	s9 =	sadd.s32 $0x3E000, s12;
	[dreg:$0x19] =	wrdreg s7  }
0x18: {  	s10 =	sadd.s32 $0x31800, s12;
	[dreg:$0x1a] =	wrdreg s9  }
0x19: {  	s13 =	sadd.s32 $0x35800, s12;
	[dreg:$0x1b] =	wrdreg s10  }
0x1a: {  	s15 =	sadd.s32 $0x39800, s12;
	[dreg:$0x1c] =	wrdreg s13  }
0x1b: {  	s16 =	sadd.s32 $0x3D800, s12;
	[dreg:$0x1d] =	wrdreg s15  }
0x1c: {  	s17 =	sadd.s32 $0x31000, s12;
	[dreg:$0x1e] =	wrdreg s16  }
0x1d: {  	s18 =	sadd.s32 $0x35000, s12;
	[dreg:$0x1f] =	wrdreg s17  }
0x1e: {  	s19 =	sadd.s32 $0x39000, s12;
	[smem:$0x79D] =	sst s18  }
0x1f: {  	s20 =	sadd.s32 $0x3D000, s12;
	[smem:$0x79E] =	sst s19  }
0x20: {  	s21 =	sadd.s32 $0x30800, s12;
	[smem:$0x79F] =	sst s20  }
0x21: {  	s22 =	sadd.s32 $0x34800, s12;
	[smem:$0x7A0] =	sst s21  }
0x22: {  	[smem:$0x7A1] =	sst s22;
	s23 =	sadd.s32 $0x38800, s12  }
0x23: {  	s24 =	sadd.s32 $0x3C800, s12;
	[smem:$0x7A2] =	sst s23  }
0x24: {  	s26 =	sadd.s32 $0x4000, s12;
	[smem:$0x7A3] =	sst s24  }
0x25: {  	s7 =	sadd.s32 $0x800, s12;
	[smem:$0x7A4] =	sst s26  }
0x26: {  	s9 =	sadd.s32 $0x4800, s12;
	[smem:$0x7A7] =	sst s7  }
0x27: {  	s10 =	sadd.s32 $0x8800, s12;
	[smem:$0x7A8] =	sst s9  }
0x28: {  	s13 =	sadd.s32 $0xC800, s12;
	[smem:$0x7A9] =	sst s10  }
0x29: {  	s15 =	sadd.s32 $0x1000, s12;
	[smem:$0x7AA] =	sst s13  }
0x2a: {  	s16 =	sadd.s32 $0x5000, s12;
	[smem:$0x7AB] =	sst s15  }
0x2b: {  	s17 =	sadd.s32 $0x9000, s12;
	[smem:$0x7AC] =	sst s16  }
0x2c: {  	s18 =	sadd.s32 $0xD000, s12;
	[smem:$0x7AD] =	sst s17  }
0x2d: {  	s19 =	sadd.s32 $0x1800, s12;
	[smem:$0x7AE] =	sst s18  }
0x2e: {  	s20 =	sadd.s32 $0x5800, s12;
	[smem:$0x7AF] =	sst s19  }
0x2f: {  	s2 =	ssub.s32 $0x2, s0;
	s21 =	sadd.s32 $0x9800, s12;
	[smem:$0x7B0] =	sst s20  }
0x30: {  	s4 =	sshrl.u32 s2, $0x1;
	s22 =	sadd.s32 $0xD800, s12;
	[smem:$0x7B1] =	sst s21  }
0x31: {  	s2 =	ssub.s32 s2, s4;
	s4 =	sadd.s32 $0x2000, s1;
	[smem:$0x7B2] =	sst s22  }
0x32: {  	s23 =	sadd.s32 $0x2000, s12;
	[dreg:$0x7] =	wrdreg s4  }
0x33: {  	s24 =	sadd.s32 $0x6000, s12;
	[smem:$0x7B3] =	sst s23  }
0x34: {  	s26 =	sadd.s32 $0xA000, s12;
	[smem:$0x7B4] =	sst s24  }
0x35: {  	s7 =	sadd.s32 $0x6800, s12;
	[smem:$0x7B5] =	sst s26  }
0x36: {  	s9 =	sadd.s32 $0xA800, s12;
	[smem:$0x7B8] =	sst s7  }
0x37: {  	s10 =	sadd.s32 $0x10000, s12;
	[smem:$0x7B9] =	sst s9  }
0x38: {  	s15 =	sadd.s32 $0x14000, s12;
	[smem:$0x7BA] =	sst s10  }
0x39: {  	p6 =	sgt.s32 s6, $0x13;
	s16 =	sadd.s32 $0x18000, s12;
	[smem:$0x7BB] =	sst s15  }
0x3a: {  	s0 =	simm.s32 @!p6 $0x0;
	s17 =	sadd.s32 $0x1C000, s12;
	[smem:$0x7BC] =	sst s16  }
0x3b: {  	s0 =	simm.s32 @p6 $0x1;
	[smem:$0x7BD] =	sst s17  }
0x3c: {  	s25 =	smax.u32 s2, $0x1;
	s2 =	sadd.s32 $0x32000, s12;
	[smem:$0x783] =	sst s0  }
0x3d: {  	s4 =	sadd.s32 $0x36000, s12;
	[dreg:$0x17] =	wrdreg s2  }
0x3e: {  	s7 =	sadd.s32 $0x18800, s12;
	[dreg:$0x18] =	wrdreg s4  }
0x3f: {  	s9 =	sadd.s32 $0x1C800, s12;
	[smem:$0x7C0] =	sst s7  }
0x40: {  	s10 =	sadd.s32 $0x11000, s12;
	[smem:$0x7C1] =	sst s9  }
0x41: {  	s15 =	sadd.s32 $0x15000, s12;
	[smem:$0x7C2] =	sst s10  }
0x42: {  	s16 =	sadd.s32 $0x19000, s12;
	[smem:$0x7C3] =	sst s15  }
0x43: {  	s17 =	sadd.s32 $0x1D000, s12;
	[smem:$0x7C4] =	sst s16  }
0x44: {  	s2 =	sadd.s32 $0x8000, s12;
	[smem:$0x7C5] =	sst s17  }
0x45: {  	s4 =	sadd.s32 $0xC000, s12;
	[smem:$0x7A5] =	sst s2  }
0x46: {  	s7 =	sadd.s32 $0x19800, s12;
	[smem:$0x7A6] =	sst s4  }
0x47: {  	s9 =	sadd.s32 $0x1D800, s12;
	[smem:$0x7C8] =	sst s7  }
0x48: {  	s10 =	sadd.s32 $0x12000, s12;
	[smem:$0x7C9] =	sst s9  }
0x49: {  	s15 =	sadd.s32 $0x16000, s12;
	[smem:$0x7CA] =	sst s10  }
0x4a: {  	p6 =	sgt.s32 s6, $0xD;
	s16 =	sadd.s32 $0x1A000, s12;
	[smem:$0x7CB] =	sst s15  }
0x4b: {  	s0 =	simm.s32 @!p6 $0x0;
	s17 =	sadd.s32 $0x1E000, s12;
	[smem:$0x7CC] =	sst s16  }
0x4c: {  	s0 =	simm.s32 @p6 $0x1;
	[smem:$0x7CD] =	sst s17  }
0x4d: {  	s2 =	sadd.s32 $0xE000, s12;
	[smem:$0x784] =	sst s0  }
0x4e: {  	s4 =	sadd.s32 $0x2800, s12;
	[smem:$0x7B6] =	sst s2  }
0x4f: {  	s7 =	sadd.s32 $0x1A800, s12;
	[smem:$0x7B7] =	sst s4  }
0x50: {  	s9 =	sadd.s32 $0x1E800, s12;
	[smem:$0x7D0] =	sst s7  }
0x51: {  	s10 =	sadd.s32 $0x13000, s12;
	[smem:$0x7D1] =	sst s9  }
0x52: {  	s28 =	simm.s32 $0x4000;
	s15 =	sadd.s32 $0x17000, s12;
	[smem:$0x7D2] =	sst s10  }
0x53: {  	s29 =	simm.s32 $0x20000;
	s16 =	sadd.s32 $0x1B000, s12;
	[smem:$0x7D3] =	sst s15  }
0x54: {  	s30 =	simm.s32 $0x5;
	s17 =	sadd.s32 $0x1F000, s12;
	[smem:$0x7D4] =	sst s16  }
0x55: {  	s31 =	simm.s32 $0x10000;
	s2 =	sadd.s32 $0x10800, s12;
	[smem:$0x7D5] =	sst s17  }
0x56: {  	s8 =	sadd.s32 $0xC000, s3;
	s4 =	sadd.s32 $0x14800, s12;
	[smem:$0x7BE] =	sst s2  }
0x57: {  	s11 =	sadd.s32 $0x8000, s3;
	s7 =	sadd.s32 $0x1B800, s12;
	[smem:$0x7BF] =	sst s4  }
0x58: {  	s14 =	sadd.s32 $0x4000, s3;
	s9 =	sadd.s32 $0x1F800, s12;
	[smem:$0x7D8] =	sst s7  }
0x59: {  	p0 =	sgt.s32 s6, $0x3;
	s10 =	sadd.s32 $0x20000, s12;
	[smem:$0x7D9] =	sst s9  }
0x5a: {  	p1 =	sgt.s32 s6, $0x1;
	s15 =	sadd.s32 $0x24000, s12;
	[smem:$0x7DA] =	sst s10  }
0x5b: {  	p6 =	sgt.s32 s6, $0xA;
	s16 =	sadd.s32 $0x28000, s12;
	[smem:$0x7DB] =	sst s15  }
0x5c: {  	s0 =	simm.s32 @!p6 $0x0;
	s17 =	sadd.s32 $0x2C000, s12;
	[smem:$0x7DC] =	sst s16  }
0x5d: {  	p2 =	seq.s32 s6, $0x0;
	s0 =	simm.s32 @p6 $0x1;
	[smem:$0x7DD] =	sst s17  }
0x5e: {  	p3 =	seq.s32 s6, $0x1;
	s2 =	sadd.s32 $0x11800, s12;
	[smem:$0x785] =	sst s0  }
0x5f: {  	p4 =	seq.s32 s6, $0x2;
	s4 =	sadd.s32 $0x15800, s12;
	[smem:$0x7C6] =	sst s2  }
0x60: {  	p5 =	seq.s32 s6, $0x3;
	s7 =	sadd.s32 $0x28800, s12;
	[smem:$0x7C7] =	sst s4  }
0x61: {  	s13 =	sadd.s32 $0xE800, s12;
	s9 =	sadd.s32 $0x2C800, s12;
	[smem:$0x7E0] =	sst s7  }
0x62: {  	s18 =	sadd.s32 $0x3000, s12;
	s10 =	sadd.s32 $0x21000, s12;
	[smem:$0x7E1] =	sst s9  }
0x63: {  	s19 =	sadd.s32 $0x7000, s12;
	s15 =	sadd.s32 $0x25000, s12;
	[smem:$0x7E2] =	sst s10  }
0x64: {  	s20 =	sadd.s32 $0xB000, s12;
	s16 =	sadd.s32 $0x29000, s12;
	[smem:$0x7E3] =	sst s15  }
0x65: {  	s21 =	sadd.s32 $0xF000, s12;
	s17 =	sadd.s32 $0x2D000, s12;
	[smem:$0x7E4] =	sst s16  }
0x66: {  	s22 =	sadd.s32 $0x3800, s12;
	s2 =	sadd.s32 $0x12800, s12;
	[smem:$0x7E5] =	sst s17  }
0x67: {  	s23 =	sadd.s32 $0x7800, s12;
	s4 =	sadd.s32 $0x16800, s12;
	[smem:$0x7CE] =	sst s2  }
0x68: {  	s24 =	sadd.s32 $0xB800, s12;
	s7 =	sadd.s32 $0x29800, s12;
	[smem:$0x7CF] =	sst s4  }
0x69: {  	s26 =	sadd.s32 $0xF800, s12;
	s9 =	sadd.s32 $0x2D800, s12;
	[smem:$0x7E8] =	sst s7  }
0x6a: {  	p6 =	seq.s32 s6, $0x8;
	s10 =	sadd.s32 $0x22000, s12;
	[smem:$0x7E9] =	sst s9  }
0x6b: {  	s0 =	simm.s32 @!p6 $0x0;
	s15 =	sadd.s32 $0x26000, s12;
	[smem:$0x7EA] =	sst s10  }
0x6c: {  	s16 =	sadd.s32 $0x2A000, s12;
	s17 =	sadd.s32 $0x2E000, s12;
	[smem:$0x7EB] =	sst s15  }
0x6d: {  	s0 =	simm.s32 @p6 $0x1;
	p6 =	seq.s32 s6, $0x9;
	[smem:$0x7EC] =	sst s16  }
0x6e: {  	s2 =	sadd.s32 $0x13800, s12;
	s4 =	sadd.s32 $0x17800, s12;
	[smem:$0x7ED] =	sst s17  }
0x6f: {  	s7 =	sadd.s32 $0x2A800, s12;
	[smem:$0x786] =	sst s0;
	s0 =	simm.s32 @!p6 $0x0  }
0x70: {  	[smem:$0x7D6] =	sst s2;
	s0 =	simm.s32 @p6 $0x1;
	p6 =	seq.s32 s6, $0xA  }
0x71: {  	s9 =	sadd.s32 $0x2E800, s12;
	[smem:$0x787] =	sst s0;
	s0 =	simm.s32 @!p6 $0x0  }
0x72: {  	[smem:$0x7D7] =	sst s4;
	s0 =	simm.s32 @p6 $0x1;
	p6 =	seq.s32 s6, $0xB  }
0x73: {  	s10 =	sadd.s32 $0x23000, s12;
	[smem:$0x788] =	sst s0;
	s0 =	simm.s32 @!p6 $0x0  }
0x74: {  	[smem:$0x7F0] =	sst s7;
	s0 =	simm.s32 @p6 $0x1;
	p6 =	seq.s32 s6, $0xC  }
0x75: {  	s15 =	sadd.s32 $0x27000, s12;
	[smem:$0x789] =	sst s0;
	s0 =	simm.s32 @!p6 $0x0  }
0x76: {  	[smem:$0x7F1] =	sst s9;
	s0 =	simm.s32 @p6 $0x1;
	p6 =	seq.s32 s6, $0xD  }
0x77: {  	s16 =	sadd.s32 $0x2B000, s12;
	[smem:$0x78A] =	sst s0;
	s0 =	simm.s32 @!p6 $0x0  }
0x78: {  	[smem:$0x7F2] =	sst s10;
	s0 =	simm.s32 @p6 $0x1;
	p6 =	sgt.s32 s6, $0x10  }
0x79: {  	s17 =	sadd.s32 $0x2F000, s12;
	[smem:$0x78B] =	sst s0;
	s0 =	simm.s32 @!p6 $0x0  }
0x7a: {  	[smem:$0x7F3] =	sst s15;
	s0 =	simm.s32 @p6 $0x1;
	p6 =	seq.s32 s6, $0xE  }
0x7b: {  	s2 =	sadd.s32 $0x20800, s12;
	[smem:$0x78C] =	sst s0;
	s0 =	simm.s32 @!p6 $0x0  }
0x7c: {  	[smem:$0x7F4] =	sst s16;
	s0 =	simm.s32 @p6 $0x1;
	p6 =	seq.s32 s6, $0xF  }
0x7d: {  	s4 =	sadd.s32 $0x24800, s12;
	[smem:$0x78D] =	sst s0;
	s0 =	simm.s32 @!p6 $0x0  }
0x7e: {  	[smem:$0x7F5] =	sst s17;
	s0 =	simm.s32 @p6 $0x1;
	p6 =	seq.s32 s6, $0x10  }
0x7f: {  	s7 =	sadd.s32 $0x2B800, s12;
	[smem:$0x78E] =	sst s0;
	s0 =	simm.s32 @!p6 $0x0  }
0x80: {  	[smem:$0x7DE] =	sst s2;
	s0 =	simm.s32 @p6 $0x1;
	p6 =	seq.s32 s6, $0x11  }
0x81: {  	s9 =	sadd.s32 $0x2F800, s12;
	[smem:$0x78F] =	sst s0;
	s0 =	simm.s32 @!p6 $0x0  }
0x82: {  	[smem:$0x7DF] =	sst s4;
	s0 =	simm.s32 @p6 $0x1;
	p6 =	seq.s32 s6, $0x12  }
0x83: {  	s10 =	sadd.s32 $0x30000, s12;
	[smem:$0x790] =	sst s0;
	s0 =	simm.s32 @!p6 $0x0  }
0x84: {  	[smem:$0x7F8] =	sst s7;
	s0 =	simm.s32 @p6 $0x1;
	p6 =	seq.s32 s6, $0x13  }
0x85: {  	s15 =	sadd.s32 $0x34000, s12;
	[smem:$0x791] =	sst s0;
	s0 =	simm.s32 @!p6 $0x0  }
0x86: {  	[smem:$0x7F9] =	sst s9;
	s0 =	simm.s32 @p6 $0x1;
	p6 =	sgt.s32 s6, $0x19  }
0x87: {  	s16 =	sadd.s32 $0x38000, s12;
	[smem:$0x792] =	sst s0;
	s0 =	simm.s32 @!p6 $0x0  }
0x88: {  	[smem:$0x7FA] =	sst s10;
	s0 =	simm.s32 @p6 $0x1;
	p6 =	sgt.s32 s6, $0x16  }
0x89: {  	s17 =	sadd.s32 $0x3C000, s12;
	[smem:$0x793] =	sst s0;
	s0 =	simm.s32 @!p6 $0x0  }
0x8a: {  	[smem:$0x7FB] =	sst s15;
	s0 =	simm.s32 @p6 $0x1;
	p6 =	seq.s32 s6, $0x14  }
0x8b: {  	s2 =	sadd.s32 $0x21800, s12;
	[smem:$0x794] =	sst s0;
	s0 =	simm.s32 @!p6 $0x0  }
0x8c: {  	[smem:$0x7FC] =	sst s16;
	s0 =	simm.s32 @p6 $0x1;
	p6 =	seq.s32 s6, $0x15  }
0x8d: {  	s4 =	sadd.s32 $0x25800, s12;
	[smem:$0x795] =	sst s0;
	s0 =	simm.s32 @!p6 $0x0  }
0x8e: {  	[smem:$0x7FD] =	sst s17;
	s0 =	simm.s32 @p6 $0x1;
	p6 =	seq.s32 s6, $0x16  }
0x8f: {  	s7 =	simm.s32 $0x2;
	[smem:$0x796] =	sst s0;
	s0 =	simm.s32 @!p6 $0x0  }
0x90: {  	[smem:$0x7E6] =	sst s2;
	s0 =	simm.s32 @p6 $0x1;
	p6 =	seq.s32 s6, $0x17  }
0x91: {  	s9 =	simm.s32 $0x3;
	[smem:$0x797] =	sst s0;
	s0 =	simm.s32 @!p6 $0x0  }
0x92: {  	[smem:$0x7E7] =	sst s4;
	s0 =	simm.s32 @p6 $0x1;
	p6 =	seq.s32 s6, $0x18  }
0x93: {  	s2 =	sadd.s32 $0x22800, s12;
	[smem:$0x798] =	sst s0;
	s0 =	simm.s32 @!p6 $0x0  }
0x94: {  	[smem:$0x7EE] =	sst s2;
	s0 =	simm.s32 @p6 $0x1;
	p6 =	seq.s32 s6, $0x19  }
0x95: {  	s4 =	sadd.s32 $0x26800, s12;
	[smem:$0x799] =	sst s0;
	s0 =	simm.s32 @!p6 $0x0  }
0x96: {  	[smem:$0x7EF] =	sst s4;
	s0 =	simm.s32 @p6 $0x1;
	p6 =	sgt.s32 s6, $0x1C  }
0x97: {  	s2 =	sadd.s32 $0x23800, s12;
	[smem:$0x79A] =	sst s0;
	s0 =	simm.s32 @!p6 $0x0  }
0x98: {  	[smem:$0x7F6] =	sst s2;
	s0 =	simm.s32 @p6 $0x1;
	p6 =	seq.s32 s6, $0x1A  }
0x99: {  	s4 =	sadd.s32 $0x27800, s12;
	[smem:$0x79B] =	sst s0;
	s0 =	simm.s32 @!p6 $0x0  }
0x9a: {  	s10 =	simm.s32 $0x4;
	[smem:$0x7F7] =	sst s4;
	s0 =	simm.s32 @p6 $0x1  }
0x9b: {  	s4 =	simm.s32 $0x1;
	[smem:$0x79C] =	sst s0;
	s0 =	simm.s32 $0x200000  }
.LBB2_1:
.Ltmp0:
0x9c: {  	(pc) =	sbr.rel @p0 .LBB2_9-.Ltmp0, $1  }
0x9d: {  	_ =	sdelay $0x3  }
.Ltmp1:
0x9e: {  	(pc) =	sbr.rel @p1 .LBB2_6-.Ltmp1, $1  }
0x9f: {  	_ =	sdelay $0x3  }
.Ltmp2:
0xa0: {  	(pc) =	sbr.rel @p2 .LBB2_54-.Ltmp2, $1  }
0xa1: {  	_ =	sdelay $0x3  }
.Ltmp3:
0xa2: {  	(pc) =	sbr.rel @!p3 .LBB2_15-.Ltmp3, $1  }
0xa3: {  	_ =	sdelay $0x3  }
0xa4: {  	s2 =	rddreg [dreg:$0xa]  }
0xa5: {  	[tilespmem:s5], [sflag:$0x5] =	stream.strided.gather [hbm4b:s2+s28], $0x10000, s29, s28, $0x38;
	[tilespmem:$0x14000] =	vst v63  }
0xa6: {  	_ =	swait.ge [sflag:s30], $0x10000  }
0xa7: {  	[sflag:s30] =	ssyncset.done $0x0  }
0xa8: {  	[sflag:s30] =	ssyncadd.s32 $0xFFFF0000  }
0xa9: {  	[spmem:s3] =	stream.strided.scatter [tilespmem:s5], [sflag:$0x5], $0x10000, s31, s28, $0x38;
	[tilespmem:$0x14000] =	vst v63  }
0xaa: {  	_ =	swait.ge [sflag:s30], $0x10000  }
0xab: {  	[sflag:s30] =	ssyncset.done $0x0  }
0xac: {  	[sflag:s30] =	ssyncadd.s32 $0xFFFF0000  }
.Ltmp4:
0xad: {  	[bflag:$0x0] =	sbarrier.arrive $0xFFFF;
	(pc) =	sbr.rel .LBB2_75-.Ltmp4, $4  }
0xae: {  	s2 =	sld [smem:$0x7A7]  }
0xaf: {  	s15 =	sld [smem:$0x7A8]  }
0xb0: {  	s16 =	sld [smem:$0x7A9]  }
0xb1: {  	s17 =	sld [smem:$0x7AA]  }
.LBB2_9:
0xb2: {  	p6 =	sgt.s32 s6, $0x5  }
.Ltmp5:
0xb3: {  	_ = 	snop;
	(pc) =	sbr.rel @p6 .LBB2_13-.Ltmp5, $1  }
0xb4: {  	_ =	sdelay $0x3  }
0xb5: {  	p6 =	seq.s32 s6, $0x4  }
.Ltmp6:
0xb6: {  	_ = 	snop;
	(pc) =	sbr.rel @p6 .LBB2_60-.Ltmp6, $1  }
0xb7: {  	_ =	sdelay $0x3  }
0xb8: {  	p6 =	seq.s32 s6, $0x5  }
.Ltmp7:
0xb9: {  	_ = 	snop;
	(pc) =	sbr.rel @!p6 .LBB2_15-.Ltmp7, $1  }
0xba: {  	_ =	sdelay $0x3  }
0xbb: {  	s2 =	rddreg [dreg:$0x6]  }
0xbc: {  	[tilespmem:s5], [sflag:$0x5] =	stream.strided.gather [hbm4b:s2+s28], $0x10000, s29, s28, $0x38;
	[tilespmem:$0x14000] =	vst v63  }
0xbd: {  	_ =	swait.ge [sflag:s30], $0x10000  }
0xbe: {  	[sflag:s30] =	ssyncset.done $0x0  }
0xbf: {  	[sflag:s30] =	ssyncadd.s32 $0xFFFF0000  }
0xc0: {  	[spmem:s11] =	stream.strided.scatter [tilespmem:s5], [sflag:$0x5], $0x10000, s31, s28, $0x38;
	[tilespmem:$0x14000] =	vst v63  }
0xc1: {  	_ =	swait.ge [sflag:s30], $0x10000  }
0xc2: {  	[sflag:s30] =	ssyncset.done $0x0  }
.Ltmp8:
0xc3: {  	[sflag:s30] =	ssyncadd.s32 $0xFFFF0000;
	(pc) =	sbr.rel .LBB2_75-.Ltmp8, $4  }
0xc4: {  	[bflag:$0x0] =	sbarrier.arrive $0xFFFF  }
0xc5: {  	s2 =	sld [smem:$0x7B7]  }
0xc6: {  	s15 =	sld [smem:$0x7B8]  }
0xc7: {  	s17 =	smov.u32 s13;
	s16 =	sld [smem:$0x7B9]  }
.LBB2_6:
.Ltmp9:
0xc8: {  	(pc) =	sbr.rel @p4 .LBB2_59-.Ltmp9, $1  }
0xc9: {  	_ =	sdelay $0x3  }
.Ltmp10:
0xca: {  	(pc) =	sbr.rel @!p5 .LBB2_15-.Ltmp10, $1  }
0xcb: {  	_ =	sdelay $0x3  }
0xcc: {  	s2 =	rddreg [dreg:$0x8]  }
0xcd: {  	[tilespmem:s5], [sflag:$0x5] =	stream.strided.gather [hbm4b:s2+s28], $0x10000, s29, s28, $0x38;
	[tilespmem:$0x14000] =	vst v63  }
0xce: {  	_ =	swait.ge [sflag:s30], $0x10000  }
0xcf: {  	[sflag:s30] =	ssyncset.done $0x0  }
0xd0: {  	[sflag:s30] =	ssyncadd.s32 $0xFFFF0000  }
0xd1: {  	[spmem:s14] =	stream.strided.scatter [tilespmem:s5], [sflag:$0x5], $0x10000, s31, s28, $0x38;
	[tilespmem:$0x14000] =	vst v63  }
0xd2: {  	_ =	swait.ge [sflag:s30], $0x10000  }
0xd3: {  	[sflag:s30] =	ssyncset.done $0x0  }
0xd4: {  	[sflag:s30] =	ssyncadd.s32 $0xFFFF0000  }
.Ltmp11:
0xd5: {  	[bflag:$0x0] =	sbarrier.arrive $0xFFFF;
	(pc) =	sbr.rel .LBB2_75-.Ltmp11, $4  }
0xd6: {  	s2 =	sld [smem:$0x7AF]  }
0xd7: {  	s15 =	sld [smem:$0x7B0]  }
0xd8: {  	s16 =	sld [smem:$0x7B1]  }
0xd9: {  	s17 =	sld [smem:$0x7B2]  }
.LBB2_13:
0xda: {  	p6 =	seq.s32 s6, $0x6  }
.Ltmp12:
0xdb: {  	_ = 	snop;
	(pc) =	sbr.rel @p6 .LBB2_61-.Ltmp12, $1  }
0xdc: {  	_ =	sdelay $0x3  }
0xdd: {  	p6 =	seq.s32 s6, $0x7  }
.Ltmp13:
0xde: {  	_ = 	snop;
	(pc) =	sbr.rel @!p6 .LBB2_15-.Ltmp13, $1  }
0xdf: {  	_ =	sdelay $0x3  }
0xe0: {  	s2 =	rddreg [dreg:$0x4]  }
0xe1: {  	[tilespmem:s5], [sflag:$0x5] =	stream.strided.gather [hbm4b:s2+s28], $0x10000, s29, s28, $0x38;
	[tilespmem:$0x14000] =	vst v63  }
0xe2: {  	_ =	swait.ge [sflag:s30], $0x10000  }
0xe3: {  	[sflag:s30] =	ssyncset.done $0x0  }
0xe4: {  	[sflag:s30] =	ssyncadd.s32 $0xFFFF0000  }
0xe5: {  	[spmem:s8] =	stream.strided.scatter [tilespmem:s5], [sflag:$0x5], $0x10000, s31, s28, $0x38;
	[tilespmem:$0x14000] =	vst v63  }
.Ltmp14:
0xe6: {  	_ =	swait.ge [sflag:s30], $0x10000;
	(pc) =	sbr.rel .LBB2_75-.Ltmp14, $4  }
0xe7: {  	[sflag:s30] =	ssyncset.done $0x0  }
0xe8: {  	[sflag:s30] =	ssyncadd.s32 $0xFFFF0000  }
0xe9: {  	s15 =	smov.u32 s23;
	[bflag:$0x0] =	sbarrier.arrive $0xFFFF  }
0xea: {  	s16 =	smov.u32 s24;
	s17 =	smov.u32 s26;
	s2 =	smov.u32 s22  }
.LBB2_54:
0xeb: {  	[tilespmem:s5], [sflag:$0x5] =	stream.strided.gather [hbm4b:s1+s28], $0x10000, s29, s28, $0x38;
	[tilespmem:$0x14000] =	vst v63  }
0xec: {  	_ =	swait.ge [sflag:s30], $0x10000  }
0xed: {  	[sflag:s30] =	ssyncset.done $0x0  }
0xee: {  	[sflag:s30] =	ssyncadd.s32 $0xFFFF0000  }
0xef: {  	[spmem:s3] =	stream.strided.scatter [tilespmem:s5], [sflag:$0x5], $0x10000, s31, s28, $0x38;
	[tilespmem:$0x14000] =	vst v63  }
0xf0: {  	_ =	swait.ge [sflag:s30], $0x10000  }
0xf1: {  	[sflag:s30] =	ssyncset.done $0x0  }
.Ltmp15:
0xf2: {  	[sflag:s30] =	ssyncadd.s32 $0xFFFF0000;
	(pc) =	sbr.rel .LBB2_75-.Ltmp15, $4  }
0xf3: {  	[bflag:$0x0] =	sbarrier.arrive $0xFFFF  }
0xf4: {  	s15 =	sld [smem:$0x7A4]  }
0xf5: {  	s16 =	sld [smem:$0x7A5]  }
0xf6: {  	s2 =	smov.u32 s12;
	s17 =	sld [smem:$0x7A6]  }
.LBB2_60:
0xf7: {  	s2 =	rddreg [dreg:$0x7]  }
0xf8: {  	[tilespmem:s5], [sflag:$0x5] =	stream.strided.gather [hbm4b:s2+s28], $0x10000, s29, s28, $0x38;
	[tilespmem:$0x14000] =	vst v63  }
0xf9: {  	_ =	swait.ge [sflag:s30], $0x10000  }
0xfa: {  	[sflag:s30] =	ssyncset.done $0x0  }
0xfb: {  	[sflag:s30] =	ssyncadd.s32 $0xFFFF0000  }
0xfc: {  	[spmem:s11] =	stream.strided.scatter [tilespmem:s5], [sflag:$0x5], $0x10000, s31, s28, $0x38;
	[tilespmem:$0x14000] =	vst v63  }
0xfd: {  	_ =	swait.ge [sflag:s30], $0x10000  }
0xfe: {  	[sflag:s30] =	ssyncset.done $0x0  }
0xff: {  	[sflag:s30] =	ssyncadd.s32 $0xFFFF0000  }
.Ltmp16:
0x100: {  	[bflag:$0x0] =	sbarrier.arrive $0xFFFF;
	(pc) =	sbr.rel .LBB2_75-.Ltmp16, $4  }
0x101: {  	s2 =	sld [smem:$0x7B3]  }
0x102: {  	s15 =	sld [smem:$0x7B4]  }
0x103: {  	s16 =	sld [smem:$0x7B5]  }
0x104: {  	s17 =	sld [smem:$0x7B6]  }
.LBB2_59:
0x105: {  	s2 =	rddreg [dreg:$0x9]  }
0x106: {  	[tilespmem:s5], [sflag:$0x5] =	stream.strided.gather [hbm4b:s2+s28], $0x10000, s29, s28, $0x38;
	[tilespmem:$0x14000] =	vst v63  }
0x107: {  	_ =	swait.ge [sflag:s30], $0x10000  }
0x108: {  	[sflag:s30] =	ssyncset.done $0x0  }
0x109: {  	[sflag:s30] =	ssyncadd.s32 $0xFFFF0000  }
0x10a: {  	[spmem:s14] =	stream.strided.scatter [tilespmem:s5], [sflag:$0x5], $0x10000, s31, s28, $0x38;
	[tilespmem:$0x14000] =	vst v63  }
0x10b: {  	_ =	swait.ge [sflag:s30], $0x10000  }
0x10c: {  	[sflag:s30] =	ssyncset.done $0x0  }
0x10d: {  	[sflag:s30] =	ssyncadd.s32 $0xFFFF0000  }
.Ltmp17:
0x10e: {  	[bflag:$0x0] =	sbarrier.arrive $0xFFFF;
	(pc) =	sbr.rel .LBB2_75-.Ltmp17, $4  }
0x10f: {  	s2 =	sld [smem:$0x7AB]  }
0x110: {  	s15 =	sld [smem:$0x7AC]  }
0x111: {  	s16 =	sld [smem:$0x7AD]  }
0x112: {  	s17 =	sld [smem:$0x7AE]  }
.LBB2_61:
0x113: {  	s2 =	rddreg [dreg:$0x5]  }
0x114: {  	[tilespmem:s5], [sflag:$0x5] =	stream.strided.gather [hbm4b:s2+s28], $0x10000, s29, s28, $0x38;
	[tilespmem:$0x14000] =	vst v63  }
0x115: {  	_ =	swait.ge [sflag:s30], $0x10000  }
0x116: {  	[sflag:s30] =	ssyncset.done $0x0  }
0x117: {  	[sflag:s30] =	ssyncadd.s32 $0xFFFF0000  }
0x118: {  	[spmem:s8] =	stream.strided.scatter [tilespmem:s5], [sflag:$0x5], $0x10000, s31, s28, $0x38;
	[tilespmem:$0x14000] =	vst v63  }
0x119: {  	_ =	swait.ge [sflag:s30], $0x10000  }
0x11a: {  	[sflag:s30] =	ssyncset.done $0x0  }
0x11b: {  	s15 =	smov.u32 s19;
	s16 =	smov.u32 s20;
	[sflag:s30] =	ssyncadd.s32 $0xFFFF0000  }
0x11c: {  	s17 =	smov.u32 s21;
	s2 =	smov.u32 s18;
	[bflag:$0x0] =	sbarrier.arrive $0xFFFF  }
.LBB2_75:
0x11d: {  	[hbm4b:s2+s28] =	stream.strided.scatter [tilespmem:s5], [sflag:$0x1], $0x10000, s0, s28, $0x38;
	[tilespmem:$0x14000] =	vst v63  }
0x11e: {  	_ = 	snop  }
0x11f: {  	[hbm4b:s15+s28] =	stream.strided.scatter [tilespmem:s5], [sflag:$0x2], $0x10000, s0, s28, $0x38;
	[tilespmem:$0x14000] =	vst v63  }
0x120: {  	_ = 	snop  }
0x121: {  	[hbm4b:s16+s28] =	stream.strided.scatter [tilespmem:s5], [sflag:$0x3], $0x10000, s0, s28, $0x38;
	[tilespmem:$0x14000] =	vst v63  }
0x122: {  	_ = 	snop  }
0x123: {  	[hbm4b:s17+s28] =	stream.strided.scatter [tilespmem:s5], [sflag:$0x4], $0x10000, s0, s28, $0x38;
	[tilespmem:$0x14000] =	vst v63  }
0x124: {  	_ =	swait.ge [sflag:s4], $0x10000  }
0x125: {  	[sflag:s4] =	ssyncset.done $0x0  }
0x126: {  	[sflag:s4] =	ssyncadd.s32 $0xFFFF0000  }
0x127: {  	_ =	swait.ge [sflag:s7], $0x10000  }
0x128: {  	[sflag:s7] =	ssyncset.done $0x0  }
0x129: {  	[sflag:s7] =	ssyncadd.s32 $0xFFFF0000  }
0x12a: {  	_ =	swait.ge [sflag:s9], $0x10000  }
0x12b: {  	[sflag:s9] =	ssyncset.done $0x0  }
0x12c: {  	[sflag:s9] =	ssyncadd.s32 $0xFFFF0000  }
0x12d: {  	_ =	swait.ge [sflag:s10], $0x10000  }
0x12e: {  	[sflag:s10] =	ssyncset.done $0x0  }
0x12f: {  	[sflag:s10] =	ssyncadd.s32 $0xFFFF0000  }
.LBB2_76:
0x130: {  	s25 =	sadd.s32 $0xFFFFFFFF, s25  }
0x131: {  	p6 =	sne.s32 s25, $0x0  }
.Ltmp18:
0x132: {  	_ = 	snop;
	(pc) =	sbr.rel @p6 .LBB2_1-.Ltmp18, $4  }
.Ltmp19:
0x133: {  	_ = 	snop;
	(pc) =	sbr.rel @!p6 .LBB2_77-.Ltmp19, $4  }
0x134: {  	_ = 	snop  }
0x135: {  	_ = 	snop  }
0x136: {  	_ = 	snop  }
0x137: {  	_ = 	snop  }
.LBB2_15:
0x138: {  	[bflag:$0x0] =	sbarrier.arrive $0xFFFF  }
0x139: {  	s2 =	sld [smem:$0x783];
	_ =	sdelay $0x2  }
0x13a: {  	p6 =	seq.s32 s2, $0x1  }
.Ltmp20:
0x13b: {  	_ = 	snop;
	(pc) =	sbr.rel @p6 .LBB2_35-.Ltmp20, $1  }
0x13c: {  	_ =	sdelay $0x3  }
0x13d: {  	s2 =	sld [smem:$0x784];
	_ =	sdelay $0x2  }
0x13e: {  	p6 =	seq.s32 s2, $0x1  }
.Ltmp21:
0x13f: {  	_ = 	snop;
	(pc) =	sbr.rel @p6 .LBB2_26-.Ltmp21, $1  }
0x140: {  	_ =	sdelay $0x3  }
0x141: {  	s2 =	sld [smem:$0x785];
	_ =	sdelay $0x2  }
0x142: {  	p6 =	seq.s32 s2, $0x1  }
.Ltmp22:
0x143: {  	_ = 	snop;
	(pc) =	sbr.rel @p6 .LBB2_22-.Ltmp22, $1  }
0x144: {  	_ =	sdelay $0x3  }
0x145: {  	s2 =	sld [smem:$0x786];
	_ =	sdelay $0x2  }
0x146: {  	p6 =	seq.s32 s2, $0x1  }
.Ltmp23:
0x147: {  	_ = 	snop;
	(pc) =	sbr.rel @p6 .LBB2_63-.Ltmp23, $1  }
0x148: {  	_ =	sdelay $0x3  }
0x149: {  	s2 =	sld [smem:$0x787];
	_ =	sdelay $0x2  }
0x14a: {  	p6 =	seq.s32 s2, $0x1  }
.Ltmp24:
0x14b: {  	_ = 	snop;
	(pc) =	sbr.rel @p6 .LBB2_64-.Ltmp24, $1  }
0x14c: {  	_ =	sdelay $0x3  }
0x14d: {  	s2 =	sld [smem:$0x788];
	_ =	sdelay $0x2  }
0x14e: {  	p6 =	seq.s32 s2, $0x1  }
.Ltmp25:
0x14f: {  	_ = 	snop;
	(pc) =	sbr.rel @!p6 .LBB2_76-.Ltmp25, $1  }
0x150: {  	_ =	sdelay $0x3  }
0x151: {  	[tilespmem:s5], [sflag:$0x5] =	stream.strided.gather [spmem:s14], $0x10000, s31, s28, $0x38;
	[tilespmem:$0x14000] =	vst v63  }
.Ltmp26:
0x152: {  	_ =	swait.ge [sflag:s30], $0x10000;
	(pc) =	sbr.rel .LBB2_75-.Ltmp26, $4  }
0x153: {  	s2 =	sld [smem:$0x7C2]  }
0x154: {  	s15 =	sld [smem:$0x7C3]  }
0x155: {  	[sflag:s30] =	ssyncset.done $0x0;
	s16 =	sld [smem:$0x7C4]  }
0x156: {  	s17 =	sld [smem:$0x7C5];
	[sflag:s30] =	ssyncadd.s32 $0xFFFF0000  }
.LBB2_35:
0x157: {  	s2 =	sld [smem:$0x793];
	_ =	sdelay $0x2  }
0x158: {  	p6 =	seq.s32 s2, $0x1  }
.Ltmp27:
0x159: {  	_ = 	snop;
	(pc) =	sbr.rel @p6 .LBB2_45-.Ltmp27, $1  }
0x15a: {  	_ =	sdelay $0x3  }
0x15b: {  	s2 =	sld [smem:$0x794];
	_ =	sdelay $0x2  }
0x15c: {  	p6 =	seq.s32 s2, $0x1  }
.Ltmp28:
0x15d: {  	_ = 	snop;
	(pc) =	sbr.rel @p6 .LBB2_41-.Ltmp28, $1  }
0x15e: {  	_ =	sdelay $0x3  }
0x15f: {  	s2 =	sld [smem:$0x795];
	_ =	sdelay $0x2  }
0x160: {  	p6 =	seq.s32 s2, $0x1  }
.Ltmp29:
0x161: {  	_ = 	snop;
	(pc) =	sbr.rel @p6 .LBB2_71-.Ltmp29, $1  }
0x162: {  	_ =	sdelay $0x3  }
0x163: {  	s2 =	sld [smem:$0x796];
	_ =	sdelay $0x2  }
0x164: {  	p6 =	seq.s32 s2, $0x1  }
.Ltmp30:
0x165: {  	_ = 	snop;
	(pc) =	sbr.rel @p6 .LBB2_72-.Ltmp30, $1  }
0x166: {  	_ =	sdelay $0x3  }
0x167: {  	s2 =	sld [smem:$0x797];
	_ =	sdelay $0x2  }
0x168: {  	p6 =	seq.s32 s2, $0x1  }
.Ltmp31:
0x169: {  	_ = 	snop;
	(pc) =	sbr.rel @!p6 .LBB2_76-.Ltmp31, $1  }
0x16a: {  	_ =	sdelay $0x3  }
0x16b: {  	[tilespmem:s5], [sflag:$0x5] =	stream.strided.gather [spmem:s8], $0x10000, s31, s28, $0x38;
	[tilespmem:$0x14000] =	vst v63  }
.Ltmp32:
0x16c: {  	_ =	swait.ge [sflag:s30], $0x10000;
	(pc) =	sbr.rel .LBB2_75-.Ltmp32, $4  }
0x16d: {  	s2 =	sld [smem:$0x7F2]  }
0x16e: {  	s15 =	sld [smem:$0x7F3]  }
0x16f: {  	[sflag:s30] =	ssyncset.done $0x0;
	s16 =	sld [smem:$0x7F4]  }
0x170: {  	s17 =	sld [smem:$0x7F5];
	[sflag:s30] =	ssyncadd.s32 $0xFFFF0000  }
.LBB2_26:
0x171: {  	s2 =	sld [smem:$0x78C];
	_ =	sdelay $0x2  }
0x172: {  	p6 =	seq.s32 s2, $0x1  }
.Ltmp33:
0x173: {  	_ = 	snop;
	(pc) =	sbr.rel @p6 .LBB2_31-.Ltmp33, $1  }
0x174: {  	_ =	sdelay $0x3  }
0x175: {  	s2 =	sld [smem:$0x78D];
	_ =	sdelay $0x2  }
0x176: {  	p6 =	seq.s32 s2, $0x1  }
.Ltmp34:
0x177: {  	_ = 	snop;
	(pc) =	sbr.rel @p6 .LBB2_67-.Ltmp34, $1  }
0x178: {  	_ =	sdelay $0x3  }
0x179: {  	s2 =	sld [smem:$0x78E];
	_ =	sdelay $0x2  }
0x17a: {  	p6 =	seq.s32 s2, $0x1  }
.Ltmp35:
0x17b: {  	_ = 	snop;
	(pc) =	sbr.rel @p6 .LBB2_68-.Ltmp35, $1  }
0x17c: {  	_ =	sdelay $0x3  }
0x17d: {  	s2 =	sld [smem:$0x78F];
	_ =	sdelay $0x2  }
0x17e: {  	p6 =	seq.s32 s2, $0x1  }
.Ltmp36:
0x17f: {  	_ = 	snop;
	(pc) =	sbr.rel @!p6 .LBB2_76-.Ltmp36, $1  }
0x180: {  	_ =	sdelay $0x3  }
0x181: {  	[tilespmem:s5], [sflag:$0x5] =	stream.strided.gather [spmem:s3], $0x10000, s31, s28, $0x38;
	[tilespmem:$0x14000] =	vst v63  }
.Ltmp37:
0x182: {  	_ =	swait.ge [sflag:s30], $0x10000;
	(pc) =	sbr.rel .LBB2_75-.Ltmp37, $4  }
0x183: {  	s2 =	sld [smem:$0x7DA]  }
0x184: {  	s15 =	sld [smem:$0x7DB]  }
0x185: {  	[sflag:s30] =	ssyncset.done $0x0;
	s16 =	sld [smem:$0x7DC]  }
0x186: {  	s17 =	sld [smem:$0x7DD];
	[sflag:s30] =	ssyncadd.s32 $0xFFFF0000  }
.LBB2_45:
0x187: {  	s2 =	sld [smem:$0x79B];
	_ =	sdelay $0x2  }
0x188: {  	p6 =	seq.s32 s2, $0x1  }
.Ltmp38:
0x189: {  	_ = 	snop;
	(pc) =	sbr.rel @p6 .LBB2_50-.Ltmp38, $1  }
0x18a: {  	_ =	sdelay $0x3  }
0x18b: {  	s2 =	sld [smem:$0x79C];
	_ =	sdelay $0x2  }
0x18c: {  	p6 =	seq.s32 s2, $0x1  }
.Ltmp39:
0x18d: {  	_ = 	snop;
	(pc) =	sbr.rel @p6 .LBB2_58-.Ltmp39, $1  }
0x18e: {  	_ =	sdelay $0x3  }
0x18f: {  	p6 =	seq.s32 s6, $0x1B  }
.Ltmp40:
0x190: {  	_ = 	snop;
	(pc) =	sbr.rel @p6 .LBB2_57-.Ltmp40, $1  }
0x191: {  	_ =	sdelay $0x3  }
0x192: {  	p6 =	seq.s32 s6, $0x1C  }
.Ltmp41:
0x193: {  	_ = 	snop;
	(pc) =	sbr.rel @!p6 .LBB2_76-.Ltmp41, $1  }
0x194: {  	_ =	sdelay $0x3  }
0x195: {  	[tilespmem:s5], [sflag:$0x5] =	stream.strided.gather [spmem:s11], $0x10000, s31, s28, $0x38;
	[tilespmem:$0x14000] =	vst v63  }
.Ltmp42:
0x196: {  	_ =	swait.ge [sflag:s30], $0x10000;
	(pc) =	sbr.rel .LBB2_75-.Ltmp42, $4  }
0x197: {  	s2 =	rddreg [dreg:$0x17]  }
0x198: {  	s15 =	rddreg [dreg:$0x18]  }
0x199: {  	[sflag:s30] =	ssyncset.done $0x0;
	s16 =	rddreg [dreg:$0x19]  }
0x19a: {  	s17 =	rddreg [dreg:$0x1a];
	[sflag:s30] =	ssyncadd.s32 $0xFFFF0000  }
.LBB2_22:
0x19b: {  	s2 =	sld [smem:$0x789];
	_ =	sdelay $0x2  }
0x19c: {  	p6 =	seq.s32 s2, $0x1  }
.Ltmp43:
0x19d: {  	_ = 	snop;
	(pc) =	sbr.rel @p6 .LBB2_65-.Ltmp43, $1  }
0x19e: {  	_ =	sdelay $0x3  }
0x19f: {  	s2 =	sld [smem:$0x78A];
	_ =	sdelay $0x2  }
0x1a0: {  	p6 =	seq.s32 s2, $0x1  }
.Ltmp44:
0x1a1: {  	_ = 	snop;
	(pc) =	sbr.rel @p6 .LBB2_66-.Ltmp44, $1  }
0x1a2: {  	_ =	sdelay $0x3  }
0x1a3: {  	s2 =	sld [smem:$0x78B];
	_ =	sdelay $0x2  }
0x1a4: {  	p6 =	seq.s32 s2, $0x1  }
.Ltmp45:
0x1a5: {  	_ = 	snop;
	(pc) =	sbr.rel @!p6 .LBB2_76-.Ltmp45, $1  }
0x1a6: {  	_ =	sdelay $0x3  }
0x1a7: {  	[tilespmem:s5], [sflag:$0x5] =	stream.strided.gather [spmem:s11], $0x10000, s31, s28, $0x38;
	[tilespmem:$0x14000] =	vst v63  }
.Ltmp46:
0x1a8: {  	_ =	swait.ge [sflag:s30], $0x10000;
	(pc) =	sbr.rel .LBB2_75-.Ltmp46, $4  }
0x1a9: {  	s2 =	sld [smem:$0x7CE]  }
0x1aa: {  	s15 =	sld [smem:$0x7CF]  }
0x1ab: {  	[sflag:s30] =	ssyncset.done $0x0;
	s16 =	sld [smem:$0x7D0]  }
0x1ac: {  	s17 =	sld [smem:$0x7D1];
	[sflag:s30] =	ssyncadd.s32 $0xFFFF0000  }
.LBB2_41:
0x1ad: {  	s2 =	sld [smem:$0x798];
	_ =	sdelay $0x2  }
0x1ae: {  	p6 =	seq.s32 s2, $0x1  }
.Ltmp47:
0x1af: {  	_ = 	snop;
	(pc) =	sbr.rel @p6 .LBB2_73-.Ltmp47, $1  }
0x1b0: {  	_ =	sdelay $0x3  }
0x1b1: {  	s2 =	sld [smem:$0x799];
	_ =	sdelay $0x2  }
0x1b2: {  	p6 =	seq.s32 s2, $0x1  }
.Ltmp48:
0x1b3: {  	_ = 	snop;
	(pc) =	sbr.rel @p6 .LBB2_74-.Ltmp48, $1  }
0x1b4: {  	_ =	sdelay $0x3  }
0x1b5: {  	s2 =	sld [smem:$0x79A];
	_ =	sdelay $0x2  }
0x1b6: {  	p6 =	seq.s32 s2, $0x1  }
.Ltmp49:
0x1b7: {  	_ = 	snop;
	(pc) =	sbr.rel @!p6 .LBB2_76-.Ltmp49, $1  }
0x1b8: {  	_ =	sdelay $0x3  }
0x1b9: {  	[tilespmem:s5], [sflag:$0x5] =	stream.strided.gather [spmem:s3], $0x10000, s31, s28, $0x38;
	[tilespmem:$0x14000] =	vst v63  }
.Ltmp50:
0x1ba: {  	_ =	swait.ge [sflag:s30], $0x10000;
	(pc) =	sbr.rel .LBB2_75-.Ltmp50, $4  }
0x1bb: {  	s2 =	sld [smem:$0x7A0]  }
0x1bc: {  	s15 =	sld [smem:$0x7A1]  }
0x1bd: {  	[sflag:s30] =	ssyncset.done $0x0;
	s16 =	sld [smem:$0x7A2]  }
0x1be: {  	s17 =	sld [smem:$0x7A3];
	[sflag:s30] =	ssyncadd.s32 $0xFFFF0000  }
.LBB2_31:
0x1bf: {  	s2 =	sld [smem:$0x790];
	_ =	sdelay $0x2  }
0x1c0: {  	p6 =	seq.s32 s2, $0x1  }
.Ltmp51:
0x1c1: {  	_ = 	snop;
	(pc) =	sbr.rel @p6 .LBB2_69-.Ltmp51, $1  }
0x1c2: {  	_ =	sdelay $0x3  }
0x1c3: {  	s2 =	sld [smem:$0x791];
	_ =	sdelay $0x2  }
0x1c4: {  	p6 =	seq.s32 s2, $0x1  }
.Ltmp52:
0x1c5: {  	_ = 	snop;
	(pc) =	sbr.rel @p6 .LBB2_70-.Ltmp52, $1  }
0x1c6: {  	_ =	sdelay $0x3  }
0x1c7: {  	s2 =	sld [smem:$0x792];
	_ =	sdelay $0x2  }
0x1c8: {  	p6 =	seq.s32 s2, $0x1  }
.Ltmp53:
0x1c9: {  	_ = 	snop;
	(pc) =	sbr.rel @!p6 .LBB2_76-.Ltmp53, $1  }
0x1ca: {  	_ =	sdelay $0x3  }
0x1cb: {  	[tilespmem:s5], [sflag:$0x5] =	stream.strided.gather [spmem:s14], $0x10000, s31, s28, $0x38;
	[tilespmem:$0x14000] =	vst v63  }
.Ltmp54:
0x1cc: {  	_ =	swait.ge [sflag:s30], $0x10000;
	(pc) =	sbr.rel .LBB2_75-.Ltmp54, $4  }
0x1cd: {  	s2 =	sld [smem:$0x7E6]  }
0x1ce: {  	s15 =	sld [smem:$0x7E7]  }
0x1cf: {  	[sflag:s30] =	ssyncset.done $0x0;
	s16 =	sld [smem:$0x7E8]  }
0x1d0: {  	s17 =	sld [smem:$0x7E9];
	[sflag:s30] =	ssyncadd.s32 $0xFFFF0000  }
.LBB2_50:
0x1d1: {  	p6 =	seq.s32 s6, $0x1D  }
.Ltmp55:
0x1d2: {  	_ = 	snop;
	(pc) =	sbr.rel @p6 .LBB2_56-.Ltmp55, $1  }
0x1d3: {  	_ =	sdelay $0x3  }
0x1d4: {  	p6 =	seq.s32 s6, $0x1E  }
.Ltmp56:
0x1d5: {  	_ = 	snop;
	(pc) =	sbr.rel @p6 .LBB2_55-.Ltmp56, $1  }
0x1d6: {  	_ =	sdelay $0x3  }
0x1d7: {  	p6 =	sne.s32 s6, $0x1F  }
.Ltmp57:
0x1d8: {  	_ = 	snop;
	(pc) =	sbr.rel @p6 .LBB2_76-.Ltmp57, $1  }
0x1d9: {  	_ =	sdelay $0x3  }
0x1da: {  	[tilespmem:s5], [sflag:$0x5] =	stream.strided.gather [spmem:s8], $0x10000, s31, s28, $0x38;
	[tilespmem:$0x14000] =	vst v63  }
.Ltmp58:
0x1db: {  	_ =	swait.ge [sflag:s30], $0x10000;
	(pc) =	sbr.rel .LBB2_75-.Ltmp58, $4  }
0x1dc: {  	s2 =	rddreg [dreg:$0xb]  }
0x1dd: {  	s15 =	rddreg [dreg:$0xc]  }
0x1de: {  	[sflag:s30] =	ssyncset.done $0x0;
	s16 =	rddreg [dreg:$0xd]  }
0x1df: {  	s17 =	rddreg [dreg:$0xe];
	[sflag:s30] =	ssyncadd.s32 $0xFFFF0000  }
.LBB2_64:
0x1e0: {  	[tilespmem:s5], [sflag:$0x5] =	stream.strided.gather [spmem:s3], $0x10000, s31, s28, $0x38;
	[tilespmem:$0x14000] =	vst v63  }
.Ltmp59:
0x1e1: {  	_ =	swait.ge [sflag:s30], $0x10000;
	(pc) =	sbr.rel .LBB2_75-.Ltmp59, $4  }
0x1e2: {  	s2 =	sld [smem:$0x7BE]  }
0x1e3: {  	s15 =	sld [smem:$0x7BF]  }
0x1e4: {  	[sflag:s30] =	ssyncset.done $0x0;
	s16 =	sld [smem:$0x7C0]  }
0x1e5: {  	s17 =	sld [smem:$0x7C1];
	[sflag:s30] =	ssyncadd.s32 $0xFFFF0000  }
.LBB2_72:
0x1e6: {  	[tilespmem:s5], [sflag:$0x5] =	stream.strided.gather [spmem:s11], $0x10000, s31, s28, $0x38;
	[tilespmem:$0x14000] =	vst v63  }
.Ltmp60:
0x1e7: {  	_ =	swait.ge [sflag:s30], $0x10000;
	(pc) =	sbr.rel .LBB2_75-.Ltmp60, $4  }
0x1e8: {  	s2 =	sld [smem:$0x7EE]  }
0x1e9: {  	s15 =	sld [smem:$0x7EF]  }
0x1ea: {  	[sflag:s30] =	ssyncset.done $0x0;
	s16 =	sld [smem:$0x7F0]  }
0x1eb: {  	s17 =	sld [smem:$0x7F1];
	[sflag:s30] =	ssyncadd.s32 $0xFFFF0000  }
.LBB2_68:
0x1ec: {  	[tilespmem:s5], [sflag:$0x5] =	stream.strided.gather [spmem:s8], $0x10000, s31, s28, $0x38;
	[tilespmem:$0x14000] =	vst v63  }
.Ltmp61:
0x1ed: {  	_ =	swait.ge [sflag:s30], $0x10000;
	(pc) =	sbr.rel .LBB2_75-.Ltmp61, $4  }
0x1ee: {  	s2 =	sld [smem:$0x7D6]  }
0x1ef: {  	s15 =	sld [smem:$0x7D7]  }
0x1f0: {  	[sflag:s30] =	ssyncset.done $0x0;
	s16 =	sld [smem:$0x7D8]  }
0x1f1: {  	s17 =	sld [smem:$0x7D9];
	[sflag:s30] =	ssyncadd.s32 $0xFFFF0000  }
.LBB2_57:
0x1f2: {  	[tilespmem:s5], [sflag:$0x5] =	stream.strided.gather [spmem:s14], $0x10000, s31, s28, $0x38;
	[tilespmem:$0x14000] =	vst v63  }
.Ltmp62:
0x1f3: {  	_ =	swait.ge [sflag:s30], $0x10000;
	(pc) =	sbr.rel .LBB2_75-.Ltmp62, $4  }
0x1f4: {  	s2 =	rddreg [dreg:$0x1b]  }
0x1f5: {  	s15 =	rddreg [dreg:$0x1c]  }
0x1f6: {  	[sflag:s30] =	ssyncset.done $0x0;
	s16 =	rddreg [dreg:$0x1d]  }
0x1f7: {  	s17 =	rddreg [dreg:$0x1e];
	[sflag:s30] =	ssyncadd.s32 $0xFFFF0000  }
.LBB2_66:
0x1f8: {  	[tilespmem:s5], [sflag:$0x5] =	stream.strided.gather [spmem:s11], $0x10000, s31, s28, $0x38;
	[tilespmem:$0x14000] =	vst v63  }
.Ltmp63:
0x1f9: {  	_ =	swait.ge [sflag:s30], $0x10000;
	(pc) =	sbr.rel .LBB2_75-.Ltmp63, $4  }
0x1fa: {  	s2 =	sld [smem:$0x7CA]  }
0x1fb: {  	s15 =	sld [smem:$0x7CB]  }
0x1fc: {  	[sflag:s30] =	ssyncset.done $0x0;
	s16 =	sld [smem:$0x7CC]  }
0x1fd: {  	s17 =	sld [smem:$0x7CD];
	[sflag:s30] =	ssyncadd.s32 $0xFFFF0000  }
.LBB2_74:
0x1fe: {  	[tilespmem:s5], [sflag:$0x5] =	stream.strided.gather [spmem:s3], $0x10000, s31, s28, $0x38;
	[tilespmem:$0x14000] =	vst v63  }
.Ltmp64:
0x1ff: {  	_ =	swait.ge [sflag:s30], $0x10000;
	(pc) =	sbr.rel .LBB2_75-.Ltmp64, $4  }
0x200: {  	s2 =	sld [smem:$0x7FA]  }
0x201: {  	s15 =	sld [smem:$0x7FB]  }
0x202: {  	[sflag:s30] =	ssyncset.done $0x0;
	s16 =	sld [smem:$0x7FC]  }
0x203: {  	s17 =	sld [smem:$0x7FD];
	[sflag:s30] =	ssyncadd.s32 $0xFFFF0000  }
.LBB2_70:
0x204: {  	[tilespmem:s5], [sflag:$0x5] =	stream.strided.gather [spmem:s14], $0x10000, s31, s28, $0x38;
	[tilespmem:$0x14000] =	vst v63  }
.Ltmp65:
0x205: {  	_ =	swait.ge [sflag:s30], $0x10000;
	(pc) =	sbr.rel .LBB2_75-.Ltmp65, $4  }
0x206: {  	s2 =	sld [smem:$0x7E2]  }
0x207: {  	s15 =	sld [smem:$0x7E3]  }
0x208: {  	[sflag:s30] =	ssyncset.done $0x0;
	s16 =	sld [smem:$0x7E4]  }
0x209: {  	s17 =	sld [smem:$0x7E5];
	[sflag:s30] =	ssyncadd.s32 $0xFFFF0000  }
.LBB2_55:
0x20a: {  	[tilespmem:s5], [sflag:$0x5] =	stream.strided.gather [spmem:s8], $0x10000, s31, s28, $0x38;
	[tilespmem:$0x14000] =	vst v63  }
.Ltmp66:
0x20b: {  	_ =	swait.ge [sflag:s30], $0x10000;
	(pc) =	sbr.rel .LBB2_75-.Ltmp66, $4  }
0x20c: {  	s2 =	rddreg [dreg:$0xf]  }
0x20d: {  	s15 =	rddreg [dreg:$0x10]  }
0x20e: {  	[sflag:s30] =	ssyncset.done $0x0;
	s16 =	rddreg [dreg:$0x11]  }
0x20f: {  	s17 =	rddreg [dreg:$0x12];
	[sflag:s30] =	ssyncadd.s32 $0xFFFF0000  }
.LBB2_63:
0x210: {  	[tilespmem:s5], [sflag:$0x5] =	stream.strided.gather [spmem:s3], $0x10000, s31, s28, $0x38;
	[tilespmem:$0x14000] =	vst v63  }
.Ltmp67:
0x211: {  	_ =	swait.ge [sflag:s30], $0x10000;
	(pc) =	sbr.rel .LBB2_75-.Ltmp67, $4  }
0x212: {  	s2 =	sld [smem:$0x7BA]  }
0x213: {  	s15 =	sld [smem:$0x7BB]  }
0x214: {  	[sflag:s30] =	ssyncset.done $0x0;
	s16 =	sld [smem:$0x7BC]  }
0x215: {  	s17 =	sld [smem:$0x7BD];
	[sflag:s30] =	ssyncadd.s32 $0xFFFF0000  }
.LBB2_71:
0x216: {  	[tilespmem:s5], [sflag:$0x5] =	stream.strided.gather [spmem:s11], $0x10000, s31, s28, $0x38;
	[tilespmem:$0x14000] =	vst v63  }
.Ltmp68:
0x217: {  	_ =	swait.ge [sflag:s30], $0x10000;
	(pc) =	sbr.rel .LBB2_75-.Ltmp68, $4  }
0x218: {  	s2 =	sld [smem:$0x7EA]  }
0x219: {  	s15 =	sld [smem:$0x7EB]  }
0x21a: {  	[sflag:s30] =	ssyncset.done $0x0;
	s16 =	sld [smem:$0x7EC]  }
0x21b: {  	s17 =	sld [smem:$0x7ED];
	[sflag:s30] =	ssyncadd.s32 $0xFFFF0000  }
.LBB2_67:
0x21c: {  	[tilespmem:s5], [sflag:$0x5] =	stream.strided.gather [spmem:s8], $0x10000, s31, s28, $0x38;
	[tilespmem:$0x14000] =	vst v63  }
.Ltmp69:
0x21d: {  	_ =	swait.ge [sflag:s30], $0x10000;
	(pc) =	sbr.rel .LBB2_75-.Ltmp69, $4  }
0x21e: {  	s2 =	sld [smem:$0x7D2]  }
0x21f: {  	s15 =	sld [smem:$0x7D3]  }
0x220: {  	[sflag:s30] =	ssyncset.done $0x0;
	s16 =	sld [smem:$0x7D4]  }
0x221: {  	s17 =	sld [smem:$0x7D5];
	[sflag:s30] =	ssyncadd.s32 $0xFFFF0000  }
.LBB2_58:
0x222: {  	[tilespmem:s5], [sflag:$0x5] =	stream.strided.gather [spmem:s14], $0x10000, s31, s28, $0x38;
	[tilespmem:$0x14000] =	vst v63  }
.Ltmp70:
0x223: {  	_ =	swait.ge [sflag:s30], $0x10000;
	(pc) =	sbr.rel .LBB2_75-.Ltmp70, $4  }
0x224: {  	s2 =	rddreg [dreg:$0x1f]  }
0x225: {  	s15 =	sld [smem:$0x79D]  }
0x226: {  	[sflag:s30] =	ssyncset.done $0x0;
	s16 =	sld [smem:$0x79E]  }
0x227: {  	s17 =	sld [smem:$0x79F];
	[sflag:s30] =	ssyncadd.s32 $0xFFFF0000  }
.LBB2_65:
0x228: {  	[tilespmem:s5], [sflag:$0x5] =	stream.strided.gather [spmem:s14], $0x10000, s31, s28, $0x38;
	[tilespmem:$0x14000] =	vst v63  }
.Ltmp71:
0x229: {  	_ =	swait.ge [sflag:s30], $0x10000;
	(pc) =	sbr.rel .LBB2_75-.Ltmp71, $4  }
0x22a: {  	s2 =	sld [smem:$0x7C6]  }
0x22b: {  	s15 =	sld [smem:$0x7C7]  }
0x22c: {  	[sflag:s30] =	ssyncset.done $0x0;
	s16 =	sld [smem:$0x7C8]  }
0x22d: {  	s17 =	sld [smem:$0x7C9];
	[sflag:s30] =	ssyncadd.s32 $0xFFFF0000  }
.LBB2_73:
0x22e: {  	[tilespmem:s5], [sflag:$0x5] =	stream.strided.gather [spmem:s8], $0x10000, s31, s28, $0x38;
	[tilespmem:$0x14000] =	vst v63  }
.Ltmp72:
0x22f: {  	_ =	swait.ge [sflag:s30], $0x10000;
	(pc) =	sbr.rel .LBB2_75-.Ltmp72, $4  }
0x230: {  	s2 =	sld [smem:$0x7F6]  }
0x231: {  	s15 =	sld [smem:$0x7F7]  }
0x232: {  	[sflag:s30] =	ssyncset.done $0x0;
	s16 =	sld [smem:$0x7F8]  }
0x233: {  	s17 =	sld [smem:$0x7F9];
	[sflag:s30] =	ssyncadd.s32 $0xFFFF0000  }
.LBB2_69:
0x234: {  	[tilespmem:s5], [sflag:$0x5] =	stream.strided.gather [spmem:s3], $0x10000, s31, s28, $0x38;
	[tilespmem:$0x14000] =	vst v63  }
.Ltmp73:
0x235: {  	_ =	swait.ge [sflag:s30], $0x10000;
	(pc) =	sbr.rel .LBB2_75-.Ltmp73, $4  }
0x236: {  	s2 =	sld [smem:$0x7DE]  }
0x237: {  	s15 =	sld [smem:$0x7DF]  }
0x238: {  	[sflag:s30] =	ssyncset.done $0x0;
	s16 =	sld [smem:$0x7E0]  }
0x239: {  	s17 =	sld [smem:$0x7E1];
	[sflag:s30] =	ssyncadd.s32 $0xFFFF0000  }
.LBB2_56:
0x23a: {  	[tilespmem:s5], [sflag:$0x5] =	stream.strided.gather [spmem:s11], $0x10000, s31, s28, $0x38;
	[tilespmem:$0x14000] =	vst v63  }
.Ltmp74:
0x23b: {  	_ =	swait.ge [sflag:s30], $0x10000;
	(pc) =	sbr.rel .LBB2_75-.Ltmp74, $4  }
0x23c: {  	s2 =	rddreg [dreg:$0x13]  }
0x23d: {  	s15 =	rddreg [dreg:$0x14]  }
0x23e: {  	[sflag:s30] =	ssyncset.done $0x0;
	s16 =	rddreg [dreg:$0x15]  }
0x23f: {  	s17 =	rddreg [dreg:$0x16];
	[sflag:s30] =	ssyncadd.s32 $0xFFFF0000  }
.LBB2_77:
0x240: {  	_ =	sfence.sel $0x180000  }
0x241: {  	[bflag:$0x0] =	sbarrier.arrive $0xFFFF  }
0x242: {  	_ =	strace $0x90000047  }
0x243: {  	s0 =	stileid.u32;
	[bflag:$0x2] =	sbarrier.arrive $0xFFFF  }
0x244: {  	p0 =	sne.s32 s0, $0x0;
	s0 =	rddreg [dreg:$0x3]  }
0x245: {  	s0 =	sadd.s32 @!p0 $0x100000, s0  }
0x246: {  	[sflag:s0] =	ssyncadd.tile.s32 @!p0 $0x1;
	_ =	shalt  }
.Lfunc_end2:
_tile_overlayer_lowered:
.L_overlay_start_2:
0x247: {  	(tag) =	ssettag $0x2  }
0x248: {  	s0 =	rddreg [dreg:$0x0];
	s2 =	stileid.u32  }
0x249: {  	s1 =	rddreg [dreg:$0x1];
	p0 =	sne.s32 s2, $0x0  }
0x24a: {  	s3 =	rddreg [dreg:$0x2];
	[bflag:$0x3] =	sbarrier.arrive $0xFFFF;
	s2 =	simm.s32 @!p0 $0x1C05  }
0x24b: {  	[timem:s3], [sflag:s2] =	dma.local @!p0 [hbm:s0], s1  }
0x24c: {  	s0 =	simm.s32 @!p0 $0x5  }
0x24d: {  	_ =	swait.ge @!p0 [sflag:s0], s1  }
0x24e: {  	s1 =	ssub.s32 @!p0 $0x0, s1;
	[sflag:s0] =	ssyncset.done @!p0 $0x0  }
0x24f: {  	[sflag:s0] =	ssyncadd.s32 @!p0 s1  }
0x250: {  	[bflag:$0x3] =	sbarrier.arrive $0xFFFF  }
0x251: {  	_ =	shalt  }

</sc_bundles>
